<compile_context>
chip_gen: v7x
topology: tpu7x:2x2x1
jax: 0.10.2.dev20260603
libtpu: 0.0.44.dev20260713+nightly
codegen_flags: <defaults>
</compile_context>

<pallas_src>
import functools

import jax
import jax.numpy as jnp
from jax import lax
from jax.experimental import pallas as pl
from jax.experimental.pallas import tpu as pltpu
from jax.experimental.pallas import tpu_sc as plsc

N = 10000
E = 320000
D = 128
G = 64
C = 10

NC = 2
NS = 16
NW = NC * NS
L = 16

EPT = E // NW
DEG_BLK = 2000
CH = 128
NCHUNKS = E // CH
STRIPE = 640
LAST_STRIPE = N - (NS - 1) * STRIPE

_mesh = plsc.VectorSubcoreMesh(core_axis_name="c", subcore_axis_name="s",
                               num_cores=NC)


@functools.partial(
    pl.kernel,
    out_type=jax.ShapeDtypeStruct((NC, N), jnp.float32),
    mesh=_mesh,
    scratch_types=[
        pltpu.VMEM((CH,), jnp.int32),
        pltpu.VMEM((CH,), jnp.float32),
        pltpu.VMEM_SHARED((N,), jnp.float32),
    ],
)
def _sc_degree(col_hbm, mask_hbm, zeros1d_hbm, out_hbm, colbuf, maskbuf, deg):
    cid = lax.axis_index("c")
    sid = lax.axis_index("s")
    wid = sid * NC + cid

    @pl.when(sid == 0)
    def _():
        pltpu.sync_copy(zeros1d_hbm, deg)

    plsc.subcore_barrier()

    def chunk_body(t, carry):
        c = wid + NW * t

        @pl.when(c < NCHUNKS)
        def _():
            base = c * CH
            pltpu.sync_copy(col_hbm.at[pl.ds(base, CH)], colbuf)
            pltpu.sync_copy(mask_hbm.at[pl.ds(base, CH)], maskbuf)
            pltpu.sync_copy(maskbuf, deg.at[colbuf], add=True)

        return carry

    lax.fori_loop(0, (NCHUNKS + NW - 1) // NW, chunk_body, None)
    plsc.subcore_barrier()

    @pl.when(sid == 0)
    def _():
        pltpu.sync_copy(deg, out_hbm.at[cid])


@functools.partial(
    pl.kernel,
    out_type=jax.ShapeDtypeStruct((NC, N, D), jnp.float32),
    mesh=_mesh,
    scratch_types=[
        pltpu.VMEM((CH,), jnp.int32),
        pltpu.VMEM((CH,), jnp.int32),
        pltpu.VMEM((CH,), jnp.float32),
        pltpu.VMEM((CH, D), jnp.float32),
        pltpu.VMEM_SHARED((N, D), jnp.float32),
        pltpu.SemaphoreType.DMA,
    ],
)
def _sc_aggregate(xs_hbm, row_hbm, col_hbm, mask_hbm, zeros_hbm, out_hbm,
                  rowbuf, colbuf, maskbuf, rows, acc, sem):
    cid = lax.axis_index("c")
    sid = lax.axis_index("s")
    wid = sid * NC + cid

    @pl.when(sid < NS - 1)
    def _():
        pltpu.sync_copy(zeros_hbm, acc.at[pl.ds(sid * STRIPE, STRIPE)])

    @pl.when(sid == NS - 1)
    def _():
        pltpu.sync_copy(zeros_hbm.at[pl.ds(0, LAST_STRIPE)],
                        acc.at[pl.ds((NS - 1) * STRIPE, LAST_STRIPE)])

    plsc.subcore_barrier()

    def chunk_body(t, carry):
        c = wid + NW * t

        @pl.when(c < NCHUNKS)
        def _():
            base = c * CH
            pltpu.sync_copy(row_hbm.at[pl.ds(base, CH)], rowbuf)
            pltpu.sync_copy(col_hbm.at[pl.ds(base, CH)], colbuf)
            pltpu.sync_copy(mask_hbm.at[pl.ds(base, CH)], maskbuf)
            pltpu.async_copy(xs_hbm.at[rowbuf], rows, sem).wait()

            def scale_body(i, c2):
                wv = maskbuf[pl.ds(i * L, L)]
                for lane in range(L):
                    w = wv[lane]
                    k = i * L + lane
                    for j in range(D // L):
                        rows[k, pl.ds(j * L, L)] = rows[k, pl.ds(j * L, L)] * w
                return c2

            lax.fori_loop(0, CH // L, scale_body, None)
            pltpu.sync_copy(rows, acc.at[colbuf], add=True)

        return carry

    lax.fori_loop(0, (NCHUNKS + NW - 1) // NW, chunk_body, None)
    plsc.subcore_barrier()

    @pl.when(sid < NS - 1)
    def _():
        pltpu.sync_copy(acc.at[pl.ds(sid * STRIPE, STRIPE)],
                        out_hbm.at[cid, pl.ds(sid * STRIPE, STRIPE)])

    @pl.when(sid == NS - 1)
    def _():
        pltpu.sync_copy(acc.at[pl.ds((NS - 1) * STRIPE, LAST_STRIPE)],
                        out_hbm.at[cid, pl.ds((NS - 1) * STRIPE, LAST_STRIPE)])


def _tc1_body(degp_ref, x_ref, w1_ref, dinv_ref, xs_ref):
    deg = degp_ref[0] + degp_ref[1] + 1.0
    dinv = jnp.where(deg > 0.0, lax.rsqrt(deg), 0.0)
    dinv = dinv[:, None]
    xw = jnp.dot(x_ref[...], w1_ref[...], preferred_element_type=jnp.float32)
    dinv_ref[...] = dinv
    xs_ref[...] = xw * dinv


def _tc2_body(s_ref, xs_ref, dinv_ref, b_ref, w2_ref, out_ref):
    dinv = dinv_ref[...]
    h = (s_ref[0] + s_ref[1] + xs_ref[...]) * dinv + b_ref[...]
    h = jnp.maximum(h, 0.0)
    xw2 = jnp.dot(h, w2_ref[...], preferred_element_type=jnp.float32)
    out_ref[...] = xw2 * dinv


def _tc3_body(s_ref, xs_ref, dinv_ref, b_ref, batch_ref, wfc_ref, bfc_ref,
              out_ref):
    dinv = dinv_ref[...]
    h = (s_ref[0] + s_ref[1] + xs_ref[...]) * dinv + b_ref[...]
    h = jnp.maximum(h, 0.0)
    gids = lax.broadcasted_iota(jnp.int32, (N, G), 1)
    onehot = (batch_ref[...] == gids).astype(jnp.float32)
    pooled = lax.dot_general(onehot, h, (((0,), (0,)), ((), ())),
                             preferred_element_type=jnp.float32)
    logits = jnp.dot(pooled, wfc_ref[...],
                     preferred_element_type=jnp.float32) + bfc_ref[...]
    m = jnp.max(logits, axis=1, keepdims=True)
    lse = m + jnp.log(jnp.sum(jnp.exp(logits - m), axis=1, keepdims=True))
    out_ref[...] = logits - lse


_tc1 = pl.pallas_call(
    _tc1_body,
    out_shape=(jax.ShapeDtypeStruct((N, 1), jnp.float32),
               jax.ShapeDtypeStruct((N, D), jnp.float32)),
)

_tc2 = pl.pallas_call(
    _tc2_body,
    out_shape=jax.ShapeDtypeStruct((N, D), jnp.float32),
)

_tc3 = pl.pallas_call(
    _tc3_body,
    out_shape=jax.ShapeDtypeStruct((G, C), jnp.float32),
)


def kernel(x, edge_index, batch, edge_mask, W1, b1, W2, b2, Wfc, bfc):
    row = edge_index[0]
    col = edge_index[1]
    zeros = jnp.zeros((STRIPE, D), jnp.float32)
    zeros1d = jnp.zeros((N,), jnp.float32)
    batch2d = batch.reshape(N, 1).astype(jnp.int32)

    degp = _sc_degree(col, edge_mask, zeros1d)
    dinv, xs1 = _tc1(degp, x, W1)
    s1 = _sc_aggregate(xs1, row, col, edge_mask, zeros)
    xs2 = _tc2(s1, xs1, dinv, b1.reshape(1, D), W2)
    s2 = _sc_aggregate(xs2, row, col, edge_mask, zeros)
    return _tc3(s2, xs2, dinv, b2.reshape(1, D), batch2d, Wfc, bfc)

# --- scband reference (transcript-rebuilt; emitter-appended) ---
"""Pipeline reference for scband-gcn-19215683682381 (READ-ONLY COPY).

The authoritative reference and input builder live on the scoring server;
editing this copy changes nothing except your own understanding.
"""

import jax, jax.numpy as jnp
import numpy as np

N_NODES = 10000
N_EDGES = 320000
D_IN = 128
D_HID = 128
N_CLASSES = 10
N_GRAPHS = 64


def setup_inputs(seed: int = 0) -> dict:
    key = jax.random.key(seed)
    ks = jax.random.split(key, 12)
    x = jax.random.normal(ks[0], (N_NODES, D_IN), dtype=jnp.float32)
    edge_index = jax.random.randint(ks[1], (2, N_EDGES), 0, N_NODES, dtype=jnp.int64 if jax.config.jax_enable_x64 else jnp.int32).astype(jnp.int32)
    batch = jnp.sort(jax.random.randint(ks[2], (N_NODES,), 0, N_GRAPHS).astype(jnp.int32))
    edge_mask = jax.random.uniform(ks[3], (N_EDGES,), dtype=jnp.float32)
    # parameters (Glorot-like init)
    W1 = jax.random.normal(ks[4], (D_IN, D_HID), dtype=jnp.float32) * (1.0 / np.sqrt(D_IN))
    b1 = jnp.zeros((D_HID,), dtype=jnp.float32)
    W2 = jax.random.normal(ks[5], (D_HID, D_HID), dtype=jnp.float32) * (1.0 / np.sqrt(D_HID))
    b2 = jnp.zeros((D_HID,), dtype=jnp.float32)
    Wfc = jax.random.normal(ks[6], (D_HID, N_CLASSES), dtype=jnp.float32) * (1.0 / np.sqrt(D_HID))
    bfc = jnp.zeros((N_CLASSES,), dtype=jnp.float32)
    return {"x": x, "edge_index": edge_index, "batch": batch, "edge_mask": edge_mask,
            "W1": W1, "b1": b1, "W2": W2, "b2": b2, "Wfc": Wfc, "bfc": bfc}


def _gcn_conv(x, edge_index, edge_weight, W, b):
    # Faithful GCNConv: add self-loops (weight 1), symmetric normalization, propagate.
    n = x.shape[0]
    row = edge_index[0]
    col = edge_index[1]
    loop = jnp.arange(n, dtype=row.dtype)
    row = jnp.concatenate([row, loop])
    col = jnp.concatenate([col, loop])
    w = jnp.concatenate([edge_weight, jnp.ones((n,), dtype=x.dtype)])
    deg = jax.ops.segment_sum(w, col, num_segments=n)
    deg_inv_sqrt = jnp.where(deg > 0, deg ** -0.5, 0.0)
    norm = deg_inv_sqrt[row] * w * deg_inv_sqrt[col]
    xw = x @ W
    msg = norm[:, None] * jnp.take(xw, row, axis=0)
    out = jax.ops.segment_sum(msg, col, num_segments=n)
    return out + b


def reference(x, edge_index, batch, edge_mask, W1, b1, W2, b2, Wfc, bfc):
    h = _gcn_conv(x, edge_index, edge_mask, W1, b1)
    h = jax.nn.relu(h)
    # dropout is identity in eval mode
    h = _gcn_conv(h, edge_index, edge_mask, W2, b2)
    h = jax.nn.relu(h)
    pooled = jax.ops.segment_sum(h, batch, num_segments=N_GRAPHS)  # global_add_pool
    logits = pooled @ Wfc + bfc
    return jax.nn.log_softmax(logits, axis=1)

if __name__ == "__main__":
    import jax
    _d = setup_inputs()
    print(jax.jit(kernel)(*tuple(_d.values())))

</pallas_src>

<mosaic_0001>
#map = affine_map<(d0, d1) -> (0, 0)>
#map1 = affine_map<(d0, d1) -> (0)>
#map2 = affine_map<(d0, d1) -> (0, 0, 0)>
module attributes {stable_mosaic.version = 14 : i64} {
  func.func @_sc_aggregate(%arg0: i32, %arg1: i32, %arg2: memref<10000x128xf32, #tpu.memory_space<hbm>>, %arg3: memref<320000xi32, #tpu.memory_space<hbm>>, %arg4: memref<320000xi32, #tpu.memory_space<hbm>>, %arg5: memref<320000xf32, #tpu.memory_space<hbm>>, %arg6: memref<640x128xf32, #tpu.memory_space<hbm>>, %arg7: memref<2x10000x128xf32, #tpu.memory_space<hbm>>, %arg8: memref<128xi32, #tpu.memory_space<vmem>>, %arg9: memref<128xi32, #tpu.memory_space<vmem>>, %arg10: memref<128xf32, #tpu.memory_space<vmem>>, %arg11: memref<128x128xf32, #tpu.memory_space<vmem>>, %arg12: memref<10000x128xf32, #tpu.memory_space<vmem_shared>>, %arg13: memref<!tpu.dma_semaphore, #tpu.memory_space<semaphore_mem>>) attributes {dimension_semantics = [#tpu.dimension_semantics<core_parallel>, #tpu.dimension_semantics<subcore_parallel>], iteration_bounds = array<i64: 2, 16>, scalar_prefetch = 0 : i64, scratch_operands = 6 : i64, tpu.core_type = #tpu.core_type<sc_vector_subcore>, window_params = [{transform_indices = #map}, {transform_indices = #map1}, {transform_indices = #map1}, {transform_indices = #map1}, {transform_indices = #map}, {transform_indices = #map2}]} {
    %mul3A = arith.constant 2 : i32
    %mul3A_0 = arith.muli %arg1, %mul3A : i32
    %add3A = arith.addi %mul3A_0, %arg0 : i32
    %lt3A = arith.constant 15 : i32
    %lt3A_1 = arith.cmpi slt, %arg1, %lt3A : i32
    %convert_element_type3A = arith.extui %lt3A_1 : i1 to i32
    %cond3A = arith.constant 0 : i32
    %cond3A_2 = arith.cmpi ne, %convert_element_type3A, %cond3A : i32
    scf.if %cond3A_2 {
      %mul3A_22 = arith.constant 640 : i32
      %mul3A_23 = arith.muli %arg1, %mul3A_22 : i32
      "tpu.region"() ({
        %run_scoped3A = tpu.sem_alloc : memref<!tpu.dma_semaphore, #tpu.memory_space<semaphore_mem>>
        %dma_start3A = arith.constant 0 : i32
        %dma_start3A_24 = tpu.memref_slice %arg12[%mul3A_23, %dma_start3A] : memref<10000x128xf32, #tpu.memory_space<vmem_shared>> -> memref<640x128xf32, #tpu.memory_space<vmem_shared>>
        tpu.enqueue_dma source(%arg6 : memref<640x128xf32, #tpu.memory_space<hbm>>) target(%dma_start3A_24 : memref<640x128xf32, #tpu.memory_space<vmem_shared>>) target_semaphore(%run_scoped3A : memref<!tpu.dma_semaphore, #tpu.memory_space<semaphore_mem>>)
        %dma_wait3A = arith.constant 0 : i32
        %dma_wait3A_25 = tpu.memref_slice %arg12[%mul3A_23, %dma_wait3A] : memref<10000x128xf32, #tpu.memory_space<vmem_shared>> -> memref<640x128xf32, #tpu.memory_space<vmem_shared>>
        tpu.wait_dma2 semaphore(%run_scoped3A : memref<!tpu.dma_semaphore, #tpu.memory_space<semaphore_mem>>) src(%arg6 : memref<640x128xf32, #tpu.memory_space<hbm>>) dst(%dma_wait3A_25 : memref<640x128xf32, #tpu.memory_space<vmem_shared>>)
        tpu.yield
      }) : () -> ()
    } else {
    }
    %eq3A = arith.constant 15 : i32
    %eq3A_3 = arith.cmpi eq, %arg1, %eq3A : i32
    %convert_element_type3A_4 = arith.extui %eq3A_3 : i1 to i32
    %cond3A_5 = arith.constant 0 : i32
    %cond3A_6 = arith.cmpi ne, %convert_element_type3A_4, %cond3A_5 : i32
    scf.if %cond3A_6 {
      "tpu.region"() ({
        %run_scoped3A = tpu.sem_alloc : memref<!tpu.dma_semaphore, #tpu.memory_space<semaphore_mem>>
        %dma_start3A = arith.constant 9600 : i32
        %dma_start3A_22 = arith.constant 0 : i32
        %dma_start3A_23 = tpu.memref_slice %arg12[%dma_start3A, %dma_start3A_22] : memref<10000x128xf32, #tpu.memory_space<vmem_shared>> -> memref<400x128xf32, #tpu.memory_space<vmem_shared>>
        %dma_start3A_24 = arith.constant 0 : i32
        %dma_start3A_25 = arith.constant 0 : i32
        %dma_start3A_26 = tpu.memref_slice %arg6[%dma_start3A_24, %dma_start3A_25] : memref<640x128xf32, #tpu.memory_space<hbm>> -> memref<400x128xf32, #tpu.memory_space<hbm>>
        tpu.enqueue_dma source(%dma_start3A_26 : memref<400x128xf32, #tpu.memory_space<hbm>>) target(%dma_start3A_23 : memref<400x128xf32, #tpu.memory_space<vmem_shared>>) target_semaphore(%run_scoped3A : memref<!tpu.dma_semaphore, #tpu.memory_space<semaphore_mem>>)
        %dma_wait3A = arith.constant 9600 : i32
        %dma_wait3A_27 = arith.constant 0 : i32
        %dma_wait3A_28 = tpu.memref_slice %arg12[%dma_wait3A, %dma_wait3A_27] : memref<10000x128xf32, #tpu.memory_space<vmem_shared>> -> memref<400x128xf32, #tpu.memory_space<vmem_shared>>
        %dma_wait3A_29 = arith.constant 0 : i32
        %dma_wait3A_30 = arith.constant 0 : i32
        %dma_wait3A_31 = tpu.memref_slice %arg6[%dma_wait3A_29, %dma_wait3A_30] : memref<640x128xf32, #tpu.memory_space<hbm>> -> memref<400x128xf32, #tpu.memory_space<hbm>>
        tpu.wait_dma2 semaphore(%run_scoped3A : memref<!tpu.dma_semaphore, #tpu.memory_space<semaphore_mem>>) src(%dma_wait3A_31 : memref<400x128xf32, #tpu.memory_space<hbm>>) dst(%dma_wait3A_28 : memref<400x128xf32, #tpu.memory_space<vmem_shared>>)
        tpu.yield
      }) : () -> ()
    } else {
    }
    %barrier3A = arith.constant 0 : index
    tpu.barrier barrier_id(%barrier3A)
    %scan3A = arith.constant 0 : i32
    %scan3A_7 = arith.constant 79 : i32
    %scan3A_8 = arith.addi %scan3A, %scan3A_7 : i32
    %scan3A_9 = arith.constant 1 : i32
    scf.for %scan3A_22 = %scan3A to %scan3A_8 step %scan3A_9  : i32 {
      %mul3A_23 = arith.constant 32 : i32
      %mul3A_24 = arith.muli %mul3A_23, %scan3A_22 : i32
      %add3A_25 = arith.addi %add3A, %mul3A_24 : i32
      %lt3A_26 = arith.constant 2500 : i32
      %lt3A_27 = arith.cmpi slt, %add3A_25, %lt3A_26 : i32
      %convert_element_type3A_28 = arith.extui %lt3A_27 : i1 to i32
      %cond3A_29 = arith.constant 0 : i32
      %cond3A_30 = arith.cmpi ne, %convert_element_type3A_28, %cond3A_29 : i32
      scf.if %cond3A_30 {
        %mul3A_31 = arith.constant 128 : i32
        %mul3A_32 = arith.muli %add3A_25, %mul3A_31 : i32
        "tpu.region"() ({
          %run_scoped3A = tpu.sem_alloc : memref<!tpu.dma_semaphore, #tpu.memory_space<semaphore_mem>>
          %dma_start3A_42 = tpu.memref_slice %arg3[%mul3A_32] : memref<320000xi32, #tpu.memory_space<hbm>> -> memref<128xi32, #tpu.memory_space<hbm>>
          %dma_start3A_43 = tpu.memref_slice %arg3[%mul3A_32] : memref<320000xi32, #tpu.memory_space<hbm>> -> memref<128xi32, #tpu.memory_space<hbm>>
          tpu.enqueue_dma source(%dma_start3A_43 : memref<128xi32, #tpu.memory_space<hbm>>) target(%arg8 : memref<128xi32, #tpu.memory_space<vmem>>) target_semaphore(%run_scoped3A : memref<!tpu.dma_semaphore, #tpu.memory_space<semaphore_mem>>)
          %dma_wait3A_44 = tpu.memref_slice %arg3[%mul3A_32] : memref<320000xi32, #tpu.memory_space<hbm>> -> memref<128xi32, #tpu.memory_space<hbm>>
          %dma_wait3A_45 = tpu.memref_slice %arg3[%mul3A_32] : memref<320000xi32, #tpu.memory_space<hbm>> -> memref<128xi32, #tpu.memory_space<hbm>>
          tpu.wait_dma2 semaphore(%run_scoped3A : memref<!tpu.dma_semaphore, #tpu.memory_space<semaphore_mem>>) src(%dma_wait3A_45 : memref<128xi32, #tpu.memory_space<hbm>>) dst(%arg8 : memref<128xi32, #tpu.memory_space<vmem>>)
          tpu.yield
        }) : () -> ()
        "tpu.region"() ({
          %run_scoped3A = tpu.sem_alloc : memref<!tpu.dma_semaphore, #tpu.memory_space<semaphore_mem>>
          %dma_start3A_42 = tpu.memref_slice %arg4[%mul3A_32] : memref<320000xi32, #tpu.memory_space<hbm>> -> memref<128xi32, #tpu.memory_space<hbm>>
          %dma_start3A_43 = tpu.memref_slice %arg4[%mul3A_32] : memref<320000xi32, #tpu.memory_space<hbm>> -> memref<128xi32, #tpu.memory_space<hbm>>
          tpu.enqueue_dma source(%dma_start3A_43 : memref<128xi32, #tpu.memory_space<hbm>>) target(%arg9 : memref<128xi32, #tpu.memory_space<vmem>>) target_semaphore(%run_scoped3A : memref<!tpu.dma_semaphore, #tpu.memory_space<semaphore_mem>>)
          %dma_wait3A_44 = tpu.memref_slice %arg4[%mul3A_32] : memref<320000xi32, #tpu.memory_space<hbm>> -> memref<128xi32, #tpu.memory_space<hbm>>
          %dma_wait3A_45 = tpu.memref_slice %arg4[%mul3A_32] : memref<320000xi32, #tpu.memory_space<hbm>> -> memref<128xi32, #tpu.memory_space<hbm>>
          tpu.wait_dma2 semaphore(%run_scoped3A : memref<!tpu.dma_semaphore, #tpu.memory_space<semaphore_mem>>) src(%dma_wait3A_45 : memref<128xi32, #tpu.memory_space<hbm>>) dst(%arg9 : memref<128xi32, #tpu.memory_space<vmem>>)
          tpu.yield
        }) : () -> ()
        "tpu.region"() ({
          %run_scoped3A = tpu.sem_alloc : memref<!tpu.dma_semaphore, #tpu.memory_space<semaphore_mem>>
          %dma_start3A_42 = tpu.memref_slice %arg5[%mul3A_32] : memref<320000xf32, #tpu.memory_space<hbm>> -> memref<128xf32, #tpu.memory_space<hbm>>
          %dma_start3A_43 = tpu.memref_slice %arg5[%mul3A_32] : memref<320000xf32, #tpu.memory_space<hbm>> -> memref<128xf32, #tpu.memory_space<hbm>>
          tpu.enqueue_dma source(%dma_start3A_43 : memref<128xf32, #tpu.memory_space<hbm>>) target(%arg10 : memref<128xf32, #tpu.memory_space<vmem>>) target_semaphore(%run_scoped3A : memref<!tpu.dma_semaphore, #tpu.memory_space<semaphore_mem>>)
          %dma_wait3A_44 = tpu.memref_slice %arg5[%mul3A_32] : memref<320000xf32, #tpu.memory_space<hbm>> -> memref<128xf32, #tpu.memory_space<hbm>>
          %dma_wait3A_45 = tpu.memref_slice %arg5[%mul3A_32] : memref<320000xf32, #tpu.memory_space<hbm>> -> memref<128xf32, #tpu.memory_space<hbm>>
          tpu.wait_dma2 semaphore(%run_scoped3A : memref<!tpu.dma_semaphore, #tpu.memory_space<semaphore_mem>>) src(%dma_wait3A_45 : memref<128xf32, #tpu.memory_space<hbm>>) dst(%arg10 : memref<128xf32, #tpu.memory_space<vmem>>)
          tpu.yield
        }) : () -> ()
        %dma_start3A = arith.constant 0 : i32
        %dma_start3A_33 = arith.constant 0 : i32
        %dma_start3A_34 = tpu.memref_slice %arg2[%dma_start3A, %dma_start3A_33] : memref<10000x128xf32, #tpu.memory_space<hbm>> -> memref<10000x128xf32, #tpu.memory_space<hbm>>
        tpu.enqueue_indirect_dma source(%dma_start3A_34 : memref<10000x128xf32, #tpu.memory_space<hbm>>) target(%arg11 : memref<128x128xf32, #tpu.memory_space<vmem>>) offsets(%arg8 : memref<128xi32, #tpu.memory_space<vmem>>) semaphore(%arg13 : memref<!tpu.dma_semaphore, #tpu.memory_space<semaphore_mem>>)
        %dma_wait3A = arith.constant 0 : i32
        %dma_wait3A_35 = arith.constant 0 : i32
        %dma_wait3A_36 = tpu.memref_slice %arg2[%dma_wait3A, %dma_wait3A_35] : memref<10000x128xf32, #tpu.memory_space<hbm>> -> memref<10000x128xf32, #tpu.memory_space<hbm>>
        tpu.wait_indirect_dma semaphore(%arg13 : memref<!tpu.dma_semaphore, #tpu.memory_space<semaphore_mem>>) src(%dma_wait3A_36 : memref<10000x128xf32, #tpu.memory_space<hbm>>) dst(%arg11 : memref<128x128xf32, #tpu.memory_space<vmem>>)
        %scan3A_37 = arith.constant 0 : i32
        %scan3A_38 = arith.constant 8 : i32
        %scan3A_39 = arith.addi %scan3A_37, %scan3A_38 : i32
        %scan3A_40 = arith.constant 1 : i32
        scf.for %scan3A_42 = %scan3A_37 to %scan3A_39 step %scan3A_40  : i32 {
          %mul3A_43 = arith.constant 16 : i32
          %mul3A_44 = arith.muli %scan3A_42, %mul3A_43 : i32
          %get3A = arith.index_cast %mul3A_44 : i32 to index
          %get3A_45 = tpu.vector_load %arg10[%get3A] {strides = array<i32>} : memref<128xf32, #tpu.memory_space<vmem>>, vector<16xf32>,
          %get3A_46 = vector.shape_cast %get3A_45 : vector<16xf32> to vector<16xf32>
          %slice3A = vector.extract_strided_slice %get3A_46 {offsets = [0], sizes = [1], strides = [1]} : vector<16xf32> to vector<1xf32>
          %squeeze3A = vector.extract %slice3A[0] : f32 from vector<1xf32>
          %mul3A_47 = arith.constant 16 : i32
          %mul3A_48 = arith.muli %scan3A_42, %mul3A_47 : i32
          %add3A_49 = arith.constant 0 : i32
          %add3A_50 = arith.addi %mul3A_48, %add3A_49 : i32
          %get3A_51 = arith.index_cast %add3A_50 : i32 to index
          %get3A_52 = arith.constant 0 : index
          %get3A_53 = tpu.vector_load %arg11[%get3A_51, %get3A_52] {strides = array<i32>} : memref<128x128xf32, #tpu.memory_space<vmem>>, vector<1x16xf32>,
          %get3A_54 = vector.shape_cast %get3A_53 : vector<1x16xf32> to vector<16xf32>
          %mul3A_55 = vector.broadcast %squeeze3A : f32 to vector<16xf32>
          %mul3A_56 = arith.mulf %get3A_54, %mul3A_55 : vector<16xf32>
          %swap3A = arith.index_cast %add3A_50 : i32 to index
          %swap3A_57 = arith.constant 0 : index
          %swap3A_58 = tpu.vector_load %arg11[%swap3A, %swap3A_57] {strides = array<i32>} : memref<128x128xf32, #tpu.memory_space<vmem>>, vector<1x16xf32>,
          %swap3A_59 = vector.shape_cast %swap3A_58 : vector<1x16xf32> to vector<16xf32>
          %swap3A_60 = vector.shape_cast %mul3A_56 : vector<16xf32> to vector<1x16xf32>
          tpu.vector_store %arg11[%swap3A, %swap3A_57], %swap3A_60 {strides = array<i32>} : memref<128x128xf32, #tpu.memory_space<vmem>>, vector<1x16xf32>,
          %get3A_61 = arith.index_cast %add3A_50 : i32 to index
          %get3A_62 = arith.constant 16 : index
          %get3A_63 = tpu.vector_load %arg11[%get3A_61, %get3A_62] {strides = array<i32>} : memref<128x128xf32, #tpu.memory_space<vmem>>, vector<1x16xf32>,
          %get3A_64 = vector.shape_cast %get3A_63 : vector<1x16xf32> to vector<16xf32>
          %mul3A_65 = vector.broadcast %squeeze3A : f32 to vector<16xf32>
          %mul3A_66 = arith.mulf %get3A_64, %mul3A_65 : vector<16xf32>
          %swap3A_67 = arith.index_cast %add3A_50 : i32 to index
          %swap3A_68 = arith.constant 16 : index
          %swap3A_69 = tpu.vector_load %arg11[%swap3A_67, %swap3A_68] {strides = array<i32>} : memref<128x128xf32, #tpu.memory_space<vmem>>, vector<1x16xf32>,
          %swap3A_70 = vector.shape_cast %swap3A_69 : vector<1x16xf32> to vector<16xf32>
          %swap3A_71 = vector.shape_cast %mul3A_66 : vector<16xf32> to vector<1x16xf32>
          tpu.vector_store %arg11[%swap3A_67, %swap3A_68], %swap3A_71 {strides = array<i32>} : memref<128x128xf32, #tpu.memory_space<vmem>>, vector<1x16xf32>,
          %get3A_72 = arith.index_cast %add3A_50 : i32 to index
          %get3A_73 = arith.constant 32 : index
          %get3A_74 = tpu.vector_load %arg11[%get3A_72, %get3A_73] {strides = array<i32>} : memref<128x128xf32, #tpu.memory_space<vmem>>, vector<1x16xf32>,
          %get3A_75 = vector.shape_cast %get3A_74 : vector<1x16xf32> to vector<16xf32>
          %mul3A_76 = vector.broadcast %squeeze3A : f32 to vector<16xf32>
          %mul3A_77 = arith.mulf %get3A_75, %mul3A_76 : vector<16xf32>
          %swap3A_78 = arith.index_cast %add3A_50 : i32 to index
          %swap3A_79 = arith.constant 32 : index
          %swap3A_80 = tpu.vector_load %arg11[%swap3A_78, %swap3A_79] {strides = array<i32>} : memref<128x128xf32, #tpu.memory_space<vmem>>, vector<1x16xf32>,
          %swap3A_81 = vector.shape_cast %swap3A_80 : vector<1x16xf32> to vector<16xf32>
          %swap3A_82 = vector.shape_cast %mul3A_77 : vector<16xf32> to vector<1x16xf32>
          tpu.vector_store %arg11[%swap3A_78, %swap3A_79], %swap3A_82 {strides = array<i32>} : memref<128x128xf32, #tpu.memory_space<vmem>>, vector<1x16xf32>,
          %get3A_83 = arith.index_cast %add3A_50 : i32 to index
          %get3A_84 = arith.constant 48 : index
          %get3A_85 = tpu.vector_load %arg11[%get3A_83, %get3A_84] {strides = array<i32>} : memref<128x128xf32, #tpu.memory_space<vmem>>, vector<1x16xf32>,
          %get3A_86 = vector.shape_cast %get3A_85 : vector<1x16xf32> to vector<16xf32>
          %mul3A_87 = vector.broadcast %squeeze3A : f32 to vector<16xf32>
          %mul3A_88 = arith.mulf %get3A_86, %mul3A_87 : vector<16xf32>
          %swap3A_89 = arith.index_cast %add3A_50 : i32 to index
          %swap3A_90 = arith.constant 48 : index
          %swap3A_91 = tpu.vector_load %arg11[%swap3A_89, %swap3A_90] {strides = array<i32>} : memref<128x128xf32, #tpu.memory_space<vmem>>, vector<1x16xf32>,
          %swap3A_92 = vector.shape_cast %swap3A_91 : vector<1x16xf32> to vector<16xf32>
          %swap3A_93 = vector.shape_cast %mul3A_88 : vector<16xf32> to vector<1x16xf32>
          tpu.vector_store %arg11[%swap3A_89, %swap3A_90], %swap3A_93 {strides = array<i32>} : memref<128x128xf32, #tpu.memory_space<vmem>>, vector<1x16xf32>,
          %get3A_94 = arith.index_cast %add3A_50 : i32 to index
          %get3A_95 = arith.constant 64 : index
          %get3A_96 = tpu.vector_load %arg11[%get3A_94, %get3A_95] {strides = array<i32>} : memref<128x128xf32, #tpu.memory_space<vmem>>, vector<1x16xf32>,
          %get3A_97 = vector.shape_cast %get3A_96 : vector<1x16xf32> to vector<16xf32>
          %mul3A_98 = vector.broadcast %squeeze3A : f32 to vector<16xf32>
          %mul3A_99 = arith.mulf %get3A_97, %mul3A_98 : vector<16xf32>
          %swap3A_100 = arith.index_cast %add3A_50 : i32 to index
          %swap3A_101 = arith.constant 64 : index
          %swap3A_102 = tpu.vector_load %arg11[%swap3A_100, %swap3A_101] {strides = array<i32>} : memref<128x128xf32, #tpu.memory_space<vmem>>, vector<1x16xf32>,
          %swap3A_103 = vector.shape_cast %swap3A_102 : vector<1x16xf32> to vector<16xf32>
          %swap3A_104 = vector.shape_cast %mul3A_99 : vector<16xf32> to vector<1x16xf32>
          tpu.vector_store %arg11[%swap3A_100, %swap3A_101], %swap3A_104 {strides = array<i32>} : memref<128x128xf32, #tpu.memory_space<vmem>>, vector<1x16xf32>,
          %get3A_105 = arith.index_cast %add3A_50 : i32 to index
          %get3A_106 = arith.constant 80 : index
          %get3A_107 = tpu.vector_load %arg11[%get3A_105, %get3A_106] {strides = array<i32>} : memref<128x128xf32, #tpu.memory_space<vmem>>, vector<1x16xf32>,
          %get3A_108 = vector.shape_cast %get3A_107 : vector<1x16xf32> to vector<16xf32>
          %mul3A_109 = vector.broadcast %squeeze3A : f32 to vector<16xf32>
          %mul3A_110 = arith.mulf %get3A_108, %mul3A_109 : vector<16xf32>
          %swap3A_111 = arith.index_cast %add3A_50 : i32 to index
          %swap3A_112 = arith.constant 80 : index
          %swap3A_113 = tpu.vector_load %arg11[%swap3A_111, %swap3A_112] {strides = array<i32>} : memref<128x128xf32, #tpu.memory_space<vmem>>, vector<1x16xf32>,
          %swap3A_114 = vector.shape_cast %swap3A_113 : vector<1x16xf32> to vector<16xf32>
          %swap3A_115 = vector.shape_cast %mul3A_110 : vector<16xf32> to vector<1x16xf32>
          tpu.vector_store %arg11[%swap3A_111, %swap3A_112], %swap3A_115 {strides = array<i32>} : memref<128x128xf32, #tpu.memory_space<vmem>>, vector<1x16xf32>,
          %get3A_116 = arith.index_cast %add3A_50 : i32 to index
          %get3A_117 = arith.constant 96 : index
          %get3A_118 = tpu.vector_load %arg11[%get3A_116, %get3A_117] {strides = array<i32>} : memref<128x128xf32, #tpu.memory_space<vmem>>, vector<1x16xf32>,
          %get3A_119 = vector.shape_cast %get3A_118 : vector<1x16xf32> to vector<16xf32>
          %mul3A_120 = vector.broadcast %squeeze3A : f32 to vector<16xf32>
          %mul3A_121 = arith.mulf %get3A_119, %mul3A_120 : vector<16xf32>
          %swap3A_122 = arith.index_cast %add3A_50 : i32 to index
          %swap3A_123 = arith.constant 96 : index
          %swap3A_124 = tpu.vector_load %arg11[%swap3A_122, %swap3A_123] {strides = array<i32>} : memref<128x128xf32, #tpu.memory_space<vmem>>, vector<1x16xf32>,
          %swap3A_125 = vector.shape_cast %swap3A_124 : vector<1x16xf32> to vector<16xf32>
          %swap3A_126 = vector.shape_cast %mul3A_121 : vector<16xf32> to vector<1x16xf32>
          tpu.vector_store %arg11[%swap3A_122, %swap3A_123], %swap3A_126 {strides = array<i32>} : memref<128x128xf32, #tpu.memory_space<vmem>>, vector<1x16xf32>,
          %get3A_127 = arith.index_cast %add3A_50 : i32 to index
          %get3A_128 = arith.constant 112 : index
          %get3A_129 = tpu.vector_load %arg11[%get3A_127, %get3A_128] {strides = array<i32>} : memref<128x128xf32, #tpu.memory_space<vmem>>, vector<1x16xf32>,
          %get3A_130 = vector.shape_cast %get3A_129 : vector<1x16xf32> to vector<16xf32>
          %mul3A_131 = vector.broadcast %squeeze3A : f32 to vector<16xf32>
          %mul3A_132 = arith.mulf %get3A_130, %mul3A_131 : vector<16xf32>
          %swap3A_133 = arith.index_cast %add3A_50 : i32 to index
          %swap3A_134 = arith.constant 112 : index
          %swap3A_135 = tpu.vector_load %arg11[%swap3A_133, %swap3A_134] {strides = array<i32>} : memref<128x128xf32, #tpu.memory_space<vmem>>, vector<1x16xf32>,
          %swap3A_136 = vector.shape_cast %swap3A_135 : vector<1x16xf32> to vector<16xf32>
          %swap3A_137 = vector.shape_cast %mul3A_132 : vector<16xf32> to vector<1x16xf32>
          tpu.vector_store %arg11[%swap3A_133, %swap3A_134], %swap3A_137 {strides = array<i32>} : memref<128x128xf32, #tpu.memory_space<vmem>>, vector<1x16xf32>,
          %slice3A_138 = vector.extract_strided_slice %get3A_46 {offsets = [1], sizes = [1], strides = [1]} : vector<16xf32> to vector<1xf32>
          %squeeze3A_139 = vector.extract %slice3A_138[0] : f32 from vector<1xf32>
          %mul3A_140 = arith.constant 16 : i32
          %mul3A_141 = arith.muli %scan3A_42, %mul3A_140 : i32
          %add3A_142 = arith.constant 1 : i32
          %add3A_143 = arith.addi %mul3A_141, %add3A_142 : i32
          %get3A_144 = arith.index_cast %add3A_143 : i32 to index
          %get3A_145 = arith.constant 0 : index
          %get3A_146 = tpu.vector_load %arg11[%get3A_144, %get3A_145] {strides = array<i32>} : memref<128x128xf32, #tpu.memory_space<vmem>>, vector<1x16xf32>,
          %get3A_147 = vector.shape_cast %get3A_146 : vector<1x16xf32> to vector<16xf32>
          %mul3A_148 = vector.broadcast %squeeze3A_139 : f32 to vector<16xf32>
          %mul3A_149 = arith.mulf %get3A_147, %mul3A_148 : vector<16xf32>
          %swap3A_150 = arith.index_cast %add3A_143 : i32 to index
          %swap3A_151 = arith.constant 0 : index
          %swap3A_152 = tpu.vector_load %arg11[%swap3A_150, %swap3A_151] {strides = array<i32>} : memref<128x128xf32, #tpu.memory_space<vmem>>, vector<1x16xf32>,
          %swap3A_153 = vector.shape_cast %swap3A_152 : vector<1x16xf32> to vector<16xf32>
          %swap3A_154 = vector.shape_cast %mul3A_149 : vector<16xf32> to vector<1x16xf32>
          tpu.vector_store %arg11[%swap3A_150, %swap3A_151], %swap3A_154 {strides = array<i32>} : memref<128x128xf32, #tpu.memory_space<vmem>>, vector<1x16xf32>,
          %get3A_155 = arith.index_cast %add3A_143 : i32 to index
          %get3A_156 = arith.constant 16 : index
          %get3A_157 = tpu.vector_load %arg11[%get3A_155, %get3A_156] {strides = array<i32>} : memref<128x128xf32, #tpu.memory_space<vmem>>, vector<1x16xf32>,
          %get3A_158 = vector.shape_cast %get3A_157 : vector<1x16xf32> to vector<16xf32>
          %mul3A_159 = vector.broadcast %squeeze3A_139 : f32 to vector<16xf32>
          %mul3A_160 = arith.mulf %get3A_158, %mul3A_159 : vector<16xf32>
          %swap3A_161 = arith.index_cast %add3A_143 : i32 to index
          %swap3A_162 = arith.constant 16 : index
          %swap3A_163 = tpu.vector_load %arg11[%swap3A_161, %swap3A_162] {strides = array<i32>} : memref<128x128xf32, #tpu.memory_space<vmem>>, vector<1x16xf32>,
          %swap3A_164 = vector.shape_cast %swap3A_163 : vector<1x16xf32> to vector<16xf32>
          %swap3A_165 = vector.shape_cast %mul3A_160 : vector<16xf32> to vector<1x16xf32>
          tpu.vector_store %arg11[%swap3A_161, %swap3A_162], %swap3A_165 {strides = array<i32>} : memref<128x128xf32, #tpu.memory_space<vmem>>, vector<1x16xf32>,
          %get3A_166 = arith.index_cast %add3A_143 : i32 to index
          %get3A_167 = arith.constant 32 : index
          %get3A_168 = tpu.vector_load %arg11[%get3A_166, %get3A_167] {strides = array<i32>} : memref<128x128xf32, #tpu.memory_space<vmem>>, vector<1x16xf32>,
          %get3A_169 = vector.shape_cast %get3A_168 : vector<1x16xf32> to vector<16xf32>
          %mul3A_170 = vector.broadcast %squeeze3A_139 : f32 to vector<16xf32>
          %mul3A_171 = arith.mulf %get3A_169, %mul3A_170 : vector<16xf32>
          %swap3A_172 = arith.index_cast %add3A_143 : i32 to index
          %swap3A_173 = arith.constant 32 : index
          %swap3A_174 = tpu.vector_load %arg11[%swap3A_172, %swap3A_173] {strides = array<i32>} : memref<128x128xf32, #tpu.memory_space<vmem>>, vector<1x16xf32>,
          %swap3A_175 = vector.shape_cast %swap3A_174 : vector<1x16xf32> to vector<16xf32>
          %swap3A_176 = vector.shape_cast %mul3A_171 : vector<16xf32> to vector<1x16xf32>
          tpu.vector_store %arg11[%swap3A_172, %swap3A_173], %swap3A_176 {strides = array<i32>} : memref<128x128xf32, #tpu.memory_space<vmem>>, vector<1x16xf32>,
          %get3A_177 = arith.index_cast %add3A_143 : i32 to index
          %get3A_178 = arith.constant 48 : index
          %get3A_179 = tpu.vector_load %arg11[%get3A_177, %get3A_178] {strides = array<i32>} : memref<128x128xf32, #tpu.memory_space<vmem>>, vector<1x16xf32>,
          %get3A_180 = vector.shape_cast %get3A_179 : vector<1x16xf32> to vector<16xf32>
          %mul3A_181 = vector.broadcast %squeeze3A_139 : f32 to vector<16xf32>
          %mul3A_182 = arith.mulf %get3A_180, %mul3A_181 : vector<16xf32>
          %swap3A_183 = arith.index_cast %add3A_143 : i32 to index
          %swap3A_184 = arith.constant 48 : index
          %swap3A_185 = tpu.vector_load %arg11[%swap3A_183, %swap3A_184] {strides = array<i32>} : memref<128x128xf32, #tpu.memory_space<vmem>>, vector<1x16xf32>,
          %swap3A_186 = vector.shape_cast %swap3A_185 : vector<1x16xf32> to vector<16xf32>
          %swap3A_187 = vector.shape_cast %mul3A_182 : vector<16xf32> to vector<1x16xf32>
          tpu.vector_store %arg11[%swap3A_183, %swap3A_184], %swap3A_187 {strides = array<i32>} : memref<128x128xf32, #tpu.memory_space<vmem>>, vector<1x16xf32>,
          %get3A_188 = arith.index_cast %add3A_143 : i32 to index
          %get3A_189 = arith.constant 64 : index
          %get3A_190 = tpu.vector_load %arg11[%get3A_188, %get3A_189] {strides = array<i32>} : memref<128x128xf32, #tpu.memory_space<vmem>>, vector<1x16xf32>,
          %get3A_191 = vector.shape_cast %get3A_190 : vector<1x16xf32> to vector<16xf32>
          %mul3A_192 = vector.broadcast %squeeze3A_139 : f32 to vector<16xf32>
          %mul3A_193 = arith.mulf %get3A_191, %mul3A_192 : vector<16xf32>
          %swap3A_194 = arith.index_cast %add3A_143 : i32 to index
          %swap3A_195 = arith.constant 64 : index
          %swap3A_196 = tpu.vector_load %arg11[%swap3A_194, %swap3A_195] {strides = array<i32>} : memref<128x128xf32, #tpu.memory_space<vmem>>, vector<1x16xf32>,
          %swap3A_197 = vector.shape_cast %swap3A_196 : vector<1x16xf32> to vector<16xf32>
          %swap3A_198 = vector.shape_cast %mul3A_193 : vector<16xf32> to vector<1x16xf32>
          tpu.vector_store %arg11[%swap3A_194, %swap3A_195], %swap3A_198 {strides = array<i32>} : memref<128x128xf32, #tpu.memory_space<vmem>>, vector<1x16xf32>,
          %get3A_199 = arith.index_cast %add3A_143 : i32 to index
          %get3A_200 = arith.constant 80 : index
          %get3A_201 = tpu.vector_load %arg11[%get3A_199, %get3A_200] {strides = array<i32>} : memref<128x128xf32, #tpu.memory_space<vmem>>, vector<1x16xf32>,
          %get3A_202 = vector.shape_cast %get3A_201 : vector<1x16xf32> to vector<16xf32>
          %mul3A_203 = vector.broadcast %squeeze3A_139 : f32 to vector<16xf32>
          %mul3A_204 = arith.mulf %get3A_202, %mul3A_203 : vector<16xf32>
          %swap3A_205 = arith.index_cast %add3A_143 : i32 to index
          %swap3A_206 = arith.constant 80 : index
          %swap3A_207 = tpu.vector_load %arg11[%swap3A_205, %swap3A_206] {strides = array<i32>} : memref<128x128xf32, #tpu.memory_space<vmem>>, vector<1x16xf32>,
          %swap3A_208 = vector.shape_cast %swap3A_207 : vector<1x16xf32> to vector<16xf32>
          %swap3A_209 = vector.shape_cast %mul3A_204 : vector<16xf32> to vector<1x16xf32>
          tpu.vector_store %arg11[%swap3A_205, %swap3A_206], %swap3A_209 {strides = array<i32>} : memref<128x128xf32, #tpu.memory_space<vmem>>, vector<1x16xf32>,
          %get3A_210 = arith.index_cast %add3A_143 : i32 to index
          %get3A_211 = arith.constant 96 : index
          %get3A_212 = tpu.vector_load %arg11[%get3A_210, %get3A_211] {strides = array<i32>} : memref<128x128xf32, #tpu.memory_space<vmem>>, vector<1x16xf32>,
          %get3A_213 = vector.shape_cast %get3A_212 : vector<1x16xf32> to vector<16xf32>
          %mul3A_214 = vector.broadcast %squeeze3A_139 : f32 to vector<16xf32>
          %mul3A_215 = arith.mulf %get3A_213, %mul3A_214 : vector<16xf32>
          %swap3A_216 = arith.index_cast %add3A_143 : i32 to index
          %swap3A_217 = arith.constant 96 : index
          %swap3A_218 = tpu.vector_load %arg11[%swap3A_216, %swap3A_217] {strides = array<i32>} : memref<128x128xf32, #tpu.memory_space<vmem>>, vector<1x16xf32>,
          %swap3A_219 = vector.shape_cast %swap3A_218 : vector<1x16xf32> to vector<16xf32>
          %swap3A_220 = vector.shape_cast %mul3A_215 : vector<16xf32> to vector<1x16xf32>
          tpu.vector_store %arg11[%swap3A_216, %swap3A_217], %swap3A_220 {strides = array<i32>} : memref<128x128xf32, #tpu.memory_space<vmem>>, vector<1x16xf32>,
          %get3A_221 = arith.index_cast %add3A_143 : i32 to index
          %get3A_222 = arith.constant 112 : index
          %get3A_223 = tpu.vector_load %arg11[%get3A_221, %get3A_222] {strides = array<i32>} : memref<128x128xf32, #tpu.memory_space<vmem>>, vector<1x16xf32>,
          %get3A_224 = vector.shape_cast %get3A_223 : vector<1x16xf32> to vector<16xf32>
          %mul3A_225 = vector.broadcast %squeeze3A_139 : f32 to vector<16xf32>
          %mul3A_226 = arith.mulf %get3A_224, %mul3A_225 : vector<16xf32>
          %swap3A_227 = arith.index_cast %add3A_143 : i32 to index
          %swap3A_228 = arith.constant 112 : index
          %swap3A_229 = tpu.vector_load %arg11[%swap3A_227, %swap3A_228] {strides = array<i32>} : memref<128x128xf32, #tpu.memory_space<vmem>>, vector<1x16xf32>,
          %swap3A_230 = vector.shape_cast %swap3A_229 : vector<1x16xf32> to vector<16xf32>
          %swap3A_231 = vector.shape_cast %mul3A_226 : vector<16xf32> to vector<1x16xf32>
          tpu.vector_store %arg11[%swap3A_227, %swap3A_228], %swap3A_231 {strides = array<i32>} : memref<128x128xf32, #tpu.memory_space<vmem>>, vector<1x16xf32>,
          %slice3A_232 = vector.extract_strided_slice %get3A_46 {offsets = [2], sizes = [1], strides = [1]} : vector<16xf32> to vector<1xf32>
          %squeeze3A_233 = vector.extract %slice3A_232[0] : f32 from vector<1xf32>
          %mul3A_234 = arith.constant 16 : i32
          %mul3A_235 = arith.muli %scan3A_42, %mul3A_234 : i32
          %add3A_236 = arith.constant 2 : i32
          %add3A_237 = arith.addi %mul3A_235, %add3A_236 : i32
          %get3A_238 = arith.index_cast %add3A_237 : i32 to index
          %get3A_239 = arith.constant 0 : index
          %get3A_240 = tpu.vector_load %arg11[%get3A_238, %get3A_239] {strides = array<i32>} : memref<128x128xf32, #tpu.memory_space<vmem>>, vector<1x16xf32>,
          %get3A_241 = vector.shape_cast %get3A_240 : vector<1x16xf32> to vector<16xf32>
          %mul3A_242 = vector.broadcast %squeeze3A_233 : f32 to vector<16xf32>
          %mul3A_243 = arith.mulf %get3A_241, %mul3A_242 : vector<16xf32>
          %swap3A_244 = arith.index_cast %add3A_237 : i32 to index
          %swap3A_245 = arith.constant 0 : index
          %swap3A_246 = tpu.vector_load %arg11[%swap3A_244, %swap3A_245] {strides = array<i32>} : memref<128x128xf32, #tpu.memory_space<vmem>>, vector<1x16xf32>,
          %swap3A_247 = vector.shape_cast %swap3A_246 : vector<1x16xf32> to vector<16xf32>
          %swap3A_248 = vector.shape_cast %mul3A_243 : vector<16xf32> to vector<1x16xf32>
          tpu.vector_store %arg11[%swap3A_244, %swap3A_245], %swap3A_248 {strides = array<i32>} : memref<128x128xf32, #tpu.memory_space<vmem>>, vector<1x16xf32>,
          %get3A_249 = arith.index_cast %add3A_237 : i32 to index
          %get3A_250 = arith.constant 16 : index
          %get3A_251 = tpu.vector_load %arg11[%get3A_249, %get3A_250] {strides = array<i32>} : memref<128x128xf32, #tpu.memory_space<vmem>>, vector<1x16xf32>,
          %get3A_252 = vector.shape_cast %get3A_251 : vector<1x16xf32> to vector<16xf32>
          %mul3A_253 = vector.broadcast %squeeze3A_233 : f32 to vector<16xf32>
          %mul3A_254 = arith.mulf %get3A_252, %mul3A_253 : vector<16xf32>
          %swap3A_255 = arith.index_cast %add3A_237 : i32 to index
          %swap3A_256 = arith.constant 16 : index
          %swap3A_257 = tpu.vector_load %arg11[%swap3A_255, %swap3A_256] {strides = array<i32>} : memref<128x128xf32, #tpu.memory_space<vmem>>, vector<1x16xf32>,
          %swap3A_258 = vector.shape_cast %swap3A_257 : vector<1x16xf32> to vector<16xf32>
          %swap3A_259 = vector.shape_cast %mul3A_254 : vector<16xf32> to vector<1x16xf32>
          tpu.vector_store %arg11[%swap3A_255, %swap3A_256], %swap3A_259 {strides = array<i32>} : memref<128x128xf32, #tpu.memory_space<vmem>>, vector<1x16xf32>,
          %get3A_260 = arith.index_cast %add3A_237 : i32 to index
          %get3A_261 = arith.constant 32 : index
          %get3A_262 = tpu.vector_load %arg11[%get3A_260, %get3A_261] {strides = array<i32>} : memref<128x128xf32, #tpu.memory_space<vmem>>, vector<1x16xf32>,
          %get3A_263 = vector.shape_cast %get3A_262 : vector<1x16xf32> to vector<16xf32>
          %mul3A_264 = vector.broadcast %squeeze3A_233 : f32 to vector<16xf32>
          %mul3A_265 = arith.mulf %get3A_263, %mul3A_264 : vector<16xf32>
          %swap3A_266 = arith.index_cast %add3A_237 : i32 to index
          %swap3A_267 = arith.constant 32 : index
          %swap3A_268 = tpu.vector_load %arg11[%swap3A_266, %swap3A_267] {strides = array<i32>} : memref<128x128xf32, #tpu.memory_space<vmem>>, vector<1x16xf32>,
          %swap3A_269 = vector.shape_cast %swap3A_268 : vector<1x16xf32> to vector<16xf32>
          %swap3A_270 = vector.shape_cast %mul3A_265 : vector<16xf32> to vector<1x16xf32>
          tpu.vector_store %arg11[%swap3A_266, %swap3A_267], %swap3A_270 {strides = array<i32>} : memref<128x128xf32, #tpu.memory_space<vmem>>, vector<1x16xf32>,
          %get3A_271 = arith.index_cast %add3A_237 : i32 to index
          %get3A_272 = arith.constant 48 : index
          %get3A_273 = tpu.vector_load %arg11[%get3A_271, %get3A_272] {strides = array<i32>} : memref<128x128xf32, #tpu.memory_space<vmem>>, vector<1x16xf32>,
          %get3A_274 = vector.shape_cast %get3A_273 : vector<1x16xf32> to vector<16xf32>
          %mul3A_275 = vector.broadcast %squeeze3A_233 : f32 to vector<16xf32>
          %mul3A_276 = arith.mulf %get3A_274, %mul3A_275 : vector<16xf32>
          %swap3A_277 = arith.index_cast %add3A_237 : i32 to index
          %swap3A_278 = arith.constant 48 : index
          %swap3A_279 = tpu.vector_load %arg11[%swap3A_277, %swap3A_278] {strides = array<i32>} : memref<128x128xf32, #tpu.memory_space<vmem>>, vector<1x16xf32>,
          %swap3A_280 = vector.shape_cast %swap3A_279 : vector<1x16xf32> to vector<16xf32>
          %swap3A_281 = vector.shape_cast %mul3A_276 : vector<16xf32> to vector<1x16xf32>
          tpu.vector_store %arg11[%swap3A_277, %swap3A_278], %swap3A_281 {strides = array<i32>} : memref<128x128xf32, #tpu.memory_space<vmem>>, vector<1x16xf32>,
          %get3A_282 = arith.index_cast %add3A_237 : i32 to index
          %get3A_283 = arith.constant 64 : index
          %get3A_284 = tpu.vector_load %arg11[%get3A_282, %get3A_283] {strides = array<i32>} : memref<128x128xf32, #tpu.memory_space<vmem>>, vector<1x16xf32>,
          %get3A_285 = vector.shape_cast %get3A_284 : vector<1x16xf32> to vector<16xf32>
          %mul3A_286 = vector.broadcast %squeeze3A_233 : f32 to vector<16xf32>
          %mul3A_287 = arith.mulf %get3A_285, %mul3A_286 : vector<16xf32>
          %swap3A_288 = arith.index_cast %add3A_237 : i32 to index
          %swap3A_289 = arith.constant 64 : index
          %swap3A_290 = tpu.vector_load %arg11[%swap3A_288, %swap3A_289] {strides = array<i32>} : memref<128x128xf32, #tpu.memory_space<vmem>>, vector<1x16xf32>,
          %swap3A_291 = vector.shape_cast %swap3A_290 : vector<1x16xf32> to vector<16xf32>
          %swap3A_292 = vector.shape_cast %mul3A_287 : vector<16xf32> to vector<1x16xf32>
          tpu.vector_store %arg11[%swap3A_288, %swap3A_289], %swap3A_292 {strides = array<i32>} : memref<128x128xf32, #tpu.memory_space<vmem>>, vector<1x16xf32>,
          %get3A_293 = arith.index_cast %add3A_237 : i32 to index
          %get3A_294 = arith.constant 80 : index
          %get3A_295 = tpu.vector_load %arg11[%get3A_293, %get3A_294] {strides = array<i32>} : memref<128x128xf32, #tpu.memory_space<vmem>>, vector<1x16xf32>,
          %get3A_296 = vector.shape_cast %get3A_295 : vector<1x16xf32> to vector<16xf32>
          %mul3A_297 = vector.broadcast %squeeze3A_233 : f32 to vector<16xf32>
          %mul3A_298 = arith.mulf %get3A_296, %mul3A_297 : vector<16xf32>
          %swap3A_299 = arith.index_cast %add3A_237 : i32 to index
          %swap3A_300 = arith.constant 80 : index
          %swap3A_301 = tpu.vector_load %arg11[%swap3A_299, %swap3A_300] {strides = array<i32>} : memref<128x128xf32, #tpu.memory_space<vmem>>, vector<1x16xf32>,
          %swap3A_302 = vector.shape_cast %swap3A_301 : vector<1x16xf32> to vector<16xf32>
          %swap3A_303 = vector.shape_cast %mul3A_298 : vector<16xf32> to vector<1x16xf32>
          tpu.vector_store %arg11[%swap3A_299, %swap3A_300], %swap3A_303 {strides = array<i32>} : memref<128x128xf32, #tpu.memory_space<vmem>>, vector<1x16xf32>,
          %get3A_304 = arith.index_cast %add3A_237 : i32 to index
          %get3A_305 = arith.constant 96 : index
          %get3A_306 = tpu.vector_load %arg11[%get3A_304, %get3A_305] {strides = array<i32>} : memref<128x128xf32, #tpu.memory_space<vmem>>, vector<1x16xf32>,
          %get3A_307 = vector.shape_cast %get3A_306 : vector<1x16xf32> to vector<16xf32>
          %mul3A_308 = vector.broadcast %squeeze3A_233 : f32 to vector<16xf32>
          %mul3A_309 = arith.mulf %get3A_307, %mul3A_308 : vector<16xf32>
          %swap3A_310 = arith.index_cast %add3A_237 : i32 to index
          %swap3A_311 = arith.constant 96 : index
          %swap3A_312 = tpu.vector_load %arg11[%swap3A_310, %swap3A_311] {strides = array<i32>} : memref<128x128xf32, #tpu.memory_space<vmem>>, vector<1x16xf32>,
          %swap3A_313 = vector.shape_cast %swap3A_312 : vector<1x16xf32> to vector<16xf32>
          %swap3A_314 = vector.shape_cast %mul3A_309 : vector<16xf32> to vector<1x16xf32>
          tpu.vector_store %arg11[%swap3A_310, %swap3A_311], %swap3A_314 {strides = array<i32>} : memref<128x128xf32, #tpu.memory_space<vmem>>, vector<1x16xf32>,
          %get3A_315 = arith.index_cast %add3A_237 : i32 to index
          %get3A_316 = arith.constant 112 : index
          %get3A_317 = tpu.vector_load %arg11[%get3A_315, %get3A_316] {strides = array<i32>} : memref<128x128xf32, #tpu.memory_space<vmem>>, vector<1x16xf32>,
          %get3A_318 = vector.shape_cast %get3A_317 : vector<1x16xf32> to vector<16xf32>
          %mul3A_319 = vector.broadcast %squeeze3A_233 : f32 to vector<16xf32>
          %mul3A_320 = arith.mulf %get3A_318, %mul3A_319 : vector<16xf32>
          %swap3A_321 = arith.index_cast %add3A_237 : i32 to index
          %swap3A_322 = arith.constant 112 : index
          %swap3A_323 = tpu.vector_load %arg11[%swap3A_321, %swap3A_322] {strides = array<i32>} : memref<128x128xf32, #tpu.memory_space<vmem>>, vector<1x16xf32>,
          %swap3A_324 = vector.shape_cast %swap3A_323 : vector<1x16xf32> to vector<16xf32>
          %swap3A_325 = vector.shape_cast %mul3A_320 : vector<16xf32> to vector<1x16xf32>
          tpu.vector_store %arg11[%swap3A_321, %swap3A_322], %swap3A_325 {strides = array<i32>} : memref<128x128xf32, #tpu.memory_space<vmem>>, vector<1x16xf32>,
          %slice3A_326 = vector.extract_strided_slice %get3A_46 {offsets = [3], sizes = [1], strides = [1]} : vector<16xf32> to vector<1xf32>
          %squeeze3A_327 = vector.extract %slice3A_326[0] : f32 from vector<1xf32>
          %mul3A_328 = arith.constant 16 : i32
          %mul3A_329 = arith.muli %scan3A_42, %mul3A_328 : i32
          %add3A_330 = arith.constant 3 : i32
          %add3A_331 = arith.addi %mul3A_329, %add3A_330 : i32
          %get3A_332 = arith.index_cast %add3A_331 : i32 to index
          %get3A_333 = arith.constant 0 : index
          %get3A_334 = tpu.vector_load %arg11[%get3A_332, %get3A_333] {strides = array<i32>} : memref<128x128xf32, #tpu.memory_space<vmem>>, vector<1x16xf32>,
          %get3A_335 = vector.shape_cast %get3A_334 : vector<1x16xf32> to vector<16xf32>
          %mul3A_336 = vector.broadcast %squeeze3A_327 : f32 to vector<16xf32>
          %mul3A_337 = arith.mulf %get3A_335, %mul3A_336 : vector<16xf32>
          %swap3A_338 = arith.index_cast %add3A_331 : i32 to index
          %swap3A_339 = arith.constant 0 : index
          %swap3A_340 = tpu.vector_load %arg11[%swap3A_338, %swap3A_339] {strides = array<i32>} : memref<128x128xf32, #tpu.memory_space<vmem>>, vector<1x16xf32>,
          %swap3A_341 = vector.shape_cast %swap3A_340 : vector<1x16xf32> to vector<16xf32>
          %swap3A_342 = vector.shape_cast %mul3A_337 : vector<16xf32> to vector<1x16xf32>
          tpu.vector_store %arg11[%swap3A_338, %swap3A_339], %swap3A_342 {strides = array<i32>} : memref<128x128xf32, #tpu.memory_space<vmem>>, vector<1x16xf32>,
          %get3A_343 = arith.index_cast %add3A_331 : i32 to index
          %get3A_344 = arith.constant 16 : index
          %get3A_345 = tpu.vector_load %arg11[%get3A_343, %get3A_344] {strides = array<i32>} : memref<128x128xf32, #tpu.memory_space<vmem>>, vector<1x16xf32>,
          %get3A_346 = vector.shape_cast %get3A_345 : vector<1x16xf32> to vector<16xf32>
          %mul3A_347 = vector.broadcast %squeeze3A_327 : f32 to vector<16xf32>
          %mul3A_348 = arith.mulf %get3A_346, %mul3A_347 : vector<16xf32>
          %swap3A_349 = arith.index_cast %add3A_331 : i32 to index
          %swap3A_350 = arith.constant 16 : index
          %swap3A_351 = tpu.vector_load %arg11[%swap3A_349, %swap3A_350] {strides = array<i32>} : memref<128x128xf32, #tpu.memory_space<vmem>>, vector<1x16xf32>,
          %swap3A_352 = vector.shape_cast %swap3A_351 : vector<1x16xf32> to vector<16xf32>
          %swap3A_353 = vector.shape_cast %mul3A_348 : vector<16xf32> to vector<1x16xf32>
          tpu.vector_store %arg11[%swap3A_349, %swap3A_350], %swap3A_353 {strides = array<i32>} : memref<128x128xf32, #tpu.memory_space<vmem>>, vector<1x16xf32>,
          %get3A_354 = arith.index_cast %add3A_331 : i32 to index
          %get3A_355 = arith.constant 32 : index
          %get3A_356 = tpu.vector_load %arg11[%get3A_354, %get3A_355] {strides = array<i32>} : memref<128x128xf32, #tpu.memory_space<vmem>>, vector<1x16xf32>,
          %get3A_357 = vector.shape_cast %get3A_356 : vector<1x16xf32> to vector<16xf32>
          %mul3A_358 = vector.broadcast %squeeze3A_327 : f32 to vector<16xf32>
          %mul3A_359 = arith.mulf %get3A_357, %mul3A_358 : vector<16xf32>
          %swap3A_360 = arith.index_cast %add3A_331 : i32 to index
          %swap3A_361 = arith.constant 32 : index
          %swap3A_362 = tpu.vector_load %arg11[%swap3A_360, %swap3A_361] {strides = array<i32>} : memref<128x128xf32, #tpu.memory_space<vmem>>, vector<1x16xf32>,
          %swap3A_363 = vector.shape_cast %swap3A_362 : vector<1x16xf32> to vector<16xf32>
          %swap3A_364 = vector.shape_cast %mul3A_359 : vector<16xf32> to vector<1x16xf32>
          tpu.vector_store %arg11[%swap3A_360, %swap3A_361], %swap3A_364 {strides = array<i32>} : memref<128x128xf32, #tpu.memory_space<vmem>>, vector<1x16xf32>,
          %get3A_365 = arith.index_cast %add3A_331 : i32 to index
          %get3A_366 = arith.constant 48 : index
          %get3A_367 = tpu.vector_load %arg11[%get3A_365, %get3A_366] {strides = array<i32>} : memref<128x128xf32, #tpu.memory_space<vmem>>, vector<1x16xf32>,
          %get3A_368 = vector.shape_cast %get3A_367 : vector<1x16xf32> to vector<16xf32>
          %mul3A_369 = vector.broadcast %squeeze3A_327 : f32 to vector<16xf32>
          %mul3A_370 = arith.mulf %get3A_368, %mul3A_369 : vector<16xf32>
          %swap3A_371 = arith.index_cast %add3A_331 : i32 to index
          %swap3A_372 = arith.constant 48 : index
          %swap3A_373 = tpu.vector_load %arg11[%swap3A_371, %swap3A_372] {strides = array<i32>} : memref<128x128xf32, #tpu.memory_space<vmem>>, vector<1x16xf32>,
          %swap3A_374 = vector.shape_cast %swap3A_373 : vector<1x16xf32> to vector<16xf32>
          %swap3A_375 = vector.shape_cast %mul3A_370 : vector<16xf32> to vector<1x16xf32>
          tpu.vector_store %arg11[%swap3A_371, %swap3A_372], %swap3A_375 {strides = array<i32>} : memref<128x128xf32, #tpu.memory_space<vmem>>, vector<1x16xf32>,
          %get3A_376 = arith.index_cast %add3A_331 : i32 to index
          %get3A_377 = arith.constant 64 : index
          %get3A_378 = tpu.vector_load %arg11[%get3A_376, %get3A_377] {strides = array<i32>} : memref<128x128xf32, #tpu.memory_space<vmem>>, vector<1x16xf32>,
          %get3A_379 = vector.shape_cast %get3A_378 : vector<1x16xf32> to vector<16xf32>
          %mul3A_380 = vector.broadcast %squeeze3A_327 : f32 to vector<16xf32>
          %mul3A_381 = arith.mulf %get3A_379, %mul3A_380 : vector<16xf32>
          %swap3A_382 = arith.index_cast %add3A_331 : i32 to index
          %swap3A_383 = arith.constant 64 : index
          %swap3A_384 = tpu.vector_load %arg11[%swap3A_382, %swap3A_383] {strides = array<i32>} : memref<128x128xf32, #tpu.memory_space<vmem>>, vector<1x16xf32>,
          %swap3A_385 = vector.shape_cast %swap3A_384 : vector<1x16xf32> to vector<16xf32>
          %swap3A_386 = vector.shape_cast %mul3A_381 : vector<16xf32> to vector<1x16xf32>
          tpu.vector_store %arg11[%swap3A_382, %swap3A_383], %swap3A_386 {strides = array<i32>} : memref<128x128xf32, #tpu.memory_space<vmem>>, vector<1x16xf32>,
          %get3A_387 = arith.index_cast %add3A_331 : i32 to index
          %get3A_388 = arith.constant 80 : index
          %get3A_389 = tpu.vector_load %arg11[%get3A_387, %get3A_388] {strides = array<i32>} : memref<128x128xf32, #tpu.memory_space<vmem>>, vector<1x16xf32>,
          %get3A_390 = vector.shape_cast %get3A_389 : vector<1x16xf32> to vector<16xf32>
          %mul3A_391 = vector.broadcast %squeeze3A_327 : f32 to vector<16xf32>
          %mul3A_392 = arith.mulf %get3A_390, %mul3A_391 : vector<16xf32>
          %swap3A_393 = arith.index_cast %add3A_331 : i32 to index
          %swap3A_394 = arith.constant 80 : index
          %swap3A_395 = tpu.vector_load %arg11[%swap3A_393, %swap3A_394] {strides = array<i32>} : memref<128x128xf32, #tpu.memory_space<vmem>>, vector<1x16xf32>,
          %swap3A_396 = vector.shape_cast %swap3A_395 : vector<1x16xf32> to vector<16xf32>
          %swap3A_397 = vector.shape_cast %mul3A_392 : vector<16xf32> to vector<1x16xf32>
          tpu.vector_store %arg11[%swap3A_393, %swap3A_394], %swap3A_397 {strides = array<i32>} : memref<128x128xf32, #tpu.memory_space<vmem>>, vector<1x16xf32>,
          %get3A_398 = arith.index_cast %add3A_331 : i32 to index
          %get3A_399 = arith.constant 96 : index
          %get3A_400 = tpu.vector_load %arg11[%get3A_398, %get3A_399] {strides = array<i32>} : memref<128x128xf32, #tpu.memory_space<vmem>>, vector<1x16xf32>,
          %get3A_401 = vector.shape_cast %get3A_400 : vector<1x16xf32> to vector<16xf32>
          %mul3A_402 = vector.broadcast %squeeze3A_327 : f32 to vector<16xf32>
          %mul3A_403 = arith.mulf %get3A_401, %mul3A_402 : vector<16xf32>
          %swap3A_404 = arith.index_cast %add3A_331 : i32 to index
          %swap3A_405 = arith.constant 96 : index
          %swap3A_406 = tpu.vector_load %arg11[%swap3A_404, %swap3A_405] {strides = array<i32>} : memref<128x128xf32, #tpu.memory_space<vmem>>, vector<1x16xf32>,
          %swap3A_407 = vector.shape_cast %swap3A_406 : vector<1x16xf32> to vector<16xf32>
          %swap3A_408 = vector.shape_cast %mul3A_403 : vector<16xf32> to vector<1x16xf32>
          tpu.vector_store %arg11[%swap3A_404, %swap3A_405], %swap3A_408 {strides = array<i32>} : memref<128x128xf32, #tpu.memory_space<vmem>>, vector<1x16xf32>,
          %get3A_409 = arith.index_cast %add3A_331 : i32 to index
          %get3A_410 = arith.constant 112 : index
          %get3A_411 = tpu.vector_load %arg11[%get3A_409, %get3A_410] {strides = array<i32>} : memref<128x128xf32, #tpu.memory_space<vmem>>, vector<1x16xf32>,
          %get3A_412 = vector.shape_cast %get3A_411 : vector<1x16xf32> to vector<16xf32>
          %mul3A_413 = vector.broadcast %squeeze3A_327 : f32 to vector<16xf32>
          %mul3A_414 = arith.mulf %get3A_412, %mul3A_413 : vector<16xf32>
          %swap3A_415 = arith.index_cast %add3A_331 : i32 to index
          %swap3A_416 = arith.constant 112 : index
          %swap3A_417 = tpu.vector_load %arg11[%swap3A_415, %swap3A_416] {strides = array<i32>} : memref<128x128xf32, #tpu.memory_space<vmem>>, vector<1x16xf32>,
          %swap3A_418 = vector.shape_cast %swap3A_417 : vector<1x16xf32> to vector<16xf32>
          %swap3A_419 = vector.shape_cast %mul3A_414 : vector<16xf32> to vector<1x16xf32>
          tpu.vector_store %arg11[%swap3A_415, %swap3A_416], %swap3A_419 {strides = array<i32>} : memref<128x128xf32, #tpu.memory_space<vmem>>, vector<1x16xf32>,
          %slice3A_420 = vector.extract_strided_slice %get3A_46 {offsets = [4], sizes = [1], strides = [1]} : vector<16xf32> to vector<1xf32>
          %squeeze3A_421 = vector.extract %slice3A_420[0] : f32 from vector<1xf32>
          %mul3A_422 = arith.constant 16 : i32
          %mul3A_423 = arith.muli %scan3A_42, %mul3A_422 : i32
          %add3A_424 = arith.constant 4 : i32
          %add3A_425 = arith.addi %mul3A_423, %add3A_424 : i32
          %get3A_426 = arith.index_cast %add3A_425 : i32 to index
          %get3A_427 = arith.constant 0 : index
          %get3A_428 = tpu.vector_load %arg11[%get3A_426, %get3A_427] {strides = array<i32>} : memref<128x128xf32, #tpu.memory_space<vmem>>, vector<1x16xf32>,
          %get3A_429 = vector.shape_cast %get3A_428 : vector<1x16xf32> to vector<16xf32>
          %mul3A_430 = vector.broadcast %squeeze3A_421 : f32 to vector<16xf32>
          %mul3A_431 = arith.mulf %get3A_429, %mul3A_430 : vector<16xf32>
          %swap3A_432 = arith.index_cast %add3A_425 : i32 to index
          %swap3A_433 = arith.constant 0 : index
          %swap3A_434 = tpu.vector_load %arg11[%swap3A_432, %swap3A_433] {strides = array<i32>} : memref<128x128xf32, #tpu.memory_space<vmem>>, vector<1x16xf32>,
          %swap3A_435 = vector.shape_cast %swap3A_434 : vector<1x16xf32> to vector<16xf32>
          %swap3A_436 = vector.shape_cast %mul3A_431 : vector<16xf32> to vector<1x16xf32>
          tpu.vector_store %arg11[%swap3A_432, %swap3A_433], %swap3A_436 {strides = array<i32>} : memref<128x128xf32, #tpu.memory_space<vmem>>, vector<1x16xf32>,
          %get3A_437 = arith.index_cast %add3A_425 : i32 to index
          %get3A_438 = arith.constant 16 : index
          %get3A_439 = tpu.vector_load %arg11[%get3A_437, %get3A_438] {strides = array<i32>} : memref<128x128xf32, #tpu.memory_space<vmem>>, vector<1x16xf32>,
          %get3A_440 = vector.shape_cast %get3A_439 : vector<1x16xf32> to vector<16xf32>
          %mul3A_441 = vector.broadcast %squeeze3A_421 : f32 to vector<16xf32>
          %mul3A_442 = arith.mulf %get3A_440, %mul3A_441 : vector<16xf32>
          %swap3A_443 = arith.index_cast %add3A_425 : i32 to index
          %swap3A_444 = arith.constant 16 : index
          %swap3A_445 = tpu.vector_load %arg11[%swap3A_443, %swap3A_444] {strides = array<i32>} : memref<128x128xf32, #tpu.memory_space<vmem>>, vector<1x16xf32>,
          %swap3A_446 = vector.shape_cast %swap3A_445 : vector<1x16xf32> to vector<16xf32>
          %swap3A_447 = vector.shape_cast %mul3A_442 : vector<16xf32> to vector<1x16xf32>
          tpu.vector_store %arg11[%swap3A_443, %swap3A_444], %swap3A_447 {strides = array<i32>} : memref<128x128xf32, #tpu.memory_space<vmem>>, vector<1x16xf32>,
          %get3A_448 = arith.index_cast %add3A_425 : i32 to index
          %get3A_449 = arith.constant 32 : index
          %get3A_450 = tpu.vector_load %arg11[%get3A_448, %get3A_449] {strides = array<i32>} : memref<128x128xf32, #tpu.memory_space<vmem>>, vector<1x16xf32>,
          %get3A_451 = vector.shape_cast %get3A_450 : vector<1x16xf32> to vector<16xf32>
          %mul3A_452 = vector.broadcast %squeeze3A_421 : f32 to vector<16xf32>
          %mul3A_453 = arith.mulf %get3A_451, %mul3A_452 : vector<16xf32>
          %swap3A_454 = arith.index_cast %add3A_425 : i32 to index
          %swap3A_455 = arith.constant 32 : index
          %swap3A_456 = tpu.vector_load %arg11[%swap3A_454, %swap3A_455] {strides = array<i32>} : memref<128x128xf32, #tpu.memory_space<vmem>>, vector<1x16xf32>,
          %swap3A_457 = vector.shape_cast %swap3A_456 : vector<1x16xf32> to vector<16xf32>
          %swap3A_458 = vector.shape_cast %mul3A_453 : vector<16xf32> to vector<1x16xf32>
          tpu.vector_store %arg11[%swap3A_454, %swap3A_455], %swap3A_458 {strides = array<i32>} : memref<128x128xf32, #tpu.memory_space<vmem>>, vector<1x16xf32>,
          %get3A_459 = arith.index_cast %add3A_425 : i32 to index
          %get3A_460 = arith.constant 48 : index
          %get3A_461 = tpu.vector_load %arg11[%get3A_459, %get3A_460] {strides = array<i32>} : memref<128x128xf32, #tpu.memory_space<vmem>>, vector<1x16xf32>,
          %get3A_462 = vector.shape_cast %get3A_461 : vector<1x16xf32> to vector<16xf32>
          %mul3A_463 = vector.broadcast %squeeze3A_421 : f32 to vector<16xf32>
          %mul3A_464 = arith.mulf %get3A_462, %mul3A_463 : vector<16xf32>
          %swap3A_465 = arith.index_cast %add3A_425 : i32 to index
          %swap3A_466 = arith.constant 48 : index
          %swap3A_467 = tpu.vector_load %arg11[%swap3A_465, %swap3A_466] {strides = array<i32>} : memref<128x128xf32, #tpu.memory_space<vmem>>, vector<1x16xf32>,
          %swap3A_468 = vector.shape_cast %swap3A_467 : vector<1x16xf32> to vector<16xf32>
          %swap3A_469 = vector.shape_cast %mul3A_464 : vector<16xf32> to vector<1x16xf32>
          tpu.vector_store %arg11[%swap3A_465, %swap3A_466], %swap3A_469 {strides = array<i32>} : memref<128x128xf32, #tpu.memory_space<vmem>>, vector<1x16xf32>,
          %get3A_470 = arith.index_cast %add3A_425 : i32 to index
          %get3A_471 = arith.constant 64 : index
          %get3A_472 = tpu.vector_load %arg11[%get3A_470, %get3A_471] {strides = array<i32>} : memref<128x128xf32, #tpu.memory_space<vmem>>, vector<1x16xf32>,
          %get3A_473 = vector.shape_cast %get3A_472 : vector<1x16xf32> to vector<16xf32>
          %mul3A_474 = vector.broadcast %squeeze3A_421 : f32 to vector<16xf32>
          %mul3A_475 = arith.mulf %get3A_473, %mul3A_474 : vector<16xf32>
          %swap3A_476 = arith.index_cast %add3A_425 : i32 to index
          %swap3A_477 = arith.constant 64 : index
          %swap3A_478 = tpu.vector_load %arg11[%swap3A_476, %swap3A_477] {strides = array<i32>} : memref<128x128xf32, #tpu.memory_space<vmem>>, vector<1x16xf32>,
          %swap3A_479 = vector.shape_cast %swap3A_478 : vector<1x16xf32> to vector<16xf32>
          %swap3A_480 = vector.shape_cast %mul3A_475 : vector<16xf32> to vector<1x16xf32>
          tpu.vector_store %arg11[%swap3A_476, %swap3A_477], %swap3A_480 {strides = array<i32>} : memref<128x128xf32, #tpu.memory_space<vmem>>, vector<1x16xf32>,
          %get3A_481 = arith.index_cast %add3A_425 : i32 to index
          %get3A_482 = arith.constant 80 : index
          %get3A_483 = tpu.vector_load %arg11[%get3A_481, %get3A_482] {strides = array<i32>} : memref<128x128xf32, #tpu.memory_space<vmem>>, vector<1x16xf32>,
          %get3A_484 = vector.shape_cast %get3A_483 : vector<1x16xf32> to vector<16xf32>
          %mul3A_485 = vector.broadcast %squeeze3A_421 : f32 to vector<16xf32>
          %mul3A_486 = arith.mulf %get3A_484, %mul3A_485 : vector<16xf32>
          %swap3A_487 = arith.index_cast %add3A_425 : i32 to index
          %swap3A_488 = arith.constant 80 : index
          %swap3A_489 = tpu.vector_load %arg11[%swap3A_487, %swap3A_488] {strides = array<i32>} : memref<128x128xf32, #tpu.memory_space<vmem>>, vector<1x16xf32>,
          %swap3A_490 = vector.shape_cast %swap3A_489 : vector<1x16xf32> to vector<16xf32>
          %swap3A_491 = vector.shape_cast %mul3A_486 : vector<16xf32> to vector<1x16xf32>
          tpu.vector_store %arg11[%swap3A_487, %swap3A_488], %swap3A_491 {strides = array<i32>} : memref<128x128xf32, #tpu.memory_space<vmem>>, vector<1x16xf32>,
          %get3A_492 = arith.index_cast %add3A_425 : i32 to index
          %get3A_493 = arith.constant 96 : index
          %get3A_494 = tpu.vector_load %arg11[%get3A_492, %get3A_493] {strides = array<i32>} : memref<128x128xf32, #tpu.memory_space<vmem>>, vector<1x16xf32>,
          %get3A_495 = vector.shape_cast %get3A_494 : vector<1x16xf32> to vector<16xf32>
          %mul3A_496 = vector.broadcast %squeeze3A_421 : f32 to vector<16xf32>
          %mul3A_497 = arith.mulf %get3A_495, %mul3A_496 : vector<16xf32>
          %swap3A_498 = arith.index_cast %add3A_425 : i32 to index
          %swap3A_499 = arith.constant 96 : index
          %swap3A_500 = tpu.vector_load %arg11[%swap3A_498, %swap3A_499] {strides = array<i32>} : memref<128x128xf32, #tpu.memory_space<vmem>>, vector<1x16xf32>,
          %swap3A_501 = vector.shape_cast %swap3A_500 : vector<1x16xf32> to vector<16xf32>
          %swap3A_502 = vector.shape_cast %mul3A_497 : vector<16xf32> to vector<1x16xf32>
          tpu.vector_store %arg11[%swap3A_498, %swap3A_499], %swap3A_502 {strides = array<i32>} : memref<128x128xf32, #tpu.memory_space<vmem>>, vector<1x16xf32>,
          %get3A_503 = arith.index_cast %add3A_425 : i32 to index
          %get3A_504 = arith.constant 112 : index
          %get3A_505 = tpu.vector_load %arg11[%get3A_503, %get3A_504] {strides = array<i32>} : memref<128x128xf32, #tpu.memory_space<vmem>>, vector<1x16xf32>,
          %get3A_506 = vector.shape_cast %get3A_505 : vector<1x16xf32> to vector<16xf32>
          %mul3A_507 = vector.broadcast %squeeze3A_421 : f32 to vector<16xf32>
          %mul3A_508 = arith.mulf %get3A_506, %mul3A_507 : vector<16xf32>
          %swap3A_509 = arith.index_cast %add3A_425 : i32 to index
          %swap3A_510 = arith.constant 112 : index
          %swap3A_511 = tpu.vector_load %arg11[%swap3A_509, %swap3A_510] {strides = array<i32>} : memref<128x128xf32, #tpu.memory_space<vmem>>, vector<1x16xf32>,
          %swap3A_512 = vector.shape_cast %swap3A_511 : vector<1x16xf32> to vector<16xf32>
          %swap3A_513 = vector.shape_cast %mul3A_508 : vector<16xf32> to vector<1x16xf32>
          tpu.vector_store %arg11[%swap3A_509, %swap3A_510], %swap3A_513 {strides = array<i32>} : memref<128x128xf32, #tpu.memory_space<vmem>>, vector<1x16xf32>,
          %slice3A_514 = vector.extract_strided_slice %get3A_46 {offsets = [5], sizes = [1], strides = [1]} : vector<16xf32> to vector<1xf32>
          %squeeze3A_515 = vector.extract %slice3A_514[0] : f32 from vector<1xf32>
          %mul3A_516 = arith.constant 16 : i32
          %mul3A_517 = arith.muli %scan3A_42, %mul3A_516 : i32
          %add3A_518 = arith.constant 5 : i32
          %add3A_519 = arith.addi %mul3A_517, %add3A_518 : i32
          %get3A_520 = arith.index_cast %add3A_519 : i32 to index
          %get3A_521 = arith.constant 0 : index
          %get3A_522 = tpu.vector_load %arg11[%get3A_520, %get3A_521] {strides = array<i32>} : memref<128x128xf32, #tpu.memory_space<vmem>>, vector<1x16xf32>,
          %get3A_523 = vector.shape_cast %get3A_522 : vector<1x16xf32> to vector<16xf32>
          %mul3A_524 = vector.broadcast %squeeze3A_515 : f32 to vector<16xf32>
          %mul3A_525 = arith.mulf %get3A_523, %mul3A_524 : vector<16xf32>
          %swap3A_526 = arith.index_cast %add3A_519 : i32 to index
          %swap3A_527 = arith.constant 0 : index
          %swap3A_528 = tpu.vector_load %arg11[%swap3A_526, %swap3A_527] {strides = array<i32>} : memref<128x128xf32, #tpu.memory_space<vmem>>, vector<1x16xf32>,
          %swap3A_529 = vector.shape_cast %swap3A_528 : vector<1x16xf32> to vector<16xf32>
          %swap3A_530 = vector.shape_cast %mul3A_525 : vector<16xf32> to vector<1x16xf32>
          tpu.vector_store %arg11[%swap3A_526, %swap3A_527], %swap3A_530 {strides = array<i32>} : memref<128x128xf32, #tpu.memory_space<vmem>>, vector<1x16xf32>,
          %get3A_531 = arith.index_cast %add3A_519 : i32 to index
          %get3A_532 = arith.constant 16 : index
          %get3A_533 = tpu.vector_load %arg11[%get3A_531, %get3A_532] {strides = array<i32>} : memref<128x128xf32, #tpu.memory_space<vmem>>, vector<1x16xf32>,
          %get3A_534 = vector.shape_cast %get3A_533 : vector<1x16xf32> to vector<16xf32>
          %mul3A_535 = vector.broadcast %squeeze3A_515 : f32 to vector<16xf32>
          %mul3A_536 = arith.mulf %get3A_534, %mul3A_535 : vector<16xf32>
          %swap3A_537 = arith.index_cast %add3A_519 : i32 to index
          %swap3A_538 = arith.constant 16 : index
          %swap3A_539 = tpu.vector_load %arg11[%swap3A_537, %swap3A_538] {strides = array<i32>} : memref<128x128xf32, #tpu.memory_space<vmem>>, vector<1x16xf32>,
          %swap3A_540 = vector.shape_cast %swap3A_539 : vector<1x16xf32> to vector<16xf32>
          %swap3A_541 = vector.shape_cast %mul3A_536 : vector<16xf32> to vector<1x16xf32>
          tpu.vector_store %arg11[%swap3A_537, %swap3A_538], %swap3A_541 {strides = array<i32>} : memref<128x128xf32, #tpu.memory_space<vmem>>, vector<1x16xf32>,
          %get3A_542 = arith.index_cast %add3A_519 : i32 to index
          %get3A_543 = arith.constant 32 : index
          %get3A_544 = tpu.vector_load %arg11[%get3A_542, %get3A_543] {strides = array<i32>} : memref<128x128xf32, #tpu.memory_space<vmem>>, vector<1x16xf32>,
          %get3A_545 = vector.shape_cast %get3A_544 : vector<1x16xf32> to vector<16xf32>
          %mul3A_546 = vector.broadcast %squeeze3A_515 : f32 to vector<16xf32>
          %mul3A_547 = arith.mulf %get3A_545, %mul3A_546 : vector<16xf32>
          %swap3A_548 = arith.index_cast %add3A_519 : i32 to index
          %swap3A_549 = arith.constant 32 : index
          %swap3A_550 = tpu.vector_load %arg11[%swap3A_548, %swap3A_549] {strides = array<i32>} : memref<128x128xf32, #tpu.memory_space<vmem>>, vector<1x16xf32>,
          %swap3A_551 = vector.shape_cast %swap3A_550 : vector<1x16xf32> to vector<16xf32>
          %swap3A_552 = vector.shape_cast %mul3A_547 : vector<16xf32> to vector<1x16xf32>
          tpu.vector_store %arg11[%swap3A_548, %swap3A_549], %swap3A_552 {strides = array<i32>} : memref<128x128xf32, #tpu.memory_space<vmem>>, vector<1x16xf32>,
          %get3A_553 = arith.index_cast %add3A_519 : i32 to index
          %get3A_554 = arith.constant 48 : index
          %get3A_555 = tpu.vector_load %arg11[%get3A_553, %get3A_554] {strides = array<i32>} : memref<128x128xf32, #tpu.memory_space<vmem>>, vector<1x16xf32>,
          %get3A_556 = vector.shape_cast %get3A_555 : vector<1x16xf32> to vector<16xf32>
          %mul3A_557 = vector.broadcast %squeeze3A_515 : f32 to vector<16xf32>
          %mul3A_558 = arith.mulf %get3A_556, %mul3A_557 : vector<16xf32>
          %swap3A_559 = arith.index_cast %add3A_519 : i32 to index
          %swap3A_560 = arith.constant 48 : index
          %swap3A_561 = tpu.vector_load %arg11[%swap3A_559, %swap3A_560] {strides = array<i32>} : memref<128x128xf32, #tpu.memory_space<vmem>>, vector<1x16xf32>,
          %swap3A_562 = vector.shape_cast %swap3A_561 : vector<1x16xf32> to vector<16xf32>
          %swap3A_563 = vector.shape_cast %mul3A_558 : vector<16xf32> to vector<1x16xf32>
          tpu.vector_store %arg11[%swap3A_559, %swap3A_560], %swap3A_563 {strides = array<i32>} : memref<128x128xf32, #tpu.memory_space<vmem>>, vector<1x16xf32>,
          %get3A_564 = arith.index_cast %add3A_519 : i32 to index
          %get3A_565 = arith.constant 64 : index
          %get3A_566 = tpu.vector_load %arg11[%get3A_564, %get3A_565] {strides = array<i32>} : memref<128x128xf32, #tpu.memory_space<vmem>>, vector<1x16xf32>,
          %get3A_567 = vector.shape_cast %get3A_566 : vector<1x16xf32> to vector<16xf32>
          %mul3A_568 = vector.broadcast %squeeze3A_515 : f32 to vector<16xf32>
          %mul3A_569 = arith.mulf %get3A_567, %mul3A_568 : vector<16xf32>
          %swap3A_570 = arith.index_cast %add3A_519 : i32 to index
          %swap3A_571 = arith.constant 64 : index
          %swap3A_572 = tpu.vector_load %arg11[%swap3A_570, %swap3A_571] {strides = array<i32>} : memref<128x128xf32, #tpu.memory_space<vmem>>, vector<1x16xf32>,
          %swap3A_573 = vector.shape_cast %swap3A_572 : vector<1x16xf32> to vector<16xf32>
          %swap3A_574 = vector.shape_cast %mul3A_569 : vector<16xf32> to vector<1x16xf32>
          tpu.vector_store %arg11[%swap3A_570, %swap3A_571], %swap3A_574 {strides = array<i32>} : memref<128x128xf32, #tpu.memory_space<vmem>>, vector<1x16xf32>,
          %get3A_575 = arith.index_cast %add3A_519 : i32 to index
          %get3A_576 = arith.constant 80 : index
          %get3A_577 = tpu.vector_load %arg11[%get3A_575, %get3A_576] {strides = array<i32>} : memref<128x128xf32, #tpu.memory_space<vmem>>, vector<1x16xf32>,
          %get3A_578 = vector.shape_cast %get3A_577 : vector<1x16xf32> to vector<16xf32>
          %mul3A_579 = vector.broadcast %squeeze3A_515 : f32 to vector<16xf32>
          %mul3A_580 = arith.mulf %get3A_578, %mul3A_579 : vector<16xf32>
          %swap3A_581 = arith.index_cast %add3A_519 : i32 to index
          %swap3A_582 = arith.constant 80 : index
          %swap3A_583 = tpu.vector_load %arg11[%swap3A_581, %swap3A_582] {strides = array<i32>} : memref<128x128xf32, #tpu.memory_space<vmem>>, vector<1x16xf32>,
          %swap3A_584 = vector.shape_cast %swap3A_583 : vector<1x16xf32> to vector<16xf32>
          %swap3A_585 = vector.shape_cast %mul3A_580 : vector<16xf32> to vector<1x16xf32>
          tpu.vector_store %arg11[%swap3A_581, %swap3A_582], %swap3A_585 {strides = array<i32>} : memref<128x128xf32, #tpu.memory_space<vmem>>, vector<1x16xf32>,
          %get3A_586 = arith.index_cast %add3A_519 : i32 to index
          %get3A_587 = arith.constant 96 : index
          %get3A_588 = tpu.vector_load %arg11[%get3A_586, %get3A_587] {strides = array<i32>} : memref<128x128xf32, #tpu.memory_space<vmem>>, vector<1x16xf32>,
          %get3A_589 = vector.shape_cast %get3A_588 : vector<1x16xf32> to vector<16xf32>
          %mul3A_590 = vector.broadcast %squeeze3A_515 : f32 to vector<16xf32>
          %mul3A_591 = arith.mulf %get3A_589, %mul3A_590 : vector<16xf32>
          %swap3A_592 = arith.index_cast %add3A_519 : i32 to index
          %swap3A_593 = arith.constant 96 : index
          %swap3A_594 = tpu.vector_load %arg11[%swap3A_592, %swap3A_593] {strides = array<i32>} : memref<128x128xf32, #tpu.memory_space<vmem>>, vector<1x16xf32>,
          %swap3A_595 = vector.shape_cast %swap3A_594 : vector<1x16xf32> to vector<16xf32>
          %swap3A_596 = vector.shape_cast %mul3A_591 : vector<16xf32> to vector<1x16xf32>
          tpu.vector_store %arg11[%swap3A_592, %swap3A_593], %swap3A_596 {strides = array<i32>} : memref<128x128xf32, #tpu.memory_space<vmem>>, vector<1x16xf32>,
          %get3A_597 = arith.index_cast %add3A_519 : i32 to index
          %get3A_598 = arith.constant 112 : index
          %get3A_599 = tpu.vector_load %arg11[%get3A_597, %get3A_598] {strides = array<i32>} : memref<128x128xf32, #tpu.memory_space<vmem>>, vector<1x16xf32>,
          %get3A_600 = vector.shape_cast %get3A_599 : vector<1x16xf32> to vector<16xf32>
          %mul3A_601 = vector.broadcast %squeeze3A_515 : f32 to vector<16xf32>
          %mul3A_602 = arith.mulf %get3A_600, %mul3A_601 : vector<16xf32>
          %swap3A_603 = arith.index_cast %add3A_519 : i32 to index
          %swap3A_604 = arith.constant 112 : index
          %swap3A_605 = tpu.vector_load %arg11[%swap3A_603, %swap3A_604] {strides = array<i32>} : memref<128x128xf32, #tpu.memory_space<vmem>>, vector<1x16xf32>,
          %swap3A_606 = vector.shape_cast %swap3A_605 : vector<1x16xf32> to vector<16xf32>
          %swap3A_607 = vector.shape_cast %mul3A_602 : vector<16xf32> to vector<1x16xf32>
          tpu.vector_store %arg11[%swap3A_603, %swap3A_604], %swap3A_607 {strides = array<i32>} : memref<128x128xf32, #tpu.memory_space<vmem>>, vector<1x16xf32>,
          %slice3A_608 = vector.extract_strided_slice %get3A_46 {offsets = [6], sizes = [1], strides = [1]} : vector<16xf32> to vector<1xf32>
          %squeeze3A_609 = vector.extract %slice3A_608[0] : f32 from vector<1xf32>
          %mul3A_610 = arith.constant 16 : i32
          %mul3A_611 = arith.muli %scan3A_42, %mul3A_610 : i32
          %add3A_612 = arith.constant 6 : i32
          %add3A_613 = arith.addi %mul3A_611, %add3A_612 : i32
          %get3A_614 = arith.index_cast %add3A_613 : i32 to index
          %get3A_615 = arith.constant 0 : index
          %get3A_616 = tpu.vector_load %arg11[%get3A_614, %get3A_615] {strides = array<i32>} : memref<128x128xf32, #tpu.memory_space<vmem>>, vector<1x16xf32>,
          %get3A_617 = vector.shape_cast %get3A_616 : vector<1x16xf32> to vector<16xf32>
          %mul3A_618 = vector.broadcast %squeeze3A_609 : f32 to vector<16xf32>
          %mul3A_619 = arith.mulf %get3A_617, %mul3A_618 : vector<16xf32>
          %swap3A_620 = arith.index_cast %add3A_613 : i32 to index
          %swap3A_621 = arith.constant 0 : index
          %swap3A_622 = tpu.vector_load %arg11[%swap3A_620, %swap3A_621] {strides = array<i32>} : memref<128x128xf32, #tpu.memory_space<vmem>>, vector<1x16xf32>,
          %swap3A_623 = vector.shape_cast %swap3A_622 : vector<1x16xf32> to vector<16xf32>
          %swap3A_624 = vector.shape_cast %mul3A_619 : vector<16xf32> to vector<1x16xf32>
          tpu.vector_store %arg11[%swap3A_620, %swap3A_621], %swap3A_624 {strides = array<i32>} : memref<128x128xf32, #tpu.memory_space<vmem>>, vector<1x16xf32>,
          %get3A_625 = arith.index_cast %add3A_613 : i32 to index
          %get3A_626 = arith.constant 16 : index
          %get3A_627 = tpu.vector_load %arg11[%get3A_625, %get3A_626] {strides = array<i32>} : memref<128x128xf32, #tpu.memory_space<vmem>>, vector<1x16xf32>,
          %get3A_628 = vector.shape_cast %get3A_627 : vector<1x16xf32> to vector<16xf32>
          %mul3A_629 = vector.broadcast %squeeze3A_609 : f32 to vector<16xf32>
          %mul3A_630 = arith.mulf %get3A_628, %mul3A_629 : vector<16xf32>
          %swap3A_631 = arith.index_cast %add3A_613 : i32 to index
          %swap3A_632 = arith.constant 16 : index
          %swap3A_633 = tpu.vector_load %arg11[%swap3A_631, %swap3A_632] {strides = array<i32>} : memref<128x128xf32, #tpu.memory_space<vmem>>, vector<1x16xf32>,
          %swap3A_634 = vector.shape_cast %swap3A_633 : vector<1x16xf32> to vector<16xf32>
          %swap3A_635 = vector.shape_cast %mul3A_630 : vector<16xf32> to vector<1x16xf32>
          tpu.vector_store %arg11[%swap3A_631, %swap3A_632], %swap3A_635 {strides = array<i32>} : memref<128x128xf32, #tpu.memory_space<vmem>>, vector<1x16xf32>,
          %get3A_636 = arith.index_cast %add3A_613 : i32 to index
          %get3A_637 = arith.constant 32 : index
          %get3A_638 = tpu.vector_load %arg11[%get3A_636, %get3A_637] {strides = array<i32>} : memref<128x128xf32, #tpu.memory_space<vmem>>, vector<1x16xf32>,
          %get3A_639 = vector.shape_cast %get3A_638 : vector<1x16xf32> to vector<16xf32>
          %mul3A_640 = vector.broadcast %squeeze3A_609 : f32 to vector<16xf32>
          %mul3A_641 = arith.mulf %get3A_639, %mul3A_640 : vector<16xf32>
          %swap3A_642 = arith.index_cast %add3A_613 : i32 to index
          %swap3A_643 = arith.constant 32 : index
          %swap3A_644 = tpu.vector_load %arg11[%swap3A_642, %swap3A_643] {strides = array<i32>} : memref<128x128xf32, #tpu.memory_space<vmem>>, vector<1x16xf32>,
          %swap3A_645 = vector.shape_cast %swap3A_644 : vector<1x16xf32> to vector<16xf32>
          %swap3A_646 = vector.shape_cast %mul3A_641 : vector<16xf32> to vector<1x16xf32>
          tpu.vector_store %arg11[%swap3A_642, %swap3A_643], %swap3A_646 {strides = array<i32>} : memref<128x128xf32, #tpu.memory_space<vmem>>, vector<1x16xf32>,
          %get3A_647 = arith.index_cast %add3A_613 : i32 to index
          %get3A_648 = arith.constant 48 : index
          %get3A_649 = tpu.vector_load %arg11[%get3A_647, %get3A_648] {strides = array<i32>} : memref<128x128xf32, #tpu.memory_space<vmem>>, vector<1x16xf32>,
          %get3A_650 = vector.shape_cast %get3A_649 : vector<1x16xf32> to vector<16xf32>
          %mul3A_651 = vector.broadcast %squeeze3A_609 : f32 to vector<16xf32>
          %mul3A_652 = arith.mulf %get3A_650, %mul3A_651 : vector<16xf32>
          %swap3A_653 = arith.index_cast %add3A_613 : i32 to index
          %swap3A_654 = arith.constant 48 : index
          %swap3A_655 = tpu.vector_load %arg11[%swap3A_653, %swap3A_654] {strides = array<i32>} : memref<128x128xf32, #tpu.memory_space<vmem>>, vector<1x16xf32>,
          %swap3A_656 = vector.shape_cast %swap3A_655 : vector<1x16xf32> to vector<16xf32>
          %swap3A_657 = vector.shape_cast %mul3A_652 : vector<16xf32> to vector<1x16xf32>
          tpu.vector_store %arg11[%swap3A_653, %swap3A_654], %swap3A_657 {strides = array<i32>} : memref<128x128xf32, #tpu.memory_space<vmem>>, vector<1x16xf32>,
          %get3A_658 = arith.index_cast %add3A_613 : i32 to index
          %get3A_659 = arith.constant 64 : index
          %get3A_660 = tpu.vector_load %arg11[%get3A_658, %get3A_659] {strides = array<i32>} : memref<128x128xf32, #tpu.memory_space<vmem>>, vector<1x16xf32>,
          %get3A_661 = vector.shape_cast %get3A_660 : vector<1x16xf32> to vector<16xf32>
          %mul3A_662 = vector.broadcast %squeeze3A_609 : f32 to vector<16xf32>
          %mul3A_663 = arith.mulf %get3A_661, %mul3A_662 : vector<16xf32>
          %swap3A_664 = arith.index_cast %add3A_613 : i32 to index
          %swap3A_665 = arith.constant 64 : index
          %swap3A_666 = tpu.vector_load %arg11[%swap3A_664, %swap3A_665] {strides = array<i32>} : memref<128x128xf32, #tpu.memory_space<vmem>>, vector<1x16xf32>,
          %swap3A_667 = vector.shape_cast %swap3A_666 : vector<1x16xf32> to vector<16xf32>
          %swap3A_668 = vector.shape_cast %mul3A_663 : vector<16xf32> to vector<1x16xf32>
          tpu.vector_store %arg11[%swap3A_664, %swap3A_665], %swap3A_668 {strides = array<i32>} : memref<128x128xf32, #tpu.memory_space<vmem>>, vector<1x16xf32>,
          %get3A_669 = arith.index_cast %add3A_613 : i32 to index
          %get3A_670 = arith.constant 80 : index
          %get3A_671 = tpu.vector_load %arg11[%get3A_669, %get3A_670] {strides = array<i32>} : memref<128x128xf32, #tpu.memory_space<vmem>>, vector<1x16xf32>,
          %get3A_672 = vector.shape_cast %get3A_671 : vector<1x16xf32> to vector<16xf32>
          %mul3A_673 = vector.broadcast %squeeze3A_609 : f32 to vector<16xf32>
          %mul3A_674 = arith.mulf %get3A_672, %mul3A_673 : vector<16xf32>
          %swap3A_675 = arith.index_cast %add3A_613 : i32 to index
          %swap3A_676 = arith.constant 80 : index
          %swap3A_677 = tpu.vector_load %arg11[%swap3A_675, %swap3A_676] {strides = array<i32>} : memref<128x128xf32, #tpu.memory_space<vmem>>, vector<1x16xf32>,
          %swap3A_678 = vector.shape_cast %swap3A_677 : vector<1x16xf32> to vector<16xf32>
          %swap3A_679 = vector.shape_cast %mul3A_674 : vector<16xf32> to vector<1x16xf32>
          tpu.vector_store %arg11[%swap3A_675, %swap3A_676], %swap3A_679 {strides = array<i32>} : memref<128x128xf32, #tpu.memory_space<vmem>>, vector<1x16xf32>,
          %get3A_680 = arith.index_cast %add3A_613 : i32 to index
          %get3A_681 = arith.constant 96 : index
          %get3A_682 = tpu.vector_load %arg11[%get3A_680, %get3A_681] {strides = array<i32>} : memref<128x128xf32, #tpu.memory_space<vmem>>, vector<1x16xf32>,
          %get3A_683 = vector.shape_cast %get3A_682 : vector<1x16xf32> to vector<16xf32>
          %mul3A_684 = vector.broadcast %squeeze3A_609 : f32 to vector<16xf32>
          %mul3A_685 = arith.mulf %get3A_683, %mul3A_684 : vector<16xf32>
          %swap3A_686 = arith.index_cast %add3A_613 : i32 to index
          %swap3A_687 = arith.constant 96 : index
          %swap3A_688 = tpu.vector_load %arg11[%swap3A_686, %swap3A_687] {strides = array<i32>} : memref<128x128xf32, #tpu.memory_space<vmem>>, vector<1x16xf32>,
          %swap3A_689 = vector.shape_cast %swap3A_688 : vector<1x16xf32> to vector<16xf32>
          %swap3A_690 = vector.shape_cast %mul3A_685 : vector<16xf32> to vector<1x16xf32>
          tpu.vector_store %arg11[%swap3A_686, %swap3A_687], %swap3A_690 {strides = array<i32>} : memref<128x128xf32, #tpu.memory_space<vmem>>, vector<1x16xf32>,
          %get3A_691 = arith.index_cast %add3A_613 : i32 to index
          %get3A_692 = arith.constant 112 : index
          %get3A_693 = tpu.vector_load %arg11[%get3A_691, %get3A_692] {strides = array<i32>} : memref<128x128xf32, #tpu.memory_space<vmem>>, vector<1x16xf32>,
          %get3A_694 = vector.shape_cast %get3A_693 : vector<1x16xf32> to vector<16xf32>
          %mul3A_695 = vector.broadcast %squeeze3A_609 : f32 to vector<16xf32>
          %mul3A_696 = arith.mulf %get3A_694, %mul3A_695 : vector<16xf32>
          %swap3A_697 = arith.index_cast %add3A_613 : i32 to index
          %swap3A_698 = arith.constant 112 : index
          %swap3A_699 = tpu.vector_load %arg11[%swap3A_697, %swap3A_698] {strides = array<i32>} : memref<128x128xf32, #tpu.memory_space<vmem>>, vector<1x16xf32>,
          %swap3A_700 = vector.shape_cast %swap3A_699 : vector<1x16xf32> to vector<16xf32>
          %swap3A_701 = vector.shape_cast %mul3A_696 : vector<16xf32> to vector<1x16xf32>
          tpu.vector_store %arg11[%swap3A_697, %swap3A_698], %swap3A_701 {strides = array<i32>} : memref<128x128xf32, #tpu.memory_space<vmem>>, vector<1x16xf32>,
          %slice3A_702 = vector.extract_strided_slice %get3A_46 {offsets = [7], sizes = [1], strides = [1]} : vector<16xf32> to vector<1xf32>
          %squeeze3A_703 = vector.extract %slice3A_702[0] : f32 from vector<1xf32>
          %mul3A_704 = arith.constant 16 : i32
          %mul3A_705 = arith.muli %scan3A_42, %mul3A_704 : i32
          %add3A_706 = arith.constant 7 : i32
          %add3A_707 = arith.addi %mul3A_705, %add3A_706 : i32
          %get3A_708 = arith.index_cast %add3A_707 : i32 to index
          %get3A_709 = arith.constant 0 : index
          %get3A_710 = tpu.vector_load %arg11[%get3A_708, %get3A_709] {strides = array<i32>} : memref<128x128xf32, #tpu.memory_space<vmem>>, vector<1x16xf32>,
          %get3A_711 = vector.shape_cast %get3A_710 : vector<1x16xf32> to vector<16xf32>
          %mul3A_712 = vector.broadcast %squeeze3A_703 : f32 to vector<16xf32>
          %mul3A_713 = arith.mulf %get3A_711, %mul3A_712 : vector<16xf32>
          %swap3A_714 = arith.index_cast %add3A_707 : i32 to index
          %swap3A_715 = arith.constant 0 : index
          %swap3A_716 = tpu.vector_load %arg11[%swap3A_714, %swap3A_715] {strides = array<i32>} : memref<128x128xf32, #tpu.memory_space<vmem>>, vector<1x16xf32>,
          %swap3A_717 = vector.shape_cast %swap3A_716 : vector<1x16xf32> to vector<16xf32>
          %swap3A_718 = vector.shape_cast %mul3A_713 : vector<16xf32> to vector<1x16xf32>
          tpu.vector_store %arg11[%swap3A_714, %swap3A_715], %swap3A_718 {strides = array<i32>} : memref<128x128xf32, #tpu.memory_space<vmem>>, vector<1x16xf32>,
          %get3A_719 = arith.index_cast %add3A_707 : i32 to index
          %get3A_720 = arith.constant 16 : index
          %get3A_721 = tpu.vector_load %arg11[%get3A_719, %get3A_720] {strides = array<i32>} : memref<128x128xf32, #tpu.memory_space<vmem>>, vector<1x16xf32>,
          %get3A_722 = vector.shape_cast %get3A_721 : vector<1x16xf32> to vector<16xf32>
          %mul3A_723 = vector.broadcast %squeeze3A_703 : f32 to vector<16xf32>
          %mul3A_724 = arith.mulf %get3A_722, %mul3A_723 : vector<16xf32>
          %swap3A_725 = arith.index_cast %add3A_707 : i32 to index
          %swap3A_726 = arith.constant 16 : index
          %swap3A_727 = tpu.vector_load %arg11[%swap3A_725, %swap3A_726] {strides = array<i32>} : memref<128x128xf32, #tpu.memory_space<vmem>>, vector<1x16xf32>,
          %swap3A_728 = vector.shape_cast %swap3A_727 : vector<1x16xf32> to vector<16xf32>
          %swap3A_729 = vector.shape_cast %mul3A_724 : vector<16xf32> to vector<1x16xf32>
          tpu.vector_store %arg11[%swap3A_725, %swap3A_726], %swap3A_729 {strides = array<i32>} : memref<128x128xf32, #tpu.memory_space<vmem>>, vector<1x16xf32>,
          %get3A_730 = arith.index_cast %add3A_707 : i32 to index
          %get3A_731 = arith.constant 32 : index
          %get3A_732 = tpu.vector_load %arg11[%get3A_730, %get3A_731] {strides = array<i32>} : memref<128x128xf32, #tpu.memory_space<vmem>>, vector<1x16xf32>,
          %get3A_733 = vector.shape_cast %get3A_732 : vector<1x16xf32> to vector<16xf32>
          %mul3A_734 = vector.broadcast %squeeze3A_703 : f32 to vector<16xf32>
          %mul3A_735 = arith.mulf %get3A_733, %mul3A_734 : vector<16xf32>
          %swap3A_736 = arith.index_cast %add3A_707 : i32 to index
          %swap3A_737 = arith.constant 32 : index
          %swap3A_738 = tpu.vector_load %arg11[%swap3A_736, %swap3A_737] {strides = array<i32>} : memref<128x128xf32, #tpu.memory_space<vmem>>, vector<1x16xf32>,
          %swap3A_739 = vector.shape_cast %swap3A_738 : vector<1x16xf32> to vector<16xf32>
          %swap3A_740 = vector.shape_cast %mul3A_735 : vector<16xf32> to vector<1x16xf32>
          tpu.vector_store %arg11[%swap3A_736, %swap3A_737], %swap3A_740 {strides = array<i32>} : memref<128x128xf32, #tpu.memory_space<vmem>>, vector<1x16xf32>,
          %get3A_741 = arith.index_cast %add3A_707 : i32 to index
          %get3A_742 = arith.constant 48 : index
          %get3A_743 = tpu.vector_load %arg11[%get3A_741, %get3A_742] {strides = array<i32>} : memref<128x128xf32, #tpu.memory_space<vmem>>, vector<1x16xf32>,
          %get3A_744 = vector.shape_cast %get3A_743 : vector<1x16xf32> to vector<16xf32>
          %mul3A_745 = vector.broadcast %squeeze3A_703 : f32 to vector<16xf32>
          %mul3A_746 = arith.mulf %get3A_744, %mul3A_745 : vector<16xf32>
          %swap3A_747 = arith.index_cast %add3A_707 : i32 to index
          %swap3A_748 = arith.constant 48 : index
          %swap3A_749 = tpu.vector_load %arg11[%swap3A_747, %swap3A_748] {strides = array<i32>} : memref<128x128xf32, #tpu.memory_space<vmem>>, vector<1x16xf32>,
          %swap3A_750 = vector.shape_cast %swap3A_749 : vector<1x16xf32> to vector<16xf32>
          %swap3A_751 = vector.shape_cast %mul3A_746 : vector<16xf32> to vector<1x16xf32>
          tpu.vector_store %arg11[%swap3A_747, %swap3A_748], %swap3A_751 {strides = array<i32>} : memref<128x128xf32, #tpu.memory_space<vmem>>, vector<1x16xf32>,
          %get3A_752 = arith.index_cast %add3A_707 : i32 to index
          %get3A_753 = arith.constant 64 : index
          %get3A_754 = tpu.vector_load %arg11[%get3A_752, %get3A_753] {strides = array<i32>} : memref<128x128xf32, #tpu.memory_space<vmem>>, vector<1x16xf32>,
          %get3A_755 = vector.shape_cast %get3A_754 : vector<1x16xf32> to vector<16xf32>
          %mul3A_756 = vector.broadcast %squeeze3A_703 : f32 to vector<16xf32>
          %mul3A_757 = arith.mulf %get3A_755, %mul3A_756 : vector<16xf32>
          %swap3A_758 = arith.index_cast %add3A_707 : i32 to index
          %swap3A_759 = arith.constant 64 : index
          %swap3A_760 = tpu.vector_load %arg11[%swap3A_758, %swap3A_759] {strides = array<i32>} : memref<128x128xf32, #tpu.memory_space<vmem>>, vector<1x16xf32>,
          %swap3A_761 = vector.shape_cast %swap3A_760 : vector<1x16xf32> to vector<16xf32>
          %swap3A_762 = vector.shape_cast %mul3A_757 : vector<16xf32> to vector<1x16xf32>
          tpu.vector_store %arg11[%swap3A_758, %swap3A_759], %swap3A_762 {strides = array<i32>} : memref<128x128xf32, #tpu.memory_space<vmem>>, vector<1x16xf32>,
          %get3A_763 = arith.index_cast %add3A_707 : i32 to index
          %get3A_764 = arith.constant 80 : index
          %get3A_765 = tpu.vector_load %arg11[%get3A_763, %get3A_764] {strides = array<i32>} : memref<128x128xf32, #tpu.memory_space<vmem>>, vector<1x16xf32>,
          %get3A_766 = vector.shape_cast %get3A_765 : vector<1x16xf32> to vector<16xf32>
          %mul3A_767 = vector.broadcast %squeeze3A_703 : f32 to vector<16xf32>
          %mul3A_768 = arith.mulf %get3A_766, %mul3A_767 : vector<16xf32>
          %swap3A_769 = arith.index_cast %add3A_707 : i32 to index
          %swap3A_770 = arith.constant 80 : index
          %swap3A_771 = tpu.vector_load %arg11[%swap3A_769, %swap3A_770] {strides = array<i32>} : memref<128x128xf32, #tpu.memory_space<vmem>>, vector<1x16xf32>,
          %swap3A_772 = vector.shape_cast %swap3A_771 : vector<1x16xf32> to vector<16xf32>
          %swap3A_773 = vector.shape_cast %mul3A_768 : vector<16xf32> to vector<1x16xf32>
          tpu.vector_store %arg11[%swap3A_769, %swap3A_770], %swap3A_773 {strides = array<i32>} : memref<128x128xf32, #tpu.memory_space<vmem>>, vector<1x16xf32>,
          %get3A_774 = arith.index_cast %add3A_707 : i32 to index
          %get3A_775 = arith.constant 96 : index
          %get3A_776 = tpu.vector_load %arg11[%get3A_774, %get3A_775] {strides = array<i32>} : memref<128x128xf32, #tpu.memory_space<vmem>>, vector<1x16xf32>,
          %get3A_777 = vector.shape_cast %get3A_776 : vector<1x16xf32> to vector<16xf32>
          %mul3A_778 = vector.broadcast %squeeze3A_703 : f32 to vector<16xf32>
          %mul3A_779 = arith.mulf %get3A_777, %mul3A_778 : vector<16xf32>
          %swap3A_780 = arith.index_cast %add3A_707 : i32 to index
          %swap3A_781 = arith.constant 96 : index
          %swap3A_782 = tpu.vector_load %arg11[%swap3A_780, %swap3A_781] {strides = array<i32>} : memref<128x128xf32, #tpu.memory_space<vmem>>, vector<1x16xf32>,
          %swap3A_783 = vector.shape_cast %swap3A_782 : vector<1x16xf32> to vector<16xf32>
          %swap3A_784 = vector.shape_cast %mul3A_779 : vector<16xf32> to vector<1x16xf32>
          tpu.vector_store %arg11[%swap3A_780, %swap3A_781], %swap3A_784 {strides = array<i32>} : memref<128x128xf32, #tpu.memory_space<vmem>>, vector<1x16xf32>,
          %get3A_785 = arith.index_cast %add3A_707 : i32 to index
          %get3A_786 = arith.constant 112 : index
          %get3A_787 = tpu.vector_load %arg11[%get3A_785, %get3A_786] {strides = array<i32>} : memref<128x128xf32, #tpu.memory_space<vmem>>, vector<1x16xf32>,
          %get3A_788 = vector.shape_cast %get3A_787 : vector<1x16xf32> to vector<16xf32>
          %mul3A_789 = vector.broadcast %squeeze3A_703 : f32 to vector<16xf32>
          %mul3A_790 = arith.mulf %get3A_788, %mul3A_789 : vector<16xf32>
          %swap3A_791 = arith.index_cast %add3A_707 : i32 to index
          %swap3A_792 = arith.constant 112 : index
          %swap3A_793 = tpu.vector_load %arg11[%swap3A_791, %swap3A_792] {strides = array<i32>} : memref<128x128xf32, #tpu.memory_space<vmem>>, vector<1x16xf32>,
          %swap3A_794 = vector.shape_cast %swap3A_793 : vector<1x16xf32> to vector<16xf32>
          %swap3A_795 = vector.shape_cast %mul3A_790 : vector<16xf32> to vector<1x16xf32>
          tpu.vector_store %arg11[%swap3A_791, %swap3A_792], %swap3A_795 {strides = array<i32>} : memref<128x128xf32, #tpu.memory_space<vmem>>, vector<1x16xf32>,
          %slice3A_796 = vector.extract_strided_slice %get3A_46 {offsets = [8], sizes = [1], strides = [1]} : vector<16xf32> to vector<1xf32>
          %squeeze3A_797 = vector.extract %slice3A_796[0] : f32 from vector<1xf32>
          %mul3A_798 = arith.constant 16 : i32
          %mul3A_799 = arith.muli %scan3A_42, %mul3A_798 : i32
          %add3A_800 = arith.constant 8 : i32
          %add3A_801 = arith.addi %mul3A_799, %add3A_800 : i32
          %get3A_802 = arith.index_cast %add3A_801 : i32 to index
          %get3A_803 = arith.constant 0 : index
          %get3A_804 = tpu.vector_load %arg11[%get3A_802, %get3A_803] {strides = array<i32>} : memref<128x128xf32, #tpu.memory_space<vmem>>, vector<1x16xf32>,
          %get3A_805 = vector.shape_cast %get3A_804 : vector<1x16xf32> to vector<16xf32>
          %mul3A_806 = vector.broadcast %squeeze3A_797 : f32 to vector<16xf32>
          %mul3A_807 = arith.mulf %get3A_805, %mul3A_806 : vector<16xf32>
          %swap3A_808 = arith.index_cast %add3A_801 : i32 to index
          %swap3A_809 = arith.constant 0 : index
          %swap3A_810 = tpu.vector_load %arg11[%swap3A_808, %swap3A_809] {strides = array<i32>} : memref<128x128xf32, #tpu.memory_space<vmem>>, vector<1x16xf32>,
          %swap3A_811 = vector.shape_cast %swap3A_810 : vector<1x16xf32> to vector<16xf32>
          %swap3A_812 = vector.shape_cast %mul3A_807 : vector<16xf32> to vector<1x16xf32>
          tpu.vector_store %arg11[%swap3A_808, %swap3A_809], %swap3A_812 {strides = array<i32>} : memref<128x128xf32, #tpu.memory_space<vmem>>, vector<1x16xf32>,
          %get3A_813 = arith.index_cast %add3A_801 : i32 to index
          %get3A_814 = arith.constant 16 : index
          %get3A_815 = tpu.vector_load %arg11[%get3A_813, %get3A_814] {strides = array<i32>} : memref<128x128xf32, #tpu.memory_space<vmem>>, vector<1x16xf32>,
          %get3A_816 = vector.shape_cast %get3A_815 : vector<1x16xf32> to vector<16xf32>
          %mul3A_817 = vector.broadcast %squeeze3A_797 : f32 to vector<16xf32>
          %mul3A_818 = arith.mulf %get3A_816, %mul3A_817 : vector<16xf32>
          %swap3A_819 = arith.index_cast %add3A_801 : i32 to index
          %swap3A_820 = arith.constant 16 : index
          %swap3A_821 = tpu.vector_load %arg11[%swap3A_819, %swap3A_820] {strides = array<i32>} : memref<128x128xf32, #tpu.memory_space<vmem>>, vector<1x16xf32>,
          %swap3A_822 = vector.shape_cast %swap3A_821 : vector<1x16xf32> to vector<16xf32>
          %swap3A_823 = vector.shape_cast %mul3A_818 : vector<16xf32> to vector<1x16xf32>
          tpu.vector_store %arg11[%swap3A_819, %swap3A_820], %swap3A_823 {strides = array<i32>} : memref<128x128xf32, #tpu.memory_space<vmem>>, vector<1x16xf32>,
          %get3A_824 = arith.index_cast %add3A_801 : i32 to index
          %get3A_825 = arith.constant 32 : index
          %get3A_826 = tpu.vector_load %arg11[%get3A_824, %get3A_825] {strides = array<i32>} : memref<128x128xf32, #tpu.memory_space<vmem>>, vector<1x16xf32>,
          %get3A_827 = vector.shape_cast %get3A_826 : vector<1x16xf32> to vector<16xf32>
          %mul3A_828 = vector.broadcast %squeeze3A_797 : f32 to vector<16xf32>
          %mul3A_829 = arith.mulf %get3A_827, %mul3A_828 : vector<16xf32>
          %swap3A_830 = arith.index_cast %add3A_801 : i32 to index
          %swap3A_831 = arith.constant 32 : index
          %swap3A_832 = tpu.vector_load %arg11[%swap3A_830, %swap3A_831] {strides = array<i32>} : memref<128x128xf32, #tpu.memory_space<vmem>>, vector<1x16xf32>,
          %swap3A_833 = vector.shape_cast %swap3A_832 : vector<1x16xf32> to vector<16xf32>
          %swap3A_834 = vector.shape_cast %mul3A_829 : vector<16xf32> to vector<1x16xf32>
          tpu.vector_store %arg11[%swap3A_830, %swap3A_831], %swap3A_834 {strides = array<i32>} : memref<128x128xf32, #tpu.memory_space<vmem>>, vector<1x16xf32>,
          %get3A_835 = arith.index_cast %add3A_801 : i32 to index
          %get3A_836 = arith.constant 48 : index
          %get3A_837 = tpu.vector_load %arg11[%get3A_835, %get3A_836] {strides = array<i32>} : memref<128x128xf32, #tpu.memory_space<vmem>>, vector<1x16xf32>,
          %get3A_838 = vector.shape_cast %get3A_837 : vector<1x16xf32> to vector<16xf32>
          %mul3A_839 = vector.broadcast %squeeze3A_797 : f32 to vector<16xf32>
          %mul3A_840 = arith.mulf %get3A_838, %mul3A_839 : vector<16xf32>
          %swap3A_841 = arith.index_cast %add3A_801 : i32 to index
          %swap3A_842 = arith.constant 48 : index
          %swap3A_843 = tpu.vector_load %arg11[%swap3A_841, %swap3A_842] {strides = array<i32>} : memref<128x128xf32, #tpu.memory_space<vmem>>, vector<1x16xf32>,
          %swap3A_844 = vector.shape_cast %swap3A_843 : vector<1x16xf32> to vector<16xf32>
          %swap3A_845 = vector.shape_cast %mul3A_840 : vector<16xf32> to vector<1x16xf32>
          tpu.vector_store %arg11[%swap3A_841, %swap3A_842], %swap3A_845 {strides = array<i32>} : memref<128x128xf32, #tpu.memory_space<vmem>>, vector<1x16xf32>,
          %get3A_846 = arith.index_cast %add3A_801 : i32 to index
          %get3A_847 = arith.constant 64 : index
          %get3A_848 = tpu.vector_load %arg11[%get3A_846, %get3A_847] {strides = array<i32>} : memref<128x128xf32, #tpu.memory_space<vmem>>, vector<1x16xf32>,
          %get3A_849 = vector.shape_cast %get3A_848 : vector<1x16xf32> to vector<16xf32>
          %mul3A_850 = vector.broadcast %squeeze3A_797 : f32 to vector<16xf32>
          %mul3A_851 = arith.mulf %get3A_849, %mul3A_850 : vector<16xf32>
          %swap3A_852 = arith.index_cast %add3A_801 : i32 to index
          %swap3A_853 = arith.constant 64 : index
          %swap3A_854 = tpu.vector_load %arg11[%swap3A_852, %swap3A_853] {strides = array<i32>} : memref<128x128xf32, #tpu.memory_space<vmem>>, vector<1x16xf32>,
          %swap3A_855 = vector.shape_cast %swap3A_854 : vector<1x16xf32> to vector<16xf32>
          %swap3A_856 = vector.shape_cast %mul3A_851 : vector<16xf32> to vector<1x16xf32>
          tpu.vector_store %arg11[%swap3A_852, %swap3A_853], %swap3A_856 {strides = array<i32>} : memref<128x128xf32, #tpu.memory_space<vmem>>, vector<1x16xf32>,
          %get3A_857 = arith.index_cast %add3A_801 : i32 to index
          %get3A_858 = arith.constant 80 : index
          %get3A_859 = tpu.vector_load %arg11[%get3A_857, %get3A_858] {strides = array<i32>} : memref<128x128xf32, #tpu.memory_space<vmem>>, vector<1x16xf32>,
          %get3A_860 = vector.shape_cast %get3A_859 : vector<1x16xf32> to vector<16xf32>
          %mul3A_861 = vector.broadcast %squeeze3A_797 : f32 to vector<16xf32>
          %mul3A_862 = arith.mulf %get3A_860, %mul3A_861 : vector<16xf32>
          %swap3A_863 = arith.index_cast %add3A_801 : i32 to index
          %swap3A_864 = arith.constant 80 : index
          %swap3A_865 = tpu.vector_load %arg11[%swap3A_863, %swap3A_864] {strides = array<i32>} : memref<128x128xf32, #tpu.memory_space<vmem>>, vector<1x16xf32>,
          %swap3A_866 = vector.shape_cast %swap3A_865 : vector<1x16xf32> to vector<16xf32>
          %swap3A_867 = vector.shape_cast %mul3A_862 : vector<16xf32> to vector<1x16xf32>
          tpu.vector_store %arg11[%swap3A_863, %swap3A_864], %swap3A_867 {strides = array<i32>} : memref<128x128xf32, #tpu.memory_space<vmem>>, vector<1x16xf32>,
          %get3A_868 = arith.index_cast %add3A_801 : i32 to index
          %get3A_869 = arith.constant 96 : index
          %get3A_870 = tpu.vector_load %arg11[%get3A_868, %get3A_869] {strides = array<i32>} : memref<128x128xf32, #tpu.memory_space<vmem>>, vector<1x16xf32>,
          %get3A_871 = vector.shape_cast %get3A_870 : vector<1x16xf32> to vector<16xf32>
          %mul3A_872 = vector.broadcast %squeeze3A_797 : f32 to vector<16xf32>
          %mul3A_873 = arith.mulf %get3A_871, %mul3A_872 : vector<16xf32>
          %swap3A_874 = arith.index_cast %add3A_801 : i32 to index
          %swap3A_875 = arith.constant 96 : index
          %swap3A_876 = tpu.vector_load %arg11[%swap3A_874, %swap3A_875] {strides = array<i32>} : memref<128x128xf32, #tpu.memory_space<vmem>>, vector<1x16xf32>,
          %swap3A_877 = vector.shape_cast %swap3A_876 : vector<1x16xf32> to vector<16xf32>
          %swap3A_878 = vector.shape_cast %mul3A_873 : vector<16xf32> to vector<1x16xf32>
          tpu.vector_store %arg11[%swap3A_874, %swap3A_875], %swap3A_878 {strides = array<i32>} : memref<128x128xf32, #tpu.memory_space<vmem>>, vector<1x16xf32>,
          %get3A_879 = arith.index_cast %add3A_801 : i32 to index
          %get3A_880 = arith.constant 112 : index
          %get3A_881 = tpu.vector_load %arg11[%get3A_879, %get3A_880] {strides = array<i32>} : memref<128x128xf32, #tpu.memory_space<vmem>>, vector<1x16xf32>,
          %get3A_882 = vector.shape_cast %get3A_881 : vector<1x16xf32> to vector<16xf32>
          %mul3A_883 = vector.broadcast %squeeze3A_797 : f32 to vector<16xf32>
          %mul3A_884 = arith.mulf %get3A_882, %mul3A_883 : vector<16xf32>
          %swap3A_885 = arith.index_cast %add3A_801 : i32 to index
          %swap3A_886 = arith.constant 112 : index
          %swap3A_887 = tpu.vector_load %arg11[%swap3A_885, %swap3A_886] {strides = array<i32>} : memref<128x128xf32, #tpu.memory_space<vmem>>, vector<1x16xf32>,
          %swap3A_888 = vector.shape_cast %swap3A_887 : vector<1x16xf32> to vector<16xf32>
          %swap3A_889 = vector.shape_cast %mul3A_884 : vector<16xf32> to vector<1x16xf32>
          tpu.vector_store %arg11[%swap3A_885, %swap3A_886], %swap3A_889 {strides = array<i32>} : memref<128x128xf32, #tpu.memory_space<vmem>>, vector<1x16xf32>,
          %slice3A_890 = vector.extract_strided_slice %get3A_46 {offsets = [9], sizes = [1], strides = [1]} : vector<16xf32> to vector<1xf32>
          %squeeze3A_891 = vector.extract %slice3A_890[0] : f32 from vector<1xf32>
          %mul3A_892 = arith.constant 16 : i32
          %mul3A_893 = arith.muli %scan3A_42, %mul3A_892 : i32
          %add3A_894 = arith.constant 9 : i32
          %add3A_895 = arith.addi %mul3A_893, %add3A_894 : i32
          %get3A_896 = arith.index_cast %add3A_895 : i32 to index
          %get3A_897 = arith.constant 0 : index
          %get3A_898 = tpu.vector_load %arg11[%get3A_896, %get3A_897] {strides = array<i32>} : memref<128x128xf32, #tpu.memory_space<vmem>>, vector<1x16xf32>,
          %get3A_899 = vector.shape_cast %get3A_898 : vector<1x16xf32> to vector<16xf32>
          %mul3A_900 = vector.broadcast %squeeze3A_891 : f32 to vector<16xf32>
          %mul3A_901 = arith.mulf %get3A_899, %mul3A_900 : vector<16xf32>
          %swap3A_902 = arith.index_cast %add3A_895 : i32 to index
          %swap3A_903 = arith.constant 0 : index
          %swap3A_904 = tpu.vector_load %arg11[%swap3A_902, %swap3A_903] {strides = array<i32>} : memref<128x128xf32, #tpu.memory_space<vmem>>, vector<1x16xf32>,
          %swap3A_905 = vector.shape_cast %swap3A_904 : vector<1x16xf32> to vector<16xf32>
          %swap3A_906 = vector.shape_cast %mul3A_901 : vector<16xf32> to vector<1x16xf32>
          tpu.vector_store %arg11[%swap3A_902, %swap3A_903], %swap3A_906 {strides = array<i32>} : memref<128x128xf32, #tpu.memory_space<vmem>>, vector<1x16xf32>,
          %get3A_907 = arith.index_cast %add3A_895 : i32 to index
          %get3A_908 = arith.constant 16 : index
          %get3A_909 = tpu.vector_load %arg11[%get3A_907, %get3A_908] {strides = array<i32>} : memref<128x128xf32, #tpu.memory_space<vmem>>, vector<1x16xf32>,
          %get3A_910 = vector.shape_cast %get3A_909 : vector<1x16xf32> to vector<16xf32>
          %mul3A_911 = vector.broadcast %squeeze3A_891 : f32 to vector<16xf32>
          %mul3A_912 = arith.mulf %get3A_910, %mul3A_911 : vector<16xf32>
          %swap3A_913 = arith.index_cast %add3A_895 : i32 to index
          %swap3A_914 = arith.constant 16 : index
          %swap3A_915 = tpu.vector_load %arg11[%swap3A_913, %swap3A_914] {strides = array<i32>} : memref<128x128xf32, #tpu.memory_space<vmem>>, vector<1x16xf32>,
          %swap3A_916 = vector.shape_cast %swap3A_915 : vector<1x16xf32> to vector<16xf32>
          %swap3A_917 = vector.shape_cast %mul3A_912 : vector<16xf32> to vector<1x16xf32>
          tpu.vector_store %arg11[%swap3A_913, %swap3A_914], %swap3A_917 {strides = array<i32>} : memref<128x128xf32, #tpu.memory_space<vmem>>, vector<1x16xf32>,
          %get3A_918 = arith.index_cast %add3A_895 : i32 to index
          %get3A_919 = arith.constant 32 : index
          %get3A_920 = tpu.vector_load %arg11[%get3A_918, %get3A_919] {strides = array<i32>} : memref<128x128xf32, #tpu.memory_space<vmem>>, vector<1x16xf32>,
          %get3A_921 = vector.shape_cast %get3A_920 : vector<1x16xf32> to vector<16xf32>
          %mul3A_922 = vector.broadcast %squeeze3A_891 : f32 to vector<16xf32>
          %mul3A_923 = arith.mulf %get3A_921, %mul3A_922 : vector<16xf32>
          %swap3A_924 = arith.index_cast %add3A_895 : i32 to index
          %swap3A_925 = arith.constant 32 : index
          %swap3A_926 = tpu.vector_load %arg11[%swap3A_924, %swap3A_925] {strides = array<i32>} : memref<128x128xf32, #tpu.memory_space<vmem>>, vector<1x16xf32>,
          %swap3A_927 = vector.shape_cast %swap3A_926 : vector<1x16xf32> to vector<16xf32>
          %swap3A_928 = vector.shape_cast %mul3A_923 : vector<16xf32> to vector<1x16xf32>
          tpu.vector_store %arg11[%swap3A_924, %swap3A_925], %swap3A_928 {strides = array<i32>} : memref<128x128xf32, #tpu.memory_space<vmem>>, vector<1x16xf32>,
          %get3A_929 = arith.index_cast %add3A_895 : i32 to index
          %get3A_930 = arith.constant 48 : index
          %get3A_931 = tpu.vector_load %arg11[%get3A_929, %get3A_930] {strides = array<i32>} : memref<128x128xf32, #tpu.memory_space<vmem>>, vector<1x16xf32>,
          %get3A_932 = vector.shape_cast %get3A_931 : vector<1x16xf32> to vector<16xf32>
          %mul3A_933 = vector.broadcast %squeeze3A_891 : f32 to vector<16xf32>
          %mul3A_934 = arith.mulf %get3A_932, %mul3A_933 : vector<16xf32>
          %swap3A_935 = arith.index_cast %add3A_895 : i32 to index
          %swap3A_936 = arith.constant 48 : index
          %swap3A_937 = tpu.vector_load %arg11[%swap3A_935, %swap3A_936] {strides = array<i32>} : memref<128x128xf32, #tpu.memory_space<vmem>>, vector<1x16xf32>,
          %swap3A_938 = vector.shape_cast %swap3A_937 : vector<1x16xf32> to vector<16xf32>
          %swap3A_939 = vector.shape_cast %mul3A_934 : vector<16xf32> to vector<1x16xf32>
          tpu.vector_store %arg11[%swap3A_935, %swap3A_936], %swap3A_939 {strides = array<i32>} : memref<128x128xf32, #tpu.memory_space<vmem>>, vector<1x16xf32>,
          %get3A_940 = arith.index_cast %add3A_895 : i32 to index
          %get3A_941 = arith.constant 64 : index
          %get3A_942 = tpu.vector_load %arg11[%get3A_940, %get3A_941] {strides = array<i32>} : memref<128x128xf32, #tpu.memory_space<vmem>>, vector<1x16xf32>,
          %get3A_943 = vector.shape_cast %get3A_942 : vector<1x16xf32> to vector<16xf32>
          %mul3A_944 = vector.broadcast %squeeze3A_891 : f32 to vector<16xf32>
          %mul3A_945 = arith.mulf %get3A_943, %mul3A_944 : vector<16xf32>
          %swap3A_946 = arith.index_cast %add3A_895 : i32 to index
          %swap3A_947 = arith.constant 64 : index
          %swap3A_948 = tpu.vector_load %arg11[%swap3A_946, %swap3A_947] {strides = array<i32>} : memref<128x128xf32, #tpu.memory_space<vmem>>, vector<1x16xf32>,
          %swap3A_949 = vector.shape_cast %swap3A_948 : vector<1x16xf32> to vector<16xf32>
          %swap3A_950 = vector.shape_cast %mul3A_945 : vector<16xf32> to vector<1x16xf32>
          tpu.vector_store %arg11[%swap3A_946, %swap3A_947], %swap3A_950 {strides = array<i32>} : memref<128x128xf32, #tpu.memory_space<vmem>>, vector<1x16xf32>,
          %get3A_951 = arith.index_cast %add3A_895 : i32 to index
          %get3A_952 = arith.constant 80 : index
          %get3A_953 = tpu.vector_load %arg11[%get3A_951, %get3A_952] {strides = array<i32>} : memref<128x128xf32, #tpu.memory_space<vmem>>, vector<1x16xf32>,
          %get3A_954 = vector.shape_cast %get3A_953 : vector<1x16xf32> to vector<16xf32>
          %mul3A_955 = vector.broadcast %squeeze3A_891 : f32 to vector<16xf32>
          %mul3A_956 = arith.mulf %get3A_954, %mul3A_955 : vector<16xf32>
          %swap3A_957 = arith.index_cast %add3A_895 : i32 to index
          %swap3A_958 = arith.constant 80 : index
          %swap3A_959 = tpu.vector_load %arg11[%swap3A_957, %swap3A_958] {strides = array<i32>} : memref<128x128xf32, #tpu.memory_space<vmem>>, vector<1x16xf32>,
          %swap3A_960 = vector.shape_cast %swap3A_959 : vector<1x16xf32> to vector<16xf32>
          %swap3A_961 = vector.shape_cast %mul3A_956 : vector<16xf32> to vector<1x16xf32>
          tpu.vector_store %arg11[%swap3A_957, %swap3A_958], %swap3A_961 {strides = array<i32>} : memref<128x128xf32, #tpu.memory_space<vmem>>, vector<1x16xf32>,
          %get3A_962 = arith.index_cast %add3A_895 : i32 to index
          %get3A_963 = arith.constant 96 : index
          %get3A_964 = tpu.vector_load %arg11[%get3A_962, %get3A_963] {strides = array<i32>} : memref<128x128xf32, #tpu.memory_space<vmem>>, vector<1x16xf32>,
          %get3A_965 = vector.shape_cast %get3A_964 : vector<1x16xf32> to vector<16xf32>
          %mul3A_966 = vector.broadcast %squeeze3A_891 : f32 to vector<16xf32>
          %mul3A_967 = arith.mulf %get3A_965, %mul3A_966 : vector<16xf32>
          %swap3A_968 = arith.index_cast %add3A_895 : i32 to index
          %swap3A_969 = arith.constant 96 : index
          %swap3A_970 = tpu.vector_load %arg11[%swap3A_968, %swap3A_969] {strides = array<i32>} : memref<128x128xf32, #tpu.memory_space<vmem>>, vector<1x16xf32>,
          %swap3A_971 = vector.shape_cast %swap3A_970 : vector<1x16xf32> to vector<16xf32>
          %swap3A_972 = vector.shape_cast %mul3A_967 : vector<16xf32> to vector<1x16xf32>
          tpu.vector_store %arg11[%swap3A_968, %swap3A_969], %swap3A_972 {strides = array<i32>} : memref<128x128xf32, #tpu.memory_space<vmem>>, vector<1x16xf32>,
          %get3A_973 = arith.index_cast %add3A_895 : i32 to index
          %get3A_974 = arith.constant 112 : index
          %get3A_975 = tpu.vector_load %arg11[%get3A_973, %get3A_974] {strides = array<i32>} : memref<128x128xf32, #tpu.memory_space<vmem>>, vector<1x16xf32>,
          %get3A_976 = vector.shape_cast %get3A_975 : vector<1x16xf32> to vector<16xf32>
          %mul3A_977 = vector.broadcast %squeeze3A_891 : f32 to vector<16xf32>
          %mul3A_978 = arith.mulf %get3A_976, %mul3A_977 : vector<16xf32>
          %swap3A_979 = arith.index_cast %add3A_895 : i32 to index
          %swap3A_980 = arith.constant 112 : index
          %swap3A_981 = tpu.vector_load %arg11[%swap3A_979, %swap3A_980] {strides = array<i32>} : memref<128x128xf32, #tpu.memory_space<vmem>>, vector<1x16xf32>,
          %swap3A_982 = vector.shape_cast %swap3A_981 : vector<1x16xf32> to vector<16xf32>
          %swap3A_983 = vector.shape_cast %mul3A_978 : vector<16xf32> to vector<1x16xf32>
          tpu.vector_store %arg11[%swap3A_979, %swap3A_980], %swap3A_983 {strides = array<i32>} : memref<128x128xf32, #tpu.memory_space<vmem>>, vector<1x16xf32>,
          %slice3A_984 = vector.extract_strided_slice %get3A_46 {offsets = [10], sizes = [1], strides = [1]} : vector<16xf32> to vector<1xf32>
          %squeeze3A_985 = vector.extract %slice3A_984[0] : f32 from vector<1xf32>
          %mul3A_986 = arith.constant 16 : i32
          %mul3A_987 = arith.muli %scan3A_42, %mul3A_986 : i32
          %add3A_988 = arith.constant 10 : i32
          %add3A_989 = arith.addi %mul3A_987, %add3A_988 : i32
          %get3A_990 = arith.index_cast %add3A_989 : i32 to index
          %get3A_991 = arith.constant 0 : index
          %get3A_992 = tpu.vector_load %arg11[%get3A_990, %get3A_991] {strides = array<i32>} : memref<128x128xf32, #tpu.memory_space<vmem>>, vector<1x16xf32>,
          %get3A_993 = vector.shape_cast %get3A_992 : vector<1x16xf32> to vector<16xf32>
          %mul3A_994 = vector.broadcast %squeeze3A_985 : f32 to vector<16xf32>
          %mul3A_995 = arith.mulf %get3A_993, %mul3A_994 : vector<16xf32>
          %swap3A_996 = arith.index_cast %add3A_989 : i32 to index
          %swap3A_997 = arith.constant 0 : index
          %swap3A_998 = tpu.vector_load %arg11[%swap3A_996, %swap3A_997] {strides = array<i32>} : memref<128x128xf32, #tpu.memory_space<vmem>>, vector<1x16xf32>,
          %swap3A_999 = vector.shape_cast %swap3A_998 : vector<1x16xf32> to vector<16xf32>
          %swap3A_1000 = vector.shape_cast %mul3A_995 : vector<16xf32> to vector<1x16xf32>
          tpu.vector_store %arg11[%swap3A_996, %swap3A_997], %swap3A_1000 {strides = array<i32>} : memref<128x128xf32, #tpu.memory_space<vmem>>, vector<1x16xf32>,
          %get3A_1001 = arith.index_cast %add3A_989 : i32 to index
          %get3A_1002 = arith.constant 16 : index
          %get3A_1003 = tpu.vector_load %arg11[%get3A_1001, %get3A_1002] {strides = array<i32>} : memref<128x128xf32, #tpu.memory_space<vmem>>, vector<1x16xf32>,
          %get3A_1004 = vector.shape_cast %get3A_1003 : vector<1x16xf32> to vector<16xf32>
          %mul3A_1005 = vector.broadcast %squeeze3A_985 : f32 to vector<16xf32>
          %mul3A_1006 = arith.mulf %get3A_1004, %mul3A_1005 : vector<16xf32>
          %swap3A_1007 = arith.index_cast %add3A_989 : i32 to index
          %swap3A_1008 = arith.constant 16 : index
          %swap3A_1009 = tpu.vector_load %arg11[%swap3A_1007, %swap3A_1008] {strides = array<i32>} : memref<128x128xf32, #tpu.memory_space<vmem>>, vector<1x16xf32>,
          %swap3A_1010 = vector.shape_cast %swap3A_1009 : vector<1x16xf32> to vector<16xf32>
          %swap3A_1011 = vector.shape_cast %mul3A_1006 : vector<16xf32> to vector<1x16xf32>
          tpu.vector_store %arg11[%swap3A_1007, %swap3A_1008], %swap3A_1011 {strides = array<i32>} : memref<128x128xf32, #tpu.memory_space<vmem>>, vector<1x16xf32>,
          %get3A_1012 = arith.index_cast %add3A_989 : i32 to index
          %get3A_1013 = arith.constant 32 : index
          %get3A_1014 = tpu.vector_load %arg11[%get3A_1012, %get3A_1013] {strides = array<i32>} : memref<128x128xf32, #tpu.memory_space<vmem>>, vector<1x16xf32>,
          %get3A_1015 = vector.shape_cast %get3A_1014 : vector<1x16xf32> to vector<16xf32>
          %mul3A_1016 = vector.broadcast %squeeze3A_985 : f32 to vector<16xf32>
          %mul3A_1017 = arith.mulf %get3A_1015, %mul3A_1016 : vector<16xf32>
          %swap3A_1018 = arith.index_cast %add3A_989 : i32 to index
          %swap3A_1019 = arith.constant 32 : index
          %swap3A_1020 = tpu.vector_load %arg11[%swap3A_1018, %swap3A_1019] {strides = array<i32>} : memref<128x128xf32, #tpu.memory_space<vmem>>, vector<1x16xf32>,
          %swap3A_1021 = vector.shape_cast %swap3A_1020 : vector<1x16xf32> to vector<16xf32>
          %swap3A_1022 = vector.shape_cast %mul3A_1017 : vector<16xf32> to vector<1x16xf32>
          tpu.vector_store %arg11[%swap3A_1018, %swap3A_1019], %swap3A_1022 {strides = array<i32>} : memref<128x128xf32, #tpu.memory_space<vmem>>, vector<1x16xf32>,
          %get3A_1023 = arith.index_cast %add3A_989 : i32 to index
          %get3A_1024 = arith.constant 48 : index
          %get3A_1025 = tpu.vector_load %arg11[%get3A_1023, %get3A_1024] {strides = array<i32>} : memref<128x128xf32, #tpu.memory_space<vmem>>, vector<1x16xf32>,
          %get3A_1026 = vector.shape_cast %get3A_1025 : vector<1x16xf32> to vector<16xf32>
          %mul3A_1027 = vector.broadcast %squeeze3A_985 : f32 to vector<16xf32>
          %mul3A_1028 = arith.mulf %get3A_1026, %mul3A_1027 : vector<16xf32>
          %swap3A_1029 = arith.index_cast %add3A_989 : i32 to index
          %swap3A_1030 = arith.constant 48 : index
          %swap3A_1031 = tpu.vector_load %arg11[%swap3A_1029, %swap3A_1030] {strides = array<i32>} : memref<128x128xf32, #tpu.memory_space<vmem>>, vector<1x16xf32>,
          %swap3A_1032 = vector.shape_cast %swap3A_1031 : vector<1x16xf32> to vector<16xf32>
          %swap3A_1033 = vector.shape_cast %mul3A_1028 : vector<16xf32> to vector<1x16xf32>
          tpu.vector_store %arg11[%swap3A_1029, %swap3A_1030], %swap3A_1033 {strides = array<i32>} : memref<128x128xf32, #tpu.memory_space<vmem>>, vector<1x16xf32>,
          %get3A_1034 = arith.index_cast %add3A_989 : i32 to index
          %get3A_1035 = arith.constant 64 : index
          %get3A_1036 = tpu.vector_load %arg11[%get3A_1034, %get3A_1035] {strides = array<i32>} : memref<128x128xf32, #tpu.memory_space<vmem>>, vector<1x16xf32>,
          %get3A_1037 = vector.shape_cast %get3A_1036 : vector<1x16xf32> to vector<16xf32>
          %mul3A_1038 = vector.broadcast %squeeze3A_985 : f32 to vector<16xf32>
          %mul3A_1039 = arith.mulf %get3A_1037, %mul3A_1038 : vector<16xf32>
          %swap3A_1040 = arith.index_cast %add3A_989 : i32 to index
          %swap3A_1041 = arith.constant 64 : index
          %swap3A_1042 = tpu.vector_load %arg11[%swap3A_1040, %swap3A_1041] {strides = array<i32>} : memref<128x128xf32, #tpu.memory_space<vmem>>, vector<1x16xf32>,
          %swap3A_1043 = vector.shape_cast %swap3A_1042 : vector<1x16xf32> to vector<16xf32>
          %swap3A_1044 = vector.shape_cast %mul3A_1039 : vector<16xf32> to vector<1x16xf32>
          tpu.vector_store %arg11[%swap3A_1040, %swap3A_1041], %swap3A_1044 {strides = array<i32>} : memref<128x128xf32, #tpu.memory_space<vmem>>, vector<1x16xf32>,
          %get3A_1045 = arith.index_cast %add3A_989 : i32 to index
          %get3A_1046 = arith.constant 80 : index
          %get3A_1047 = tpu.vector_load %arg11[%get3A_1045, %get3A_1046] {strides = array<i32>} : memref<128x128xf32, #tpu.memory_space<vmem>>, vector<1x16xf32>,
          %get3A_1048 = vector.shape_cast %get3A_1047 : vector<1x16xf32> to vector<16xf32>
          %mul3A_1049 = vector.broadcast %squeeze3A_985 : f32 to vector<16xf32>
          %mul3A_1050 = arith.mulf %get3A_1048, %mul3A_1049 : vector<16xf32>
          %swap3A_1051 = arith.index_cast %add3A_989 : i32 to index
          %swap3A_1052 = arith.constant 80 : index
          %swap3A_1053 = tpu.vector_load %arg11[%swap3A_1051, %swap3A_1052] {strides = array<i32>} : memref<128x128xf32, #tpu.memory_space<vmem>>, vector<1x16xf32>,
          %swap3A_1054 = vector.shape_cast %swap3A_1053 : vector<1x16xf32> to vector<16xf32>
          %swap3A_1055 = vector.shape_cast %mul3A_1050 : vector<16xf32> to vector<1x16xf32>
          tpu.vector_store %arg11[%swap3A_1051, %swap3A_1052], %swap3A_1055 {strides = array<i32>} : memref<128x128xf32, #tpu.memory_space<vmem>>, vector<1x16xf32>,
          %get3A_1056 = arith.index_cast %add3A_989 : i32 to index
          %get3A_1057 = arith.constant 96 : index
          %get3A_1058 = tpu.vector_load %arg11[%get3A_1056, %get3A_1057] {strides = array<i32>} : memref<128x128xf32, #tpu.memory_space<vmem>>, vector<1x16xf32>,
          %get3A_1059 = vector.shape_cast %get3A_1058 : vector<1x16xf32> to vector<16xf32>
          %mul3A_1060 = vector.broadcast %squeeze3A_985 : f32 to vector<16xf32>
          %mul3A_1061 = arith.mulf %get3A_1059, %mul3A_1060 : vector<16xf32>
          %swap3A_1062 = arith.index_cast %add3A_989 : i32 to index
          %swap3A_1063 = arith.constant 96 : index
          %swap3A_1064 = tpu.vector_load %arg11[%swap3A_1062, %swap3A_1063] {strides = array<i32>} : memref<128x128xf32, #tpu.memory_space<vmem>>, vector<1x16xf32>,
          %swap3A_1065 = vector.shape_cast %swap3A_1064 : vector<1x16xf32> to vector<16xf32>
          %swap3A_1066 = vector.shape_cast %mul3A_1061 : vector<16xf32> to vector<1x16xf32>
          tpu.vector_store %arg11[%swap3A_1062, %swap3A_1063], %swap3A_1066 {strides = array<i32>} : memref<128x128xf32, #tpu.memory_space<vmem>>, vector<1x16xf32>,
          %get3A_1067 = arith.index_cast %add3A_989 : i32 to index
          %get3A_1068 = arith.constant 112 : index
          %get3A_1069 = tpu.vector_load %arg11[%get3A_1067, %get3A_1068] {strides = array<i32>} : memref<128x128xf32, #tpu.memory_space<vmem>>, vector<1x16xf32>,
          %get3A_1070 = vector.shape_cast %get3A_1069 : vector<1x16xf32> to vector<16xf32>
          %mul3A_1071 = vector.broadcast %squeeze3A_985 : f32 to vector<16xf32>
          %mul3A_1072 = arith.mulf %get3A_1070, %mul3A_1071 : vector<16xf32>
          %swap3A_1073 = arith.index_cast %add3A_989 : i32 to index
          %swap3A_1074 = arith.constant 112 : index
          %swap3A_1075 = tpu.vector_load %arg11[%swap3A_1073, %swap3A_1074] {strides = array<i32>} : memref<128x128xf32, #tpu.memory_space<vmem>>, vector<1x16xf32>,
          %swap3A_1076 = vector.shape_cast %swap3A_1075 : vector<1x16xf32> to vector<16xf32>
          %swap3A_1077 = vector.shape_cast %mul3A_1072 : vector<16xf32> to vector<1x16xf32>
          tpu.vector_store %arg11[%swap3A_1073, %swap3A_1074], %swap3A_1077 {strides = array<i32>} : memref<128x128xf32, #tpu.memory_space<vmem>>, vector<1x16xf32>,
          %slice3A_1078 = vector.extract_strided_slice %get3A_46 {offsets = [11], sizes = [1], strides = [1]} : vector<16xf32> to vector<1xf32>
          %squeeze3A_1079 = vector.extract %slice3A_1078[0] : f32 from vector<1xf32>
          %mul3A_1080 = arith.constant 16 : i32
          %mul3A_1081 = arith.muli %scan3A_42, %mul3A_1080 : i32
          %add3A_1082 = arith.constant 11 : i32
          %add3A_1083 = arith.addi %mul3A_1081, %add3A_1082 : i32
          %get3A_1084 = arith.index_cast %add3A_1083 : i32 to index
          %get3A_1085 = arith.constant 0 : index
          %get3A_1086 = tpu.vector_load %arg11[%get3A_1084, %get3A_1085] {strides = array<i32>} : memref<128x128xf32, #tpu.memory_space<vmem>>, vector<1x16xf32>,
          %get3A_1087 = vector.shape_cast %get3A_1086 : vector<1x16xf32> to vector<16xf32>
          %mul3A_1088 = vector.broadcast %squeeze3A_1079 : f32 to vector<16xf32>
          %mul3A_1089 = arith.mulf %get3A_1087, %mul3A_1088 : vector<16xf32>
          %swap3A_1090 = arith.index_cast %add3A_1083 : i32 to index
          %swap3A_1091 = arith.constant 0 : index
          %swap3A_1092 = tpu.vector_load %arg11[%swap3A_1090, %swap3A_1091] {strides = array<i32>} : memref<128x128xf32, #tpu.memory_space<vmem>>, vector<1x16xf32>,
          %swap3A_1093 = vector.shape_cast %swap3A_1092 : vector<1x16xf32> to vector<16xf32>
          %swap3A_1094 = vector.shape_cast %mul3A_1089 : vector<16xf32> to vector<1x16xf32>
          tpu.vector_store %arg11[%swap3A_1090, %swap3A_1091], %swap3A_1094 {strides = array<i32>} : memref<128x128xf32, #tpu.memory_space<vmem>>, vector<1x16xf32>,
          %get3A_1095 = arith.index_cast %add3A_1083 : i32 to index
          %get3A_1096 = arith.constant 16 : index
          %get3A_1097 = tpu.vector_load %arg11[%get3A_1095, %get3A_1096] {strides = array<i32>} : memref<128x128xf32, #tpu.memory_space<vmem>>, vector<1x16xf32>,
          %get3A_1098 = vector.shape_cast %get3A_1097 : vector<1x16xf32> to vector<16xf32>
          %mul3A_1099 = vector.broadcast %squeeze3A_1079 : f32 to vector<16xf32>
          %mul3A_1100 = arith.mulf %get3A_1098, %mul3A_1099 : vector<16xf32>
          %swap3A_1101 = arith.index_cast %add3A_1083 : i32 to index
          %swap3A_1102 = arith.constant 16 : index
          %swap3A_1103 = tpu.vector_load %arg11[%swap3A_1101, %swap3A_1102] {strides = array<i32>} : memref<128x128xf32, #tpu.memory_space<vmem>>, vector<1x16xf32>,
          %swap3A_1104 = vector.shape_cast %swap3A_1103 : vector<1x16xf32> to vector<16xf32>
          %swap3A_1105 = vector.shape_cast %mul3A_1100 : vector<16xf32> to vector<1x16xf32>
          tpu.vector_store %arg11[%swap3A_1101, %swap3A_1102], %swap3A_1105 {strides = array<i32>} : memref<128x128xf32, #tpu.memory_space<vmem>>, vector<1x16xf32>,
          %get3A_1106 = arith.index_cast %add3A_1083 : i32 to index
          %get3A_1107 = arith.constant 32 : index
          %get3A_1108 = tpu.vector_load %arg11[%get3A_1106, %get3A_1107] {strides = array<i32>} : memref<128x128xf32, #tpu.memory_space<vmem>>, vector<1x16xf32>,
          %get3A_1109 = vector.shape_cast %get3A_1108 : vector<1x16xf32> to vector<16xf32>
          %mul3A_1110 = vector.broadcast %squeeze3A_1079 : f32 to vector<16xf32>
          %mul3A_1111 = arith.mulf %get3A_1109, %mul3A_1110 : vector<16xf32>
          %swap3A_1112 = arith.index_cast %add3A_1083 : i32 to index
          %swap3A_1113 = arith.constant 32 : index
          %swap3A_1114 = tpu.vector_load %arg11[%swap3A_1112, %swap3A_1113] {strides = array<i32>} : memref<128x128xf32, #tpu.memory_space<vmem>>, vector<1x16xf32>,
          %swap3A_1115 = vector.shape_cast %swap3A_1114 : vector<1x16xf32> to vector<16xf32>
          %swap3A_1116 = vector.shape_cast %mul3A_1111 : vector<16xf32> to vector<1x16xf32>
          tpu.vector_store %arg11[%swap3A_1112, %swap3A_1113], %swap3A_1116 {strides = array<i32>} : memref<128x128xf32, #tpu.memory_space<vmem>>, vector<1x16xf32>,
          %get3A_1117 = arith.index_cast %add3A_1083 : i32 to index
          %get3A_1118 = arith.constant 48 : index
          %get3A_1119 = tpu.vector_load %arg11[%get3A_1117, %get3A_1118] {strides = array<i32>} : memref<128x128xf32, #tpu.memory_space<vmem>>, vector<1x16xf32>,
          %get3A_1120 = vector.shape_cast %get3A_1119 : vector<1x16xf32> to vector<16xf32>
          %mul3A_1121 = vector.broadcast %squeeze3A_1079 : f32 to vector<16xf32>
          %mul3A_1122 = arith.mulf %get3A_1120, %mul3A_1121 : vector<16xf32>
          %swap3A_1123 = arith.index_cast %add3A_1083 : i32 to index
          %swap3A_1124 = arith.constant 48 : index
          %swap3A_1125 = tpu.vector_load %arg11[%swap3A_1123, %swap3A_1124] {strides = array<i32>} : memref<128x128xf32, #tpu.memory_space<vmem>>, vector<1x16xf32>,
          %swap3A_1126 = vector.shape_cast %swap3A_1125 : vector<1x16xf32> to vector<16xf32>
          %swap3A_1127 = vector.shape_cast %mul3A_1122 : vector<16xf32> to vector<1x16xf32>
          tpu.vector_store %arg11[%swap3A_1123, %swap3A_1124], %swap3A_1127 {strides = array<i32>} : memref<128x128xf32, #tpu.memory_space<vmem>>, vector<1x16xf32>,
          %get3A_1128 = arith.index_cast %add3A_1083 : i32 to index
          %get3A_1129 = arith.constant 64 : index
          %get3A_1130 = tpu.vector_load %arg11[%get3A_1128, %get3A_1129] {strides = array<i32>} : memref<128x128xf32, #tpu.memory_space<vmem>>, vector<1x16xf32>,
          %get3A_1131 = vector.shape_cast %get3A_1130 : vector<1x16xf32> to vector<16xf32>
          %mul3A_1132 = vector.broadcast %squeeze3A_1079 : f32 to vector<16xf32>
          %mul3A_1133 = arith.mulf %get3A_1131, %mul3A_1132 : vector<16xf32>
          %swap3A_1134 = arith.index_cast %add3A_1083 : i32 to index
          %swap3A_1135 = arith.constant 64 : index
          %swap3A_1136 = tpu.vector_load %arg11[%swap3A_1134, %swap3A_1135] {strides = array<i32>} : memref<128x128xf32, #tpu.memory_space<vmem>>, vector<1x16xf32>,
          %swap3A_1137 = vector.shape_cast %swap3A_1136 : vector<1x16xf32> to vector<16xf32>
          %swap3A_1138 = vector.shape_cast %mul3A_1133 : vector<16xf32> to vector<1x16xf32>
          tpu.vector_store %arg11[%swap3A_1134, %swap3A_1135], %swap3A_1138 {strides = array<i32>} : memref<128x128xf32, #tpu.memory_space<vmem>>, vector<1x16xf32>,
          %get3A_1139 = arith.index_cast %add3A_1083 : i32 to index
          %get3A_1140 = arith.constant 80 : index
          %get3A_1141 = tpu.vector_load %arg11[%get3A_1139, %get3A_1140] {strides = array<i32>} : memref<128x128xf32, #tpu.memory_space<vmem>>, vector<1x16xf32>,
          %get3A_1142 = vector.shape_cast %get3A_1141 : vector<1x16xf32> to vector<16xf32>
          %mul3A_1143 = vector.broadcast %squeeze3A_1079 : f32 to vector<16xf32>
          %mul3A_1144 = arith.mulf %get3A_1142, %mul3A_1143 : vector<16xf32>
          %swap3A_1145 = arith.index_cast %add3A_1083 : i32 to index
          %swap3A_1146 = arith.constant 80 : index
          %swap3A_1147 = tpu.vector_load %arg11[%swap3A_1145, %swap3A_1146] {strides = array<i32>} : memref<128x128xf32, #tpu.memory_space<vmem>>, vector<1x16xf32>,
          %swap3A_1148 = vector.shape_cast %swap3A_1147 : vector<1x16xf32> to vector<16xf32>
          %swap3A_1149 = vector.shape_cast %mul3A_1144 : vector<16xf32> to vector<1x16xf32>
          tpu.vector_store %arg11[%swap3A_1145, %swap3A_1146], %swap3A_1149 {strides = array<i32>} : memref<128x128xf32, #tpu.memory_space<vmem>>, vector<1x16xf32>,
          %get3A_1150 = arith.index_cast %add3A_1083 : i32 to index
          %get3A_1151 = arith.constant 96 : index
          %get3A_1152 = tpu.vector_load %arg11[%get3A_1150, %get3A_1151] {strides = array<i32>} : memref<128x128xf32, #tpu.memory_space<vmem>>, vector<1x16xf32>,
          %get3A_1153 = vector.shape_cast %get3A_1152 : vector<1x16xf32> to vector<16xf32>
          %mul3A_1154 = vector.broadcast %squeeze3A_1079 : f32 to vector<16xf32>
          %mul3A_1155 = arith.mulf %get3A_1153, %mul3A_1154 : vector<16xf32>
          %swap3A_1156 = arith.index_cast %add3A_1083 : i32 to index
          %swap3A_1157 = arith.constant 96 : index
          %swap3A_1158 = tpu.vector_load %arg11[%swap3A_1156, %swap3A_1157] {strides = array<i32>} : memref<128x128xf32, #tpu.memory_space<vmem>>, vector<1x16xf32>,
          %swap3A_1159 = vector.shape_cast %swap3A_1158 : vector<1x16xf32> to vector<16xf32>
          %swap3A_1160 = vector.shape_cast %mul3A_1155 : vector<16xf32> to vector<1x16xf32>
          tpu.vector_store %arg11[%swap3A_1156, %swap3A_1157], %swap3A_1160 {strides = array<i32>} : memref<128x128xf32, #tpu.memory_space<vmem>>, vector<1x16xf32>,
          %get3A_1161 = arith.index_cast %add3A_1083 : i32 to index
          %get3A_1162 = arith.constant 112 : index
          %get3A_1163 = tpu.vector_load %arg11[%get3A_1161, %get3A_1162] {strides = array<i32>} : memref<128x128xf32, #tpu.memory_space<vmem>>, vector<1x16xf32>,
          %get3A_1164 = vector.shape_cast %get3A_1163 : vector<1x16xf32> to vector<16xf32>
          %mul3A_1165 = vector.broadcast %squeeze3A_1079 : f32 to vector<16xf32>
          %mul3A_1166 = arith.mulf %get3A_1164, %mul3A_1165 : vector<16xf32>
          %swap3A_1167 = arith.index_cast %add3A_1083 : i32 to index
          %swap3A_1168 = arith.constant 112 : index
          %swap3A_1169 = tpu.vector_load %arg11[%swap3A_1167, %swap3A_1168] {strides = array<i32>} : memref<128x128xf32, #tpu.memory_space<vmem>>, vector<1x16xf32>,
          %swap3A_1170 = vector.shape_cast %swap3A_1169 : vector<1x16xf32> to vector<16xf32>
          %swap3A_1171 = vector.shape_cast %mul3A_1166 : vector<16xf32> to vector<1x16xf32>
          tpu.vector_store %arg11[%swap3A_1167, %swap3A_1168], %swap3A_1171 {strides = array<i32>} : memref<128x128xf32, #tpu.memory_space<vmem>>, vector<1x16xf32>,
          %slice3A_1172 = vector.extract_strided_slice %get3A_46 {offsets = [12], sizes = [1], strides = [1]} : vector<16xf32> to vector<1xf32>
          %squeeze3A_1173 = vector.extract %slice3A_1172[0] : f32 from vector<1xf32>
          %mul3A_1174 = arith.constant 16 : i32
          %mul3A_1175 = arith.muli %scan3A_42, %mul3A_1174 : i32
          %add3A_1176 = arith.constant 12 : i32
          %add3A_1177 = arith.addi %mul3A_1175, %add3A_1176 : i32
          %get3A_1178 = arith.index_cast %add3A_1177 : i32 to index
          %get3A_1179 = arith.constant 0 : index
          %get3A_1180 = tpu.vector_load %arg11[%get3A_1178, %get3A_1179] {strides = array<i32>} : memref<128x128xf32, #tpu.memory_space<vmem>>, vector<1x16xf32>,
          %get3A_1181 = vector.shape_cast %get3A_1180 : vector<1x16xf32> to vector<16xf32>
          %mul3A_1182 = vector.broadcast %squeeze3A_1173 : f32 to vector<16xf32>
          %mul3A_1183 = arith.mulf %get3A_1181, %mul3A_1182 : vector<16xf32>
          %swap3A_1184 = arith.index_cast %add3A_1177 : i32 to index
          %swap3A_1185 = arith.constant 0 : index
          %swap3A_1186 = tpu.vector_load %arg11[%swap3A_1184, %swap3A_1185] {strides = array<i32>} : memref<128x128xf32, #tpu.memory_space<vmem>>, vector<1x16xf32>,
          %swap3A_1187 = vector.shape_cast %swap3A_1186 : vector<1x16xf32> to vector<16xf32>
          %swap3A_1188 = vector.shape_cast %mul3A_1183 : vector<16xf32> to vector<1x16xf32>
          tpu.vector_store %arg11[%swap3A_1184, %swap3A_1185], %swap3A_1188 {strides = array<i32>} : memref<128x128xf32, #tpu.memory_space<vmem>>, vector<1x16xf32>,
          %get3A_1189 = arith.index_cast %add3A_1177 : i32 to index
          %get3A_1190 = arith.constant 16 : index
          %get3A_1191 = tpu.vector_load %arg11[%get3A_1189, %get3A_1190] {strides = array<i32>} : memref<128x128xf32, #tpu.memory_space<vmem>>, vector<1x16xf32>,
          %get3A_1192 = vector.shape_cast %get3A_1191 : vector<1x16xf32> to vector<16xf32>
          %mul3A_1193 = vector.broadcast %squeeze3A_1173 : f32 to vector<16xf32>
          %mul3A_1194 = arith.mulf %get3A_1192, %mul3A_1193 : vector<16xf32>
          %swap3A_1195 = arith.index_cast %add3A_1177 : i32 to index
          %swap3A_1196 = arith.constant 16 : index
          %swap3A_1197 = tpu.vector_load %arg11[%swap3A_1195, %swap3A_1196] {strides = array<i32>} : memref<128x128xf32, #tpu.memory_space<vmem>>, vector<1x16xf32>,
          %swap3A_1198 = vector.shape_cast %swap3A_1197 : vector<1x16xf32> to vector<16xf32>
          %swap3A_1199 = vector.shape_cast %mul3A_1194 : vector<16xf32> to vector<1x16xf32>
          tpu.vector_store %arg11[%swap3A_1195, %swap3A_1196], %swap3A_1199 {strides = array<i32>} : memref<128x128xf32, #tpu.memory_space<vmem>>, vector<1x16xf32>,
          %get3A_1200 = arith.index_cast %add3A_1177 : i32 to index
          %get3A_1201 = arith.constant 32 : index
          %get3A_1202 = tpu.vector_load %arg11[%get3A_1200, %get3A_1201] {strides = array<i32>} : memref<128x128xf32, #tpu.memory_space<vmem>>, vector<1x16xf32>,
          %get3A_1203 = vector.shape_cast %get3A_1202 : vector<1x16xf32> to vector<16xf32>
          %mul3A_1204 = vector.broadcast %squeeze3A_1173 : f32 to vector<16xf32>
          %mul3A_1205 = arith.mulf %get3A_1203, %mul3A_1204 : vector<16xf32>
          %swap3A_1206 = arith.index_cast %add3A_1177 : i32 to index
          %swap3A_1207 = arith.constant 32 : index
          %swap3A_1208 = tpu.vector_load %arg11[%swap3A_1206, %swap3A_1207] {strides = array<i32>} : memref<128x128xf32, #tpu.memory_space<vmem>>, vector<1x16xf32>,
          %swap3A_1209 = vector.shape_cast %swap3A_1208 : vector<1x16xf32> to vector<16xf32>
          %swap3A_1210 = vector.shape_cast %mul3A_1205 : vector<16xf32> to vector<1x16xf32>
          tpu.vector_store %arg11[%swap3A_1206, %swap3A_1207], %swap3A_1210 {strides = array<i32>} : memref<128x128xf32, #tpu.memory_space<vmem>>, vector<1x16xf32>,
          %get3A_1211 = arith.index_cast %add3A_1177 : i32 to index
          %get3A_1212 = arith.constant 48 : index
          %get3A_1213 = tpu.vector_load %arg11[%get3A_1211, %get3A_1212] {strides = array<i32>} : memref<128x128xf32, #tpu.memory_space<vmem>>, vector<1x16xf32>,
          %get3A_1214 = vector.shape_cast %get3A_1213 : vector<1x16xf32> to vector<16xf32>
          %mul3A_1215 = vector.broadcast %squeeze3A_1173 : f32 to vector<16xf32>
          %mul3A_1216 = arith.mulf %get3A_1214, %mul3A_1215 : vector<16xf32>
          %swap3A_1217 = arith.index_cast %add3A_1177 : i32 to index
          %swap3A_1218 = arith.constant 48 : index
          %swap3A_1219 = tpu.vector_load %arg11[%swap3A_1217, %swap3A_1218] {strides = array<i32>} : memref<128x128xf32, #tpu.memory_space<vmem>>, vector<1x16xf32>,
          %swap3A_1220 = vector.shape_cast %swap3A_1219 : vector<1x16xf32> to vector<16xf32>
          %swap3A_1221 = vector.shape_cast %mul3A_1216 : vector<16xf32> to vector<1x16xf32>
          tpu.vector_store %arg11[%swap3A_1217, %swap3A_1218], %swap3A_1221 {strides = array<i32>} : memref<128x128xf32, #tpu.memory_space<vmem>>, vector<1x16xf32>,
          %get3A_1222 = arith.index_cast %add3A_1177 : i32 to index
          %get3A_1223 = arith.constant 64 : index
          %get3A_1224 = tpu.vector_load %arg11[%get3A_1222, %get3A_1223] {strides = array<i32>} : memref<128x128xf32, #tpu.memory_space<vmem>>, vector<1x16xf32>,
          %get3A_1225 = vector.shape_cast %get3A_1224 : vector<1x16xf32> to vector<16xf32>
          %mul3A_1226 = vector.broadcast %squeeze3A_1173 : f32 to vector<16xf32>
          %mul3A_1227 = arith.mulf %get3A_1225, %mul3A_1226 : vector<16xf32>
          %swap3A_1228 = arith.index_cast %add3A_1177 : i32 to index
          %swap3A_1229 = arith.constant 64 : index
          %swap3A_1230 = tpu.vector_load %arg11[%swap3A_1228, %swap3A_1229] {strides = array<i32>} : memref<128x128xf32, #tpu.memory_space<vmem>>, vector<1x16xf32>,
          %swap3A_1231 = vector.shape_cast %swap3A_1230 : vector<1x16xf32> to vector<16xf32>
          %swap3A_1232 = vector.shape_cast %mul3A_1227 : vector<16xf32> to vector<1x16xf32>
          tpu.vector_store %arg11[%swap3A_1228, %swap3A_1229], %swap3A_1232 {strides = array<i32>} : memref<128x128xf32, #tpu.memory_space<vmem>>, vector<1x16xf32>,
          %get3A_1233 = arith.index_cast %add3A_1177 : i32 to index
          %get3A_1234 = arith.constant 80 : index
          %get3A_1235 = tpu.vector_load %arg11[%get3A_1233, %get3A_1234] {strides = array<i32>} : memref<128x128xf32, #tpu.memory_space<vmem>>, vector<1x16xf32>,
          %get3A_1236 = vector.shape_cast %get3A_1235 : vector<1x16xf32> to vector<16xf32>
          %mul3A_1237 = vector.broadcast %squeeze3A_1173 : f32 to vector<16xf32>
          %mul3A_1238 = arith.mulf %get3A_1236, %mul3A_1237 : vector<16xf32>
          %swap3A_1239 = arith.index_cast %add3A_1177 : i32 to index
          %swap3A_1240 = arith.constant 80 : index
          %swap3A_1241 = tpu.vector_load %arg11[%swap3A_1239, %swap3A_1240] {strides = array<i32>} : memref<128x128xf32, #tpu.memory_space<vmem>>, vector<1x16xf32>,
          %swap3A_1242 = vector.shape_cast %swap3A_1241 : vector<1x16xf32> to vector<16xf32>
          %swap3A_1243 = vector.shape_cast %mul3A_1238 : vector<16xf32> to vector<1x16xf32>
          tpu.vector_store %arg11[%swap3A_1239, %swap3A_1240], %swap3A_1243 {strides = array<i32>} : memref<128x128xf32, #tpu.memory_space<vmem>>, vector<1x16xf32>,
          %get3A_1244 = arith.index_cast %add3A_1177 : i32 to index
          %get3A_1245 = arith.constant 96 : index
          %get3A_1246 = tpu.vector_load %arg11[%get3A_1244, %get3A_1245] {strides = array<i32>} : memref<128x128xf32, #tpu.memory_space<vmem>>, vector<1x16xf32>,
          %get3A_1247 = vector.shape_cast %get3A_1246 : vector<1x16xf32> to vector<16xf32>
          %mul3A_1248 = vector.broadcast %squeeze3A_1173 : f32 to vector<16xf32>
          %mul3A_1249 = arith.mulf %get3A_1247, %mul3A_1248 : vector<16xf32>
          %swap3A_1250 = arith.index_cast %add3A_1177 : i32 to index
          %swap3A_1251 = arith.constant 96 : index
          %swap3A_1252 = tpu.vector_load %arg11[%swap3A_1250, %swap3A_1251] {strides = array<i32>} : memref<128x128xf32, #tpu.memory_space<vmem>>, vector<1x16xf32>,
          %swap3A_1253 = vector.shape_cast %swap3A_1252 : vector<1x16xf32> to vector<16xf32>
          %swap3A_1254 = vector.shape_cast %mul3A_1249 : vector<16xf32> to vector<1x16xf32>
          tpu.vector_store %arg11[%swap3A_1250, %swap3A_1251], %swap3A_1254 {strides = array<i32>} : memref<128x128xf32, #tpu.memory_space<vmem>>, vector<1x16xf32>,
          %get3A_1255 = arith.index_cast %add3A_1177 : i32 to index
          %get3A_1256 = arith.constant 112 : index
          %get3A_1257 = tpu.vector_load %arg11[%get3A_1255, %get3A_1256] {strides = array<i32>} : memref<128x128xf32, #tpu.memory_space<vmem>>, vector<1x16xf32>,
          %get3A_1258 = vector.shape_cast %get3A_1257 : vector<1x16xf32> to vector<16xf32>
          %mul3A_1259 = vector.broadcast %squeeze3A_1173 : f32 to vector<16xf32>
          %mul3A_1260 = arith.mulf %get3A_1258, %mul3A_1259 : vector<16xf32>
          %swap3A_1261 = arith.index_cast %add3A_1177 : i32 to index
          %swap3A_1262 = arith.constant 112 : index
          %swap3A_1263 = tpu.vector_load %arg11[%swap3A_1261, %swap3A_1262] {strides = array<i32>} : memref<128x128xf32, #tpu.memory_space<vmem>>, vector<1x16xf32>,
          %swap3A_1264 = vector.shape_cast %swap3A_1263 : vector<1x16xf32> to vector<16xf32>
          %swap3A_1265 = vector.shape_cast %mul3A_1260 : vector<16xf32> to vector<1x16xf32>
          tpu.vector_store %arg11[%swap3A_1261, %swap3A_1262], %swap3A_1265 {strides = array<i32>} : memref<128x128xf32, #tpu.memory_space<vmem>>, vector<1x16xf32>,
          %slice3A_1266 = vector.extract_strided_slice %get3A_46 {offsets = [13], sizes = [1], strides = [1]} : vector<16xf32> to vector<1xf32>
          %squeeze3A_1267 = vector.extract %slice3A_1266[0] : f32 from vector<1xf32>
          %mul3A_1268 = arith.constant 16 : i32
          %mul3A_1269 = arith.muli %scan3A_42, %mul3A_1268 : i32
          %add3A_1270 = arith.constant 13 : i32
          %add3A_1271 = arith.addi %mul3A_1269, %add3A_1270 : i32
          %get3A_1272 = arith.index_cast %add3A_1271 : i32 to index
          %get3A_1273 = arith.constant 0 : index
          %get3A_1274 = tpu.vector_load %arg11[%get3A_1272, %get3A_1273] {strides = array<i32>} : memref<128x128xf32, #tpu.memory_space<vmem>>, vector<1x16xf32>,
          %get3A_1275 = vector.shape_cast %get3A_1274 : vector<1x16xf32> to vector<16xf32>
          %mul3A_1276 = vector.broadcast %squeeze3A_1267 : f32 to vector<16xf32>
          %mul3A_1277 = arith.mulf %get3A_1275, %mul3A_1276 : vector<16xf32>
          %swap3A_1278 = arith.index_cast %add3A_1271 : i32 to index
          %swap3A_1279 = arith.constant 0 : index
          %swap3A_1280 = tpu.vector_load %arg11[%swap3A_1278, %swap3A_1279] {strides = array<i32>} : memref<128x128xf32, #tpu.memory_space<vmem>>, vector<1x16xf32>,
          %swap3A_1281 = vector.shape_cast %swap3A_1280 : vector<1x16xf32> to vector<16xf32>
          %swap3A_1282 = vector.shape_cast %mul3A_1277 : vector<16xf32> to vector<1x16xf32>
          tpu.vector_store %arg11[%swap3A_1278, %swap3A_1279], %swap3A_1282 {strides = array<i32>} : memref<128x128xf32, #tpu.memory_space<vmem>>, vector<1x16xf32>,
          %get3A_1283 = arith.index_cast %add3A_1271 : i32 to index
          %get3A_1284 = arith.constant 16 : index
          %get3A_1285 = tpu.vector_load %arg11[%get3A_1283, %get3A_1284] {strides = array<i32>} : memref<128x128xf32, #tpu.memory_space<vmem>>, vector<1x16xf32>,
          %get3A_1286 = vector.shape_cast %get3A_1285 : vector<1x16xf32> to vector<16xf32>
          %mul3A_1287 = vector.broadcast %squeeze3A_1267 : f32 to vector<16xf32>
          %mul3A_1288 = arith.mulf %get3A_1286, %mul3A_1287 : vector<16xf32>
          %swap3A_1289 = arith.index_cast %add3A_1271 : i32 to index
          %swap3A_1290 = arith.constant 16 : index
          %swap3A_1291 = tpu.vector_load %arg11[%swap3A_1289, %swap3A_1290] {strides = array<i32>} : memref<128x128xf32, #tpu.memory_space<vmem>>, vector<1x16xf32>,
          %swap3A_1292 = vector.shape_cast %swap3A_1291 : vector<1x16xf32> to vector<16xf32>
          %swap3A_1293 = vector.shape_cast %mul3A_1288 : vector<16xf32> to vector<1x16xf32>
          tpu.vector_store %arg11[%swap3A_1289, %swap3A_1290], %swap3A_1293 {strides = array<i32>} : memref<128x128xf32, #tpu.memory_space<vmem>>, vector<1x16xf32>,
          %get3A_1294 = arith.index_cast %add3A_1271 : i32 to index
          %get3A_1295 = arith.constant 32 : index
          %get3A_1296 = tpu.vector_load %arg11[%get3A_1294, %get3A_1295] {strides = array<i32>} : memref<128x128xf32, #tpu.memory_space<vmem>>, vector<1x16xf32>,
          %get3A_1297 = vector.shape_cast %get3A_1296 : vector<1x16xf32> to vector<16xf32>
          %mul3A_1298 = vector.broadcast %squeeze3A_1267 : f32 to vector<16xf32>
          %mul3A_1299 = arith.mulf %get3A_1297, %mul3A_1298 : vector<16xf32>
          %swap3A_1300 = arith.index_cast %add3A_1271 : i32 to index
          %swap3A_1301 = arith.constant 32 : index
          %swap3A_1302 = tpu.vector_load %arg11[%swap3A_1300, %swap3A_1301] {strides = array<i32>} : memref<128x128xf32, #tpu.memory_space<vmem>>, vector<1x16xf32>,
          %swap3A_1303 = vector.shape_cast %swap3A_1302 : vector<1x16xf32> to vector<16xf32>
          %swap3A_1304 = vector.shape_cast %mul3A_1299 : vector<16xf32> to vector<1x16xf32>
          tpu.vector_store %arg11[%swap3A_1300, %swap3A_1301], %swap3A_1304 {strides = array<i32>} : memref<128x128xf32, #tpu.memory_space<vmem>>, vector<1x16xf32>,
          %get3A_1305 = arith.index_cast %add3A_1271 : i32 to index
          %get3A_1306 = arith.constant 48 : index
          %get3A_1307 = tpu.vector_load %arg11[%get3A_1305, %get3A_1306] {strides = array<i32>} : memref<128x128xf32, #tpu.memory_space<vmem>>, vector<1x16xf32>,
          %get3A_1308 = vector.shape_cast %get3A_1307 : vector<1x16xf32> to vector<16xf32>
          %mul3A_1309 = vector.broadcast %squeeze3A_1267 : f32 to vector<16xf32>
          %mul3A_1310 = arith.mulf %get3A_1308, %mul3A_1309 : vector<16xf32>
          %swap3A_1311 = arith.index_cast %add3A_1271 : i32 to index
          %swap3A_1312 = arith.constant 48 : index
          %swap3A_1313 = tpu.vector_load %arg11[%swap3A_1311, %swap3A_1312] {strides = array<i32>} : memref<128x128xf32, #tpu.memory_space<vmem>>, vector<1x16xf32>,
          %swap3A_1314 = vector.shape_cast %swap3A_1313 : vector<1x16xf32> to vector<16xf32>
          %swap3A_1315 = vector.shape_cast %mul3A_1310 : vector<16xf32> to vector<1x16xf32>
          tpu.vector_store %arg11[%swap3A_1311, %swap3A_1312], %swap3A_1315 {strides = array<i32>} : memref<128x128xf32, #tpu.memory_space<vmem>>, vector<1x16xf32>,
          %get3A_1316 = arith.index_cast %add3A_1271 : i32 to index
          %get3A_1317 = arith.constant 64 : index
          %get3A_1318 = tpu.vector_load %arg11[%get3A_1316, %get3A_1317] {strides = array<i32>} : memref<128x128xf32, #tpu.memory_space<vmem>>, vector<1x16xf32>,
          %get3A_1319 = vector.shape_cast %get3A_1318 : vector<1x16xf32> to vector<16xf32>
          %mul3A_1320 = vector.broadcast %squeeze3A_1267 : f32 to vector<16xf32>
          %mul3A_1321 = arith.mulf %get3A_1319, %mul3A_1320 : vector<16xf32>
          %swap3A_1322 = arith.index_cast %add3A_1271 : i32 to index
          %swap3A_1323 = arith.constant 64 : index
          %swap3A_1324 = tpu.vector_load %arg11[%swap3A_1322, %swap3A_1323] {strides = array<i32>} : memref<128x128xf32, #tpu.memory_space<vmem>>, vector<1x16xf32>,
          %swap3A_1325 = vector.shape_cast %swap3A_1324 : vector<1x16xf32> to vector<16xf32>
          %swap3A_1326 = vector.shape_cast %mul3A_1321 : vector<16xf32> to vector<1x16xf32>
          tpu.vector_store %arg11[%swap3A_1322, %swap3A_1323], %swap3A_1326 {strides = array<i32>} : memref<128x128xf32, #tpu.memory_space<vmem>>, vector<1x16xf32>,
          %get3A_1327 = arith.index_cast %add3A_1271 : i32 to index
          %get3A_1328 = arith.constant 80 : index
          %get3A_1329 = tpu.vector_load %arg11[%get3A_1327, %get3A_1328] {strides = array<i32>} : memref<128x128xf32, #tpu.memory_space<vmem>>, vector<1x16xf32>,
          %get3A_1330 = vector.shape_cast %get3A_1329 : vector<1x16xf32> to vector<16xf32>
          %mul3A_1331 = vector.broadcast %squeeze3A_1267 : f32 to vector<16xf32>
          %mul3A_1332 = arith.mulf %get3A_1330, %mul3A_1331 : vector<16xf32>
          %swap3A_1333 = arith.index_cast %add3A_1271 : i32 to index
          %swap3A_1334 = arith.constant 80 : index
          %swap3A_1335 = tpu.vector_load %arg11[%swap3A_1333, %swap3A_1334] {strides = array<i32>} : memref<128x128xf32, #tpu.memory_space<vmem>>, vector<1x16xf32>,
          %swap3A_1336 = vector.shape_cast %swap3A_1335 : vector<1x16xf32> to vector<16xf32>
          %swap3A_1337 = vector.shape_cast %mul3A_1332 : vector<16xf32> to vector<1x16xf32>
          tpu.vector_store %arg11[%swap3A_1333, %swap3A_1334], %swap3A_1337 {strides = array<i32>} : memref<128x128xf32, #tpu.memory_space<vmem>>, vector<1x16xf32>,
          %get3A_1338 = arith.index_cast %add3A_1271 : i32 to index
          %get3A_1339 = arith.constant 96 : index
          %get3A_1340 = tpu.vector_load %arg11[%get3A_1338, %get3A_1339] {strides = array<i32>} : memref<128x128xf32, #tpu.memory_space<vmem>>, vector<1x16xf32>,
          %get3A_1341 = vector.shape_cast %get3A_1340 : vector<1x16xf32> to vector<16xf32>
          %mul3A_1342 = vector.broadcast %squeeze3A_1267 : f32 to vector<16xf32>
          %mul3A_1343 = arith.mulf %get3A_1341, %mul3A_1342 : vector<16xf32>
          %swap3A_1344 = arith.index_cast %add3A_1271 : i32 to index
          %swap3A_1345 = arith.constant 96 : index
          %swap3A_1346 = tpu.vector_load %arg11[%swap3A_1344, %swap3A_1345] {strides = array<i32>} : memref<128x128xf32, #tpu.memory_space<vmem>>, vector<1x16xf32>,
          %swap3A_1347 = vector.shape_cast %swap3A_1346 : vector<1x16xf32> to vector<16xf32>
          %swap3A_1348 = vector.shape_cast %mul3A_1343 : vector<16xf32> to vector<1x16xf32>
          tpu.vector_store %arg11[%swap3A_1344, %swap3A_1345], %swap3A_1348 {strides = array<i32>} : memref<128x128xf32, #tpu.memory_space<vmem>>, vector<1x16xf32>,
          %get3A_1349 = arith.index_cast %add3A_1271 : i32 to index
          %get3A_1350 = arith.constant 112 : index
          %get3A_1351 = tpu.vector_load %arg11[%get3A_1349, %get3A_1350] {strides = array<i32>} : memref<128x128xf32, #tpu.memory_space<vmem>>, vector<1x16xf32>,
          %get3A_1352 = vector.shape_cast %get3A_1351 : vector<1x16xf32> to vector<16xf32>
          %mul3A_1353 = vector.broadcast %squeeze3A_1267 : f32 to vector<16xf32>
          %mul3A_1354 = arith.mulf %get3A_1352, %mul3A_1353 : vector<16xf32>
          %swap3A_1355 = arith.index_cast %add3A_1271 : i32 to index
          %swap3A_1356 = arith.constant 112 : index
          %swap3A_1357 = tpu.vector_load %arg11[%swap3A_1355, %swap3A_1356] {strides = array<i32>} : memref<128x128xf32, #tpu.memory_space<vmem>>, vector<1x16xf32>,
          %swap3A_1358 = vector.shape_cast %swap3A_1357 : vector<1x16xf32> to vector<16xf32>
          %swap3A_1359 = vector.shape_cast %mul3A_1354 : vector<16xf32> to vector<1x16xf32>
          tpu.vector_store %arg11[%swap3A_1355, %swap3A_1356], %swap3A_1359 {strides = array<i32>} : memref<128x128xf32, #tpu.memory_space<vmem>>, vector<1x16xf32>,
          %slice3A_1360 = vector.extract_strided_slice %get3A_46 {offsets = [14], sizes = [1], strides = [1]} : vector<16xf32> to vector<1xf32>
          %squeeze3A_1361 = vector.extract %slice3A_1360[0] : f32 from vector<1xf32>
          %mul3A_1362 = arith.constant 16 : i32
          %mul3A_1363 = arith.muli %scan3A_42, %mul3A_1362 : i32
          %add3A_1364 = arith.constant 14 : i32
          %add3A_1365 = arith.addi %mul3A_1363, %add3A_1364 : i32
          %get3A_1366 = arith.index_cast %add3A_1365 : i32 to index
          %get3A_1367 = arith.constant 0 : index
          %get3A_1368 = tpu.vector_load %arg11[%get3A_1366, %get3A_1367] {strides = array<i32>} : memref<128x128xf32, #tpu.memory_space<vmem>>, vector<1x16xf32>,
          %get3A_1369 = vector.shape_cast %get3A_1368 : vector<1x16xf32> to vector<16xf32>
          %mul3A_1370 = vector.broadcast %squeeze3A_1361 : f32 to vector<16xf32>
          %mul3A_1371 = arith.mulf %get3A_1369, %mul3A_1370 : vector<16xf32>
          %swap3A_1372 = arith.index_cast %add3A_1365 : i32 to index
          %swap3A_1373 = arith.constant 0 : index
          %swap3A_1374 = tpu.vector_load %arg11[%swap3A_1372, %swap3A_1373] {strides = array<i32>} : memref<128x128xf32, #tpu.memory_space<vmem>>, vector<1x16xf32>,
          %swap3A_1375 = vector.shape_cast %swap3A_1374 : vector<1x16xf32> to vector<16xf32>
          %swap3A_1376 = vector.shape_cast %mul3A_1371 : vector<16xf32> to vector<1x16xf32>
          tpu.vector_store %arg11[%swap3A_1372, %swap3A_1373], %swap3A_1376 {strides = array<i32>} : memref<128x128xf32, #tpu.memory_space<vmem>>, vector<1x16xf32>,
          %get3A_1377 = arith.index_cast %add3A_1365 : i32 to index
          %get3A_1378 = arith.constant 16 : index
          %get3A_1379 = tpu.vector_load %arg11[%get3A_1377, %get3A_1378] {strides = array<i32>} : memref<128x128xf32, #tpu.memory_space<vmem>>, vector<1x16xf32>,
          %get3A_1380 = vector.shape_cast %get3A_1379 : vector<1x16xf32> to vector<16xf32>
          %mul3A_1381 = vector.broadcast %squeeze3A_1361 : f32 to vector<16xf32>
          %mul3A_1382 = arith.mulf %get3A_1380, %mul3A_1381 : vector<16xf32>
          %swap3A_1383 = arith.index_cast %add3A_1365 : i32 to index
          %swap3A_1384 = arith.constant 16 : index
          %swap3A_1385 = tpu.vector_load %arg11[%swap3A_1383, %swap3A_1384] {strides = array<i32>} : memref<128x128xf32, #tpu.memory_space<vmem>>, vector<1x16xf32>,
          %swap3A_1386 = vector.shape_cast %swap3A_1385 : vector<1x16xf32> to vector<16xf32>
          %swap3A_1387 = vector.shape_cast %mul3A_1382 : vector<16xf32> to vector<1x16xf32>
          tpu.vector_store %arg11[%swap3A_1383, %swap3A_1384], %swap3A_1387 {strides = array<i32>} : memref<128x128xf32, #tpu.memory_space<vmem>>, vector<1x16xf32>,
          %get3A_1388 = arith.index_cast %add3A_1365 : i32 to index
          %get3A_1389 = arith.constant 32 : index
          %get3A_1390 = tpu.vector_load %arg11[%get3A_1388, %get3A_1389] {strides = array<i32>} : memref<128x128xf32, #tpu.memory_space<vmem>>, vector<1x16xf32>,
          %get3A_1391 = vector.shape_cast %get3A_1390 : vector<1x16xf32> to vector<16xf32>
          %mul3A_1392 = vector.broadcast %squeeze3A_1361 : f32 to vector<16xf32>
          %mul3A_1393 = arith.mulf %get3A_1391, %mul3A_1392 : vector<16xf32>
          %swap3A_1394 = arith.index_cast %add3A_1365 : i32 to index
          %swap3A_1395 = arith.constant 32 : index
          %swap3A_1396 = tpu.vector_load %arg11[%swap3A_1394, %swap3A_1395] {strides = array<i32>} : memref<128x128xf32, #tpu.memory_space<vmem>>, vector<1x16xf32>,
          %swap3A_1397 = vector.shape_cast %swap3A_1396 : vector<1x16xf32> to vector<16xf32>
          %swap3A_1398 = vector.shape_cast %mul3A_1393 : vector<16xf32> to vector<1x16xf32>
          tpu.vector_store %arg11[%swap3A_1394, %swap3A_1395], %swap3A_1398 {strides = array<i32>} : memref<128x128xf32, #tpu.memory_space<vmem>>, vector<1x16xf32>,
          %get3A_1399 = arith.index_cast %add3A_1365 : i32 to index
          %get3A_1400 = arith.constant 48 : index
          %get3A_1401 = tpu.vector_load %arg11[%get3A_1399, %get3A_1400] {strides = array<i32>} : memref<128x128xf32, #tpu.memory_space<vmem>>, vector<1x16xf32>,
          %get3A_1402 = vector.shape_cast %get3A_1401 : vector<1x16xf32> to vector<16xf32>
          %mul3A_1403 = vector.broadcast %squeeze3A_1361 : f32 to vector<16xf32>
          %mul3A_1404 = arith.mulf %get3A_1402, %mul3A_1403 : vector<16xf32>
          %swap3A_1405 = arith.index_cast %add3A_1365 : i32 to index
          %swap3A_1406 = arith.constant 48 : index
          %swap3A_1407 = tpu.vector_load %arg11[%swap3A_1405, %swap3A_1406] {strides = array<i32>} : memref<128x128xf32, #tpu.memory_space<vmem>>, vector<1x16xf32>,
          %swap3A_1408 = vector.shape_cast %swap3A_1407 : vector<1x16xf32> to vector<16xf32>
          %swap3A_1409 = vector.shape_cast %mul3A_1404 : vector<16xf32> to vector<1x16xf32>
          tpu.vector_store %arg11[%swap3A_1405, %swap3A_1406], %swap3A_1409 {strides = array<i32>} : memref<128x128xf32, #tpu.memory_space<vmem>>, vector<1x16xf32>,
          %get3A_1410 = arith.index_cast %add3A_1365 : i32 to index
          %get3A_1411 = arith.constant 64 : index
          %get3A_1412 = tpu.vector_load %arg11[%get3A_1410, %get3A_1411] {strides = array<i32>} : memref<128x128xf32, #tpu.memory_space<vmem>>, vector<1x16xf32>,
          %get3A_1413 = vector.shape_cast %get3A_1412 : vector<1x16xf32> to vector<16xf32>
          %mul3A_1414 = vector.broadcast %squeeze3A_1361 : f32 to vector<16xf32>
          %mul3A_1415 = arith.mulf %get3A_1413, %mul3A_1414 : vector<16xf32>
          %swap3A_1416 = arith.index_cast %add3A_1365 : i32 to index
          %swap3A_1417 = arith.constant 64 : index
          %swap3A_1418 = tpu.vector_load %arg11[%swap3A_1416, %swap3A_1417] {strides = array<i32>} : memref<128x128xf32, #tpu.memory_space<vmem>>, vector<1x16xf32>,
          %swap3A_1419 = vector.shape_cast %swap3A_1418 : vector<1x16xf32> to vector<16xf32>
          %swap3A_1420 = vector.shape_cast %mul3A_1415 : vector<16xf32> to vector<1x16xf32>
          tpu.vector_store %arg11[%swap3A_1416, %swap3A_1417], %swap3A_1420 {strides = array<i32>} : memref<128x128xf32, #tpu.memory_space<vmem>>, vector<1x16xf32>,
          %get3A_1421 = arith.index_cast %add3A_1365 : i32 to index
          %get3A_1422 = arith.constant 80 : index
          %get3A_1423 = tpu.vector_load %arg11[%get3A_1421, %get3A_1422] {strides = array<i32>} : memref<128x128xf32, #tpu.memory_space<vmem>>, vector<1x16xf32>,
          %get3A_1424 = vector.shape_cast %get3A_1423 : vector<1x16xf32> to vector<16xf32>
          %mul3A_1425 = vector.broadcast %squeeze3A_1361 : f32 to vector<16xf32>
          %mul3A_1426 = arith.mulf %get3A_1424, %mul3A_1425 : vector<16xf32>
          %swap3A_1427 = arith.index_cast %add3A_1365 : i32 to index
          %swap3A_1428 = arith.constant 80 : index
          %swap3A_1429 = tpu.vector_load %arg11[%swap3A_1427, %swap3A_1428] {strides = array<i32>} : memref<128x128xf32, #tpu.memory_space<vmem>>, vector<1x16xf32>,
          %swap3A_1430 = vector.shape_cast %swap3A_1429 : vector<1x16xf32> to vector<16xf32>
          %swap3A_1431 = vector.shape_cast %mul3A_1426 : vector<16xf32> to vector<1x16xf32>
          tpu.vector_store %arg11[%swap3A_1427, %swap3A_1428], %swap3A_1431 {strides = array<i32>} : memref<128x128xf32, #tpu.memory_space<vmem>>, vector<1x16xf32>,
          %get3A_1432 = arith.index_cast %add3A_1365 : i32 to index
          %get3A_1433 = arith.constant 96 : index
          %get3A_1434 = tpu.vector_load %arg11[%get3A_1432, %get3A_1433] {strides = array<i32>} : memref<128x128xf32, #tpu.memory_space<vmem>>, vector<1x16xf32>,
          %get3A_1435 = vector.shape_cast %get3A_1434 : vector<1x16xf32> to vector<16xf32>
          %mul3A_1436 = vector.broadcast %squeeze3A_1361 : f32 to vector<16xf32>
          %mul3A_1437 = arith.mulf %get3A_1435, %mul3A_1436 : vector<16xf32>
          %swap3A_1438 = arith.index_cast %add3A_1365 : i32 to index
          %swap3A_1439 = arith.constant 96 : index
          %swap3A_1440 = tpu.vector_load %arg11[%swap3A_1438, %swap3A_1439] {strides = array<i32>} : memref<128x128xf32, #tpu.memory_space<vmem>>, vector<1x16xf32>,
          %swap3A_1441 = vector.shape_cast %swap3A_1440 : vector<1x16xf32> to vector<16xf32>
          %swap3A_1442 = vector.shape_cast %mul3A_1437 : vector<16xf32> to vector<1x16xf32>
          tpu.vector_store %arg11[%swap3A_1438, %swap3A_1439], %swap3A_1442 {strides = array<i32>} : memref<128x128xf32, #tpu.memory_space<vmem>>, vector<1x16xf32>,
          %get3A_1443 = arith.index_cast %add3A_1365 : i32 to index
          %get3A_1444 = arith.constant 112 : index
          %get3A_1445 = tpu.vector_load %arg11[%get3A_1443, %get3A_1444] {strides = array<i32>} : memref<128x128xf32, #tpu.memory_space<vmem>>, vector<1x16xf32>,
          %get3A_1446 = vector.shape_cast %get3A_1445 : vector<1x16xf32> to vector<16xf32>
          %mul3A_1447 = vector.broadcast %squeeze3A_1361 : f32 to vector<16xf32>
          %mul3A_1448 = arith.mulf %get3A_1446, %mul3A_1447 : vector<16xf32>
          %swap3A_1449 = arith.index_cast %add3A_1365 : i32 to index
          %swap3A_1450 = arith.constant 112 : index
          %swap3A_1451 = tpu.vector_load %arg11[%swap3A_1449, %swap3A_1450] {strides = array<i32>} : memref<128x128xf32, #tpu.memory_space<vmem>>, vector<1x16xf32>,
          %swap3A_1452 = vector.shape_cast %swap3A_1451 : vector<1x16xf32> to vector<16xf32>
          %swap3A_1453 = vector.shape_cast %mul3A_1448 : vector<16xf32> to vector<1x16xf32>
          tpu.vector_store %arg11[%swap3A_1449, %swap3A_1450], %swap3A_1453 {strides = array<i32>} : memref<128x128xf32, #tpu.memory_space<vmem>>, vector<1x16xf32>,
          %slice3A_1454 = vector.extract_strided_slice %get3A_46 {offsets = [15], sizes = [1], strides = [1]} : vector<16xf32> to vector<1xf32>
          %squeeze3A_1455 = vector.extract %slice3A_1454[0] : f32 from vector<1xf32>
          %mul3A_1456 = arith.constant 16 : i32
          %mul3A_1457 = arith.muli %scan3A_42, %mul3A_1456 : i32
          %add3A_1458 = arith.constant 15 : i32
          %add3A_1459 = arith.addi %mul3A_1457, %add3A_1458 : i32
          %get3A_1460 = arith.index_cast %add3A_1459 : i32 to index
          %get3A_1461 = arith.constant 0 : index
          %get3A_1462 = tpu.vector_load %arg11[%get3A_1460, %get3A_1461] {strides = array<i32>} : memref<128x128xf32, #tpu.memory_space<vmem>>, vector<1x16xf32>,
          %get3A_1463 = vector.shape_cast %get3A_1462 : vector<1x16xf32> to vector<16xf32>
          %mul3A_1464 = vector.broadcast %squeeze3A_1455 : f32 to vector<16xf32>
          %mul3A_1465 = arith.mulf %get3A_1463, %mul3A_1464 : vector<16xf32>
          %swap3A_1466 = arith.index_cast %add3A_1459 : i32 to index
          %swap3A_1467 = arith.constant 0 : index
          %swap3A_1468 = tpu.vector_load %arg11[%swap3A_1466, %swap3A_1467] {strides = array<i32>} : memref<128x128xf32, #tpu.memory_space<vmem>>, vector<1x16xf32>,
          %swap3A_1469 = vector.shape_cast %swap3A_1468 : vector<1x16xf32> to vector<16xf32>
          %swap3A_1470 = vector.shape_cast %mul3A_1465 : vector<16xf32> to vector<1x16xf32>
          tpu.vector_store %arg11[%swap3A_1466, %swap3A_1467], %swap3A_1470 {strides = array<i32>} : memref<128x128xf32, #tpu.memory_space<vmem>>, vector<1x16xf32>,
          %get3A_1471 = arith.index_cast %add3A_1459 : i32 to index
          %get3A_1472 = arith.constant 16 : index
          %get3A_1473 = tpu.vector_load %arg11[%get3A_1471, %get3A_1472] {strides = array<i32>} : memref<128x128xf32, #tpu.memory_space<vmem>>, vector<1x16xf32>,
          %get3A_1474 = vector.shape_cast %get3A_1473 : vector<1x16xf32> to vector<16xf32>
          %mul3A_1475 = vector.broadcast %squeeze3A_1455 : f32 to vector<16xf32>
          %mul3A_1476 = arith.mulf %get3A_1474, %mul3A_1475 : vector<16xf32>
          %swap3A_1477 = arith.index_cast %add3A_1459 : i32 to index
          %swap3A_1478 = arith.constant 16 : index
          %swap3A_1479 = tpu.vector_load %arg11[%swap3A_1477, %swap3A_1478] {strides = array<i32>} : memref<128x128xf32, #tpu.memory_space<vmem>>, vector<1x16xf32>,
          %swap3A_1480 = vector.shape_cast %swap3A_1479 : vector<1x16xf32> to vector<16xf32>
          %swap3A_1481 = vector.shape_cast %mul3A_1476 : vector<16xf32> to vector<1x16xf32>
          tpu.vector_store %arg11[%swap3A_1477, %swap3A_1478], %swap3A_1481 {strides = array<i32>} : memref<128x128xf32, #tpu.memory_space<vmem>>, vector<1x16xf32>,
          %get3A_1482 = arith.index_cast %add3A_1459 : i32 to index
          %get3A_1483 = arith.constant 32 : index
          %get3A_1484 = tpu.vector_load %arg11[%get3A_1482, %get3A_1483] {strides = array<i32>} : memref<128x128xf32, #tpu.memory_space<vmem>>, vector<1x16xf32>,
          %get3A_1485 = vector.shape_cast %get3A_1484 : vector<1x16xf32> to vector<16xf32>
          %mul3A_1486 = vector.broadcast %squeeze3A_1455 : f32 to vector<16xf32>
          %mul3A_1487 = arith.mulf %get3A_1485, %mul3A_1486 : vector<16xf32>
          %swap3A_1488 = arith.index_cast %add3A_1459 : i32 to index
          %swap3A_1489 = arith.constant 32 : index
          %swap3A_1490 = tpu.vector_load %arg11[%swap3A_1488, %swap3A_1489] {strides = array<i32>} : memref<128x128xf32, #tpu.memory_space<vmem>>, vector<1x16xf32>,
          %swap3A_1491 = vector.shape_cast %swap3A_1490 : vector<1x16xf32> to vector<16xf32>
          %swap3A_1492 = vector.shape_cast %mul3A_1487 : vector<16xf32> to vector<1x16xf32>
          tpu.vector_store %arg11[%swap3A_1488, %swap3A_1489], %swap3A_1492 {strides = array<i32>} : memref<128x128xf32, #tpu.memory_space<vmem>>, vector<1x16xf32>,
          %get3A_1493 = arith.index_cast %add3A_1459 : i32 to index
          %get3A_1494 = arith.constant 48 : index
          %get3A_1495 = tpu.vector_load %arg11[%get3A_1493, %get3A_1494] {strides = array<i32>} : memref<128x128xf32, #tpu.memory_space<vmem>>, vector<1x16xf32>,
          %get3A_1496 = vector.shape_cast %get3A_1495 : vector<1x16xf32> to vector<16xf32>
          %mul3A_1497 = vector.broadcast %squeeze3A_1455 : f32 to vector<16xf32>
          %mul3A_1498 = arith.mulf %get3A_1496, %mul3A_1497 : vector<16xf32>
          %swap3A_1499 = arith.index_cast %add3A_1459 : i32 to index
          %swap3A_1500 = arith.constant 48 : index
          %swap3A_1501 = tpu.vector_load %arg11[%swap3A_1499, %swap3A_1500] {strides = array<i32>} : memref<128x128xf32, #tpu.memory_space<vmem>>, vector<1x16xf32>,
          %swap3A_1502 = vector.shape_cast %swap3A_1501 : vector<1x16xf32> to vector<16xf32>
          %swap3A_1503 = vector.shape_cast %mul3A_1498 : vector<16xf32> to vector<1x16xf32>
          tpu.vector_store %arg11[%swap3A_1499, %swap3A_1500], %swap3A_1503 {strides = array<i32>} : memref<128x128xf32, #tpu.memory_space<vmem>>, vector<1x16xf32>,
          %get3A_1504 = arith.index_cast %add3A_1459 : i32 to index
          %get3A_1505 = arith.constant 64 : index
          %get3A_1506 = tpu.vector_load %arg11[%get3A_1504, %get3A_1505] {strides = array<i32>} : memref<128x128xf32, #tpu.memory_space<vmem>>, vector<1x16xf32>,
          %get3A_1507 = vector.shape_cast %get3A_1506 : vector<1x16xf32> to vector<16xf32>
          %mul3A_1508 = vector.broadcast %squeeze3A_1455 : f32 to vector<16xf32>
          %mul3A_1509 = arith.mulf %get3A_1507, %mul3A_1508 : vector<16xf32>
          %swap3A_1510 = arith.index_cast %add3A_1459 : i32 to index
          %swap3A_1511 = arith.constant 64 : index
          %swap3A_1512 = tpu.vector_load %arg11[%swap3A_1510, %swap3A_1511] {strides = array<i32>} : memref<128x128xf32, #tpu.memory_space<vmem>>, vector<1x16xf32>,
          %swap3A_1513 = vector.shape_cast %swap3A_1512 : vector<1x16xf32> to vector<16xf32>
          %swap3A_1514 = vector.shape_cast %mul3A_1509 : vector<16xf32> to vector<1x16xf32>
          tpu.vector_store %arg11[%swap3A_1510, %swap3A_1511], %swap3A_1514 {strides = array<i32>} : memref<128x128xf32, #tpu.memory_space<vmem>>, vector<1x16xf32>,
          %get3A_1515 = arith.index_cast %add3A_1459 : i32 to index
          %get3A_1516 = arith.constant 80 : index
          %get3A_1517 = tpu.vector_load %arg11[%get3A_1515, %get3A_1516] {strides = array<i32>} : memref<128x128xf32, #tpu.memory_space<vmem>>, vector<1x16xf32>,
          %get3A_1518 = vector.shape_cast %get3A_1517 : vector<1x16xf32> to vector<16xf32>
          %mul3A_1519 = vector.broadcast %squeeze3A_1455 : f32 to vector<16xf32>
          %mul3A_1520 = arith.mulf %get3A_1518, %mul3A_1519 : vector<16xf32>
          %swap3A_1521 = arith.index_cast %add3A_1459 : i32 to index
          %swap3A_1522 = arith.constant 80 : index
          %swap3A_1523 = tpu.vector_load %arg11[%swap3A_1521, %swap3A_1522] {strides = array<i32>} : memref<128x128xf32, #tpu.memory_space<vmem>>, vector<1x16xf32>,
          %swap3A_1524 = vector.shape_cast %swap3A_1523 : vector<1x16xf32> to vector<16xf32>
          %swap3A_1525 = vector.shape_cast %mul3A_1520 : vector<16xf32> to vector<1x16xf32>
          tpu.vector_store %arg11[%swap3A_1521, %swap3A_1522], %swap3A_1525 {strides = array<i32>} : memref<128x128xf32, #tpu.memory_space<vmem>>, vector<1x16xf32>,
          %get3A_1526 = arith.index_cast %add3A_1459 : i32 to index
          %get3A_1527 = arith.constant 96 : index
          %get3A_1528 = tpu.vector_load %arg11[%get3A_1526, %get3A_1527] {strides = array<i32>} : memref<128x128xf32, #tpu.memory_space<vmem>>, vector<1x16xf32>,
          %get3A_1529 = vector.shape_cast %get3A_1528 : vector<1x16xf32> to vector<16xf32>
          %mul3A_1530 = vector.broadcast %squeeze3A_1455 : f32 to vector<16xf32>
          %mul3A_1531 = arith.mulf %get3A_1529, %mul3A_1530 : vector<16xf32>
          %swap3A_1532 = arith.index_cast %add3A_1459 : i32 to index
          %swap3A_1533 = arith.constant 96 : index
          %swap3A_1534 = tpu.vector_load %arg11[%swap3A_1532, %swap3A_1533] {strides = array<i32>} : memref<128x128xf32, #tpu.memory_space<vmem>>, vector<1x16xf32>,
          %swap3A_1535 = vector.shape_cast %swap3A_1534 : vector<1x16xf32> to vector<16xf32>
          %swap3A_1536 = vector.shape_cast %mul3A_1531 : vector<16xf32> to vector<1x16xf32>
          tpu.vector_store %arg11[%swap3A_1532, %swap3A_1533], %swap3A_1536 {strides = array<i32>} : memref<128x128xf32, #tpu.memory_space<vmem>>, vector<1x16xf32>,
          %get3A_1537 = arith.index_cast %add3A_1459 : i32 to index
          %get3A_1538 = arith.constant 112 : index
          %get3A_1539 = tpu.vector_load %arg11[%get3A_1537, %get3A_1538] {strides = array<i32>} : memref<128x128xf32, #tpu.memory_space<vmem>>, vector<1x16xf32>,
          %get3A_1540 = vector.shape_cast %get3A_1539 : vector<1x16xf32> to vector<16xf32>
          %mul3A_1541 = vector.broadcast %squeeze3A_1455 : f32 to vector<16xf32>
          %mul3A_1542 = arith.mulf %get3A_1540, %mul3A_1541 : vector<16xf32>
          %swap3A_1543 = arith.index_cast %add3A_1459 : i32 to index
          %swap3A_1544 = arith.constant 112 : index
          %swap3A_1545 = tpu.vector_load %arg11[%swap3A_1543, %swap3A_1544] {strides = array<i32>} : memref<128x128xf32, #tpu.memory_space<vmem>>, vector<1x16xf32>,
          %swap3A_1546 = vector.shape_cast %swap3A_1545 : vector<1x16xf32> to vector<16xf32>
          %swap3A_1547 = vector.shape_cast %mul3A_1542 : vector<16xf32> to vector<1x16xf32>
          tpu.vector_store %arg11[%swap3A_1543, %swap3A_1544], %swap3A_1547 {strides = array<i32>} : memref<128x128xf32, #tpu.memory_space<vmem>>, vector<1x16xf32>,
        }
        %scan3A_41 = arith.constant 8 : i32
        "tpu.region"() ({
          %run_scoped3A = tpu.sem_alloc : memref<!tpu.dma_semaphore, #tpu.memory_space<semaphore_mem>>
          %dma_start3A_42 = arith.constant 0 : i32
          %dma_start3A_43 = arith.constant 0 : i32
          %dma_start3A_44 = tpu.memref_slice %arg12[%dma_start3A_42, %dma_start3A_43] : memref<10000x128xf32, #tpu.memory_space<vmem_shared>> -> memref<10000x128xf32, #tpu.memory_space<vmem_shared>>
          tpu.enqueue_indirect_dma source(%arg11 : memref<128x128xf32, #tpu.memory_space<vmem>>) target(%dma_start3A_44 : memref<10000x128xf32, #tpu.memory_space<vmem_shared>>) offsets(%arg9 : memref<128xi32, #tpu.memory_space<vmem>>) semaphore(%run_scoped3A : memref<!tpu.dma_semaphore, #tpu.memory_space<semaphore_mem>>) {add = true}
          %dma_wait3A_45 = arith.constant 0 : i32
          %dma_wait3A_46 = arith.constant 0 : i32
          %dma_wait3A_47 = tpu.memref_slice %arg12[%dma_wait3A_45, %dma_wait3A_46] : memref<10000x128xf32, #tpu.memory_space<vmem_shared>> -> memref<10000x128xf32, #tpu.memory_space<vmem_shared>>
          tpu.wait_indirect_dma semaphore(%run_scoped3A : memref<!tpu.dma_semaphore, #tpu.memory_space<semaphore_mem>>) src(%arg11 : memref<128x128xf32, #tpu.memory_space<vmem>>) dst(%dma_wait3A_47 : memref<10000x128xf32, #tpu.memory_space<vmem_shared>>)
          tpu.yield
        }) : () -> ()
      } else {
      }
    }
    %scan3A_10 = arith.constant 79 : i32
    %barrier3A_11 = arith.constant 0 : index
    tpu.barrier barrier_id(%barrier3A_11)
    %lt3A_12 = arith.constant 15 : i32
    %lt3A_13 = arith.cmpi slt, %arg1, %lt3A_12 : i32
    %convert_element_type3A_14 = arith.extui %lt3A_13 : i1 to i32
    %cond3A_15 = arith.constant 0 : i32
    %cond3A_16 = arith.cmpi ne, %convert_element_type3A_14, %cond3A_15 : i32
    scf.if %cond3A_16 {
      %mul3A_22 = arith.constant 640 : i32
      %mul3A_23 = arith.muli %arg1, %mul3A_22 : i32
      %mul3A_24 = arith.constant 640 : i32
      %mul3A_25 = arith.muli %arg1, %mul3A_24 : i32
      "tpu.region"() ({
        %run_scoped3A = tpu.sem_alloc : memref<!tpu.dma_semaphore, #tpu.memory_space<semaphore_mem>>
        %dma_start3A = arith.constant 0 : i32
        %dma_start3A_26 = tpu.memref_slice %arg7[%arg0, %mul3A_25, %dma_start3A] : memref<2x10000x128xf32, #tpu.memory_space<hbm>> -> memref<1x640x128xf32, #tpu.memory_space<hbm>>
        %dma_start3A_27 = tpu.memref_squeeze %dma_start3A_26 : memref<1x640x128xf32, #tpu.memory_space<hbm>> -> memref<640x128xf32, #tpu.memory_space<hbm>>
        %dma_start3A_28 = arith.constant 0 : i32
        %dma_start3A_29 = tpu.memref_slice %arg12[%mul3A_23, %dma_start3A_28] : memref<10000x128xf32, #tpu.memory_space<vmem_shared>> -> memref<640x128xf32, #tpu.memory_space<vmem_shared>>
        tpu.enqueue_dma source(%dma_start3A_29 : memref<640x128xf32, #tpu.memory_space<vmem_shared>>) target(%dma_start3A_27 : memref<640x128xf32, #tpu.memory_space<hbm>>) target_semaphore(%run_scoped3A : memref<!tpu.dma_semaphore, #tpu.memory_space<semaphore_mem>>)
        %dma_wait3A = arith.constant 0 : i32
        %dma_wait3A_30 = tpu.memref_slice %arg7[%arg0, %mul3A_25, %dma_wait3A] : memref<2x10000x128xf32, #tpu.memory_space<hbm>> -> memref<1x640x128xf32, #tpu.memory_space<hbm>>
        %dma_wait3A_31 = tpu.memref_squeeze %dma_wait3A_30 : memref<1x640x128xf32, #tpu.memory_space<hbm>> -> memref<640x128xf32, #tpu.memory_space<hbm>>
        %dma_wait3A_32 = arith.constant 0 : i32
        %dma_wait3A_33 = tpu.memref_slice %arg12[%mul3A_23, %dma_wait3A_32] : memref<10000x128xf32, #tpu.memory_space<vmem_shared>> -> memref<640x128xf32, #tpu.memory_space<vmem_shared>>
        tpu.wait_dma2 semaphore(%run_scoped3A : memref<!tpu.dma_semaphore, #tpu.memory_space<semaphore_mem>>) src(%dma_wait3A_33 : memref<640x128xf32, #tpu.memory_space<vmem_shared>>) dst(%dma_wait3A_31 : memref<640x128xf32, #tpu.memory_space<hbm>>)
        tpu.yield
      }) : () -> ()
    } else {
    }
    %eq3A_17 = arith.constant 15 : i32
    %eq3A_18 = arith.cmpi eq, %arg1, %eq3A_17 : i32
    %convert_element_type3A_19 = arith.extui %eq3A_18 : i1 to i32
    %cond3A_20 = arith.constant 0 : i32
    %cond3A_21 = arith.cmpi ne, %convert_element_type3A_19, %cond3A_20 : i32
    scf.if %cond3A_21 {
      "tpu.region"() ({
        %run_scoped3A = tpu.sem_alloc : memref<!tpu.dma_semaphore, #tpu.memory_space<semaphore_mem>>
        %dma_start3A = arith.constant 9600 : i32
        %dma_start3A_22 = arith.constant 0 : i32
        %dma_start3A_23 = tpu.memref_slice %arg7[%arg0, %dma_start3A, %dma_start3A_22] : memref<2x10000x128xf32, #tpu.memory_space<hbm>> -> memref<1x400x128xf32, #tpu.memory_space<hbm>>
        %dma_start3A_24 = tpu.memref_squeeze %dma_start3A_23 : memref<1x400x128xf32, #tpu.memory_space<hbm>> -> memref<400x128xf32, #tpu.memory_space<hbm>>
        %dma_start3A_25 = arith.constant 9600 : i32
        %dma_start3A_26 = arith.constant 0 : i32
        %dma_start3A_27 = tpu.memref_slice %arg12[%dma_start3A_25, %dma_start3A_26] : memref<10000x128xf32, #tpu.memory_space<vmem_shared>> -> memref<400x128xf32, #tpu.memory_space<vmem_shared>>
        tpu.enqueue_dma source(%dma_start3A_27 : memref<400x128xf32, #tpu.memory_space<vmem_shared>>) target(%dma_start3A_24 : memref<400x128xf32, #tpu.memory_space<hbm>>) target_semaphore(%run_scoped3A : memref<!tpu.dma_semaphore, #tpu.memory_space<semaphore_mem>>)
        %dma_wait3A = arith.constant 9600 : i32
        %dma_wait3A_28 = arith.constant 0 : i32
        %dma_wait3A_29 = tpu.memref_slice %arg7[%arg0, %dma_wait3A, %dma_wait3A_28] : memref<2x10000x128xf32, #tpu.memory_space<hbm>> -> memref<1x400x128xf32, #tpu.memory_space<hbm>>
        %dma_wait3A_30 = tpu.memref_squeeze %dma_wait3A_29 : memref<1x400x128xf32, #tpu.memory_space<hbm>> -> memref<400x128xf32, #tpu.memory_space<hbm>>
        %dma_wait3A_31 = arith.constant 9600 : i32
        %dma_wait3A_32 = arith.constant 0 : i32
        %dma_wait3A_33 = tpu.memref_slice %arg12[%dma_wait3A_31, %dma_wait3A_32] : memref<10000x128xf32, #tpu.memory_space<vmem_shared>> -> memref<400x128xf32, #tpu.memory_space<vmem_shared>>
        tpu.wait_dma2 semaphore(%run_scoped3A : memref<!tpu.dma_semaphore, #tpu.memory_space<semaphore_mem>>) src(%dma_wait3A_33 : memref<400x128xf32, #tpu.memory_space<vmem_shared>>) dst(%dma_wait3A_30 : memref<400x128xf32, #tpu.memory_space<hbm>>)
        tpu.yield
      }) : () -> ()
    } else {
    }
    return
  }
}

#map = affine_map<(d0, d1) -> (0, 0)>
#map1 = affine_map<(d0, d1) -> (0)>
#map2 = affine_map<(d0, d1) -> (0, 0, 0)>
module attributes {stable_mosaic.version = 14 : i64} {
  func.func @_sc_aggregate(%arg0: i32, %arg1: i32, %arg2: memref<10000x128xf32, #tpu.memory_space<hbm>>, %arg3: memref<320000xi32, #tpu.memory_space<hbm>>, %arg4: memref<320000xi32, #tpu.memory_space<hbm>>, %arg5: memref<320000xf32, #tpu.memory_space<hbm>>, %arg6: memref<640x128xf32, #tpu.memory_space<hbm>>, %arg7: memref<2x10000x128xf32, #tpu.memory_space<hbm>>, %arg8: memref<128xi32, #tpu.memory_space<vmem>>, %arg9: memref<128xi32, #tpu.memory_space<vmem>>, %arg10: memref<128xf32, #tpu.memory_space<vmem>>, %arg11: memref<128x128xf32, #tpu.memory_space<vmem>>, %arg12: memref<10000x128xf32, #tpu.memory_space<vmem_shared>>, %arg13: memref<!tpu.dma_semaphore, #tpu.memory_space<semaphore_mem>>) attributes {dimension_semantics = [#tpu.dimension_semantics<core_parallel>, #tpu.dimension_semantics<subcore_parallel>], iteration_bounds = array<i64: 2, 16>, scalar_prefetch = 0 : i64, scratch_operands = 6 : i64, tpu.core_type = #tpu.core_type<sc_vector_subcore>, window_params = [{transform_indices = #map}, {transform_indices = #map1}, {transform_indices = #map1}, {transform_indices = #map1}, {transform_indices = #map}, {transform_indices = #map2}]} {
    %mul3A = arith.constant 2 : i32
    %mul3A_0 = arith.muli %arg1, %mul3A : i32
    %add3A = arith.addi %mul3A_0, %arg0 : i32
    %lt3A = arith.constant 15 : i32
    %lt3A_1 = arith.cmpi slt, %arg1, %lt3A : i32
    %convert_element_type3A = arith.extui %lt3A_1 : i1 to i32
    %cond3A = arith.constant 0 : i32
    %cond3A_2 = arith.cmpi ne, %convert_element_type3A, %cond3A : i32
    scf.if %cond3A_2 {
      %mul3A_22 = arith.constant 640 : i32
      %mul3A_23 = arith.muli %arg1, %mul3A_22 : i32
      "tpu.region"() ({
        %run_scoped3A = tpu.sem_alloc : memref<!tpu.dma_semaphore, #tpu.memory_space<semaphore_mem>>
        %dma_start3A = arith.constant 0 : i32
        %dma_start3A_24 = tpu.memref_slice %arg12[%mul3A_23, %dma_start3A] : memref<10000x128xf32, #tpu.memory_space<vmem_shared>> -> memref<640x128xf32, #tpu.memory_space<vmem_shared>>
        tpu.enqueue_dma source(%arg6 : memref<640x128xf32, #tpu.memory_space<hbm>>) target(%dma_start3A_24 : memref<640x128xf32, #tpu.memory_space<vmem_shared>>) target_semaphore(%run_scoped3A : memref<!tpu.dma_semaphore, #tpu.memory_space<semaphore_mem>>)
        %dma_wait3A = arith.constant 0 : i32
        %dma_wait3A_25 = tpu.memref_slice %arg12[%mul3A_23, %dma_wait3A] : memref<10000x128xf32, #tpu.memory_space<vmem_shared>> -> memref<640x128xf32, #tpu.memory_space<vmem_shared>>
        tpu.wait_dma2 semaphore(%run_scoped3A : memref<!tpu.dma_semaphore, #tpu.memory_space<semaphore_mem>>) src(%arg6 : memref<640x128xf32, #tpu.memory_space<hbm>>) dst(%dma_wait3A_25 : memref<640x128xf32, #tpu.memory_space<vmem_shared>>)
        tpu.yield
      }) : () -> ()
    } else {
    }
    %eq3A = arith.constant 15 : i32
    %eq3A_3 = arith.cmpi eq, %arg1, %eq3A : i32
    %convert_element_type3A_4 = arith.extui %eq3A_3 : i1 to i32
    %cond3A_5 = arith.constant 0 : i32
    %cond3A_6 = arith.cmpi ne, %convert_element_type3A_4, %cond3A_5 : i32
    scf.if %cond3A_6 {
      "tpu.region"() ({
        %run_scoped3A = tpu.sem_alloc : memref<!tpu.dma_semaphore, #tpu.memory_space<semaphore_mem>>
        %dma_start3A = arith.constant 9600 : i32
        %dma_start3A_22 = arith.constant 0 : i32
        %dma_start3A_23 = tpu.memref_slice %arg12[%dma_start3A, %dma_start3A_22] : memref<10000x128xf32, #tpu.memory_space<vmem_shared>> -> memref<400x128xf32, #tpu.memory_space<vmem_shared>>
        %dma_start3A_24 = arith.constant 0 : i32
        %dma_start3A_25 = arith.constant 0 : i32
        %dma_start3A_26 = tpu.memref_slice %arg6[%dma_start3A_24, %dma_start3A_25] : memref<640x128xf32, #tpu.memory_space<hbm>> -> memref<400x128xf32, #tpu.memory_space<hbm>>
        tpu.enqueue_dma source(%dma_start3A_26 : memref<400x128xf32, #tpu.memory_space<hbm>>) target(%dma_start3A_23 : memref<400x128xf32, #tpu.memory_space<vmem_shared>>) target_semaphore(%run_scoped3A : memref<!tpu.dma_semaphore, #tpu.memory_space<semaphore_mem>>)
        %dma_wait3A = arith.constant 9600 : i32
        %dma_wait3A_27 = arith.constant 0 : i32
        %dma_wait3A_28 = tpu.memref_slice %arg12[%dma_wait3A, %dma_wait3A_27] : memref<10000x128xf32, #tpu.memory_space<vmem_shared>> -> memref<400x128xf32, #tpu.memory_space<vmem_shared>>
        %dma_wait3A_29 = arith.constant 0 : i32
        %dma_wait3A_30 = arith.constant 0 : i32
        %dma_wait3A_31 = tpu.memref_slice %arg6[%dma_wait3A_29, %dma_wait3A_30] : memref<640x128xf32, #tpu.memory_space<hbm>> -> memref<400x128xf32, #tpu.memory_space<hbm>>
        tpu.wait_dma2 semaphore(%run_scoped3A : memref<!tpu.dma_semaphore, #tpu.memory_space<semaphore_mem>>) src(%dma_wait3A_31 : memref<400x128xf32, #tpu.memory_space<hbm>>) dst(%dma_wait3A_28 : memref<400x128xf32, #tpu.memory_space<vmem_shared>>)
        tpu.yield
      }) : () -> ()
    } else {
    }
    %barrier3A = arith.constant 0 : index
    tpu.barrier barrier_id(%barrier3A)
    %scan3A = arith.constant 0 : i32
    %scan3A_7 = arith.constant 79 : i32
    %scan3A_8 = arith.addi %scan3A, %scan3A_7 : i32
    %scan3A_9 = arith.constant 1 : i32
    scf.for %scan3A_22 = %scan3A to %scan3A_8 step %scan3A_9  : i32 {
      %mul3A_23 = arith.constant 32 : i32
      %mul3A_24 = arith.muli %mul3A_23, %scan3A_22 : i32
      %add3A_25 = arith.addi %add3A, %mul3A_24 : i32
      %lt3A_26 = arith.constant 2500 : i32
      %lt3A_27 = arith.cmpi slt, %add3A_25, %lt3A_26 : i32
      %convert_element_type3A_28 = arith.extui %lt3A_27 : i1 to i32
      %cond3A_29 = arith.constant 0 : i32
      %cond3A_30 = arith.cmpi ne, %convert_element_type3A_28, %cond3A_29 : i32
      scf.if %cond3A_30 {
        %mul3A_31 = arith.constant 128 : i32
        %mul3A_32 = arith.muli %add3A_25, %mul3A_31 : i32
        "tpu.region"() ({
          %run_scoped3A = tpu.sem_alloc : memref<!tpu.dma_semaphore, #tpu.memory_space<semaphore_mem>>
          %dma_start3A_42 = tpu.memref_slice %arg3[%mul3A_32] : memref<320000xi32, #tpu.memory_space<hbm>> -> memref<128xi32, #tpu.memory_space<hbm>>
          %dma_start3A_43 = tpu.memref_slice %arg3[%mul3A_32] : memref<320000xi32, #tpu.memory_space<hbm>> -> memref<128xi32, #tpu.memory_space<hbm>>
          tpu.enqueue_dma source(%dma_start3A_43 : memref<128xi32, #tpu.memory_space<hbm>>) target(%arg8 : memref<128xi32, #tpu.memory_space<vmem>>) target_semaphore(%run_scoped3A : memref<!tpu.dma_semaphore, #tpu.memory_space<semaphore_mem>>)
          %dma_wait3A_44 = tpu.memref_slice %arg3[%mul3A_32] : memref<320000xi32, #tpu.memory_space<hbm>> -> memref<128xi32, #tpu.memory_space<hbm>>
          %dma_wait3A_45 = tpu.memref_slice %arg3[%mul3A_32] : memref<320000xi32, #tpu.memory_space<hbm>> -> memref<128xi32, #tpu.memory_space<hbm>>
          tpu.wait_dma2 semaphore(%run_scoped3A : memref<!tpu.dma_semaphore, #tpu.memory_space<semaphore_mem>>) src(%dma_wait3A_45 : memref<128xi32, #tpu.memory_space<hbm>>) dst(%arg8 : memref<128xi32, #tpu.memory_space<vmem>>)
          tpu.yield
        }) : () -> ()
        "tpu.region"() ({
          %run_scoped3A = tpu.sem_alloc : memref<!tpu.dma_semaphore, #tpu.memory_space<semaphore_mem>>
          %dma_start3A_42 = tpu.memref_slice %arg4[%mul3A_32] : memref<320000xi32, #tpu.memory_space<hbm>> -> memref<128xi32, #tpu.memory_space<hbm>>
          %dma_start3A_43 = tpu.memref_slice %arg4[%mul3A_32] : memref<320000xi32, #tpu.memory_space<hbm>> -> memref<128xi32, #tpu.memory_space<hbm>>
          tpu.enqueue_dma source(%dma_start3A_43 : memref<128xi32, #tpu.memory_space<hbm>>) target(%arg9 : memref<128xi32, #tpu.memory_space<vmem>>) target_semaphore(%run_scoped3A : memref<!tpu.dma_semaphore, #tpu.memory_space<semaphore_mem>>)
          %dma_wait3A_44 = tpu.memref_slice %arg4[%mul3A_32] : memref<320000xi32, #tpu.memory_space<hbm>> -> memref<128xi32, #tpu.memory_space<hbm>>
          %dma_wait3A_45 = tpu.memref_slice %arg4[%mul3A_32] : memref<320000xi32, #tpu.memory_space<hbm>> -> memref<128xi32, #tpu.memory_space<hbm>>
          tpu.wait_dma2 semaphore(%run_scoped3A : memref<!tpu.dma_semaphore, #tpu.memory_space<semaphore_mem>>) src(%dma_wait3A_45 : memref<128xi32, #tpu.memory_space<hbm>>) dst(%arg9 : memref<128xi32, #tpu.memory_space<vmem>>)
          tpu.yield
        }) : () -> ()
        "tpu.region"() ({
          %run_scoped3A = tpu.sem_alloc : memref<!tpu.dma_semaphore, #tpu.memory_space<semaphore_mem>>
          %dma_start3A_42 = tpu.memref_slice %arg5[%mul3A_32] : memref<320000xf32, #tpu.memory_space<hbm>> -> memref<128xf32, #tpu.memory_space<hbm>>
          %dma_start3A_43 = tpu.memref_slice %arg5[%mul3A_32] : memref<320000xf32, #tpu.memory_space<hbm>> -> memref<128xf32, #tpu.memory_space<hbm>>
          tpu.enqueue_dma source(%dma_start3A_43 : memref<128xf32, #tpu.memory_space<hbm>>) target(%arg10 : memref<128xf32, #tpu.memory_space<vmem>>) target_semaphore(%run_scoped3A : memref<!tpu.dma_semaphore, #tpu.memory_space<semaphore_mem>>)
          %dma_wait3A_44 = tpu.memref_slice %arg5[%mul3A_32] : memref<320000xf32, #tpu.memory_space<hbm>> -> memref<128xf32, #tpu.memory_space<hbm>>
          %dma_wait3A_45 = tpu.memref_slice %arg5[%mul3A_32] : memref<320000xf32, #tpu.memory_space<hbm>> -> memref<128xf32, #tpu.memory_space<hbm>>
          tpu.wait_dma2 semaphore(%run_scoped3A : memref<!tpu.dma_semaphore, #tpu.memory_space<semaphore_mem>>) src(%dma_wait3A_45 : memref<128xf32, #tpu.memory_space<hbm>>) dst(%arg10 : memref<128xf32, #tpu.memory_space<vmem>>)
          tpu.yield
        }) : () -> ()
        %dma_start3A = arith.constant 0 : i32
        %dma_start3A_33 = arith.constant 0 : i32
        %dma_start3A_34 = tpu.memref_slice %arg2[%dma_start3A, %dma_start3A_33] : memref<10000x128xf32, #tpu.memory_space<hbm>> -> memref<10000x128xf32, #tpu.memory_space<hbm>>
        tpu.enqueue_indirect_dma source(%dma_start3A_34 : memref<10000x128xf32, #tpu.memory_space<hbm>>) target(%arg11 : memref<128x128xf32, #tpu.memory_space<vmem>>) offsets(%arg8 : memref<128xi32, #tpu.memory_space<vmem>>) semaphore(%arg13 : memref<!tpu.dma_semaphore, #tpu.memory_space<semaphore_mem>>)
        %dma_wait3A = arith.constant 0 : i32
        %dma_wait3A_35 = arith.constant 0 : i32
        %dma_wait3A_36 = tpu.memref_slice %arg2[%dma_wait3A, %dma_wait3A_35] : memref<10000x128xf32, #tpu.memory_space<hbm>> -> memref<10000x128xf32, #tpu.memory_space<hbm>>
        tpu.wait_indirect_dma semaphore(%arg13 : memref<!tpu.dma_semaphore, #tpu.memory_space<semaphore_mem>>) src(%dma_wait3A_36 : memref<10000x128xf32, #tpu.memory_space<hbm>>) dst(%arg11 : memref<128x128xf32, #tpu.memory_space<vmem>>)
        %scan3A_37 = arith.constant 0 : i32
        %scan3A_38 = arith.constant 8 : i32
        %scan3A_39 = arith.addi %scan3A_37, %scan3A_38 : i32
        %scan3A_40 = arith.constant 1 : i32
        scf.for %scan3A_42 = %scan3A_37 to %scan3A_39 step %scan3A_40  : i32 {
          %mul3A_43 = arith.constant 16 : i32
          %mul3A_44 = arith.muli %scan3A_42, %mul3A_43 : i32
          %get3A = arith.index_cast %mul3A_44 : i32 to index
          %get3A_45 = tpu.vector_load %arg10[%get3A] {strides = array<i32>} : memref<128xf32, #tpu.memory_space<vmem>>, vector<16xf32>,
          %get3A_46 = vector.shape_cast %get3A_45 : vector<16xf32> to vector<16xf32>
          %slice3A = vector.extract_strided_slice %get3A_46 {offsets = [0], sizes = [1], strides = [1]} : vector<16xf32> to vector<1xf32>
          %squeeze3A = vector.extract %slice3A[0] : f32 from vector<1xf32>
          %mul3A_47 = arith.constant 16 : i32
          %mul3A_48 = arith.muli %scan3A_42, %mul3A_47 : i32
          %add3A_49 = arith.constant 0 : i32
          %add3A_50 = arith.addi %mul3A_48, %add3A_49 : i32
          %get3A_51 = arith.index_cast %add3A_50 : i32 to index
          %get3A_52 = arith.constant 0 : index
          %get3A_53 = tpu.vector_load %arg11[%get3A_51, %get3A_52] {strides = array<i32>} : memref<128x128xf32, #tpu.memory_space<vmem>>, vector<1x16xf32>,
          %get3A_54 = vector.shape_cast %get3A_53 : vector<1x16xf32> to vector<16xf32>
          %mul3A_55 = vector.broadcast %squeeze3A : f32 to vector<16xf32>
          %mul3A_56 = arith.mulf %get3A_54, %mul3A_55 : vector<16xf32>
          %swap3A = arith.index_cast %add3A_50 : i32 to index
          %swap3A_57 = arith.constant 0 : index
          %swap3A_58 = tpu.vector_load %arg11[%swap3A, %swap3A_57] {strides = array<i32>} : memref<128x128xf32, #tpu.memory_space<vmem>>, vector<1x16xf32>,
          %swap3A_59 = vector.shape_cast %swap3A_58 : vector<1x16xf32> to vector<16xf32>
          %swap3A_60 = vector.shape_cast %mul3A_56 : vector<16xf32> to vector<1x16xf32>
          tpu.vector_store %arg11[%swap3A, %swap3A_57], %swap3A_60 {strides = array<i32>} : memref<128x128xf32, #tpu.memory_space<vmem>>, vector<1x16xf32>,
          %get3A_61 = arith.index_cast %add3A_50 : i32 to index
          %get3A_62 = arith.constant 16 : index
          %get3A_63 = tpu.vector_load %arg11[%get3A_61, %get3A_62] {strides = array<i32>} : memref<128x128xf32, #tpu.memory_space<vmem>>, vector<1x16xf32>,
          %get3A_64 = vector.shape_cast %get3A_63 : vector<1x16xf32> to vector<16xf32>
          %mul3A_65 = vector.broadcast %squeeze3A : f32 to vector<16xf32>
          %mul3A_66 = arith.mulf %get3A_64, %mul3A_65 : vector<16xf32>
          %swap3A_67 = arith.index_cast %add3A_50 : i32 to index
          %swap3A_68 = arith.constant 16 : index
          %swap3A_69 = tpu.vector_load %arg11[%swap3A_67, %swap3A_68] {strides = array<i32>} : memref<128x128xf32, #tpu.memory_space<vmem>>, vector<1x16xf32>,
          %swap3A_70 = vector.shape_cast %swap3A_69 : vector<1x16xf32> to vector<16xf32>
          %swap3A_71 = vector.shape_cast %mul3A_66 : vector<16xf32> to vector<1x16xf32>
          tpu.vector_store %arg11[%swap3A_67, %swap3A_68], %swap3A_71 {strides = array<i32>} : memref<128x128xf32, #tpu.memory_space<vmem>>, vector<1x16xf32>,
          %get3A_72 = arith.index_cast %add3A_50 : i32 to index
          %get3A_73 = arith.constant 32 : index
          %get3A_74 = tpu.vector_load %arg11[%get3A_72, %get3A_73] {strides = array<i32>} : memref<128x128xf32, #tpu.memory_space<vmem>>, vector<1x16xf32>,
          %get3A_75 = vector.shape_cast %get3A_74 : vector<1x16xf32> to vector<16xf32>
          %mul3A_76 = vector.broadcast %squeeze3A : f32 to vector<16xf32>
          %mul3A_77 = arith.mulf %get3A_75, %mul3A_76 : vector<16xf32>
          %swap3A_78 = arith.index_cast %add3A_50 : i32 to index
          %swap3A_79 = arith.constant 32 : index
          %swap3A_80 = tpu.vector_load %arg11[%swap3A_78, %swap3A_79] {strides = array<i32>} : memref<128x128xf32, #tpu.memory_space<vmem>>, vector<1x16xf32>,
          %swap3A_81 = vector.shape_cast %swap3A_80 : vector<1x16xf32> to vector<16xf32>
          %swap3A_82 = vector.shape_cast %mul3A_77 : vector<16xf32> to vector<1x16xf32>
          tpu.vector_store %arg11[%swap3A_78, %swap3A_79], %swap3A_82 {strides = array<i32>} : memref<128x128xf32, #tpu.memory_space<vmem>>, vector<1x16xf32>,
          %get3A_83 = arith.index_cast %add3A_50 : i32 to index
          %get3A_84 = arith.constant 48 : index
          %get3A_85 = tpu.vector_load %arg11[%get3A_83, %get3A_84] {strides = array<i32>} : memref<128x128xf32, #tpu.memory_space<vmem>>, vector<1x16xf32>,
          %get3A_86 = vector.shape_cast %get3A_85 : vector<1x16xf32> to vector<16xf32>
          %mul3A_87 = vector.broadcast %squeeze3A : f32 to vector<16xf32>
          %mul3A_88 = arith.mulf %get3A_86, %mul3A_87 : vector<16xf32>
          %swap3A_89 = arith.index_cast %add3A_50 : i32 to index
          %swap3A_90 = arith.constant 48 : index
          %swap3A_91 = tpu.vector_load %arg11[%swap3A_89, %swap3A_90] {strides = array<i32>} : memref<128x128xf32, #tpu.memory_space<vmem>>, vector<1x16xf32>,
          %swap3A_92 = vector.shape_cast %swap3A_91 : vector<1x16xf32> to vector<16xf32>
          %swap3A_93 = vector.shape_cast %mul3A_88 : vector<16xf32> to vector<1x16xf32>
          tpu.vector_store %arg11[%swap3A_89, %swap3A_90], %swap3A_93 {strides = array<i32>} : memref<128x128xf32, #tpu.memory_space<vmem>>, vector<1x16xf32>,
          %get3A_94 = arith.index_cast %add3A_50 : i32 to index
          %get3A_95 = arith.constant 64 : index
          %get3A_96 = tpu.vector_load %arg11[%get3A_94, %get3A_95] {strides = array<i32>} : memref<128x128xf32, #tpu.memory_space<vmem>>, vector<1x16xf32>,
          %get3A_97 = vector.shape_cast %get3A_96 : vector<1x16xf32> to vector<16xf32>
          %mul3A_98 = vector.broadcast %squeeze3A : f32 to vector<16xf32>
          %mul3A_99 = arith.mulf %get3A_97, %mul3A_98 : vector<16xf32>
          %swap3A_100 = arith.index_cast %add3A_50 : i32 to index
          %swap3A_101 = arith.constant 64 : index
          %swap3A_102 = tpu.vector_load %arg11[%swap3A_100, %swap3A_101] {strides = array<i32>} : memref<128x128xf32, #tpu.memory_space<vmem>>, vector<1x16xf32>,
          %swap3A_103 = vector.shape_cast %swap3A_102 : vector<1x16xf32> to vector<16xf32>
          %swap3A_104 = vector.shape_cast %mul3A_99 : vector<16xf32> to vector<1x16xf32>
          tpu.vector_store %arg11[%swap3A_100, %swap3A_101], %swap3A_104 {strides = array<i32>} : memref<128x128xf32, #tpu.memory_space<vmem>>, vector<1x16xf32>,
          %get3A_105 = arith.index_cast %add3A_50 : i32 to index
          %get3A_106 = arith.constant 80 : index
          %get3A_107 = tpu.vector_load %arg11[%get3A_105, %get3A_106] {strides = array<i32>} : memref<128x128xf32, #tpu.memory_space<vmem>>, vector<1x16xf32>,
          %get3A_108 = vector.shape_cast %get3A_107 : vector<1x16xf32> to vector<16xf32>
          %mul3A_109 = vector.broadcast %squeeze3A : f32 to vector<16xf32>
          %mul3A_110 = arith.mulf %get3A_108, %mul3A_109 : vector<16xf32>
          %swap3A_111 = arith.index_cast %add3A_50 : i32 to index
          %swap3A_112 = arith.constant 80 : index
          %swap3A_113 = tpu.vector_load %arg11[%swap3A_111, %swap3A_112] {strides = array<i32>} : memref<128x128xf32, #tpu.memory_space<vmem>>, vector<1x16xf32>,
          %swap3A_114 = vector.shape_cast %swap3A_113 : vector<1x16xf32> to vector<16xf32>
          %swap3A_115 = vector.shape_cast %mul3A_110 : vector<16xf32> to vector<1x16xf32>
          tpu.vector_store %arg11[%swap3A_111, %swap3A_112], %swap3A_115 {strides = array<i32>} : memref<128x128xf32, #tpu.memory_space<vmem>>, vector<1x16xf32>,
          %get3A_116 = arith.index_cast %add3A_50 : i32 to index
          %get3A_117 = arith.constant 96 : index
          %get3A_118 = tpu.vector_load %arg11[%get3A_116, %get3A_117] {strides = array<i32>} : memref<128x128xf32, #tpu.memory_space<vmem>>, vector<1x16xf32>,
          %get3A_119 = vector.shape_cast %get3A_118 : vector<1x16xf32> to vector<16xf32>
          %mul3A_120 = vector.broadcast %squeeze3A : f32 to vector<16xf32>
          %mul3A_121 = arith.mulf %get3A_119, %mul3A_120 : vector<16xf32>
          %swap3A_122 = arith.index_cast %add3A_50 : i32 to index
          %swap3A_123 = arith.constant 96 : index
          %swap3A_124 = tpu.vector_load %arg11[%swap3A_122, %swap3A_123] {strides = array<i32>} : memref<128x128xf32, #tpu.memory_space<vmem>>, vector<1x16xf32>,
          %swap3A_125 = vector.shape_cast %swap3A_124 : vector<1x16xf32> to vector<16xf32>
          %swap3A_126 = vector.shape_cast %mul3A_121 : vector<16xf32> to vector<1x16xf32>
          tpu.vector_store %arg11[%swap3A_122, %swap3A_123], %swap3A_126 {strides = array<i32>} : memref<128x128xf32, #tpu.memory_space<vmem>>, vector<1x16xf32>,
          %get3A_127 = arith.index_cast %add3A_50 : i32 to index
          %get3A_128 = arith.constant 112 : index
          %get3A_129 = tpu.vector_load %arg11[%get3A_127, %get3A_128] {strides = array<i32>} : memref<128x128xf32, #tpu.memory_space<vmem>>, vector<1x16xf32>,
          %get3A_130 = vector.shape_cast %get3A_129 : vector<1x16xf32> to vector<16xf32>
          %mul3A_131 = vector.broadcast %squeeze3A : f32 to vector<16xf32>
          %mul3A_132 = arith.mulf %get3A_130, %mul3A_131 : vector<16xf32>
          %swap3A_133 = arith.index_cast %add3A_50 : i32 to index
          %swap3A_134 = arith.constant 112 : index
          %swap3A_135 = tpu.vector_load %arg11[%swap3A_133, %swap3A_134] {strides = array<i32>} : memref<128x128xf32, #tpu.memory_space<vmem>>, vector<1x16xf32>,
          %swap3A_136 = vector.shape_cast %swap3A_135 : vector<1x16xf32> to vector<16xf32>
          %swap3A_137 = vector.shape_cast %mul3A_132 : vector<16xf32> to vector<1x16xf32>
          tpu.vector_store %arg11[%swap3A_133, %swap3A_134], %swap3A_137 {strides = array<i32>} : memref<128x128xf32, #tpu.memory_space<vmem>>, vector<1x16xf32>,
          %slice3A_138 = vector.extract_strided_slice %get3A_46 {offsets = [1], sizes = [1], strides = [1]} : vector<16xf32> to vector<1xf32>
          %squeeze3A_139 = vector.extract %slice3A_138[0] : f32 from vector<1xf32>
          %mul3A_140 = arith.constant 16 : i32
          %mul3A_141 = arith.muli %scan3A_42, %mul3A_140 : i32
          %add3A_142 = arith.constant 1 : i32
          %add3A_143 = arith.addi %mul3A_141, %add3A_142 : i32
          %get3A_144 = arith.index_cast %add3A_143 : i32 to index
          %get3A_145 = arith.constant 0 : index
          %get3A_146 = tpu.vector_load %arg11[%get3A_144, %get3A_145] {strides = array<i32>} : memref<128x128xf32, #tpu.memory_space<vmem>>, vector<1x16xf32>,
          %get3A_147 = vector.shape_cast %get3A_146 : vector<1x16xf32> to vector<16xf32>
          %mul3A_148 = vector.broadcast %squeeze3A_139 : f32 to vector<16xf32>
          %mul3A_149 = arith.mulf %get3A_147, %mul3A_148 : vector<16xf32>
          %swap3A_150 = arith.index_cast %add3A_143 : i32 to index
          %swap3A_151 = arith.constant 0 : index
          %swap3A_152 = tpu.vector_load %arg11[%swap3A_150, %swap3A_151] {strides = array<i32>} : memref<128x128xf32, #tpu.memory_space<vmem>>, vector<1x16xf32>,
          %swap3A_153 = vector.shape_cast %swap3A_152 : vector<1x16xf32> to vector<16xf32>
          %swap3A_154 = vector.shape_cast %mul3A_149 : vector<16xf32> to vector<1x16xf32>
          tpu.vector_store %arg11[%swap3A_150, %swap3A_151], %swap3A_154 {strides = array<i32>} : memref<128x128xf32, #tpu.memory_space<vmem>>, vector<1x16xf32>,
          %get3A_155 = arith.index_cast %add3A_143 : i32 to index
          %get3A_156 = arith.constant 16 : index
          %get3A_157 = tpu.vector_load %arg11[%get3A_155, %get3A_156] {strides = array<i32>} : memref<128x128xf32, #tpu.memory_space<vmem>>, vector<1x16xf32>,
          %get3A_158 = vector.shape_cast %get3A_157 : vector<1x16xf32> to vector<16xf32>
          %mul3A_159 = vector.broadcast %squeeze3A_139 : f32 to vector<16xf32>
          %mul3A_160 = arith.mulf %get3A_158, %mul3A_159 : vector<16xf32>
          %swap3A_161 = arith.index_cast %add3A_143 : i32 to index
          %swap3A_162 = arith.constant 16 : index
          %swap3A_163 = tpu.vector_load %arg11[%swap3A_161, %swap3A_162] {strides = array<i32>} : memref<128x128xf32, #tpu.memory_space<vmem>>, vector<1x16xf32>,
          %swap3A_164 = vector.shape_cast %swap3A_163 : vector<1x16xf32> to vector<16xf32>
          %swap3A_165 = vector.shape_cast %mul3A_160 : vector<16xf32> to vector<1x16xf32>
          tpu.vector_store %arg11[%swap3A_161, %swap3A_162], %swap3A_165 {strides = array<i32>} : memref<128x128xf32, #tpu.memory_space<vmem>>, vector<1x16xf32>,
          %get3A_166 = arith.index_cast %add3A_143 : i32 to index
          %get3A_167 = arith.constant 32 : index
          %get3A_168 = tpu.vector_load %arg11[%get3A_166, %get3A_167] {strides = array<i32>} : memref<128x128xf32, #tpu.memory_space<vmem>>, vector<1x16xf32>,
          %get3A_169 = vector.shape_cast %get3A_168 : vector<1x16xf32> to vector<16xf32>
          %mul3A_170 = vector.broadcast %squeeze3A_139 : f32 to vector<16xf32>
          %mul3A_171 = arith.mulf %get3A_169, %mul3A_170 : vector<16xf32>
          %swap3A_172 = arith.index_cast %add3A_143 : i32 to index
          %swap3A_173 = arith.constant 32 : index
          %swap3A_174 = tpu.vector_load %arg11[%swap3A_172, %swap3A_173] {strides = array<i32>} : memref<128x128xf32, #tpu.memory_space<vmem>>, vector<1x16xf32>,
          %swap3A_175 = vector.shape_cast %swap3A_174 : vector<1x16xf32> to vector<16xf32>
          %swap3A_176 = vector.shape_cast %mul3A_171 : vector<16xf32> to vector<1x16xf32>
          tpu.vector_store %arg11[%swap3A_172, %swap3A_173], %swap3A_176 {strides = array<i32>} : memref<128x128xf32, #tpu.memory_space<vmem>>, vector<1x16xf32>,
          %get3A_177 = arith.index_cast %add3A_143 : i32 to index
          %get3A_178 = arith.constant 48 : index
          %get3A_179 = tpu.vector_load %arg11[%get3A_177, %get3A_178] {strides = array<i32>} : memref<128x128xf32, #tpu.memory_space<vmem>>, vector<1x16xf32>,
          %get3A_180 = vector.shape_cast %get3A_179 : vector<1x16xf32> to vector<16xf32>
          %mul3A_181 = vector.broadcast %squeeze3A_139 : f32 to vector<16xf32>
          %mul3A_182 = arith.mulf %get3A_180, %mul3A_181 : vector<16xf32>
          %swap3A_183 = arith.index_cast %add3A_143 : i32 to index
          %swap3A_184 = arith.constant 48 : index
          %swap3A_185 = tpu.vector_load %arg11[%swap3A_183, %swap3A_184] {strides = array<i32>} : memref<128x128xf32, #tpu.memory_space<vmem>>, vector<1x16xf32>,
          %swap3A_186 = vector.shape_cast %swap3A_185 : vector<1x16xf32> to vector<16xf32>
          %swap3A_187 = vector.shape_cast %mul3A_182 : vector<16xf32> to vector<1x16xf32>
          tpu.vector_store %arg11[%swap3A_183, %swap3A_184], %swap3A_187 {strides = array<i32>} : memref<128x128xf32, #tpu.memory_space<vmem>>, vector<1x16xf32>,
          %get3A_188 = arith.index_cast %add3A_143 : i32 to index
          %get3A_189 = arith.constant 64 : index
          %get3A_190 = tpu.vector_load %arg11[%get3A_188, %get3A_189] {strides = array<i32>} : memref<128x128xf32, #tpu.memory_space<vmem>>, vector<1x16xf32>,
          %get3A_191 = vector.shape_cast %get3A_190 : vector<1x16xf32> to vector<16xf32>
          %mul3A_192 = vector.broadcast %squeeze3A_139 : f32 to vector<16xf32>
          %mul3A_193 = arith.mulf %get3A_191, %mul3A_192 : vector<16xf32>
          %swap3A_194 = arith.index_cast %add3A_143 : i32 to index
          %swap3A_195 = arith.constant 64 : index
          %swap3A_196 = tpu.vector_load %arg11[%swap3A_194, %swap3A_195] {strides = array<i32>} : memref<128x128xf32, #tpu.memory_space<vmem>>, vector<1x16xf32>,
          %swap3A_197 = vector.shape_cast %swap3A_196 : vector<1x16xf32> to vector<16xf32>
          %swap3A_198 = vector.shape_cast %mul3A_193 : vector<16xf32> to vector<1x16xf32>
          tpu.vector_store %arg11[%swap3A_194, %swap3A_195], %swap3A_198 {strides = array<i32>} : memref<128x128xf32, #tpu.memory_space<vmem>>, vector<1x16xf32>,
          %get3A_199 = arith.index_cast %add3A_143 : i32 to index
          %get3A_200 = arith.constant 80 : index
          %get3A_201 = tpu.vector_load %arg11[%get3A_199, %get3A_200] {strides = array<i32>} : memref<128x128xf32, #tpu.memory_space<vmem>>, vector<1x16xf32>,
          %get3A_202 = vector.shape_cast %get3A_201 : vector<1x16xf32> to vector<16xf32>
          %mul3A_203 = vector.broadcast %squeeze3A_139 : f32 to vector<16xf32>
          %mul3A_204 = arith.mulf %get3A_202, %mul3A_203 : vector<16xf32>
          %swap3A_205 = arith.index_cast %add3A_143 : i32 to index
          %swap3A_206 = arith.constant 80 : index
          %swap3A_207 = tpu.vector_load %arg11[%swap3A_205, %swap3A_206] {strides = array<i32>} : memref<128x128xf32, #tpu.memory_space<vmem>>, vector<1x16xf32>,
          %swap3A_208 = vector.shape_cast %swap3A_207 : vector<1x16xf32> to vector<16xf32>
          %swap3A_209 = vector.shape_cast %mul3A_204 : vector<16xf32> to vector<1x16xf32>
          tpu.vector_store %arg11[%swap3A_205, %swap3A_206], %swap3A_209 {strides = array<i32>} : memref<128x128xf32, #tpu.memory_space<vmem>>, vector<1x16xf32>,
          %get3A_210 = arith.index_cast %add3A_143 : i32 to index
          %get3A_211 = arith.constant 96 : index
          %get3A_212 = tpu.vector_load %arg11[%get3A_210, %get3A_211] {strides = array<i32>} : memref<128x128xf32, #tpu.memory_space<vmem>>, vector<1x16xf32>,
          %get3A_213 = vector.shape_cast %get3A_212 : vector<1x16xf32> to vector<16xf32>
          %mul3A_214 = vector.broadcast %squeeze3A_139 : f32 to vector<16xf32>
          %mul3A_215 = arith.mulf %get3A_213, %mul3A_214 : vector<16xf32>
          %swap3A_216 = arith.index_cast %add3A_143 : i32 to index
          %swap3A_217 = arith.constant 96 : index
          %swap3A_218 = tpu.vector_load %arg11[%swap3A_216, %swap3A_217] {strides = array<i32>} : memref<128x128xf32, #tpu.memory_space<vmem>>, vector<1x16xf32>,
          %swap3A_219 = vector.shape_cast %swap3A_218 : vector<1x16xf32> to vector<16xf32>
          %swap3A_220 = vector.shape_cast %mul3A_215 : vector<16xf32> to vector<1x16xf32>
          tpu.vector_store %arg11[%swap3A_216, %swap3A_217], %swap3A_220 {strides = array<i32>} : memref<128x128xf32, #tpu.memory_space<vmem>>, vector<1x16xf32>,
          %get3A_221 = arith.index_cast %add3A_143 : i32 to index
          %get3A_222 = arith.constant 112 : index
          %get3A_223 = tpu.vector_load %arg11[%get3A_221, %get3A_222] {strides = array<i32>} : memref<128x128xf32, #tpu.memory_space<vmem>>, vector<1x16xf32>,
          %get3A_224 = vector.shape_cast %get3A_223 : vector<1x16xf32> to vector<16xf32>
          %mul3A_225 = vector.broadcast %squeeze3A_139 : f32 to vector<16xf32>
          %mul3A_226 = arith.mulf %get3A_224, %mul3A_225 : vector<16xf32>
          %swap3A_227 = arith.index_cast %add3A_143 : i32 to index
          %swap3A_228 = arith.constant 112 : index
          %swap3A_229 = tpu.vector_load %arg11[%swap3A_227, %swap3A_228] {strides = array<i32>} : memref<128x128xf32, #tpu.memory_space<vmem>>, vector<1x16xf32>,
          %swap3A_230 = vector.shape_cast %swap3A_229 : vector<1x16xf32> to vector<16xf32>
          %swap3A_231 = vector.shape_cast %mul3A_226 : vector<16xf32> to vector<1x16xf32>
          tpu.vector_store %arg11[%swap3A_227, %swap3A_228], %swap3A_231 {strides = array<i32>} : memref<128x128xf32, #tpu.memory_space<vmem>>, vector<1x16xf32>,
          %slice3A_232 = vector.extract_strided_slice %get3A_46 {offsets = [2], sizes = [1], strides = [1]} : vector<16xf32> to vector<1xf32>
          %squeeze3A_233 = vector.extract %slice3A_232[0] : f32 from vector<1xf32>
          %mul3A_234 = arith.constant 16 : i32
          %mul3A_235 = arith.muli %scan3A_42, %mul3A_234 : i32
          %add3A_236 = arith.constant 2 : i32
          %add3A_237 = arith.addi %mul3A_235, %add3A_236 : i32
          %get3A_238 = arith.index_cast %add3A_237 : i32 to index
          %get3A_239 = arith.constant 0 : index
          %get3A_240 = tpu.vector_load %arg11[%get3A_238, %get3A_239] {strides = array<i32>} : memref<128x128xf32, #tpu.memory_space<vmem>>, vector<1x16xf32>,
          %get3A_241 = vector.shape_cast %get3A_240 : vector<1x16xf32> to vector<16xf32>
          %mul3A_242 = vector.broadcast %squeeze3A_233 : f32 to vector<16xf32>
          %mul3A_243 = arith.mulf %get3A_241, %mul3A_242 : vector<16xf32>
          %swap3A_244 = arith.index_cast %add3A_237 : i32 to index
          %swap3A_245 = arith.constant 0 : index
          %swap3A_246 = tpu.vector_load %arg11[%swap3A_244, %swap3A_245] {strides = array<i32>} : memref<128x128xf32, #tpu.memory_space<vmem>>, vector<1x16xf32>,
          %swap3A_247 = vector.shape_cast %swap3A_246 : vector<1x16xf32> to vector<16xf32>
          %swap3A_248 = vector.shape_cast %mul3A_243 : vector<16xf32> to vector<1x16xf32>
          tpu.vector_store %arg11[%swap3A_244, %swap3A_245], %swap3A_248 {strides = array<i32>} : memref<128x128xf32, #tpu.memory_space<vmem>>, vector<1x16xf32>,
          %get3A_249 = arith.index_cast %add3A_237 : i32 to index
          %get3A_250 = arith.constant 16 : index
          %get3A_251 = tpu.vector_load %arg11[%get3A_249, %get3A_250] {strides = array<i32>} : memref<128x128xf32, #tpu.memory_space<vmem>>, vector<1x16xf32>,
          %get3A_252 = vector.shape_cast %get3A_251 : vector<1x16xf32> to vector<16xf32>
          %mul3A_253 = vector.broadcast %squeeze3A_233 : f32 to vector<16xf32>
          %mul3A_254 = arith.mulf %get3A_252, %mul3A_253 : vector<16xf32>
          %swap3A_255 = arith.index_cast %add3A_237 : i32 to index
          %swap3A_256 = arith.constant 16 : index
          %swap3A_257 = tpu.vector_load %arg11[%swap3A_255, %swap3A_256] {strides = array<i32>} : memref<128x128xf32, #tpu.memory_space<vmem>>, vector<1x16xf32>,
          %swap3A_258 = vector.shape_cast %swap3A_257 : vector<1x16xf32> to vector<16xf32>
          %swap3A_259 = vector.shape_cast %mul3A_254 : vector<16xf32> to vector<1x16xf32>
          tpu.vector_store %arg11[%swap3A_255, %swap3A_256], %swap3A_259 {strides = array<i32>} : memref<128x128xf32, #tpu.memory_space<vmem>>, vector<1x16xf32>,
          %get3A_260 = arith.index_cast %add3A_237 : i32 to index
          %get3A_261 = arith.constant 32 : index
          %get3A_262 = tpu.vector_load %arg11[%get3A_260, %get3A_261] {strides = array<i32>} : memref<128x128xf32, #tpu.memory_space<vmem>>, vector<1x16xf32>,
          %get3A_263 = vector.shape_cast %get3A_262 : vector<1x16xf32> to vector<16xf32>
          %mul3A_264 = vector.broadcast %squeeze3A_233 : f32 to vector<16xf32>
          %mul3A_265 = arith.mulf %get3A_263, %mul3A_264 : vector<16xf32>
          %swap3A_266 = arith.index_cast %add3A_237 : i32 to index
          %swap3A_267 = arith.constant 32 : index
          %swap3A_268 = tpu.vector_load %arg11[%swap3A_266, %swap3A_267] {strides = array<i32>} : memref<128x128xf32, #tpu.memory_space<vmem>>, vector<1x16xf32>,
          %swap3A_269 = vector.shape_cast %swap3A_268 : vector<1x16xf32> to vector<16xf32>
          %swap3A_270 = vector.shape_cast %mul3A_265 : vector<16xf32> to vector<1x16xf32>
          tpu.vector_store %arg11[%swap3A_266, %swap3A_267], %swap3A_270 {strides = array<i32>} : memref<128x128xf32, #tpu.memory_space<vmem>>, vector<1x16xf32>,
          %get3A_271 = arith.index_cast %add3A_237 : i32 to index
          %get3A_272 = arith.constant 48 : index
          %get3A_273 = tpu.vector_load %arg11[%get3A_271, %get3A_272] {strides = array<i32>} : memref<128x128xf32, #tpu.memory_space<vmem>>, vector<1x16xf32>,
          %get3A_274 = vector.shape_cast %get3A_273 : vector<1x16xf32> to vector<16xf32>
          %mul3A_275 = vector.broadcast %squeeze3A_233 : f32 to vector<16xf32>
          %mul3A_276 = arith.mulf %get3A_274, %mul3A_275 : vector<16xf32>
          %swap3A_277 = arith.index_cast %add3A_237 : i32 to index
          %swap3A_278 = arith.constant 48 : index
          %swap3A_279 = tpu.vector_load %arg11[%swap3A_277, %swap3A_278] {strides = array<i32>} : memref<128x128xf32, #tpu.memory_space<vmem>>, vector<1x16xf32>,
          %swap3A_280 = vector.shape_cast %swap3A_279 : vector<1x16xf32> to vector<16xf32>
          %swap3A_281 = vector.shape_cast %mul3A_276 : vector<16xf32> to vector<1x16xf32>
          tpu.vector_store %arg11[%swap3A_277, %swap3A_278], %swap3A_281 {strides = array<i32>} : memref<128x128xf32, #tpu.memory_space<vmem>>, vector<1x16xf32>,
          %get3A_282 = arith.index_cast %add3A_237 : i32 to index
          %get3A_283 = arith.constant 64 : index
          %get3A_284 = tpu.vector_load %arg11[%get3A_282, %get3A_283] {strides = array<i32>} : memref<128x128xf32, #tpu.memory_space<vmem>>, vector<1x16xf32>,
          %get3A_285 = vector.shape_cast %get3A_284 : vector<1x16xf32> to vector<16xf32>
          %mul3A_286 = vector.broadcast %squeeze3A_233 : f32 to vector<16xf32>
          %mul3A_287 = arith.mulf %get3A_285, %mul3A_286 : vector<16xf32>
          %swap3A_288 = arith.index_cast %add3A_237 : i32 to index
          %swap3A_289 = arith.constant 64 : index
          %swap3A_290 = tpu.vector_load %arg11[%swap3A_288, %swap3A_289] {strides = array<i32>} : memref<128x128xf32, #tpu.memory_space<vmem>>, vector<1x16xf32>,
          %swap3A_291 = vector.shape_cast %swap3A_290 : vector<1x16xf32> to vector<16xf32>
          %swap3A_292 = vector.shape_cast %mul3A_287 : vector<16xf32> to vector<1x16xf32>
          tpu.vector_store %arg11[%swap3A_288, %swap3A_289], %swap3A_292 {strides = array<i32>} : memref<128x128xf32, #tpu.memory_space<vmem>>, vector<1x16xf32>,
          %get3A_293 = arith.index_cast %add3A_237 : i32 to index
          %get3A_294 = arith.constant 80 : index
          %get3A_295 = tpu.vector_load %arg11[%get3A_293, %get3A_294] {strides = array<i32>} : memref<128x128xf32, #tpu.memory_space<vmem>>, vector<1x16xf32>,
          %get3A_296 = vector.shape_cast %get3A_295 : vector<1x16xf32> to vector<16xf32>
          %mul3A_297 = vector.broadcast %squeeze3A_233 : f32 to vector<16xf32>
          %mul3A_298 = arith.mulf %get3A_296, %mul3A_297 : vector<16xf32>
          %swap3A_299 = arith.index_cast %add3A_237 : i32 to index
          %swap3A_300 = arith.constant 80 : index
          %swap3A_301 = tpu.vector_load %arg11[%swap3A_299, %swap3A_300] {strides = array<i32>} : memref<128x128xf32, #tpu.memory_space<vmem>>, vector<1x16xf32>,
          %swap3A_302 = vector.shape_cast %swap3A_301 : vector<1x16xf32> to vector<16xf32>
          %swap3A_303 = vector.shape_cast %mul3A_298 : vector<16xf32> to vector<1x16xf32>
          tpu.vector_store %arg11[%swap3A_299, %swap3A_300], %swap3A_303 {strides = array<i32>} : memref<128x128xf32, #tpu.memory_space<vmem>>, vector<1x16xf32>,
          %get3A_304 = arith.index_cast %add3A_237 : i32 to index
          %get3A_305 = arith.constant 96 : index
          %get3A_306 = tpu.vector_load %arg11[%get3A_304, %get3A_305] {strides = array<i32>} : memref<128x128xf32, #tpu.memory_space<vmem>>, vector<1x16xf32>,
          %get3A_307 = vector.shape_cast %get3A_306 : vector<1x16xf32> to vector<16xf32>
          %mul3A_308 = vector.broadcast %squeeze3A_233 : f32 to vector<16xf32>
          %mul3A_309 = arith.mulf %get3A_307, %mul3A_308 : vector<16xf32>
          %swap3A_310 = arith.index_cast %add3A_237 : i32 to index
          %swap3A_311 = arith.constant 96 : index
          %swap3A_312 = tpu.vector_load %arg11[%swap3A_310, %swap3A_311] {strides = array<i32>} : memref<128x128xf32, #tpu.memory_space<vmem>>, vector<1x16xf32>,
          %swap3A_313 = vector.shape_cast %swap3A_312 : vector<1x16xf32> to vector<16xf32>
          %swap3A_314 = vector.shape_cast %mul3A_309 : vector<16xf32> to vector<1x16xf32>
          tpu.vector_store %arg11[%swap3A_310, %swap3A_311], %swap3A_314 {strides = array<i32>} : memref<128x128xf32, #tpu.memory_space<vmem>>, vector<1x16xf32>,
          %get3A_315 = arith.index_cast %add3A_237 : i32 to index
          %get3A_316 = arith.constant 112 : index
          %get3A_317 = tpu.vector_load %arg11[%get3A_315, %get3A_316] {strides = array<i32>} : memref<128x128xf32, #tpu.memory_space<vmem>>, vector<1x16xf32>,
          %get3A_318 = vector.shape_cast %get3A_317 : vector<1x16xf32> to vector<16xf32>
          %mul3A_319 = vector.broadcast %squeeze3A_233 : f32 to vector<16xf32>
          %mul3A_320 = arith.mulf %get3A_318, %mul3A_319 : vector<16xf32>
          %swap3A_321 = arith.index_cast %add3A_237 : i32 to index
          %swap3A_322 = arith.constant 112 : index
          %swap3A_323 = tpu.vector_load %arg11[%swap3A_321, %swap3A_322] {strides = array<i32>} : memref<128x128xf32, #tpu.memory_space<vmem>>, vector<1x16xf32>,
          %swap3A_324 = vector.shape_cast %swap3A_323 : vector<1x16xf32> to vector<16xf32>
          %swap3A_325 = vector.shape_cast %mul3A_320 : vector<16xf32> to vector<1x16xf32>
          tpu.vector_store %arg11[%swap3A_321, %swap3A_322], %swap3A_325 {strides = array<i32>} : memref<128x128xf32, #tpu.memory_space<vmem>>, vector<1x16xf32>,
          %slice3A_326 = vector.extract_strided_slice %get3A_46 {offsets = [3], sizes = [1], strides = [1]} : vector<16xf32> to vector<1xf32>
          %squeeze3A_327 = vector.extract %slice3A_326[0] : f32 from vector<1xf32>
          %mul3A_328 = arith.constant 16 : i32
          %mul3A_329 = arith.muli %scan3A_42, %mul3A_328 : i32
          %add3A_330 = arith.constant 3 : i32
          %add3A_331 = arith.addi %mul3A_329, %add3A_330 : i32
          %get3A_332 = arith.index_cast %add3A_331 : i32 to index
          %get3A_333 = arith.constant 0 : index
          %get3A_334 = tpu.vector_load %arg11[%get3A_332, %get3A_333] {strides = array<i32>} : memref<128x128xf32, #tpu.memory_space<vmem>>, vector<1x16xf32>,
          %get3A_335 = vector.shape_cast %get3A_334 : vector<1x16xf32> to vector<16xf32>
          %mul3A_336 = vector.broadcast %squeeze3A_327 : f32 to vector<16xf32>
          %mul3A_337 = arith.mulf %get3A_335, %mul3A_336 : vector<16xf32>
          %swap3A_338 = arith.index_cast %add3A_331 : i32 to index
          %swap3A_339 = arith.constant 0 : index
          %swap3A_340 = tpu.vector_load %arg11[%swap3A_338, %swap3A_339] {strides = array<i32>} : memref<128x128xf32, #tpu.memory_space<vmem>>, vector<1x16xf32>,
          %swap3A_341 = vector.shape_cast %swap3A_340 : vector<1x16xf32> to vector<16xf32>
          %swap3A_342 = vector.shape_cast %mul3A_337 : vector<16xf32> to vector<1x16xf32>
          tpu.vector_store %arg11[%swap3A_338, %swap3A_339], %swap3A_342 {strides = array<i32>} : memref<128x128xf32, #tpu.memory_space<vmem>>, vector<1x16xf32>,
          %get3A_343 = arith.index_cast %add3A_331 : i32 to index
          %get3A_344 = arith.constant 16 : index
          %get3A_345 = tpu.vector_load %arg11[%get3A_343, %get3A_344] {strides = array<i32>} : memref<128x128xf32, #tpu.memory_space<vmem>>, vector<1x16xf32>,
          %get3A_346 = vector.shape_cast %get3A_345 : vector<1x16xf32> to vector<16xf32>
          %mul3A_347 = vector.broadcast %squeeze3A_327 : f32 to vector<16xf32>
          %mul3A_348 = arith.mulf %get3A_346, %mul3A_347 : vector<16xf32>
          %swap3A_349 = arith.index_cast %add3A_331 : i32 to index
          %swap3A_350 = arith.constant 16 : index
          %swap3A_351 = tpu.vector_load %arg11[%swap3A_349, %swap3A_350] {strides = array<i32>} : memref<128x128xf32, #tpu.memory_space<vmem>>, vector<1x16xf32>,
          %swap3A_352 = vector.shape_cast %swap3A_351 : vector<1x16xf32> to vector<16xf32>
          %swap3A_353 = vector.shape_cast %mul3A_348 : vector<16xf32> to vector<1x16xf32>
          tpu.vector_store %arg11[%swap3A_349, %swap3A_350], %swap3A_353 {strides = array<i32>} : memref<128x128xf32, #tpu.memory_space<vmem>>, vector<1x16xf32>,
          %get3A_354 = arith.index_cast %add3A_331 : i32 to index
          %get3A_355 = arith.constant 32 : index
          %get3A_356 = tpu.vector_load %arg11[%get3A_354, %get3A_355] {strides = array<i32>} : memref<128x128xf32, #tpu.memory_space<vmem>>, vector<1x16xf32>,
          %get3A_357 = vector.shape_cast %get3A_356 : vector<1x16xf32> to vector<16xf32>
          %mul3A_358 = vector.broadcast %squeeze3A_327 : f32 to vector<16xf32>
          %mul3A_359 = arith.mulf %get3A_357, %mul3A_358 : vector<16xf32>
          %swap3A_360 = arith.index_cast %add3A_331 : i32 to index
          %swap3A_361 = arith.constant 32 : index
          %swap3A_362 = tpu.vector_load %arg11[%swap3A_360, %swap3A_361] {strides = array<i32>} : memref<128x128xf32, #tpu.memory_space<vmem>>, vector<1x16xf32>,
          %swap3A_363 = vector.shape_cast %swap3A_362 : vector<1x16xf32> to vector<16xf32>
          %swap3A_364 = vector.shape_cast %mul3A_359 : vector<16xf32> to vector<1x16xf32>
          tpu.vector_store %arg11[%swap3A_360, %swap3A_361], %swap3A_364 {strides = array<i32>} : memref<128x128xf32, #tpu.memory_space<vmem>>, vector<1x16xf32>,
          %get3A_365 = arith.index_cast %add3A_331 : i32 to index
          %get3A_366 = arith.constant 48 : index
          %get3A_367 = tpu.vector_load %arg11[%get3A_365, %get3A_366] {strides = array<i32>} : memref<128x128xf32, #tpu.memory_space<vmem>>, vector<1x16xf32>,
          %get3A_368 = vector.shape_cast %get3A_367 : vector<1x16xf32> to vector<16xf32>
          %mul3A_369 = vector.broadcast %squeeze3A_327 : f32 to vector<16xf32>
          %mul3A_370 = arith.mulf %get3A_368, %mul3A_369 : vector<16xf32>
          %swap3A_371 = arith.index_cast %add3A_331 : i32 to index
          %swap3A_372 = arith.constant 48 : index
          %swap3A_373 = tpu.vector_load %arg11[%swap3A_371, %swap3A_372] {strides = array<i32>} : memref<128x128xf32, #tpu.memory_space<vmem>>, vector<1x16xf32>,
          %swap3A_374 = vector.shape_cast %swap3A_373 : vector<1x16xf32> to vector<16xf32>
          %swap3A_375 = vector.shape_cast %mul3A_370 : vector<16xf32> to vector<1x16xf32>
          tpu.vector_store %arg11[%swap3A_371, %swap3A_372], %swap3A_375 {strides = array<i32>} : memref<128x128xf32, #tpu.memory_space<vmem>>, vector<1x16xf32>,
          %get3A_376 = arith.index_cast %add3A_331 : i32 to index
          %get3A_377 = arith.constant 64 : index
          %get3A_378 = tpu.vector_load %arg11[%get3A_376, %get3A_377] {strides = array<i32>} : memref<128x128xf32, #tpu.memory_space<vmem>>, vector<1x16xf32>,
          %get3A_379 = vector.shape_cast %get3A_378 : vector<1x16xf32> to vector<16xf32>
          %mul3A_380 = vector.broadcast %squeeze3A_327 : f32 to vector<16xf32>
          %mul3A_381 = arith.mulf %get3A_379, %mul3A_380 : vector<16xf32>
          %swap3A_382 = arith.index_cast %add3A_331 : i32 to index
          %swap3A_383 = arith.constant 64 : index
          %swap3A_384 = tpu.vector_load %arg11[%swap3A_382, %swap3A_383] {strides = array<i32>} : memref<128x128xf32, #tpu.memory_space<vmem>>, vector<1x16xf32>,
          %swap3A_385 = vector.shape_cast %swap3A_384 : vector<1x16xf32> to vector<16xf32>
          %swap3A_386 = vector.shape_cast %mul3A_381 : vector<16xf32> to vector<1x16xf32>
          tpu.vector_store %arg11[%swap3A_382, %swap3A_383], %swap3A_386 {strides = array<i32>} : memref<128x128xf32, #tpu.memory_space<vmem>>, vector<1x16xf32>,
          %get3A_387 = arith.index_cast %add3A_331 : i32 to index
          %get3A_388 = arith.constant 80 : index
          %get3A_389 = tpu.vector_load %arg11[%get3A_387, %get3A_388] {strides = array<i32>} : memref<128x128xf32, #tpu.memory_space<vmem>>, vector<1x16xf32>,
          %get3A_390 = vector.shape_cast %get3A_389 : vector<1x16xf32> to vector<16xf32>
          %mul3A_391 = vector.broadcast %squeeze3A_327 : f32 to vector<16xf32>
          %mul3A_392 = arith.mulf %get3A_390, %mul3A_391 : vector<16xf32>
          %swap3A_393 = arith.index_cast %add3A_331 : i32 to index
          %swap3A_394 = arith.constant 80 : index
          %swap3A_395 = tpu.vector_load %arg11[%swap3A_393, %swap3A_394] {strides = array<i32>} : memref<128x128xf32, #tpu.memory_space<vmem>>, vector<1x16xf32>,
          %swap3A_396 = vector.shape_cast %swap3A_395 : vector<1x16xf32> to vector<16xf32>
          %swap3A_397 = vector.shape_cast %mul3A_392 : vector<16xf32> to vector<1x16xf32>
          tpu.vector_store %arg11[%swap3A_393, %swap3A_394], %swap3A_397 {strides = array<i32>} : memref<128x128xf32, #tpu.memory_space<vmem>>, vector<1x16xf32>,
          %get3A_398 = arith.index_cast %add3A_331 : i32 to index
          %get3A_399 = arith.constant 96 : index
          %get3A_400 = tpu.vector_load %arg11[%get3A_398, %get3A_399] {strides = array<i32>} : memref<128x128xf32, #tpu.memory_space<vmem>>, vector<1x16xf32>,
          %get3A_401 = vector.shape_cast %get3A_400 : vector<1x16xf32> to vector<16xf32>
          %mul3A_402 = vector.broadcast %squeeze3A_327 : f32 to vector<16xf32>
          %mul3A_403 = arith.mulf %get3A_401, %mul3A_402 : vector<16xf32>
          %swap3A_404 = arith.index_cast %add3A_331 : i32 to index
          %swap3A_405 = arith.constant 96 : index
          %swap3A_406 = tpu.vector_load %arg11[%swap3A_404, %swap3A_405] {strides = array<i32>} : memref<128x128xf32, #tpu.memory_space<vmem>>, vector<1x16xf32>,
          %swap3A_407 = vector.shape_cast %swap3A_406 : vector<1x16xf32> to vector<16xf32>
          %swap3A_408 = vector.shape_cast %mul3A_403 : vector<16xf32> to vector<1x16xf32>
          tpu.vector_store %arg11[%swap3A_404, %swap3A_405], %swap3A_408 {strides = array<i32>} : memref<128x128xf32, #tpu.memory_space<vmem>>, vector<1x16xf32>,
          %get3A_409 = arith.index_cast %add3A_331 : i32 to index
          %get3A_410 = arith.constant 112 : index
          %get3A_411 = tpu.vector_load %arg11[%get3A_409, %get3A_410] {strides = array<i32>} : memref<128x128xf32, #tpu.memory_space<vmem>>, vector<1x16xf32>,
          %get3A_412 = vector.shape_cast %get3A_411 : vector<1x16xf32> to vector<16xf32>
          %mul3A_413 = vector.broadcast %squeeze3A_327 : f32 to vector<16xf32>
          %mul3A_414 = arith.mulf %get3A_412, %mul3A_413 : vector<16xf32>
          %swap3A_415 = arith.index_cast %add3A_331 : i32 to index
          %swap3A_416 = arith.constant 112 : index
          %swap3A_417 = tpu.vector_load %arg11[%swap3A_415, %swap3A_416] {strides = array<i32>} : memref<128x128xf32, #tpu.memory_space<vmem>>, vector<1x16xf32>,
          %swap3A_418 = vector.shape_cast %swap3A_417 : vector<1x16xf32> to vector<16xf32>
          %swap3A_419 = vector.shape_cast %mul3A_414 : vector<16xf32> to vector<1x16xf32>
          tpu.vector_store %arg11[%swap3A_415, %swap3A_416], %swap3A_419 {strides = array<i32>} : memref<128x128xf32, #tpu.memory_space<vmem>>, vector<1x16xf32>,
          %slice3A_420 = vector.extract_strided_slice %get3A_46 {offsets = [4], sizes = [1], strides = [1]} : vector<16xf32> to vector<1xf32>
          %squeeze3A_421 = vector.extract %slice3A_420[0] : f32 from vector<1xf32>
          %mul3A_422 = arith.constant 16 : i32
          %mul3A_423 = arith.muli %scan3A_42, %mul3A_422 : i32
          %add3A_424 = arith.constant 4 : i32
          %add3A_425 = arith.addi %mul3A_423, %add3A_424 : i32
          %get3A_426 = arith.index_cast %add3A_425 : i32 to index
          %get3A_427 = arith.constant 0 : index
          %get3A_428 = tpu.vector_load %arg11[%get3A_426, %get3A_427] {strides = array<i32>} : memref<128x128xf32, #tpu.memory_space<vmem>>, vector<1x16xf32>,
          %get3A_429 = vector.shape_cast %get3A_428 : vector<1x16xf32> to vector<16xf32>
          %mul3A_430 = vector.broadcast %squeeze3A_421 : f32 to vector<16xf32>
          %mul3A_431 = arith.mulf %get3A_429, %mul3A_430 : vector<16xf32>
          %swap3A_432 = arith.index_cast %add3A_425 : i32 to index
          %swap3A_433 = arith.constant 0 : index
          %swap3A_434 = tpu.vector_load %arg11[%swap3A_432, %swap3A_433] {strides = array<i32>} : memref<128x128xf32, #tpu.memory_space<vmem>>, vector<1x16xf32>,
          %swap3A_435 = vector.shape_cast %swap3A_434 : vector<1x16xf32> to vector<16xf32>
          %swap3A_436 = vector.shape_cast %mul3A_431 : vector<16xf32> to vector<1x16xf32>
          tpu.vector_store %arg11[%swap3A_432, %swap3A_433], %swap3A_436 {strides = array<i32>} : memref<128x128xf32, #tpu.memory_space<vmem>>, vector<1x16xf32>,
          %get3A_437 = arith.index_cast %add3A_425 : i32 to index
          %get3A_438 = arith.constant 16 : index
          %get3A_439 = tpu.vector_load %arg11[%get3A_437, %get3A_438] {strides = array<i32>} : memref<128x128xf32, #tpu.memory_space<vmem>>, vector<1x16xf32>,
          %get3A_440 = vector.shape_cast %get3A_439 : vector<1x16xf32> to vector<16xf32>
          %mul3A_441 = vector.broadcast %squeeze3A_421 : f32 to vector<16xf32>
          %mul3A_442 = arith.mulf %get3A_440, %mul3A_441 : vector<16xf32>
          %swap3A_443 = arith.index_cast %add3A_425 : i32 to index
          %swap3A_444 = arith.constant 16 : index
          %swap3A_445 = tpu.vector_load %arg11[%swap3A_443, %swap3A_444] {strides = array<i32>} : memref<128x128xf32, #tpu.memory_space<vmem>>, vector<1x16xf32>,
          %swap3A_446 = vector.shape_cast %swap3A_445 : vector<1x16xf32> to vector<16xf32>
          %swap3A_447 = vector.shape_cast %mul3A_442 : vector<16xf32> to vector<1x16xf32>
          tpu.vector_store %arg11[%swap3A_443, %swap3A_444], %swap3A_447 {strides = array<i32>} : memref<128x128xf32, #tpu.memory_space<vmem>>, vector<1x16xf32>,
          %get3A_448 = arith.index_cast %add3A_425 : i32 to index
          %get3A_449 = arith.constant 32 : index
          %get3A_450 = tpu.vector_load %arg11[%get3A_448, %get3A_449] {strides = array<i32>} : memref<128x128xf32, #tpu.memory_space<vmem>>, vector<1x16xf32>,
          %get3A_451 = vector.shape_cast %get3A_450 : vector<1x16xf32> to vector<16xf32>
          %mul3A_452 = vector.broadcast %squeeze3A_421 : f32 to vector<16xf32>
          %mul3A_453 = arith.mulf %get3A_451, %mul3A_452 : vector<16xf32>
          %swap3A_454 = arith.index_cast %add3A_425 : i32 to index
          %swap3A_455 = arith.constant 32 : index
          %swap3A_456 = tpu.vector_load %arg11[%swap3A_454, %swap3A_455] {strides = array<i32>} : memref<128x128xf32, #tpu.memory_space<vmem>>, vector<1x16xf32>,
          %swap3A_457 = vector.shape_cast %swap3A_456 : vector<1x16xf32> to vector<16xf32>
          %swap3A_458 = vector.shape_cast %mul3A_453 : vector<16xf32> to vector<1x16xf32>
          tpu.vector_store %arg11[%swap3A_454, %swap3A_455], %swap3A_458 {strides = array<i32>} : memref<128x128xf32, #tpu.memory_space<vmem>>, vector<1x16xf32>,
          %get3A_459 = arith.index_cast %add3A_425 : i32 to index
          %get3A_460 = arith.constant 48 : index
          %get3A_461 = tpu.vector_load %arg11[%get3A_459, %get3A_460] {strides = array<i32>} : memref<128x128xf32, #tpu.memory_space<vmem>>, vector<1x16xf32>,
          %get3A_462 = vector.shape_cast %get3A_461 : vector<1x16xf32> to vector<16xf32>
          %mul3A_463 = vector.broadcast %squeeze3A_421 : f32 to vector<16xf32>
          %mul3A_464 = arith.mulf %get3A_462, %mul3A_463 : vector<16xf32>
          %swap3A_465 = arith.index_cast %add3A_425 : i32 to index
          %swap3A_466 = arith.constant 48 : index
          %swap3A_467 = tpu.vector_load %arg11[%swap3A_465, %swap3A_466] {strides = array<i32>} : memref<128x128xf32, #tpu.memory_space<vmem>>, vector<1x16xf32>,
          %swap3A_468 = vector.shape_cast %swap3A_467 : vector<1x16xf32> to vector<16xf32>
          %swap3A_469 = vector.shape_cast %mul3A_464 : vector<16xf32> to vector<1x16xf32>
          tpu.vector_store %arg11[%swap3A_465, %swap3A_466], %swap3A_469 {strides = array<i32>} : memref<128x128xf32, #tpu.memory_space<vmem>>, vector<1x16xf32>,
          %get3A_470 = arith.index_cast %add3A_425 : i32 to index
          %get3A_471 = arith.constant 64 : index
          %get3A_472 = tpu.vector_load %arg11[%get3A_470, %get3A_471] {strides = array<i32>} : memref<128x128xf32, #tpu.memory_space<vmem>>, vector<1x16xf32>,
          %get3A_473 = vector.shape_cast %get3A_472 : vector<1x16xf32> to vector<16xf32>
          %mul3A_474 = vector.broadcast %squeeze3A_421 : f32 to vector<16xf32>
          %mul3A_475 = arith.mulf %get3A_473, %mul3A_474 : vector<16xf32>
          %swap3A_476 = arith.index_cast %add3A_425 : i32 to index
          %swap3A_477 = arith.constant 64 : index
          %swap3A_478 = tpu.vector_load %arg11[%swap3A_476, %swap3A_477] {strides = array<i32>} : memref<128x128xf32, #tpu.memory_space<vmem>>, vector<1x16xf32>,
          %swap3A_479 = vector.shape_cast %swap3A_478 : vector<1x16xf32> to vector<16xf32>
          %swap3A_480 = vector.shape_cast %mul3A_475 : vector<16xf32> to vector<1x16xf32>
          tpu.vector_store %arg11[%swap3A_476, %swap3A_477], %swap3A_480 {strides = array<i32>} : memref<128x128xf32, #tpu.memory_space<vmem>>, vector<1x16xf32>,
          %get3A_481 = arith.index_cast %add3A_425 : i32 to index
          %get3A_482 = arith.constant 80 : index
          %get3A_483 = tpu.vector_load %arg11[%get3A_481, %get3A_482] {strides = array<i32>} : memref<128x128xf32, #tpu.memory_space<vmem>>, vector<1x16xf32>,
          %get3A_484 = vector.shape_cast %get3A_483 : vector<1x16xf32> to vector<16xf32>
          %mul3A_485 = vector.broadcast %squeeze3A_421 : f32 to vector<16xf32>
          %mul3A_486 = arith.mulf %get3A_484, %mul3A_485 : vector<16xf32>
          %swap3A_487 = arith.index_cast %add3A_425 : i32 to index
          %swap3A_488 = arith.constant 80 : index
          %swap3A_489 = tpu.vector_load %arg11[%swap3A_487, %swap3A_488] {strides = array<i32>} : memref<128x128xf32, #tpu.memory_space<vmem>>, vector<1x16xf32>,
          %swap3A_490 = vector.shape_cast %swap3A_489 : vector<1x16xf32> to vector<16xf32>
          %swap3A_491 = vector.shape_cast %mul3A_486 : vector<16xf32> to vector<1x16xf32>
          tpu.vector_store %arg11[%swap3A_487, %swap3A_488], %swap3A_491 {strides = array<i32>} : memref<128x128xf32, #tpu.memory_space<vmem>>, vector<1x16xf32>,
          %get3A_492 = arith.index_cast %add3A_425 : i32 to index
          %get3A_493 = arith.constant 96 : index
          %get3A_494 = tpu.vector_load %arg11[%get3A_492, %get3A_493] {strides = array<i32>} : memref<128x128xf32, #tpu.memory_space<vmem>>, vector<1x16xf32>,
          %get3A_495 = vector.shape_cast %get3A_494 : vector<1x16xf32> to vector<16xf32>
          %mul3A_496 = vector.broadcast %squeeze3A_421 : f32 to vector<16xf32>
          %mul3A_497 = arith.mulf %get3A_495, %mul3A_496 : vector<16xf32>
          %swap3A_498 = arith.index_cast %add3A_425 : i32 to index
          %swap3A_499 = arith.constant 96 : index
          %swap3A_500 = tpu.vector_load %arg11[%swap3A_498, %swap3A_499] {strides = array<i32>} : memref<128x128xf32, #tpu.memory_space<vmem>>, vector<1x16xf32>,
          %swap3A_501 = vector.shape_cast %swap3A_500 : vector<1x16xf32> to vector<16xf32>
          %swap3A_502 = vector.shape_cast %mul3A_497 : vector<16xf32> to vector<1x16xf32>
          tpu.vector_store %arg11[%swap3A_498, %swap3A_499], %swap3A_502 {strides = array<i32>} : memref<128x128xf32, #tpu.memory_space<vmem>>, vector<1x16xf32>,
          %get3A_503 = arith.index_cast %add3A_425 : i32 to index
          %get3A_504 = arith.constant 112 : index
          %get3A_505 = tpu.vector_load %arg11[%get3A_503, %get3A_504] {strides = array<i32>} : memref<128x128xf32, #tpu.memory_space<vmem>>, vector<1x16xf32>,
          %get3A_506 = vector.shape_cast %get3A_505 : vector<1x16xf32> to vector<16xf32>
          %mul3A_507 = vector.broadcast %squeeze3A_421 : f32 to vector<16xf32>
          %mul3A_508 = arith.mulf %get3A_506, %mul3A_507 : vector<16xf32>
          %swap3A_509 = arith.index_cast %add3A_425 : i32 to index
          %swap3A_510 = arith.constant 112 : index
          %swap3A_511 = tpu.vector_load %arg11[%swap3A_509, %swap3A_510] {strides = array<i32>} : memref<128x128xf32, #tpu.memory_space<vmem>>, vector<1x16xf32>,
          %swap3A_512 = vector.shape_cast %swap3A_511 : vector<1x16xf32> to vector<16xf32>
          %swap3A_513 = vector.shape_cast %mul3A_508 : vector<16xf32> to vector<1x16xf32>
          tpu.vector_store %arg11[%swap3A_509, %swap3A_510], %swap3A_513 {strides = array<i32>} : memref<128x128xf32, #tpu.memory_space<vmem>>, vector<1x16xf32>,
          %slice3A_514 = vector.extract_strided_slice %get3A_46 {offsets = [5], sizes = [1], strides = [1]} : vector<16xf32> to vector<1xf32>
          %squeeze3A_515 = vector.extract %slice3A_514[0] : f32 from vector<1xf32>
          %mul3A_516 = arith.constant 16 : i32
          %mul3A_517 = arith.muli %scan3A_42, %mul3A_516 : i32
          %add3A_518 = arith.constant 5 : i32
          %add3A_519 = arith.addi %mul3A_517, %add3A_518 : i32
          %get3A_520 = arith.index_cast %add3A_519 : i32 to index
          %get3A_521 = arith.constant 0 : index
          %get3A_522 = tpu.vector_load %arg11[%get3A_520, %get3A_521] {strides = array<i32>} : memref<128x128xf32, #tpu.memory_space<vmem>>, vector<1x16xf32>,
          %get3A_523 = vector.shape_cast %get3A_522 : vector<1x16xf32> to vector<16xf32>
          %mul3A_524 = vector.broadcast %squeeze3A_515 : f32 to vector<16xf32>
          %mul3A_525 = arith.mulf %get3A_523, %mul3A_524 : vector<16xf32>
          %swap3A_526 = arith.index_cast %add3A_519 : i32 to index
          %swap3A_527 = arith.constant 0 : index
          %swap3A_528 = tpu.vector_load %arg11[%swap3A_526, %swap3A_527] {strides = array<i32>} : memref<128x128xf32, #tpu.memory_space<vmem>>, vector<1x16xf32>,
          %swap3A_529 = vector.shape_cast %swap3A_528 : vector<1x16xf32> to vector<16xf32>
          %swap3A_530 = vector.shape_cast %mul3A_525 : vector<16xf32> to vector<1x16xf32>
          tpu.vector_store %arg11[%swap3A_526, %swap3A_527], %swap3A_530 {strides = array<i32>} : memref<128x128xf32, #tpu.memory_space<vmem>>, vector<1x16xf32>,
          %get3A_531 = arith.index_cast %add3A_519 : i32 to index
          %get3A_532 = arith.constant 16 : index
          %get3A_533 = tpu.vector_load %arg11[%get3A_531, %get3A_532] {strides = array<i32>} : memref<128x128xf32, #tpu.memory_space<vmem>>, vector<1x16xf32>,
          %get3A_534 = vector.shape_cast %get3A_533 : vector<1x16xf32> to vector<16xf32>
          %mul3A_535 = vector.broadcast %squeeze3A_515 : f32 to vector<16xf32>
          %mul3A_536 = arith.mulf %get3A_534, %mul3A_535 : vector<16xf32>
          %swap3A_537 = arith.index_cast %add3A_519 : i32 to index
          %swap3A_538 = arith.constant 16 : index
          %swap3A_539 = tpu.vector_load %arg11[%swap3A_537, %swap3A_538] {strides = array<i32>} : memref<128x128xf32, #tpu.memory_space<vmem>>, vector<1x16xf32>,
          %swap3A_540 = vector.shape_cast %swap3A_539 : vector<1x16xf32> to vector<16xf32>
          %swap3A_541 = vector.shape_cast %mul3A_536 : vector<16xf32> to vector<1x16xf32>
          tpu.vector_store %arg11[%swap3A_537, %swap3A_538], %swap3A_541 {strides = array<i32>} : memref<128x128xf32, #tpu.memory_space<vmem>>, vector<1x16xf32>,
          %get3A_542 = arith.index_cast %add3A_519 : i32 to index
          %get3A_543 = arith.constant 32 : index
          %get3A_544 = tpu.vector_load %arg11[%get3A_542, %get3A_543] {strides = array<i32>} : memref<128x128xf32, #tpu.memory_space<vmem>>, vector<1x16xf32>,
          %get3A_545 = vector.shape_cast %get3A_544 : vector<1x16xf32> to vector<16xf32>
          %mul3A_546 = vector.broadcast %squeeze3A_515 : f32 to vector<16xf32>
          %mul3A_547 = arith.mulf %get3A_545, %mul3A_546 : vector<16xf32>
          %swap3A_548 = arith.index_cast %add3A_519 : i32 to index
          %swap3A_549 = arith.constant 32 : index
          %swap3A_550 = tpu.vector_load %arg11[%swap3A_548, %swap3A_549] {strides = array<i32>} : memref<128x128xf32, #tpu.memory_space<vmem>>, vector<1x16xf32>,
          %swap3A_551 = vector.shape_cast %swap3A_550 : vector<1x16xf32> to vector<16xf32>
          %swap3A_552 = vector.shape_cast %mul3A_547 : vector<16xf32> to vector<1x16xf32>
          tpu.vector_store %arg11[%swap3A_548, %swap3A_549], %swap3A_552 {strides = array<i32>} : memref<128x128xf32, #tpu.memory_space<vmem>>, vector<1x16xf32>,
          %get3A_553 = arith.index_cast %add3A_519 : i32 to index
          %get3A_554 = arith.constant 48 : index
          %get3A_555 = tpu.vector_load %arg11[%get3A_553, %get3A_554] {strides = array<i32>} : memref<128x128xf32, #tpu.memory_space<vmem>>, vector<1x16xf32>,
          %get3A_556 = vector.shape_cast %get3A_555 : vector<1x16xf32> to vector<16xf32>
          %mul3A_557 = vector.broadcast %squeeze3A_515 : f32 to vector<16xf32>
          %mul3A_558 = arith.mulf %get3A_556, %mul3A_557 : vector<16xf32>
          %swap3A_559 = arith.index_cast %add3A_519 : i32 to index
          %swap3A_560 = arith.constant 48 : index
          %swap3A_561 = tpu.vector_load %arg11[%swap3A_559, %swap3A_560] {strides = array<i32>} : memref<128x128xf32, #tpu.memory_space<vmem>>, vector<1x16xf32>,
          %swap3A_562 = vector.shape_cast %swap3A_561 : vector<1x16xf32> to vector<16xf32>
          %swap3A_563 = vector.shape_cast %mul3A_558 : vector<16xf32> to vector<1x16xf32>
          tpu.vector_store %arg11[%swap3A_559, %swap3A_560], %swap3A_563 {strides = array<i32>} : memref<128x128xf32, #tpu.memory_space<vmem>>, vector<1x16xf32>,
          %get3A_564 = arith.index_cast %add3A_519 : i32 to index
          %get3A_565 = arith.constant 64 : index
          %get3A_566 = tpu.vector_load %arg11[%get3A_564, %get3A_565] {strides = array<i32>} : memref<128x128xf32, #tpu.memory_space<vmem>>, vector<1x16xf32>,
          %get3A_567 = vector.shape_cast %get3A_566 : vector<1x16xf32> to vector<16xf32>
          %mul3A_568 = vector.broadcast %squeeze3A_515 : f32 to vector<16xf32>
          %mul3A_569 = arith.mulf %get3A_567, %mul3A_568 : vector<16xf32>
          %swap3A_570 = arith.index_cast %add3A_519 : i32 to index
          %swap3A_571 = arith.constant 64 : index
          %swap3A_572 = tpu.vector_load %arg11[%swap3A_570, %swap3A_571] {strides = array<i32>} : memref<128x128xf32, #tpu.memory_space<vmem>>, vector<1x16xf32>,
          %swap3A_573 = vector.shape_cast %swap3A_572 : vector<1x16xf32> to vector<16xf32>
          %swap3A_574 = vector.shape_cast %mul3A_569 : vector<16xf32> to vector<1x16xf32>
          tpu.vector_store %arg11[%swap3A_570, %swap3A_571], %swap3A_574 {strides = array<i32>} : memref<128x128xf32, #tpu.memory_space<vmem>>, vector<1x16xf32>,
          %get3A_575 = arith.index_cast %add3A_519 : i32 to index
          %get3A_576 = arith.constant 80 : index
          %get3A_577 = tpu.vector_load %arg11[%get3A_575, %get3A_576] {strides = array<i32>} : memref<128x128xf32, #tpu.memory_space<vmem>>, vector<1x16xf32>,
          %get3A_578 = vector.shape_cast %get3A_577 : vector<1x16xf32> to vector<16xf32>
          %mul3A_579 = vector.broadcast %squeeze3A_515 : f32 to vector<16xf32>
          %mul3A_580 = arith.mulf %get3A_578, %mul3A_579 : vector<16xf32>
          %swap3A_581 = arith.index_cast %add3A_519 : i32 to index
          %swap3A_582 = arith.constant 80 : index
          %swap3A_583 = tpu.vector_load %arg11[%swap3A_581, %swap3A_582] {strides = array<i32>} : memref<128x128xf32, #tpu.memory_space<vmem>>, vector<1x16xf32>,
          %swap3A_584 = vector.shape_cast %swap3A_583 : vector<1x16xf32> to vector<16xf32>
          %swap3A_585 = vector.shape_cast %mul3A_580 : vector<16xf32> to vector<1x16xf32>
          tpu.vector_store %arg11[%swap3A_581, %swap3A_582], %swap3A_585 {strides = array<i32>} : memref<128x128xf32, #tpu.memory_space<vmem>>, vector<1x16xf32>,
          %get3A_586 = arith.index_cast %add3A_519 : i32 to index
          %get3A_587 = arith.constant 96 : index
          %get3A_588 = tpu.vector_load %arg11[%get3A_586, %get3A_587] {strides = array<i32>} : memref<128x128xf32, #tpu.memory_space<vmem>>, vector<1x16xf32>,
          %get3A_589 = vector.shape_cast %get3A_588 : vector<1x16xf32> to vector<16xf32>
          %mul3A_590 = vector.broadcast %squeeze3A_515 : f32 to vector<16xf32>
          %mul3A_591 = arith.mulf %get3A_589, %mul3A_590 : vector<16xf32>
          %swap3A_592 = arith.index_cast %add3A_519 : i32 to index
          %swap3A_593 = arith.constant 96 : index
          %swap3A_594 = tpu.vector_load %arg11[%swap3A_592, %swap3A_593] {strides = array<i32>} : memref<128x128xf32, #tpu.memory_space<vmem>>, vector<1x16xf32>,
          %swap3A_595 = vector.shape_cast %swap3A_594 : vector<1x16xf32> to vector<16xf32>
          %swap3A_596 = vector.shape_cast %mul3A_591 : vector<16xf32> to vector<1x16xf32>
          tpu.vector_store %arg11[%swap3A_592, %swap3A_593], %swap3A_596 {strides = array<i32>} : memref<128x128xf32, #tpu.memory_space<vmem>>, vector<1x16xf32>,
          %get3A_597 = arith.index_cast %add3A_519 : i32 to index
          %get3A_598 = arith.constant 112 : index
          %get3A_599 = tpu.vector_load %arg11[%get3A_597, %get3A_598] {strides = array<i32>} : memref<128x128xf32, #tpu.memory_space<vmem>>, vector<1x16xf32>,
          %get3A_600 = vector.shape_cast %get3A_599 : vector<1x16xf32> to vector<16xf32>
          %mul3A_601 = vector.broadcast %squeeze3A_515 : f32 to vector<16xf32>
          %mul3A_602 = arith.mulf %get3A_600, %mul3A_601 : vector<16xf32>
          %swap3A_603 = arith.index_cast %add3A_519 : i32 to index
          %swap3A_604 = arith.constant 112 : index
          %swap3A_605 = tpu.vector_load %arg11[%swap3A_603, %swap3A_604] {strides = array<i32>} : memref<128x128xf32, #tpu.memory_space<vmem>>, vector<1x16xf32>,
          %swap3A_606 = vector.shape_cast %swap3A_605 : vector<1x16xf32> to vector<16xf32>
          %swap3A_607 = vector.shape_cast %mul3A_602 : vector<16xf32> to vector<1x16xf32>
          tpu.vector_store %arg11[%swap3A_603, %swap3A_604], %swap3A_607 {strides = array<i32>} : memref<128x128xf32, #tpu.memory_space<vmem>>, vector<1x16xf32>,
          %slice3A_608 = vector.extract_strided_slice %get3A_46 {offsets = [6], sizes = [1], strides = [1]} : vector<16xf32> to vector<1xf32>
          %squeeze3A_609 = vector.extract %slice3A_608[0] : f32 from vector<1xf32>
          %mul3A_610 = arith.constant 16 : i32
          %mul3A_611 = arith.muli %scan3A_42, %mul3A_610 : i32
          %add3A_612 = arith.constant 6 : i32
          %add3A_613 = arith.addi %mul3A_611, %add3A_612 : i32
          %get3A_614 = arith.index_cast %add3A_613 : i32 to index
          %get3A_615 = arith.constant 0 : index
          %get3A_616 = tpu.vector_load %arg11[%get3A_614, %get3A_615] {strides = array<i32>} : memref<128x128xf32, #tpu.memory_space<vmem>>, vector<1x16xf32>,
          %get3A_617 = vector.shape_cast %get3A_616 : vector<1x16xf32> to vector<16xf32>
          %mul3A_618 = vector.broadcast %squeeze3A_609 : f32 to vector<16xf32>
          %mul3A_619 = arith.mulf %get3A_617, %mul3A_618 : vector<16xf32>
          %swap3A_620 = arith.index_cast %add3A_613 : i32 to index
          %swap3A_621 = arith.constant 0 : index
          %swap3A_622 = tpu.vector_load %arg11[%swap3A_620, %swap3A_621] {strides = array<i32>} : memref<128x128xf32, #tpu.memory_space<vmem>>, vector<1x16xf32>,
          %swap3A_623 = vector.shape_cast %swap3A_622 : vector<1x16xf32> to vector<16xf32>
          %swap3A_624 = vector.shape_cast %mul3A_619 : vector<16xf32> to vector<1x16xf32>
          tpu.vector_store %arg11[%swap3A_620, %swap3A_621], %swap3A_624 {strides = array<i32>} : memref<128x128xf32, #tpu.memory_space<vmem>>, vector<1x16xf32>,
          %get3A_625 = arith.index_cast %add3A_613 : i32 to index
          %get3A_626 = arith.constant 16 : index
          %get3A_627 = tpu.vector_load %arg11[%get3A_625, %get3A_626] {strides = array<i32>} : memref<128x128xf32, #tpu.memory_space<vmem>>, vector<1x16xf32>,
          %get3A_628 = vector.shape_cast %get3A_627 : vector<1x16xf32> to vector<16xf32>
          %mul3A_629 = vector.broadcast %squeeze3A_609 : f32 to vector<16xf32>
          %mul3A_630 = arith.mulf %get3A_628, %mul3A_629 : vector<16xf32>
          %swap3A_631 = arith.index_cast %add3A_613 : i32 to index
          %swap3A_632 = arith.constant 16 : index
          %swap3A_633 = tpu.vector_load %arg11[%swap3A_631, %swap3A_632] {strides = array<i32>} : memref<128x128xf32, #tpu.memory_space<vmem>>, vector<1x16xf32>,
          %swap3A_634 = vector.shape_cast %swap3A_633 : vector<1x16xf32> to vector<16xf32>
          %swap3A_635 = vector.shape_cast %mul3A_630 : vector<16xf32> to vector<1x16xf32>
          tpu.vector_store %arg11[%swap3A_631, %swap3A_632], %swap3A_635 {strides = array<i32>} : memref<128x128xf32, #tpu.memory_space<vmem>>, vector<1x16xf32>,
          %get3A_636 = arith.index_cast %add3A_613 : i32 to index
          %get3A_637 = arith.constant 32 : index
          %get3A_638 = tpu.vector_load %arg11[%get3A_636, %get3A_637] {strides = array<i32>} : memref<128x128xf32, #tpu.memory_space<vmem>>, vector<1x16xf32>,
          %get3A_639 = vector.shape_cast %get3A_638 : vector<1x16xf32> to vector<16xf32>
          %mul3A_640 = vector.broadcast %squeeze3A_609 : f32 to vector<16xf32>
          %mul3A_641 = arith.mulf %get3A_639, %mul3A_640 : vector<16xf32>
          %swap3A_642 = arith.index_cast %add3A_613 : i32 to index
          %swap3A_643 = arith.constant 32 : index
          %swap3A_644 = tpu.vector_load %arg11[%swap3A_642, %swap3A_643] {strides = array<i32>} : memref<128x128xf32, #tpu.memory_space<vmem>>, vector<1x16xf32>,
          %swap3A_645 = vector.shape_cast %swap3A_644 : vector<1x16xf32> to vector<16xf32>
          %swap3A_646 = vector.shape_cast %mul3A_641 : vector<16xf32> to vector<1x16xf32>
          tpu.vector_store %arg11[%swap3A_642, %swap3A_643], %swap3A_646 {strides = array<i32>} : memref<128x128xf32, #tpu.memory_space<vmem>>, vector<1x16xf32>,
          %get3A_647 = arith.index_cast %add3A_613 : i32 to index
          %get3A_648 = arith.constant 48 : index
          %get3A_649 = tpu.vector_load %arg11[%get3A_647, %get3A_648] {strides = array<i32>} : memref<128x128xf32, #tpu.memory_space<vmem>>, vector<1x16xf32>,
          %get3A_650 = vector.shape_cast %get3A_649 : vector<1x16xf32> to vector<16xf32>
          %mul3A_651 = vector.broadcast %squeeze3A_609 : f32 to vector<16xf32>
          %mul3A_652 = arith.mulf %get3A_650, %mul3A_651 : vector<16xf32>
          %swap3A_653 = arith.index_cast %add3A_613 : i32 to index
          %swap3A_654 = arith.constant 48 : index
          %swap3A_655 = tpu.vector_load %arg11[%swap3A_653, %swap3A_654] {strides = array<i32>} : memref<128x128xf32, #tpu.memory_space<vmem>>, vector<1x16xf32>,
          %swap3A_656 = vector.shape_cast %swap3A_655 : vector<1x16xf32> to vector<16xf32>
          %swap3A_657 = vector.shape_cast %mul3A_652 : vector<16xf32> to vector<1x16xf32>
          tpu.vector_store %arg11[%swap3A_653, %swap3A_654], %swap3A_657 {strides = array<i32>} : memref<128x128xf32, #tpu.memory_space<vmem>>, vector<1x16xf32>,
          %get3A_658 = arith.index_cast %add3A_613 : i32 to index
          %get3A_659 = arith.constant 64 : index
          %get3A_660 = tpu.vector_load %arg11[%get3A_658, %get3A_659] {strides = array<i32>} : memref<128x128xf32, #tpu.memory_space<vmem>>, vector<1x16xf32>,
          %get3A_661 = vector.shape_cast %get3A_660 : vector<1x16xf32> to vector<16xf32>
          %mul3A_662 = vector.broadcast %squeeze3A_609 : f32 to vector<16xf32>
          %mul3A_663 = arith.mulf %get3A_661, %mul3A_662 : vector<16xf32>
          %swap3A_664 = arith.index_cast %add3A_613 : i32 to index
          %swap3A_665 = arith.constant 64 : index
          %swap3A_666 = tpu.vector_load %arg11[%swap3A_664, %swap3A_665] {strides = array<i32>} : memref<128x128xf32, #tpu.memory_space<vmem>>, vector<1x16xf32>,
          %swap3A_667 = vector.shape_cast %swap3A_666 : vector<1x16xf32> to vector<16xf32>
          %swap3A_668 = vector.shape_cast %mul3A_663 : vector<16xf32> to vector<1x16xf32>
          tpu.vector_store %arg11[%swap3A_664, %swap3A_665], %swap3A_668 {strides = array<i32>} : memref<128x128xf32, #tpu.memory_space<vmem>>, vector<1x16xf32>,
          %get3A_669 = arith.index_cast %add3A_613 : i32 to index
          %get3A_670 = arith.constant 80 : index
          %get3A_671 = tpu.vector_load %arg11[%get3A_669, %get3A_670] {strides = array<i32>} : memref<128x128xf32, #tpu.memory_space<vmem>>, vector<1x16xf32>,
          %get3A_672 = vector.shape_cast %get3A_671 : vector<1x16xf32> to vector<16xf32>
          %mul3A_673 = vector.broadcast %squeeze3A_609 : f32 to vector<16xf32>
          %mul3A_674 = arith.mulf %get3A_672, %mul3A_673 : vector<16xf32>
          %swap3A_675 = arith.index_cast %add3A_613 : i32 to index
          %swap3A_676 = arith.constant 80 : index
          %swap3A_677 = tpu.vector_load %arg11[%swap3A_675, %swap3A_676] {strides = array<i32>} : memref<128x128xf32, #tpu.memory_space<vmem>>, vector<1x16xf32>,
          %swap3A_678 = vector.shape_cast %swap3A_677 : vector<1x16xf32> to vector<16xf32>
          %swap3A_679 = vector.shape_cast %mul3A_674 : vector<16xf32> to vector<1x16xf32>
          tpu.vector_store %arg11[%swap3A_675, %swap3A_676], %swap3A_679 {strides = array<i32>} : memref<128x128xf32, #tpu.memory_space<vmem>>, vector<1x16xf32>,
          %get3A_680 = arith.index_cast %add3A_613 : i32 to index
          %get3A_681 = arith.constant 96 : index
          %get3A_682 = tpu.vector_load %arg11[%get3A_680, %get3A_681] {strides = array<i32>} : memref<128x128xf32, #tpu.memory_space<vmem>>, vector<1x16xf32>,
          %get3A_683 = vector.shape_cast %get3A_682 : vector<1x16xf32> to vector<16xf32>
          %mul3A_684 = vector.broadcast %squeeze3A_609 : f32 to vector<16xf32>
          %mul3A_685 = arith.mulf %get3A_683, %mul3A_684 : vector<16xf32>
          %swap3A_686 = arith.index_cast %add3A_613 : i32 to index
          %swap3A_687 = arith.constant 96 : index
          %swap3A_688 = tpu.vector_load %arg11[%swap3A_686, %swap3A_687] {strides = array<i32>} : memref<128x128xf32, #tpu.memory_space<vmem>>, vector<1x16xf32>,
          %swap3A_689 = vector.shape_cast %swap3A_688 : vector<1x16xf32> to vector<16xf32>
          %swap3A_690 = vector.shape_cast %mul3A_685 : vector<16xf32> to vector<1x16xf32>
          tpu.vector_store %arg11[%swap3A_686, %swap3A_687], %swap3A_690 {strides = array<i32>} : memref<128x128xf32, #tpu.memory_space<vmem>>, vector<1x16xf32>,
          %get3A_691 = arith.index_cast %add3A_613 : i32 to index
          %get3A_692 = arith.constant 112 : index
          %get3A_693 = tpu.vector_load %arg11[%get3A_691, %get3A_692] {strides = array<i32>} : memref<128x128xf32, #tpu.memory_space<vmem>>, vector<1x16xf32>,
          %get3A_694 = vector.shape_cast %get3A_693 : vector<1x16xf32> to vector<16xf32>
          %mul3A_695 = vector.broadcast %squeeze3A_609 : f32 to vector<16xf32>
          %mul3A_696 = arith.mulf %get3A_694, %mul3A_695 : vector<16xf32>
          %swap3A_697 = arith.index_cast %add3A_613 : i32 to index
          %swap3A_698 = arith.constant 112 : index
          %swap3A_699 = tpu.vector_load %arg11[%swap3A_697, %swap3A_698] {strides = array<i32>} : memref<128x128xf32, #tpu.memory_space<vmem>>, vector<1x16xf32>,
          %swap3A_700 = vector.shape_cast %swap3A_699 : vector<1x16xf32> to vector<16xf32>
          %swap3A_701 = vector.shape_cast %mul3A_696 : vector<16xf32> to vector<1x16xf32>
          tpu.vector_store %arg11[%swap3A_697, %swap3A_698], %swap3A_701 {strides = array<i32>} : memref<128x128xf32, #tpu.memory_space<vmem>>, vector<1x16xf32>,
          %slice3A_702 = vector.extract_strided_slice %get3A_46 {offsets = [7], sizes = [1], strides = [1]} : vector<16xf32> to vector<1xf32>
          %squeeze3A_703 = vector.extract %slice3A_702[0] : f32 from vector<1xf32>
          %mul3A_704 = arith.constant 16 : i32
          %mul3A_705 = arith.muli %scan3A_42, %mul3A_704 : i32
          %add3A_706 = arith.constant 7 : i32
          %add3A_707 = arith.addi %mul3A_705, %add3A_706 : i32
          %get3A_708 = arith.index_cast %add3A_707 : i32 to index
          %get3A_709 = arith.constant 0 : index
          %get3A_710 = tpu.vector_load %arg11[%get3A_708, %get3A_709] {strides = array<i32>} : memref<128x128xf32, #tpu.memory_space<vmem>>, vector<1x16xf32>,
          %get3A_711 = vector.shape_cast %get3A_710 : vector<1x16xf32> to vector<16xf32>
          %mul3A_712 = vector.broadcast %squeeze3A_703 : f32 to vector<16xf32>
          %mul3A_713 = arith.mulf %get3A_711, %mul3A_712 : vector<16xf32>
          %swap3A_714 = arith.index_cast %add3A_707 : i32 to index
          %swap3A_715 = arith.constant 0 : index
          %swap3A_716 = tpu.vector_load %arg11[%swap3A_714, %swap3A_715] {strides = array<i32>} : memref<128x128xf32, #tpu.memory_space<vmem>>, vector<1x16xf32>,
          %swap3A_717 = vector.shape_cast %swap3A_716 : vector<1x16xf32> to vector<16xf32>
          %swap3A_718 = vector.shape_cast %mul3A_713 : vector<16xf32> to vector<1x16xf32>
          tpu.vector_store %arg11[%swap3A_714, %swap3A_715], %swap3A_718 {strides = array<i32>} : memref<128x128xf32, #tpu.memory_space<vmem>>, vector<1x16xf32>,
          %get3A_719 = arith.index_cast %add3A_707 : i32 to index
          %get3A_720 = arith.constant 16 : index
          %get3A_721 = tpu.vector_load %arg11[%get3A_719, %get3A_720] {strides = array<i32>} : memref<128x128xf32, #tpu.memory_space<vmem>>, vector<1x16xf32>,
          %get3A_722 = vector.shape_cast %get3A_721 : vector<1x16xf32> to vector<16xf32>
          %mul3A_723 = vector.broadcast %squeeze3A_703 : f32 to vector<16xf32>
          %mul3A_724 = arith.mulf %get3A_722, %mul3A_723 : vector<16xf32>
          %swap3A_725 = arith.index_cast %add3A_707 : i32 to index
          %swap3A_726 = arith.constant 16 : index
          %swap3A_727 = tpu.vector_load %arg11[%swap3A_725, %swap3A_726] {strides = array<i32>} : memref<128x128xf32, #tpu.memory_space<vmem>>, vector<1x16xf32>,
          %swap3A_728 = vector.shape_cast %swap3A_727 : vector<1x16xf32> to vector<16xf32>
          %swap3A_729 = vector.shape_cast %mul3A_724 : vector<16xf32> to vector<1x16xf32>
          tpu.vector_store %arg11[%swap3A_725, %swap3A_726], %swap3A_729 {strides = array<i32>} : memref<128x128xf32, #tpu.memory_space<vmem>>, vector<1x16xf32>,
          %get3A_730 = arith.index_cast %add3A_707 : i32 to index
          %get3A_731 = arith.constant 32 : index
          %get3A_732 = tpu.vector_load %arg11[%get3A_730, %get3A_731] {strides = array<i32>} : memref<128x128xf32, #tpu.memory_space<vmem>>, vector<1x16xf32>,
          %get3A_733 = vector.shape_cast %get3A_732 : vector<1x16xf32> to vector<16xf32>
          %mul3A_734 = vector.broadcast %squeeze3A_703 : f32 to vector<16xf32>
          %mul3A_735 = arith.mulf %get3A_733, %mul3A_734 : vector<16xf32>
          %swap3A_736 = arith.index_cast %add3A_707 : i32 to index
          %swap3A_737 = arith.constant 32 : index
          %swap3A_738 = tpu.vector_load %arg11[%swap3A_736, %swap3A_737] {strides = array<i32>} : memref<128x128xf32, #tpu.memory_space<vmem>>, vector<1x16xf32>,
          %swap3A_739 = vector.shape_cast %swap3A_738 : vector<1x16xf32> to vector<16xf32>
          %swap3A_740 = vector.shape_cast %mul3A_735 : vector<16xf32> to vector<1x16xf32>
          tpu.vector_store %arg11[%swap3A_736, %swap3A_737], %swap3A_740 {strides = array<i32>} : memref<128x128xf32, #tpu.memory_space<vmem>>, vector<1x16xf32>,
          %get3A_741 = arith.index_cast %add3A_707 : i32 to index
          %get3A_742 = arith.constant 48 : index
          %get3A_743 = tpu.vector_load %arg11[%get3A_741, %get3A_742] {strides = array<i32>} : memref<128x128xf32, #tpu.memory_space<vmem>>, vector<1x16xf32>,
          %get3A_744 = vector.shape_cast %get3A_743 : vector<1x16xf32> to vector<16xf32>
          %mul3A_745 = vector.broadcast %squeeze3A_703 : f32 to vector<16xf32>
          %mul3A_746 = arith.mulf %get3A_744, %mul3A_745 : vector<16xf32>
          %swap3A_747 = arith.index_cast %add3A_707 : i32 to index
          %swap3A_748 = arith.constant 48 : index
          %swap3A_749 = tpu.vector_load %arg11[%swap3A_747, %swap3A_748] {strides = array<i32>} : memref<128x128xf32, #tpu.memory_space<vmem>>, vector<1x16xf32>,
          %swap3A_750 = vector.shape_cast %swap3A_749 : vector<1x16xf32> to vector<16xf32>
          %swap3A_751 = vector.shape_cast %mul3A_746 : vector<16xf32> to vector<1x16xf32>
          tpu.vector_store %arg11[%swap3A_747, %swap3A_748], %swap3A_751 {strides = array<i32>} : memref<128x128xf32, #tpu.memory_space<vmem>>, vector<1x16xf32>,
          %get3A_752 = arith.index_cast %add3A_707 : i32 to index
          %get3A_753 = arith.constant 64 : index
          %get3A_754 = tpu.vector_load %arg11[%get3A_752, %get3A_753] {strides = array<i32>} : memref<128x128xf32, #tpu.memory_space<vmem>>, vector<1x16xf32>,
          %get3A_755 = vector.shape_cast %get3A_754 : vector<1x16xf32> to vector<16xf32>
          %mul3A_756 = vector.broadcast %squeeze3A_703 : f32 to vector<16xf32>
          %mul3A_757 = arith.mulf %get3A_755, %mul3A_756 : vector<16xf32>
          %swap3A_758 = arith.index_cast %add3A_707 : i32 to index
          %swap3A_759 = arith.constant 64 : index
          %swap3A_760 = tpu.vector_load %arg11[%swap3A_758, %swap3A_759] {strides = array<i32>} : memref<128x128xf32, #tpu.memory_space<vmem>>, vector<1x16xf32>,
          %swap3A_761 = vector.shape_cast %swap3A_760 : vector<1x16xf32> to vector<16xf32>
          %swap3A_762 = vector.shape_cast %mul3A_757 : vector<16xf32> to vector<1x16xf32>
          tpu.vector_store %arg11[%swap3A_758, %swap3A_759], %swap3A_762 {strides = array<i32>} : memref<128x128xf32, #tpu.memory_space<vmem>>, vector<1x16xf32>,
          %get3A_763 = arith.index_cast %add3A_707 : i32 to index
          %get3A_764 = arith.constant 80 : index
          %get3A_765 = tpu.vector_load %arg11[%get3A_763, %get3A_764] {strides = array<i32>} : memref<128x128xf32, #tpu.memory_space<vmem>>, vector<1x16xf32>,
          %get3A_766 = vector.shape_cast %get3A_765 : vector<1x16xf32> to vector<16xf32>
          %mul3A_767 = vector.broadcast %squeeze3A_703 : f32 to vector<16xf32>
          %mul3A_768 = arith.mulf %get3A_766, %mul3A_767 : vector<16xf32>
          %swap3A_769 = arith.index_cast %add3A_707 : i32 to index
          %swap3A_770 = arith.constant 80 : index
          %swap3A_771 = tpu.vector_load %arg11[%swap3A_769, %swap3A_770] {strides = array<i32>} : memref<128x128xf32, #tpu.memory_space<vmem>>, vector<1x16xf32>,
          %swap3A_772 = vector.shape_cast %swap3A_771 : vector<1x16xf32> to vector<16xf32>
          %swap3A_773 = vector.shape_cast %mul3A_768 : vector<16xf32> to vector<1x16xf32>
          tpu.vector_store %arg11[%swap3A_769, %swap3A_770], %swap3A_773 {strides = array<i32>} : memref<128x128xf32, #tpu.memory_space<vmem>>, vector<1x16xf32>,
          %get3A_774 = arith.index_cast %add3A_707 : i32 to index
          %get3A_775 = arith.constant 96 : index
          %get3A_776 = tpu.vector_load %arg11[%get3A_774, %get3A_775] {strides = array<i32>} : memref<128x128xf32, #tpu.memory_space<vmem>>, vector<1x16xf32>,
          %get3A_777 = vector.shape_cast %get3A_776 : vector<1x16xf32> to vector<16xf32>
          %mul3A_778 = vector.broadcast %squeeze3A_703 : f32 to vector<16xf32>
          %mul3A_779 = arith.mulf %get3A_777, %mul3A_778 : vector<16xf32>
          %swap3A_780 = arith.index_cast %add3A_707 : i32 to index
          %swap3A_781 = arith.constant 96 : index
          %swap3A_782 = tpu.vector_load %arg11[%swap3A_780, %swap3A_781] {strides = array<i32>} : memref<128x128xf32, #tpu.memory_space<vmem>>, vector<1x16xf32>,
          %swap3A_783 = vector.shape_cast %swap3A_782 : vector<1x16xf32> to vector<16xf32>
          %swap3A_784 = vector.shape_cast %mul3A_779 : vector<16xf32> to vector<1x16xf32>
          tpu.vector_store %arg11[%swap3A_780, %swap3A_781], %swap3A_784 {strides = array<i32>} : memref<128x128xf32, #tpu.memory_space<vmem>>, vector<1x16xf32>,
          %get3A_785 = arith.index_cast %add3A_707 : i32 to index
          %get3A_786 = arith.constant 112 : index
          %get3A_787 = tpu.vector_load %arg11[%get3A_785, %get3A_786] {strides = array<i32>} : memref<128x128xf32, #tpu.memory_space<vmem>>, vector<1x16xf32>,
          %get3A_788 = vector.shape_cast %get3A_787 : vector<1x16xf32> to vector<16xf32>
          %mul3A_789 = vector.broadcast %squeeze3A_703 : f32 to vector<16xf32>
          %mul3A_790 = arith.mulf %get3A_788, %mul3A_789 : vector<16xf32>
          %swap3A_791 = arith.index_cast %add3A_707 : i32 to index
          %swap3A_792 = arith.constant 112 : index
          %swap3A_793 = tpu.vector_load %arg11[%swap3A_791, %swap3A_792] {strides = array<i32>} : memref<128x128xf32, #tpu.memory_space<vmem>>, vector<1x16xf32>,
          %swap3A_794 = vector.shape_cast %swap3A_793 : vector<1x16xf32> to vector<16xf32>
          %swap3A_795 = vector.shape_cast %mul3A_790 : vector<16xf32> to vector<1x16xf32>
          tpu.vector_store %arg11[%swap3A_791, %swap3A_792], %swap3A_795 {strides = array<i32>} : memref<128x128xf32, #tpu.memory_space<vmem>>, vector<1x16xf32>,
          %slice3A_796 = vector.extract_strided_slice %get3A_46 {offsets = [8], sizes = [1], strides = [1]} : vector<16xf32> to vector<1xf32>
          %squeeze3A_797 = vector.extract %slice3A_796[0] : f32 from vector<1xf32>
          %mul3A_798 = arith.constant 16 : i32
          %mul3A_799 = arith.muli %scan3A_42, %mul3A_798 : i32
          %add3A_800 = arith.constant 8 : i32
          %add3A_801 = arith.addi %mul3A_799, %add3A_800 : i32
          %get3A_802 = arith.index_cast %add3A_801 : i32 to index
          %get3A_803 = arith.constant 0 : index
          %get3A_804 = tpu.vector_load %arg11[%get3A_802, %get3A_803] {strides = array<i32>} : memref<128x128xf32, #tpu.memory_space<vmem>>, vector<1x16xf32>,
          %get3A_805 = vector.shape_cast %get3A_804 : vector<1x16xf32> to vector<16xf32>
          %mul3A_806 = vector.broadcast %squeeze3A_797 : f32 to vector<16xf32>
          %mul3A_807 = arith.mulf %get3A_805, %mul3A_806 : vector<16xf32>
          %swap3A_808 = arith.index_cast %add3A_801 : i32 to index
          %swap3A_809 = arith.constant 0 : index
          %swap3A_810 = tpu.vector_load %arg11[%swap3A_808, %swap3A_809] {strides = array<i32>} : memref<128x128xf32, #tpu.memory_space<vmem>>, vector<1x16xf32>,
          %swap3A_811 = vector.shape_cast %swap3A_810 : vector<1x16xf32> to vector<16xf32>
          %swap3A_812 = vector.shape_cast %mul3A_807 : vector<16xf32> to vector<1x16xf32>
          tpu.vector_store %arg11[%swap3A_808, %swap3A_809], %swap3A_812 {strides = array<i32>} : memref<128x128xf32, #tpu.memory_space<vmem>>, vector<1x16xf32>,
          %get3A_813 = arith.index_cast %add3A_801 : i32 to index
          %get3A_814 = arith.constant 16 : index
          %get3A_815 = tpu.vector_load %arg11[%get3A_813, %get3A_814] {strides = array<i32>} : memref<128x128xf32, #tpu.memory_space<vmem>>, vector<1x16xf32>,
          %get3A_816 = vector.shape_cast %get3A_815 : vector<1x16xf32> to vector<16xf32>
          %mul3A_817 = vector.broadcast %squeeze3A_797 : f32 to vector<16xf32>
          %mul3A_818 = arith.mulf %get3A_816, %mul3A_817 : vector<16xf32>
          %swap3A_819 = arith.index_cast %add3A_801 : i32 to index
          %swap3A_820 = arith.constant 16 : index
          %swap3A_821 = tpu.vector_load %arg11[%swap3A_819, %swap3A_820] {strides = array<i32>} : memref<128x128xf32, #tpu.memory_space<vmem>>, vector<1x16xf32>,
          %swap3A_822 = vector.shape_cast %swap3A_821 : vector<1x16xf32> to vector<16xf32>
          %swap3A_823 = vector.shape_cast %mul3A_818 : vector<16xf32> to vector<1x16xf32>
          tpu.vector_store %arg11[%swap3A_819, %swap3A_820], %swap3A_823 {strides = array<i32>} : memref<128x128xf32, #tpu.memory_space<vmem>>, vector<1x16xf32>,
          %get3A_824 = arith.index_cast %add3A_801 : i32 to index
          %get3A_825 = arith.constant 32 : index
          %get3A_826 = tpu.vector_load %arg11[%get3A_824, %get3A_825] {strides = array<i32>} : memref<128x128xf32, #tpu.memory_space<vmem>>, vector<1x16xf32>,
          %get3A_827 = vector.shape_cast %get3A_826 : vector<1x16xf32> to vector<16xf32>
          %mul3A_828 = vector.broadcast %squeeze3A_797 : f32 to vector<16xf32>
          %mul3A_829 = arith.mulf %get3A_827, %mul3A_828 : vector<16xf32>
          %swap3A_830 = arith.index_cast %add3A_801 : i32 to index
          %swap3A_831 = arith.constant 32 : index
          %swap3A_832 = tpu.vector_load %arg11[%swap3A_830, %swap3A_831] {strides = array<i32>} : memref<128x128xf32, #tpu.memory_space<vmem>>, vector<1x16xf32>,
          %swap3A_833 = vector.shape_cast %swap3A_832 : vector<1x16xf32> to vector<16xf32>
          %swap3A_834 = vector.shape_cast %mul3A_829 : vector<16xf32> to vector<1x16xf32>
          tpu.vector_store %arg11[%swap3A_830, %swap3A_831], %swap3A_834 {strides = array<i32>} : memref<128x128xf32, #tpu.memory_space<vmem>>, vector<1x16xf32>,
          %get3A_835 = arith.index_cast %add3A_801 : i32 to index
          %get3A_836 = arith.constant 48 : index
          %get3A_837 = tpu.vector_load %arg11[%get3A_835, %get3A_836] {strides = array<i32>} : memref<128x128xf32, #tpu.memory_space<vmem>>, vector<1x16xf32>,
          %get3A_838 = vector.shape_cast %get3A_837 : vector<1x16xf32> to vector<16xf32>
          %mul3A_839 = vector.broadcast %squeeze3A_797 : f32 to vector<16xf32>
          %mul3A_840 = arith.mulf %get3A_838, %mul3A_839 : vector<16xf32>
          %swap3A_841 = arith.index_cast %add3A_801 : i32 to index
          %swap3A_842 = arith.constant 48 : index
          %swap3A_843 = tpu.vector_load %arg11[%swap3A_841, %swap3A_842] {strides = array<i32>} : memref<128x128xf32, #tpu.memory_space<vmem>>, vector<1x16xf32>,
          %swap3A_844 = vector.shape_cast %swap3A_843 : vector<1x16xf32> to vector<16xf32>
          %swap3A_845 = vector.shape_cast %mul3A_840 : vector<16xf32> to vector<1x16xf32>
          tpu.vector_store %arg11[%swap3A_841, %swap3A_842], %swap3A_845 {strides = array<i32>} : memref<128x128xf32, #tpu.memory_space<vmem>>, vector<1x16xf32>,
          %get3A_846 = arith.index_cast %add3A_801 : i32 to index
          %get3A_847 = arith.constant 64 : index
          %get3A_848 = tpu.vector_load %arg11[%get3A_846, %get3A_847] {strides = array<i32>} : memref<128x128xf32, #tpu.memory_space<vmem>>, vector<1x16xf32>,
          %get3A_849 = vector.shape_cast %get3A_848 : vector<1x16xf32> to vector<16xf32>
          %mul3A_850 = vector.broadcast %squeeze3A_797 : f32 to vector<16xf32>
          %mul3A_851 = arith.mulf %get3A_849, %mul3A_850 : vector<16xf32>
          %swap3A_852 = arith.index_cast %add3A_801 : i32 to index
          %swap3A_853 = arith.constant 64 : index
          %swap3A_854 = tpu.vector_load %arg11[%swap3A_852, %swap3A_853] {strides = array<i32>} : memref<128x128xf32, #tpu.memory_space<vmem>>, vector<1x16xf32>,
          %swap3A_855 = vector.shape_cast %swap3A_854 : vector<1x16xf32> to vector<16xf32>
          %swap3A_856 = vector.shape_cast %mul3A_851 : vector<16xf32> to vector<1x16xf32>
          tpu.vector_store %arg11[%swap3A_852, %swap3A_853], %swap3A_856 {strides = array<i32>} : memref<128x128xf32, #tpu.memory_space<vmem>>, vector<1x16xf32>,
          %get3A_857 = arith.index_cast %add3A_801 : i32 to index
          %get3A_858 = arith.constant 80 : index
          %get3A_859 = tpu.vector_load %arg11[%get3A_857, %get3A_858] {strides = array<i32>} : memref<128x128xf32, #tpu.memory_space<vmem>>, vector<1x16xf32>,
          %get3A_860 = vector.shape_cast %get3A_859 : vector<1x16xf32> to vector<16xf32>
          %mul3A_861 = vector.broadcast %squeeze3A_797 : f32 to vector<16xf32>
          %mul3A_862 = arith.mulf %get3A_860, %mul3A_861 : vector<16xf32>
          %swap3A_863 = arith.index_cast %add3A_801 : i32 to index
          %swap3A_864 = arith.constant 80 : index
          %swap3A_865 = tpu.vector_load %arg11[%swap3A_863, %swap3A_864] {strides = array<i32>} : memref<128x128xf32, #tpu.memory_space<vmem>>, vector<1x16xf32>,
          %swap3A_866 = vector.shape_cast %swap3A_865 : vector<1x16xf32> to vector<16xf32>
          %swap3A_867 = vector.shape_cast %mul3A_862 : vector<16xf32> to vector<1x16xf32>
          tpu.vector_store %arg11[%swap3A_863, %swap3A_864], %swap3A_867 {strides = array<i32>} : memref<128x128xf32, #tpu.memory_space<vmem>>, vector<1x16xf32>,
          %get3A_868 = arith.index_cast %add3A_801 : i32 to index
          %get3A_869 = arith.constant 96 : index
          %get3A_870 = tpu.vector_load %arg11[%get3A_868, %get3A_869] {strides = array<i32>} : memref<128x128xf32, #tpu.memory_space<vmem>>, vector<1x16xf32>,
          %get3A_871 = vector.shape_cast %get3A_870 : vector<1x16xf32> to vector<16xf32>
          %mul3A_872 = vector.broadcast %squeeze3A_797 : f32 to vector<16xf32>
          %mul3A_873 = arith.mulf %get3A_871, %mul3A_872 : vector<16xf32>
          %swap3A_874 = arith.index_cast %add3A_801 : i32 to index
          %swap3A_875 = arith.constant 96 : index
          %swap3A_876 = tpu.vector_load %arg11[%swap3A_874, %swap3A_875] {strides = array<i32>} : memref<128x128xf32, #tpu.memory_space<vmem>>, vector<1x16xf32>,
          %swap3A_877 = vector.shape_cast %swap3A_876 : vector<1x16xf32> to vector<16xf32>
          %swap3A_878 = vector.shape_cast %mul3A_873 : vector<16xf32> to vector<1x16xf32>
          tpu.vector_store %arg11[%swap3A_874, %swap3A_875], %swap3A_878 {strides = array<i32>} : memref<128x128xf32, #tpu.memory_space<vmem>>, vector<1x16xf32>,
          %get3A_879 = arith.index_cast %add3A_801 : i32 to index
          %get3A_880 = arith.constant 112 : index
          %get3A_881 = tpu.vector_load %arg11[%get3A_879, %get3A_880] {strides = array<i32>} : memref<128x128xf32, #tpu.memory_space<vmem>>, vector<1x16xf32>,
          %get3A_882 = vector.shape_cast %get3A_881 : vector<1x16xf32> to vector<16xf32>
          %mul3A_883 = vector.broadcast %squeeze3A_797 : f32 to vector<16xf32>
          %mul3A_884 = arith.mulf %get3A_882, %mul3A_883 : vector<16xf32>
          %swap3A_885 = arith.index_cast %add3A_801 : i32 to index
          %swap3A_886 = arith.constant 112 : index
          %swap3A_887 = tpu.vector_load %arg11[%swap3A_885, %swap3A_886] {strides = array<i32>} : memref<128x128xf32, #tpu.memory_space<vmem>>, vector<1x16xf32>,
          %swap3A_888 = vector.shape_cast %swap3A_887 : vector<1x16xf32> to vector<16xf32>
          %swap3A_889 = vector.shape_cast %mul3A_884 : vector<16xf32> to vector<1x16xf32>
          tpu.vector_store %arg11[%swap3A_885, %swap3A_886], %swap3A_889 {strides = array<i32>} : memref<128x128xf32, #tpu.memory_space<vmem>>, vector<1x16xf32>,
          %slice3A_890 = vector.extract_strided_slice %get3A_46 {offsets = [9], sizes = [1], strides = [1]} : vector<16xf32> to vector<1xf32>
          %squeeze3A_891 = vector.extract %slice3A_890[0] : f32 from vector<1xf32>
          %mul3A_892 = arith.constant 16 : i32
          %mul3A_893 = arith.muli %scan3A_42, %mul3A_892 : i32
          %add3A_894 = arith.constant 9 : i32
          %add3A_895 = arith.addi %mul3A_893, %add3A_894 : i32
          %get3A_896 = arith.index_cast %add3A_895 : i32 to index
          %get3A_897 = arith.constant 0 : index
          %get3A_898 = tpu.vector_load %arg11[%get3A_896, %get3A_897] {strides = array<i32>} : memref<128x128xf32, #tpu.memory_space<vmem>>, vector<1x16xf32>,
          %get3A_899 = vector.shape_cast %get3A_898 : vector<1x16xf32> to vector<16xf32>
          %mul3A_900 = vector.broadcast %squeeze3A_891 : f32 to vector<16xf32>
          %mul3A_901 = arith.mulf %get3A_899, %mul3A_900 : vector<16xf32>
          %swap3A_902 = arith.index_cast %add3A_895 : i32 to index
          %swap3A_903 = arith.constant 0 : index
          %swap3A_904 = tpu.vector_load %arg11[%swap3A_902, %swap3A_903] {strides = array<i32>} : memref<128x128xf32, #tpu.memory_space<vmem>>, vector<1x16xf32>,
          %swap3A_905 = vector.shape_cast %swap3A_904 : vector<1x16xf32> to vector<16xf32>
          %swap3A_906 = vector.shape_cast %mul3A_901 : vector<16xf32> to vector<1x16xf32>
          tpu.vector_store %arg11[%swap3A_902, %swap3A_903], %swap3A_906 {strides = array<i32>} : memref<128x128xf32, #tpu.memory_space<vmem>>, vector<1x16xf32>,
          %get3A_907 = arith.index_cast %add3A_895 : i32 to index
          %get3A_908 = arith.constant 16 : index
          %get3A_909 = tpu.vector_load %arg11[%get3A_907, %get3A_908] {strides = array<i32>} : memref<128x128xf32, #tpu.memory_space<vmem>>, vector<1x16xf32>,
          %get3A_910 = vector.shape_cast %get3A_909 : vector<1x16xf32> to vector<16xf32>
          %mul3A_911 = vector.broadcast %squeeze3A_891 : f32 to vector<16xf32>
          %mul3A_912 = arith.mulf %get3A_910, %mul3A_911 : vector<16xf32>
          %swap3A_913 = arith.index_cast %add3A_895 : i32 to index
          %swap3A_914 = arith.constant 16 : index
          %swap3A_915 = tpu.vector_load %arg11[%swap3A_913, %swap3A_914] {strides = array<i32>} : memref<128x128xf32, #tpu.memory_space<vmem>>, vector<1x16xf32>,
          %swap3A_916 = vector.shape_cast %swap3A_915 : vector<1x16xf32> to vector<16xf32>
          %swap3A_917 = vector.shape_cast %mul3A_912 : vector<16xf32> to vector<1x16xf32>
          tpu.vector_store %arg11[%swap3A_913, %swap3A_914], %swap3A_917 {strides = array<i32>} : memref<128x128xf32, #tpu.memory_space<vmem>>, vector<1x16xf32>,
          %get3A_918 = arith.index_cast %add3A_895 : i32 to index
          %get3A_919 = arith.constant 32 : index
          %get3A_920 = tpu.vector_load %arg11[%get3A_918, %get3A_919] {strides = array<i32>} : memref<128x128xf32, #tpu.memory_space<vmem>>, vector<1x16xf32>,
          %get3A_921 = vector.shape_cast %get3A_920 : vector<1x16xf32> to vector<16xf32>
          %mul3A_922 = vector.broadcast %squeeze3A_891 : f32 to vector<16xf32>
          %mul3A_923 = arith.mulf %get3A_921, %mul3A_922 : vector<16xf32>
          %swap3A_924 = arith.index_cast %add3A_895 : i32 to index
          %swap3A_925 = arith.constant 32 : index
          %swap3A_926 = tpu.vector_load %arg11[%swap3A_924, %swap3A_925] {strides = array<i32>} : memref<128x128xf32, #tpu.memory_space<vmem>>, vector<1x16xf32>,
          %swap3A_927 = vector.shape_cast %swap3A_926 : vector<1x16xf32> to vector<16xf32>
          %swap3A_928 = vector.shape_cast %mul3A_923 : vector<16xf32> to vector<1x16xf32>
          tpu.vector_store %arg11[%swap3A_924, %swap3A_925], %swap3A_928 {strides = array<i32>} : memref<128x128xf32, #tpu.memory_space<vmem>>, vector<1x16xf32>,
          %get3A_929 = arith.index_cast %add3A_895 : i32 to index
          %get3A_930 = arith.constant 48 : index
          %get3A_931 = tpu.vector_load %arg11[%get3A_929, %get3A_930] {strides = array<i32>} : memref<128x128xf32, #tpu.memory_space<vmem>>, vector<1x16xf32>,
          %get3A_932 = vector.shape_cast %get3A_931 : vector<1x16xf32> to vector<16xf32>
          %mul3A_933 = vector.broadcast %squeeze3A_891 : f32 to vector<16xf32>
          %mul3A_934 = arith.mulf %get3A_932, %mul3A_933 : vector<16xf32>
          %swap3A_935 = arith.index_cast %add3A_895 : i32 to index
          %swap3A_936 = arith.constant 48 : index
          %swap3A_937 = tpu.vector_load %arg11[%swap3A_935, %swap3A_936] {strides = array<i32>} : memref<128x128xf32, #tpu.memory_space<vmem>>, vector<1x16xf32>,
          %swap3A_938 = vector.shape_cast %swap3A_937 : vector<1x16xf32> to vector<16xf32>
          %swap3A_939 = vector.shape_cast %mul3A_934 : vector<16xf32> to vector<1x16xf32>
          tpu.vector_store %arg11[%swap3A_935, %swap3A_936], %swap3A_939 {strides = array<i32>} : memref<128x128xf32, #tpu.memory_space<vmem>>, vector<1x16xf32>,
          %get3A_940 = arith.index_cast %add3A_895 : i32 to index
          %get3A_941 = arith.constant 64 : index
          %get3A_942 = tpu.vector_load %arg11[%get3A_940, %get3A_941] {strides = array<i32>} : memref<128x128xf32, #tpu.memory_space<vmem>>, vector<1x16xf32>,
          %get3A_943 = vector.shape_cast %get3A_942 : vector<1x16xf32> to vector<16xf32>
          %mul3A_944 = vector.broadcast %squeeze3A_891 : f32 to vector<16xf32>
          %mul3A_945 = arith.mulf %get3A_943, %mul3A_944 : vector<16xf32>
          %swap3A_946 = arith.index_cast %add3A_895 : i32 to index
          %swap3A_947 = arith.constant 64 : index
          %swap3A_948 = tpu.vector_load %arg11[%swap3A_946, %swap3A_947] {strides = array<i32>} : memref<128x128xf32, #tpu.memory_space<vmem>>, vector<1x16xf32>,
          %swap3A_949 = vector.shape_cast %swap3A_948 : vector<1x16xf32> to vector<16xf32>
          %swap3A_950 = vector.shape_cast %mul3A_945 : vector<16xf32> to vector<1x16xf32>
          tpu.vector_store %arg11[%swap3A_946, %swap3A_947], %swap3A_950 {strides = array<i32>} : memref<128x128xf32, #tpu.memory_space<vmem>>, vector<1x16xf32>,
          %get3A_951 = arith.index_cast %add3A_895 : i32 to index
          %get3A_952 = arith.constant 80 : index
          %get3A_953 = tpu.vector_load %arg11[%get3A_951, %get3A_952] {strides = array<i32>} : memref<128x128xf32, #tpu.memory_space<vmem>>, vector<1x16xf32>,
          %get3A_954 = vector.shape_cast %get3A_953 : vector<1x16xf32> to vector<16xf32>
          %mul3A_955 = vector.broadcast %squeeze3A_891 : f32 to vector<16xf32>
          %mul3A_956 = arith.mulf %get3A_954, %mul3A_955 : vector<16xf32>
          %swap3A_957 = arith.index_cast %add3A_895 : i32 to index
          %swap3A_958 = arith.constant 80 : index
          %swap3A_959 = tpu.vector_load %arg11[%swap3A_957, %swap3A_958] {strides = array<i32>} : memref<128x128xf32, #tpu.memory_space<vmem>>, vector<1x16xf32>,
          %swap3A_960 = vector.shape_cast %swap3A_959 : vector<1x16xf32> to vector<16xf32>
          %swap3A_961 = vector.shape_cast %mul3A_956 : vector<16xf32> to vector<1x16xf32>
          tpu.vector_store %arg11[%swap3A_957, %swap3A_958], %swap3A_961 {strides = array<i32>} : memref<128x128xf32, #tpu.memory_space<vmem>>, vector<1x16xf32>,
          %get3A_962 = arith.index_cast %add3A_895 : i32 to index
          %get3A_963 = arith.constant 96 : index
          %get3A_964 = tpu.vector_load %arg11[%get3A_962, %get3A_963] {strides = array<i32>} : memref<128x128xf32, #tpu.memory_space<vmem>>, vector<1x16xf32>,
          %get3A_965 = vector.shape_cast %get3A_964 : vector<1x16xf32> to vector<16xf32>
          %mul3A_966 = vector.broadcast %squeeze3A_891 : f32 to vector<16xf32>
          %mul3A_967 = arith.mulf %get3A_965, %mul3A_966 : vector<16xf32>
          %swap3A_968 = arith.index_cast %add3A_895 : i32 to index
          %swap3A_969 = arith.constant 96 : index
          %swap3A_970 = tpu.vector_load %arg11[%swap3A_968, %swap3A_969] {strides = array<i32>} : memref<128x128xf32, #tpu.memory_space<vmem>>, vector<1x16xf32>,
          %swap3A_971 = vector.shape_cast %swap3A_970 : vector<1x16xf32> to vector<16xf32>
          %swap3A_972 = vector.shape_cast %mul3A_967 : vector<16xf32> to vector<1x16xf32>
          tpu.vector_store %arg11[%swap3A_968, %swap3A_969], %swap3A_972 {strides = array<i32>} : memref<128x128xf32, #tpu.memory_space<vmem>>, vector<1x16xf32>,
          %get3A_973 = arith.index_cast %add3A_895 : i32 to index
          %get3A_974 = arith.constant 112 : index
          %get3A_975 = tpu.vector_load %arg11[%get3A_973, %get3A_974] {strides = array<i32>} : memref<128x128xf32, #tpu.memory_space<vmem>>, vector<1x16xf32>,
          %get3A_976 = vector.shape_cast %get3A_975 : vector<1x16xf32> to vector<16xf32>
          %mul3A_977 = vector.broadcast %squeeze3A_891 : f32 to vector<16xf32>
          %mul3A_978 = arith.mulf %get3A_976, %mul3A_977 : vector<16xf32>
          %swap3A_979 = arith.index_cast %add3A_895 : i32 to index
          %swap3A_980 = arith.constant 112 : index
          %swap3A_981 = tpu.vector_load %arg11[%swap3A_979, %swap3A_980] {strides = array<i32>} : memref<128x128xf32, #tpu.memory_space<vmem>>, vector<1x16xf32>,
          %swap3A_982 = vector.shape_cast %swap3A_981 : vector<1x16xf32> to vector<16xf32>
          %swap3A_983 = vector.shape_cast %mul3A_978 : vector<16xf32> to vector<1x16xf32>
          tpu.vector_store %arg11[%swap3A_979, %swap3A_980], %swap3A_983 {strides = array<i32>} : memref<128x128xf32, #tpu.memory_space<vmem>>, vector<1x16xf32>,
          %slice3A_984 = vector.extract_strided_slice %get3A_46 {offsets = [10], sizes = [1], strides = [1]} : vector<16xf32> to vector<1xf32>
          %squeeze3A_985 = vector.extract %slice3A_984[0] : f32 from vector<1xf32>
          %mul3A_986 = arith.constant 16 : i32
          %mul3A_987 = arith.muli %scan3A_42, %mul3A_986 : i32
          %add3A_988 = arith.constant 10 : i32
          %add3A_989 = arith.addi %mul3A_987, %add3A_988 : i32
          %get3A_990 = arith.index_cast %add3A_989 : i32 to index
          %get3A_991 = arith.constant 0 : index
          %get3A_992 = tpu.vector_load %arg11[%get3A_990, %get3A_991] {strides = array<i32>} : memref<128x128xf32, #tpu.memory_space<vmem>>, vector<1x16xf32>,
          %get3A_993 = vector.shape_cast %get3A_992 : vector<1x16xf32> to vector<16xf32>
          %mul3A_994 = vector.broadcast %squeeze3A_985 : f32 to vector<16xf32>
          %mul3A_995 = arith.mulf %get3A_993, %mul3A_994 : vector<16xf32>
          %swap3A_996 = arith.index_cast %add3A_989 : i32 to index
          %swap3A_997 = arith.constant 0 : index
          %swap3A_998 = tpu.vector_load %arg11[%swap3A_996, %swap3A_997] {strides = array<i32>} : memref<128x128xf32, #tpu.memory_space<vmem>>, vector<1x16xf32>,
          %swap3A_999 = vector.shape_cast %swap3A_998 : vector<1x16xf32> to vector<16xf32>
          %swap3A_1000 = vector.shape_cast %mul3A_995 : vector<16xf32> to vector<1x16xf32>
          tpu.vector_store %arg11[%swap3A_996, %swap3A_997], %swap3A_1000 {strides = array<i32>} : memref<128x128xf32, #tpu.memory_space<vmem>>, vector<1x16xf32>,
          %get3A_1001 = arith.index_cast %add3A_989 : i32 to index
          %get3A_1002 = arith.constant 16 : index
          %get3A_1003 = tpu.vector_load %arg11[%get3A_1001, %get3A_1002] {strides = array<i32>} : memref<128x128xf32, #tpu.memory_space<vmem>>, vector<1x16xf32>,
          %get3A_1004 = vector.shape_cast %get3A_1003 : vector<1x16xf32> to vector<16xf32>
          %mul3A_1005 = vector.broadcast %squeeze3A_985 : f32 to vector<16xf32>
          %mul3A_1006 = arith.mulf %get3A_1004, %mul3A_1005 : vector<16xf32>
          %swap3A_1007 = arith.index_cast %add3A_989 : i32 to index
          %swap3A_1008 = arith.constant 16 : index
          %swap3A_1009 = tpu.vector_load %arg11[%swap3A_1007, %swap3A_1008] {strides = array<i32>} : memref<128x128xf32, #tpu.memory_space<vmem>>, vector<1x16xf32>,
          %swap3A_1010 = vector.shape_cast %swap3A_1009 : vector<1x16xf32> to vector<16xf32>
          %swap3A_1011 = vector.shape_cast %mul3A_1006 : vector<16xf32> to vector<1x16xf32>
          tpu.vector_store %arg11[%swap3A_1007, %swap3A_1008], %swap3A_1011 {strides = array<i32>} : memref<128x128xf32, #tpu.memory_space<vmem>>, vector<1x16xf32>,
          %get3A_1012 = arith.index_cast %add3A_989 : i32 to index
          %get3A_1013 = arith.constant 32 : index
          %get3A_1014 = tpu.vector_load %arg11[%get3A_1012, %get3A_1013] {strides = array<i32>} : memref<128x128xf32, #tpu.memory_space<vmem>>, vector<1x16xf32>,
          %get3A_1015 = vector.shape_cast %get3A_1014 : vector<1x16xf32> to vector<16xf32>
          %mul3A_1016 = vector.broadcast %squeeze3A_985 : f32 to vector<16xf32>
          %mul3A_1017 = arith.mulf %get3A_1015, %mul3A_1016 : vector<16xf32>
          %swap3A_1018 = arith.index_cast %add3A_989 : i32 to index
          %swap3A_1019 = arith.constant 32 : index
          %swap3A_1020 = tpu.vector_load %arg11[%swap3A_1018, %swap3A_1019] {strides = array<i32>} : memref<128x128xf32, #tpu.memory_space<vmem>>, vector<1x16xf32>,
          %swap3A_1021 = vector.shape_cast %swap3A_1020 : vector<1x16xf32> to vector<16xf32>
          %swap3A_1022 = vector.shape_cast %mul3A_1017 : vector<16xf32> to vector<1x16xf32>
          tpu.vector_store %arg11[%swap3A_1018, %swap3A_1019], %swap3A_1022 {strides = array<i32>} : memref<128x128xf32, #tpu.memory_space<vmem>>, vector<1x16xf32>,
          %get3A_1023 = arith.index_cast %add3A_989 : i32 to index
          %get3A_1024 = arith.constant 48 : index
          %get3A_1025 = tpu.vector_load %arg11[%get3A_1023, %get3A_1024] {strides = array<i32>} : memref<128x128xf32, #tpu.memory_space<vmem>>, vector<1x16xf32>,
          %get3A_1026 = vector.shape_cast %get3A_1025 : vector<1x16xf32> to vector<16xf32>
          %mul3A_1027 = vector.broadcast %squeeze3A_985 : f32 to vector<16xf32>
          %mul3A_1028 = arith.mulf %get3A_1026, %mul3A_1027 : vector<16xf32>
          %swap3A_1029 = arith.index_cast %add3A_989 : i32 to index
          %swap3A_1030 = arith.constant 48 : index
          %swap3A_1031 = tpu.vector_load %arg11[%swap3A_1029, %swap3A_1030] {strides = array<i32>} : memref<128x128xf32, #tpu.memory_space<vmem>>, vector<1x16xf32>,
          %swap3A_1032 = vector.shape_cast %swap3A_1031 : vector<1x16xf32> to vector<16xf32>
          %swap3A_1033 = vector.shape_cast %mul3A_1028 : vector<16xf32> to vector<1x16xf32>
          tpu.vector_store %arg11[%swap3A_1029, %swap3A_1030], %swap3A_1033 {strides = array<i32>} : memref<128x128xf32, #tpu.memory_space<vmem>>, vector<1x16xf32>,
          %get3A_1034 = arith.index_cast %add3A_989 : i32 to index
          %get3A_1035 = arith.constant 64 : index
          %get3A_1036 = tpu.vector_load %arg11[%get3A_1034, %get3A_1035] {strides = array<i32>} : memref<128x128xf32, #tpu.memory_space<vmem>>, vector<1x16xf32>,
          %get3A_1037 = vector.shape_cast %get3A_1036 : vector<1x16xf32> to vector<16xf32>
          %mul3A_1038 = vector.broadcast %squeeze3A_985 : f32 to vector<16xf32>
          %mul3A_1039 = arith.mulf %get3A_1037, %mul3A_1038 : vector<16xf32>
          %swap3A_1040 = arith.index_cast %add3A_989 : i32 to index
          %swap3A_1041 = arith.constant 64 : index
          %swap3A_1042 = tpu.vector_load %arg11[%swap3A_1040, %swap3A_1041] {strides = array<i32>} : memref<128x128xf32, #tpu.memory_space<vmem>>, vector<1x16xf32>,
          %swap3A_1043 = vector.shape_cast %swap3A_1042 : vector<1x16xf32> to vector<16xf32>
          %swap3A_1044 = vector.shape_cast %mul3A_1039 : vector<16xf32> to vector<1x16xf32>
          tpu.vector_store %arg11[%swap3A_1040, %swap3A_1041], %swap3A_1044 {strides = array<i32>} : memref<128x128xf32, #tpu.memory_space<vmem>>, vector<1x16xf32>,
          %get3A_1045 = arith.index_cast %add3A_989 : i32 to index
          %get3A_1046 = arith.constant 80 : index
          %get3A_1047 = tpu.vector_load %arg11[%get3A_1045, %get3A_1046] {strides = array<i32>} : memref<128x128xf32, #tpu.memory_space<vmem>>, vector<1x16xf32>,
          %get3A_1048 = vector.shape_cast %get3A_1047 : vector<1x16xf32> to vector<16xf32>
          %mul3A_1049 = vector.broadcast %squeeze3A_985 : f32 to vector<16xf32>
          %mul3A_1050 = arith.mulf %get3A_1048, %mul3A_1049 : vector<16xf32>
          %swap3A_1051 = arith.index_cast %add3A_989 : i32 to index
          %swap3A_1052 = arith.constant 80 : index
          %swap3A_1053 = tpu.vector_load %arg11[%swap3A_1051, %swap3A_1052] {strides = array<i32>} : memref<128x128xf32, #tpu.memory_space<vmem>>, vector<1x16xf32>,
          %swap3A_1054 = vector.shape_cast %swap3A_1053 : vector<1x16xf32> to vector<16xf32>
          %swap3A_1055 = vector.shape_cast %mul3A_1050 : vector<16xf32> to vector<1x16xf32>
          tpu.vector_store %arg11[%swap3A_1051, %swap3A_1052], %swap3A_1055 {strides = array<i32>} : memref<128x128xf32, #tpu.memory_space<vmem>>, vector<1x16xf32>,
          %get3A_1056 = arith.index_cast %add3A_989 : i32 to index
          %get3A_1057 = arith.constant 96 : index
          %get3A_1058 = tpu.vector_load %arg11[%get3A_1056, %get3A_1057] {strides = array<i32>} : memref<128x128xf32, #tpu.memory_space<vmem>>, vector<1x16xf32>,
          %get3A_1059 = vector.shape_cast %get3A_1058 : vector<1x16xf32> to vector<16xf32>
          %mul3A_1060 = vector.broadcast %squeeze3A_985 : f32 to vector<16xf32>
          %mul3A_1061 = arith.mulf %get3A_1059, %mul3A_1060 : vector<16xf32>
          %swap3A_1062 = arith.index_cast %add3A_989 : i32 to index
          %swap3A_1063 = arith.constant 96 : index
          %swap3A_1064 = tpu.vector_load %arg11[%swap3A_1062, %swap3A_1063] {strides = array<i32>} : memref<128x128xf32, #tpu.memory_space<vmem>>, vector<1x16xf32>,
          %swap3A_1065 = vector.shape_cast %swap3A_1064 : vector<1x16xf32> to vector<16xf32>
          %swap3A_1066 = vector.shape_cast %mul3A_1061 : vector<16xf32> to vector<1x16xf32>
          tpu.vector_store %arg11[%swap3A_1062, %swap3A_1063], %swap3A_1066 {strides = array<i32>} : memref<128x128xf32, #tpu.memory_space<vmem>>, vector<1x16xf32>,
          %get3A_1067 = arith.index_cast %add3A_989 : i32 to index
          %get3A_1068 = arith.constant 112 : index
          %get3A_1069 = tpu.vector_load %arg11[%get3A_1067, %get3A_1068] {strides = array<i32>} : memref<128x128xf32, #tpu.memory_space<vmem>>, vector<1x16xf32>,
          %get3A_1070 = vector.shape_cast %get3A_1069 : vector<1x16xf32> to vector<16xf32>
          %mul3A_1071 = vector.broadcast %squeeze3A_985 : f32 to vector<16xf32>
          %mul3A_1072 = arith.mulf %get3A_1070, %mul3A_1071 : vector<16xf32>
          %swap3A_1073 = arith.index_cast %add3A_989 : i32 to index
          %swap3A_1074 = arith.constant 112 : index
          %swap3A_1075 = tpu.vector_load %arg11[%swap3A_1073, %swap3A_1074] {strides = array<i32>} : memref<128x128xf32, #tpu.memory_space<vmem>>, vector<1x16xf32>,
          %swap3A_1076 = vector.shape_cast %swap3A_1075 : vector<1x16xf32> to vector<16xf32>
          %swap3A_1077 = vector.shape_cast %mul3A_1072 : vector<16xf32> to vector<1x16xf32>
          tpu.vector_store %arg11[%swap3A_1073, %swap3A_1074], %swap3A_1077 {strides = array<i32>} : memref<128x128xf32, #tpu.memory_space<vmem>>, vector<1x16xf32>,
          %slice3A_1078 = vector.extract_strided_slice %get3A_46 {offsets = [11], sizes = [1], strides = [1]} : vector<16xf32> to vector<1xf32>
          %squeeze3A_1079 = vector.extract %slice3A_1078[0] : f32 from vector<1xf32>
          %mul3A_1080 = arith.constant 16 : i32
          %mul3A_1081 = arith.muli %scan3A_42, %mul3A_1080 : i32
          %add3A_1082 = arith.constant 11 : i32
          %add3A_1083 = arith.addi %mul3A_1081, %add3A_1082 : i32
          %get3A_1084 = arith.index_cast %add3A_1083 : i32 to index
          %get3A_1085 = arith.constant 0 : index
          %get3A_1086 = tpu.vector_load %arg11[%get3A_1084, %get3A_1085] {strides = array<i32>} : memref<128x128xf32, #tpu.memory_space<vmem>>, vector<1x16xf32>,
          %get3A_1087 = vector.shape_cast %get3A_1086 : vector<1x16xf32> to vector<16xf32>
          %mul3A_1088 = vector.broadcast %squeeze3A_1079 : f32 to vector<16xf32>
          %mul3A_1089 = arith.mulf %get3A_1087, %mul3A_1088 : vector<16xf32>
          %swap3A_1090 = arith.index_cast %add3A_1083 : i32 to index
          %swap3A_1091 = arith.constant 0 : index
          %swap3A_1092 = tpu.vector_load %arg11[%swap3A_1090, %swap3A_1091] {strides = array<i32>} : memref<128x128xf32, #tpu.memory_space<vmem>>, vector<1x16xf32>,
          %swap3A_1093 = vector.shape_cast %swap3A_1092 : vector<1x16xf32> to vector<16xf32>
          %swap3A_1094 = vector.shape_cast %mul3A_1089 : vector<16xf32> to vector<1x16xf32>
          tpu.vector_store %arg11[%swap3A_1090, %swap3A_1091], %swap3A_1094 {strides = array<i32>} : memref<128x128xf32, #tpu.memory_space<vmem>>, vector<1x16xf32>,
          %get3A_1095 = arith.index_cast %add3A_1083 : i32 to index
          %get3A_1096 = arith.constant 16 : index
          %get3A_1097 = tpu.vector_load %arg11[%get3A_1095, %get3A_1096] {strides = array<i32>} : memref<128x128xf32, #tpu.memory_space<vmem>>, vector<1x16xf32>,
          %get3A_1098 = vector.shape_cast %get3A_1097 : vector<1x16xf32> to vector<16xf32>
          %mul3A_1099 = vector.broadcast %squeeze3A_1079 : f32 to vector<16xf32>
          %mul3A_1100 = arith.mulf %get3A_1098, %mul3A_1099 : vector<16xf32>
          %swap3A_1101 = arith.index_cast %add3A_1083 : i32 to index
          %swap3A_1102 = arith.constant 16 : index
          %swap3A_1103 = tpu.vector_load %arg11[%swap3A_1101, %swap3A_1102] {strides = array<i32>} : memref<128x128xf32, #tpu.memory_space<vmem>>, vector<1x16xf32>,
          %swap3A_1104 = vector.shape_cast %swap3A_1103 : vector<1x16xf32> to vector<16xf32>
          %swap3A_1105 = vector.shape_cast %mul3A_1100 : vector<16xf32> to vector<1x16xf32>
          tpu.vector_store %arg11[%swap3A_1101, %swap3A_1102], %swap3A_1105 {strides = array<i32>} : memref<128x128xf32, #tpu.memory_space<vmem>>, vector<1x16xf32>,
          %get3A_1106 = arith.index_cast %add3A_1083 : i32 to index
          %get3A_1107 = arith.constant 32 : index
          %get3A_1108 = tpu.vector_load %arg11[%get3A_1106, %get3A_1107] {strides = array<i32>} : memref<128x128xf32, #tpu.memory_space<vmem>>, vector<1x16xf32>,
          %get3A_1109 = vector.shape_cast %get3A_1108 : vector<1x16xf32> to vector<16xf32>
          %mul3A_1110 = vector.broadcast %squeeze3A_1079 : f32 to vector<16xf32>
          %mul3A_1111 = arith.mulf %get3A_1109, %mul3A_1110 : vector<16xf32>
          %swap3A_1112 = arith.index_cast %add3A_1083 : i32 to index
          %swap3A_1113 = arith.constant 32 : index
          %swap3A_1114 = tpu.vector_load %arg11[%swap3A_1112, %swap3A_1113] {strides = array<i32>} : memref<128x128xf32, #tpu.memory_space<vmem>>, vector<1x16xf32>,
          %swap3A_1115 = vector.shape_cast %swap3A_1114 : vector<1x16xf32> to vector<16xf32>
          %swap3A_1116 = vector.shape_cast %mul3A_1111 : vector<16xf32> to vector<1x16xf32>
          tpu.vector_store %arg11[%swap3A_1112, %swap3A_1113], %swap3A_1116 {strides = array<i32>} : memref<128x128xf32, #tpu.memory_space<vmem>>, vector<1x16xf32>,
          %get3A_1117 = arith.index_cast %add3A_1083 : i32 to index
          %get3A_1118 = arith.constant 48 : index
          %get3A_1119 = tpu.vector_load %arg11[%get3A_1117, %get3A_1118] {strides = array<i32>} : memref<128x128xf32, #tpu.memory_space<vmem>>, vector<1x16xf32>,
          %get3A_1120 = vector.shape_cast %get3A_1119 : vector<1x16xf32> to vector<16xf32>
          %mul3A_1121 = vector.broadcast %squeeze3A_1079 : f32 to vector<16xf32>
          %mul3A_1122 = arith.mulf %get3A_1120, %mul3A_1121 : vector<16xf32>
          %swap3A_1123 = arith.index_cast %add3A_1083 : i32 to index
          %swap3A_1124 = arith.constant 48 : index
          %swap3A_1125 = tpu.vector_load %arg11[%swap3A_1123, %swap3A_1124] {strides = array<i32>} : memref<128x128xf32, #tpu.memory_space<vmem>>, vector<1x16xf32>,
          %swap3A_1126 = vector.shape_cast %swap3A_1125 : vector<1x16xf32> to vector<16xf32>
          %swap3A_1127 = vector.shape_cast %mul3A_1122 : vector<16xf32> to vector<1x16xf32>
          tpu.vector_store %arg11[%swap3A_1123, %swap3A_1124], %swap3A_1127 {strides = array<i32>} : memref<128x128xf32, #tpu.memory_space<vmem>>, vector<1x16xf32>,
          %get3A_1128 = arith.index_cast %add3A_1083 : i32 to index
          %get3A_1129 = arith.constant 64 : index
          %get3A_1130 = tpu.vector_load %arg11[%get3A_1128, %get3A_1129] {strides = array<i32>} : memref<128x128xf32, #tpu.memory_space<vmem>>, vector<1x16xf32>,
          %get3A_1131 = vector.shape_cast %get3A_1130 : vector<1x16xf32> to vector<16xf32>
          %mul3A_1132 = vector.broadcast %squeeze3A_1079 : f32 to vector<16xf32>
          %mul3A_1133 = arith.mulf %get3A_1131, %mul3A_1132 : vector<16xf32>
          %swap3A_1134 = arith.index_cast %add3A_1083 : i32 to index
          %swap3A_1135 = arith.constant 64 : index
          %swap3A_1136 = tpu.vector_load %arg11[%swap3A_1134, %swap3A_1135] {strides = array<i32>} : memref<128x128xf32, #tpu.memory_space<vmem>>, vector<1x16xf32>,
          %swap3A_1137 = vector.shape_cast %swap3A_1136 : vector<1x16xf32> to vector<16xf32>
          %swap3A_1138 = vector.shape_cast %mul3A_1133 : vector<16xf32> to vector<1x16xf32>
          tpu.vector_store %arg11[%swap3A_1134, %swap3A_1135], %swap3A_1138 {strides = array<i32>} : memref<128x128xf32, #tpu.memory_space<vmem>>, vector<1x16xf32>,
          %get3A_1139 = arith.index_cast %add3A_1083 : i32 to index
          %get3A_1140 = arith.constant 80 : index
          %get3A_1141 = tpu.vector_load %arg11[%get3A_1139, %get3A_1140] {strides = array<i32>} : memref<128x128xf32, #tpu.memory_space<vmem>>, vector<1x16xf32>,
          %get3A_1142 = vector.shape_cast %get3A_1141 : vector<1x16xf32> to vector<16xf32>
          %mul3A_1143 = vector.broadcast %squeeze3A_1079 : f32 to vector<16xf32>
          %mul3A_1144 = arith.mulf %get3A_1142, %mul3A_1143 : vector<16xf32>
          %swap3A_1145 = arith.index_cast %add3A_1083 : i32 to index
          %swap3A_1146 = arith.constant 80 : index
          %swap3A_1147 = tpu.vector_load %arg11[%swap3A_1145, %swap3A_1146] {strides = array<i32>} : memref<128x128xf32, #tpu.memory_space<vmem>>, vector<1x16xf32>,
          %swap3A_1148 = vector.shape_cast %swap3A_1147 : vector<1x16xf32> to vector<16xf32>
          %swap3A_1149 = vector.shape_cast %mul3A_1144 : vector<16xf32> to vector<1x16xf32>
          tpu.vector_store %arg11[%swap3A_1145, %swap3A_1146], %swap3A_1149 {strides = array<i32>} : memref<128x128xf32, #tpu.memory_space<vmem>>, vector<1x16xf32>,
          %get3A_1150 = arith.index_cast %add3A_1083 : i32 to index
          %get3A_1151 = arith.constant 96 : index
          %get3A_1152 = tpu.vector_load %arg11[%get3A_1150, %get3A_1151] {strides = array<i32>} : memref<128x128xf32, #tpu.memory_space<vmem>>, vector<1x16xf32>,
          %get3A_1153 = vector.shape_cast %get3A_1152 : vector<1x16xf32> to vector<16xf32>
          %mul3A_1154 = vector.broadcast %squeeze3A_1079 : f32 to vector<16xf32>
          %mul3A_1155 = arith.mulf %get3A_1153, %mul3A_1154 : vector<16xf32>
          %swap3A_1156 = arith.index_cast %add3A_1083 : i32 to index
          %swap3A_1157 = arith.constant 96 : index
          %swap3A_1158 = tpu.vector_load %arg11[%swap3A_1156, %swap3A_1157] {strides = array<i32>} : memref<128x128xf32, #tpu.memory_space<vmem>>, vector<1x16xf32>,
          %swap3A_1159 = vector.shape_cast %swap3A_1158 : vector<1x16xf32> to vector<16xf32>
          %swap3A_1160 = vector.shape_cast %mul3A_1155 : vector<16xf32> to vector<1x16xf32>
          tpu.vector_store %arg11[%swap3A_1156, %swap3A_1157], %swap3A_1160 {strides = array<i32>} : memref<128x128xf32, #tpu.memory_space<vmem>>, vector<1x16xf32>,
          %get3A_1161 = arith.index_cast %add3A_1083 : i32 to index
          %get3A_1162 = arith.constant 112 : index
          %get3A_1163 = tpu.vector_load %arg11[%get3A_1161, %get3A_1162] {strides = array<i32>} : memref<128x128xf32, #tpu.memory_space<vmem>>, vector<1x16xf32>,
          %get3A_1164 = vector.shape_cast %get3A_1163 : vector<1x16xf32> to vector<16xf32>
          %mul3A_1165 = vector.broadcast %squeeze3A_1079 : f32 to vector<16xf32>
          %mul3A_1166 = arith.mulf %get3A_1164, %mul3A_1165 : vector<16xf32>
          %swap3A_1167 = arith.index_cast %add3A_1083 : i32 to index
          %swap3A_1168 = arith.constant 112 : index
          %swap3A_1169 = tpu.vector_load %arg11[%swap3A_1167, %swap3A_1168] {strides = array<i32>} : memref<128x128xf32, #tpu.memory_space<vmem>>, vector<1x16xf32>,
          %swap3A_1170 = vector.shape_cast %swap3A_1169 : vector<1x16xf32> to vector<16xf32>
          %swap3A_1171 = vector.shape_cast %mul3A_1166 : vector<16xf32> to vector<1x16xf32>
          tpu.vector_store %arg11[%swap3A_1167, %swap3A_1168], %swap3A_1171 {strides = array<i32>} : memref<128x128xf32, #tpu.memory_space<vmem>>, vector<1x16xf32>,
          %slice3A_1172 = vector.extract_strided_slice %get3A_46 {offsets = [12], sizes = [1], strides = [1]} : vector<16xf32> to vector<1xf32>
          %squeeze3A_1173 = vector.extract %slice3A_1172[0] : f32 from vector<1xf32>
          %mul3A_1174 = arith.constant 16 : i32
          %mul3A_1175 = arith.muli %scan3A_42, %mul3A_1174 : i32
          %add3A_1176 = arith.constant 12 : i32
          %add3A_1177 = arith.addi %mul3A_1175, %add3A_1176 : i32
          %get3A_1178 = arith.index_cast %add3A_1177 : i32 to index
          %get3A_1179 = arith.constant 0 : index
          %get3A_1180 = tpu.vector_load %arg11[%get3A_1178, %get3A_1179] {strides = array<i32>} : memref<128x128xf32, #tpu.memory_space<vmem>>, vector<1x16xf32>,
          %get3A_1181 = vector.shape_cast %get3A_1180 : vector<1x16xf32> to vector<16xf32>
          %mul3A_1182 = vector.broadcast %squeeze3A_1173 : f32 to vector<16xf32>
          %mul3A_1183 = arith.mulf %get3A_1181, %mul3A_1182 : vector<16xf32>
          %swap3A_1184 = arith.index_cast %add3A_1177 : i32 to index
          %swap3A_1185 = arith.constant 0 : index
          %swap3A_1186 = tpu.vector_load %arg11[%swap3A_1184, %swap3A_1185] {strides = array<i32>} : memref<128x128xf32, #tpu.memory_space<vmem>>, vector<1x16xf32>,
          %swap3A_1187 = vector.shape_cast %swap3A_1186 : vector<1x16xf32> to vector<16xf32>
          %swap3A_1188 = vector.shape_cast %mul3A_1183 : vector<16xf32> to vector<1x16xf32>
          tpu.vector_store %arg11[%swap3A_1184, %swap3A_1185], %swap3A_1188 {strides = array<i32>} : memref<128x128xf32, #tpu.memory_space<vmem>>, vector<1x16xf32>,
          %get3A_1189 = arith.index_cast %add3A_1177 : i32 to index
          %get3A_1190 = arith.constant 16 : index
          %get3A_1191 = tpu.vector_load %arg11[%get3A_1189, %get3A_1190] {strides = array<i32>} : memref<128x128xf32, #tpu.memory_space<vmem>>, vector<1x16xf32>,
          %get3A_1192 = vector.shape_cast %get3A_1191 : vector<1x16xf32> to vector<16xf32>
          %mul3A_1193 = vector.broadcast %squeeze3A_1173 : f32 to vector<16xf32>
          %mul3A_1194 = arith.mulf %get3A_1192, %mul3A_1193 : vector<16xf32>
          %swap3A_1195 = arith.index_cast %add3A_1177 : i32 to index
          %swap3A_1196 = arith.constant 16 : index
          %swap3A_1197 = tpu.vector_load %arg11[%swap3A_1195, %swap3A_1196] {strides = array<i32>} : memref<128x128xf32, #tpu.memory_space<vmem>>, vector<1x16xf32>,
          %swap3A_1198 = vector.shape_cast %swap3A_1197 : vector<1x16xf32> to vector<16xf32>
          %swap3A_1199 = vector.shape_cast %mul3A_1194 : vector<16xf32> to vector<1x16xf32>
          tpu.vector_store %arg11[%swap3A_1195, %swap3A_1196], %swap3A_1199 {strides = array<i32>} : memref<128x128xf32, #tpu.memory_space<vmem>>, vector<1x16xf32>,
          %get3A_1200 = arith.index_cast %add3A_1177 : i32 to index
          %get3A_1201 = arith.constant 32 : index
          %get3A_1202 = tpu.vector_load %arg11[%get3A_1200, %get3A_1201] {strides = array<i32>} : memref<128x128xf32, #tpu.memory_space<vmem>>, vector<1x16xf32>,
          %get3A_1203 = vector.shape_cast %get3A_1202 : vector<1x16xf32> to vector<16xf32>
          %mul3A_1204 = vector.broadcast %squeeze3A_1173 : f32 to vector<16xf32>
          %mul3A_1205 = arith.mulf %get3A_1203, %mul3A_1204 : vector<16xf32>
          %swap3A_1206 = arith.index_cast %add3A_1177 : i32 to index
          %swap3A_1207 = arith.constant 32 : index
          %swap3A_1208 = tpu.vector_load %arg11[%swap3A_1206, %swap3A_1207] {strides = array<i32>} : memref<128x128xf32, #tpu.memory_space<vmem>>, vector<1x16xf32>,
          %swap3A_1209 = vector.shape_cast %swap3A_1208 : vector<1x16xf32> to vector<16xf32>
          %swap3A_1210 = vector.shape_cast %mul3A_1205 : vector<16xf32> to vector<1x16xf32>
          tpu.vector_store %arg11[%swap3A_1206, %swap3A_1207], %swap3A_1210 {strides = array<i32>} : memref<128x128xf32, #tpu.memory_space<vmem>>, vector<1x16xf32>,
          %get3A_1211 = arith.index_cast %add3A_1177 : i32 to index
          %get3A_1212 = arith.constant 48 : index
          %get3A_1213 = tpu.vector_load %arg11[%get3A_1211, %get3A_1212] {strides = array<i32>} : memref<128x128xf32, #tpu.memory_space<vmem>>, vector<1x16xf32>,
          %get3A_1214 = vector.shape_cast %get3A_1213 : vector<1x16xf32> to vector<16xf32>
          %mul3A_1215 = vector.broadcast %squeeze3A_1173 : f32 to vector<16xf32>
          %mul3A_1216 = arith.mulf %get3A_1214, %mul3A_1215 : vector<16xf32>
          %swap3A_1217 = arith.index_cast %add3A_1177 : i32 to index
          %swap3A_1218 = arith.constant 48 : index
          %swap3A_1219 = tpu.vector_load %arg11[%swap3A_1217, %swap3A_1218] {strides = array<i32>} : memref<128x128xf32, #tpu.memory_space<vmem>>, vector<1x16xf32>,
          %swap3A_1220 = vector.shape_cast %swap3A_1219 : vector<1x16xf32> to vector<16xf32>
          %swap3A_1221 = vector.shape_cast %mul3A_1216 : vector<16xf32> to vector<1x16xf32>
          tpu.vector_store %arg11[%swap3A_1217, %swap3A_1218], %swap3A_1221 {strides = array<i32>} : memref<128x128xf32, #tpu.memory_space<vmem>>, vector<1x16xf32>,
          %get3A_1222 = arith.index_cast %add3A_1177 : i32 to index
          %get3A_1223 = arith.constant 64 : index
          %get3A_1224 = tpu.vector_load %arg11[%get3A_1222, %get3A_1223] {strides = array<i32>} : memref<128x128xf32, #tpu.memory_space<vmem>>, vector<1x16xf32>,
          %get3A_1225 = vector.shape_cast %get3A_1224 : vector<1x16xf32> to vector<16xf32>
          %mul3A_1226 = vector.broadcast %squeeze3A_1173 : f32 to vector<16xf32>
          %mul3A_1227 = arith.mulf %get3A_1225, %mul3A_1226 : vector<16xf32>
          %swap3A_1228 = arith.index_cast %add3A_1177 : i32 to index
          %swap3A_1229 = arith.constant 64 : index
          %swap3A_1230 = tpu.vector_load %arg11[%swap3A_1228, %swap3A_1229] {strides = array<i32>} : memref<128x128xf32, #tpu.memory_space<vmem>>, vector<1x16xf32>,
          %swap3A_1231 = vector.shape_cast %swap3A_1230 : vector<1x16xf32> to vector<16xf32>
          %swap3A_1232 = vector.shape_cast %mul3A_1227 : vector<16xf32> to vector<1x16xf32>
          tpu.vector_store %arg11[%swap3A_1228, %swap3A_1229], %swap3A_1232 {strides = array<i32>} : memref<128x128xf32, #tpu.memory_space<vmem>>, vector<1x16xf32>,
          %get3A_1233 = arith.index_cast %add3A_1177 : i32 to index
          %get3A_1234 = arith.constant 80 : index
          %get3A_1235 = tpu.vector_load %arg11[%get3A_1233, %get3A_1234] {strides = array<i32>} : memref<128x128xf32, #tpu.memory_space<vmem>>, vector<1x16xf32>,
          %get3A_1236 = vector.shape_cast %get3A_1235 : vector<1x16xf32> to vector<16xf32>
          %mul3A_1237 = vector.broadcast %squeeze3A_1173 : f32 to vector<16xf32>
          %mul3A_1238 = arith.mulf %get3A_1236, %mul3A_1237 : vector<16xf32>
          %swap3A_1239 = arith.index_cast %add3A_1177 : i32 to index
          %swap3A_1240 = arith.constant 80 : index
          %swap3A_1241 = tpu.vector_load %arg11[%swap3A_1239, %swap3A_1240] {strides = array<i32>} : memref<128x128xf32, #tpu.memory_space<vmem>>, vector<1x16xf32>,
          %swap3A_1242 = vector.shape_cast %swap3A_1241 : vector<1x16xf32> to vector<16xf32>
          %swap3A_1243 = vector.shape_cast %mul3A_1238 : vector<16xf32> to vector<1x16xf32>
          tpu.vector_store %arg11[%swap3A_1239, %swap3A_1240], %swap3A_1243 {strides = array<i32>} : memref<128x128xf32, #tpu.memory_space<vmem>>, vector<1x16xf32>,
          %get3A_1244 = arith.index_cast %add3A_1177 : i32 to index
          %get3A_1245 = arith.constant 96 : index
          %get3A_1246 = tpu.vector_load %arg11[%get3A_1244, %get3A_1245] {strides = array<i32>} : memref<128x128xf32, #tpu.memory_space<vmem>>, vector<1x16xf32>,
          %get3A_1247 = vector.shape_cast %get3A_1246 : vector<1x16xf32> to vector<16xf32>
          %mul3A_1248 = vector.broadcast %squeeze3A_1173 : f32 to vector<16xf32>
          %mul3A_1249 = arith.mulf %get3A_1247, %mul3A_1248 : vector<16xf32>
          %swap3A_1250 = arith.index_cast %add3A_1177 : i32 to index
          %swap3A_1251 = arith.constant 96 : index
          %swap3A_1252 = tpu.vector_load %arg11[%swap3A_1250, %swap3A_1251] {strides = array<i32>} : memref<128x128xf32, #tpu.memory_space<vmem>>, vector<1x16xf32>,
          %swap3A_1253 = vector.shape_cast %swap3A_1252 : vector<1x16xf32> to vector<16xf32>
          %swap3A_1254 = vector.shape_cast %mul3A_1249 : vector<16xf32> to vector<1x16xf32>
          tpu.vector_store %arg11[%swap3A_1250, %swap3A_1251], %swap3A_1254 {strides = array<i32>} : memref<128x128xf32, #tpu.memory_space<vmem>>, vector<1x16xf32>,
          %get3A_1255 = arith.index_cast %add3A_1177 : i32 to index
          %get3A_1256 = arith.constant 112 : index
          %get3A_1257 = tpu.vector_load %arg11[%get3A_1255, %get3A_1256] {strides = array<i32>} : memref<128x128xf32, #tpu.memory_space<vmem>>, vector<1x16xf32>,
          %get3A_1258 = vector.shape_cast %get3A_1257 : vector<1x16xf32> to vector<16xf32>
          %mul3A_1259 = vector.broadcast %squeeze3A_1173 : f32 to vector<16xf32>
          %mul3A_1260 = arith.mulf %get3A_1258, %mul3A_1259 : vector<16xf32>
          %swap3A_1261 = arith.index_cast %add3A_1177 : i32 to index
          %swap3A_1262 = arith.constant 112 : index
          %swap3A_1263 = tpu.vector_load %arg11[%swap3A_1261, %swap3A_1262] {strides = array<i32>} : memref<128x128xf32, #tpu.memory_space<vmem>>, vector<1x16xf32>,
          %swap3A_1264 = vector.shape_cast %swap3A_1263 : vector<1x16xf32> to vector<16xf32>
          %swap3A_1265 = vector.shape_cast %mul3A_1260 : vector<16xf32> to vector<1x16xf32>
          tpu.vector_store %arg11[%swap3A_1261, %swap3A_1262], %swap3A_1265 {strides = array<i32>} : memref<128x128xf32, #tpu.memory_space<vmem>>, vector<1x16xf32>,
          %slice3A_1266 = vector.extract_strided_slice %get3A_46 {offsets = [13], sizes = [1], strides = [1]} : vector<16xf32> to vector<1xf32>
          %squeeze3A_1267 = vector.extract %slice3A_1266[0] : f32 from vector<1xf32>
          %mul3A_1268 = arith.constant 16 : i32
          %mul3A_1269 = arith.muli %scan3A_42, %mul3A_1268 : i32
          %add3A_1270 = arith.constant 13 : i32
          %add3A_1271 = arith.addi %mul3A_1269, %add3A_1270 : i32
          %get3A_1272 = arith.index_cast %add3A_1271 : i32 to index
          %get3A_1273 = arith.constant 0 : index
          %get3A_1274 = tpu.vector_load %arg11[%get3A_1272, %get3A_1273] {strides = array<i32>} : memref<128x128xf32, #tpu.memory_space<vmem>>, vector<1x16xf32>,
          %get3A_1275 = vector.shape_cast %get3A_1274 : vector<1x16xf32> to vector<16xf32>
          %mul3A_1276 = vector.broadcast %squeeze3A_1267 : f32 to vector<16xf32>
          %mul3A_1277 = arith.mulf %get3A_1275, %mul3A_1276 : vector<16xf32>
          %swap3A_1278 = arith.index_cast %add3A_1271 : i32 to index
          %swap3A_1279 = arith.constant 0 : index
          %swap3A_1280 = tpu.vector_load %arg11[%swap3A_1278, %swap3A_1279] {strides = array<i32>} : memref<128x128xf32, #tpu.memory_space<vmem>>, vector<1x16xf32>,
          %swap3A_1281 = vector.shape_cast %swap3A_1280 : vector<1x16xf32> to vector<16xf32>
          %swap3A_1282 = vector.shape_cast %mul3A_1277 : vector<16xf32> to vector<1x16xf32>
          tpu.vector_store %arg11[%swap3A_1278, %swap3A_1279], %swap3A_1282 {strides = array<i32>} : memref<128x128xf32, #tpu.memory_space<vmem>>, vector<1x16xf32>,
          %get3A_1283 = arith.index_cast %add3A_1271 : i32 to index
          %get3A_1284 = arith.constant 16 : index
          %get3A_1285 = tpu.vector_load %arg11[%get3A_1283, %get3A_1284] {strides = array<i32>} : memref<128x128xf32, #tpu.memory_space<vmem>>, vector<1x16xf32>,
          %get3A_1286 = vector.shape_cast %get3A_1285 : vector<1x16xf32> to vector<16xf32>
          %mul3A_1287 = vector.broadcast %squeeze3A_1267 : f32 to vector<16xf32>
          %mul3A_1288 = arith.mulf %get3A_1286, %mul3A_1287 : vector<16xf32>
          %swap3A_1289 = arith.index_cast %add3A_1271 : i32 to index
          %swap3A_1290 = arith.constant 16 : index
          %swap3A_1291 = tpu.vector_load %arg11[%swap3A_1289, %swap3A_1290] {strides = array<i32>} : memref<128x128xf32, #tpu.memory_space<vmem>>, vector<1x16xf32>,
          %swap3A_1292 = vector.shape_cast %swap3A_1291 : vector<1x16xf32> to vector<16xf32>
          %swap3A_1293 = vector.shape_cast %mul3A_1288 : vector<16xf32> to vector<1x16xf32>
          tpu.vector_store %arg11[%swap3A_1289, %swap3A_1290], %swap3A_1293 {strides = array<i32>} : memref<128x128xf32, #tpu.memory_space<vmem>>, vector<1x16xf32>,
          %get3A_1294 = arith.index_cast %add3A_1271 : i32 to index
          %get3A_1295 = arith.constant 32 : index
          %get3A_1296 = tpu.vector_load %arg11[%get3A_1294, %get3A_1295] {strides = array<i32>} : memref<128x128xf32, #tpu.memory_space<vmem>>, vector<1x16xf32>,
          %get3A_1297 = vector.shape_cast %get3A_1296 : vector<1x16xf32> to vector<16xf32>
          %mul3A_1298 = vector.broadcast %squeeze3A_1267 : f32 to vector<16xf32>
          %mul3A_1299 = arith.mulf %get3A_1297, %mul3A_1298 : vector<16xf32>
          %swap3A_1300 = arith.index_cast %add3A_1271 : i32 to index
          %swap3A_1301 = arith.constant 32 : index
          %swap3A_1302 = tpu.vector_load %arg11[%swap3A_1300, %swap3A_1301] {strides = array<i32>} : memref<128x128xf32, #tpu.memory_space<vmem>>, vector<1x16xf32>,
          %swap3A_1303 = vector.shape_cast %swap3A_1302 : vector<1x16xf32> to vector<16xf32>
          %swap3A_1304 = vector.shape_cast %mul3A_1299 : vector<16xf32> to vector<1x16xf32>
          tpu.vector_store %arg11[%swap3A_1300, %swap3A_1301], %swap3A_1304 {strides = array<i32>} : memref<128x128xf32, #tpu.memory_space<vmem>>, vector<1x16xf32>,
          %get3A_1305 = arith.index_cast %add3A_1271 : i32 to index
          %get3A_1306 = arith.constant 48 : index
          %get3A_1307 = tpu.vector_load %arg11[%get3A_1305, %get3A_1306] {strides = array<i32>} : memref<128x128xf32, #tpu.memory_space<vmem>>, vector<1x16xf32>,
          %get3A_1308 = vector.shape_cast %get3A_1307 : vector<1x16xf32> to vector<16xf32>
          %mul3A_1309 = vector.broadcast %squeeze3A_1267 : f32 to vector<16xf32>
          %mul3A_1310 = arith.mulf %get3A_1308, %mul3A_1309 : vector<16xf32>
          %swap3A_1311 = arith.index_cast %add3A_1271 : i32 to index
          %swap3A_1312 = arith.constant 48 : index
          %swap3A_1313 = tpu.vector_load %arg11[%swap3A_1311, %swap3A_1312] {strides = array<i32>} : memref<128x128xf32, #tpu.memory_space<vmem>>, vector<1x16xf32>,
          %swap3A_1314 = vector.shape_cast %swap3A_1313 : vector<1x16xf32> to vector<16xf32>
          %swap3A_1315 = vector.shape_cast %mul3A_1310 : vector<16xf32> to vector<1x16xf32>
          tpu.vector_store %arg11[%swap3A_1311, %swap3A_1312], %swap3A_1315 {strides = array<i32>} : memref<128x128xf32, #tpu.memory_space<vmem>>, vector<1x16xf32>,
          %get3A_1316 = arith.index_cast %add3A_1271 : i32 to index
          %get3A_1317 = arith.constant 64 : index
          %get3A_1318 = tpu.vector_load %arg11[%get3A_1316, %get3A_1317] {strides = array<i32>} : memref<128x128xf32, #tpu.memory_space<vmem>>, vector<1x16xf32>,
          %get3A_1319 = vector.shape_cast %get3A_1318 : vector<1x16xf32> to vector<16xf32>
          %mul3A_1320 = vector.broadcast %squeeze3A_1267 : f32 to vector<16xf32>
          %mul3A_1321 = arith.mulf %get3A_1319, %mul3A_1320 : vector<16xf32>
          %swap3A_1322 = arith.index_cast %add3A_1271 : i32 to index
          %swap3A_1323 = arith.constant 64 : index
          %swap3A_1324 = tpu.vector_load %arg11[%swap3A_1322, %swap3A_1323] {strides = array<i32>} : memref<128x128xf32, #tpu.memory_space<vmem>>, vector<1x16xf32>,
          %swap3A_1325 = vector.shape_cast %swap3A_1324 : vector<1x16xf32> to vector<16xf32>
          %swap3A_1326 = vector.shape_cast %mul3A_1321 : vector<16xf32> to vector<1x16xf32>
          tpu.vector_store %arg11[%swap3A_1322, %swap3A_1323], %swap3A_1326 {strides = array<i32>} : memref<128x128xf32, #tpu.memory_space<vmem>>, vector<1x16xf32>,
          %get3A_1327 = arith.index_cast %add3A_1271 : i32 to index
          %get3A_1328 = arith.constant 80 : index
          %get3A_1329 = tpu.vector_load %arg11[%get3A_1327, %get3A_1328] {strides = array<i32>} : memref<128x128xf32, #tpu.memory_space<vmem>>, vector<1x16xf32>,
          %get3A_1330 = vector.shape_cast %get3A_1329 : vector<1x16xf32> to vector<16xf32>
          %mul3A_1331 = vector.broadcast %squeeze3A_1267 : f32 to vector<16xf32>
          %mul3A_1332 = arith.mulf %get3A_1330, %mul3A_1331 : vector<16xf32>
          %swap3A_1333 = arith.index_cast %add3A_1271 : i32 to index
          %swap3A_1334 = arith.constant 80 : index
          %swap3A_1335 = tpu.vector_load %arg11[%swap3A_1333, %swap3A_1334] {strides = array<i32>} : memref<128x128xf32, #tpu.memory_space<vmem>>, vector<1x16xf32>,
          %swap3A_1336 = vector.shape_cast %swap3A_1335 : vector<1x16xf32> to vector<16xf32>
          %swap3A_1337 = vector.shape_cast %mul3A_1332 : vector<16xf32> to vector<1x16xf32>
          tpu.vector_store %arg11[%swap3A_1333, %swap3A_1334], %swap3A_1337 {strides = array<i32>} : memref<128x128xf32, #tpu.memory_space<vmem>>, vector<1x16xf32>,
          %get3A_1338 = arith.index_cast %add3A_1271 : i32 to index
          %get3A_1339 = arith.constant 96 : index
          %get3A_1340 = tpu.vector_load %arg11[%get3A_1338, %get3A_1339] {strides = array<i32>} : memref<128x128xf32, #tpu.memory_space<vmem>>, vector<1x16xf32>,
          %get3A_1341 = vector.shape_cast %get3A_1340 : vector<1x16xf32> to vector<16xf32>
          %mul3A_1342 = vector.broadcast %squeeze3A_1267 : f32 to vector<16xf32>
          %mul3A_1343 = arith.mulf %get3A_1341, %mul3A_1342 : vector<16xf32>
          %swap3A_1344 = arith.index_cast %add3A_1271 : i32 to index
          %swap3A_1345 = arith.constant 96 : index
          %swap3A_1346 = tpu.vector_load %arg11[%swap3A_1344, %swap3A_1345] {strides = array<i32>} : memref<128x128xf32, #tpu.memory_space<vmem>>, vector<1x16xf32>,
          %swap3A_1347 = vector.shape_cast %swap3A_1346 : vector<1x16xf32> to vector<16xf32>
          %swap3A_1348 = vector.shape_cast %mul3A_1343 : vector<16xf32> to vector<1x16xf32>
          tpu.vector_store %arg11[%swap3A_1344, %swap3A_1345], %swap3A_1348 {strides = array<i32>} : memref<128x128xf32, #tpu.memory_space<vmem>>, vector<1x16xf32>,
          %get3A_1349 = arith.index_cast %add3A_1271 : i32 to index
          %get3A_1350 = arith.constant 112 : index
          %get3A_1351 = tpu.vector_load %arg11[%get3A_1349, %get3A_1350] {strides = array<i32>} : memref<128x128xf32, #tpu.memory_space<vmem>>, vector<1x16xf32>,
          %get3A_1352 = vector.shape_cast %get3A_1351 : vector<1x16xf32> to vector<16xf32>
          %mul3A_1353 = vector.broadcast %squeeze3A_1267 : f32 to vector<16xf32>
          %mul3A_1354 = arith.mulf %get3A_1352, %mul3A_1353 : vector<16xf32>
          %swap3A_1355 = arith.index_cast %add3A_1271 : i32 to index
          %swap3A_1356 = arith.constant 112 : index
          %swap3A_1357 = tpu.vector_load %arg11[%swap3A_1355, %swap3A_1356] {strides = array<i32>} : memref<128x128xf32, #tpu.memory_space<vmem>>, vector<1x16xf32>,
          %swap3A_1358 = vector.shape_cast %swap3A_1357 : vector<1x16xf32> to vector<16xf32>
          %swap3A_1359 = vector.shape_cast %mul3A_1354 : vector<16xf32> to vector<1x16xf32>
          tpu.vector_store %arg11[%swap3A_1355, %swap3A_1356], %swap3A_1359 {strides = array<i32>} : memref<128x128xf32, #tpu.memory_space<vmem>>, vector<1x16xf32>,
          %slice3A_1360 = vector.extract_strided_slice %get3A_46 {offsets = [14], sizes = [1], strides = [1]} : vector<16xf32> to vector<1xf32>
          %squeeze3A_1361 = vector.extract %slice3A_1360[0] : f32 from vector<1xf32>
          %mul3A_1362 = arith.constant 16 : i32
          %mul3A_1363 = arith.muli %scan3A_42, %mul3A_1362 : i32
          %add3A_1364 = arith.constant 14 : i32
          %add3A_1365 = arith.addi %mul3A_1363, %add3A_1364 : i32
          %get3A_1366 = arith.index_cast %add3A_1365 : i32 to index
          %get3A_1367 = arith.constant 0 : index
          %get3A_1368 = tpu.vector_load %arg11[%get3A_1366, %get3A_1367] {strides = array<i32>} : memref<128x128xf32, #tpu.memory_space<vmem>>, vector<1x16xf32>,
          %get3A_1369 = vector.shape_cast %get3A_1368 : vector<1x16xf32> to vector<16xf32>
          %mul3A_1370 = vector.broadcast %squeeze3A_1361 : f32 to vector<16xf32>
          %mul3A_1371 = arith.mulf %get3A_1369, %mul3A_1370 : vector<16xf32>
          %swap3A_1372 = arith.index_cast %add3A_1365 : i32 to index
          %swap3A_1373 = arith.constant 0 : index
          %swap3A_1374 = tpu.vector_load %arg11[%swap3A_1372, %swap3A_1373] {strides = array<i32>} : memref<128x128xf32, #tpu.memory_space<vmem>>, vector<1x16xf32>,
          %swap3A_1375 = vector.shape_cast %swap3A_1374 : vector<1x16xf32> to vector<16xf32>
          %swap3A_1376 = vector.shape_cast %mul3A_1371 : vector<16xf32> to vector<1x16xf32>
          tpu.vector_store %arg11[%swap3A_1372, %swap3A_1373], %swap3A_1376 {strides = array<i32>} : memref<128x128xf32, #tpu.memory_space<vmem>>, vector<1x16xf32>,
          %get3A_1377 = arith.index_cast %add3A_1365 : i32 to index
          %get3A_1378 = arith.constant 16 : index
          %get3A_1379 = tpu.vector_load %arg11[%get3A_1377, %get3A_1378] {strides = array<i32>} : memref<128x128xf32, #tpu.memory_space<vmem>>, vector<1x16xf32>,
          %get3A_1380 = vector.shape_cast %get3A_1379 : vector<1x16xf32> to vector<16xf32>
          %mul3A_1381 = vector.broadcast %squeeze3A_1361 : f32 to vector<16xf32>
          %mul3A_1382 = arith.mulf %get3A_1380, %mul3A_1381 : vector<16xf32>
          %swap3A_1383 = arith.index_cast %add3A_1365 : i32 to index
          %swap3A_1384 = arith.constant 16 : index
          %swap3A_1385 = tpu.vector_load %arg11[%swap3A_1383, %swap3A_1384] {strides = array<i32>} : memref<128x128xf32, #tpu.memory_space<vmem>>, vector<1x16xf32>,
          %swap3A_1386 = vector.shape_cast %swap3A_1385 : vector<1x16xf32> to vector<16xf32>
          %swap3A_1387 = vector.shape_cast %mul3A_1382 : vector<16xf32> to vector<1x16xf32>
          tpu.vector_store %arg11[%swap3A_1383, %swap3A_1384], %swap3A_1387 {strides = array<i32>} : memref<128x128xf32, #tpu.memory_space<vmem>>, vector<1x16xf32>,
          %get3A_1388 = arith.index_cast %add3A_1365 : i32 to index
          %get3A_1389 = arith.constant 32 : index
          %get3A_1390 = tpu.vector_load %arg11[%get3A_1388, %get3A_1389] {strides = array<i32>} : memref<128x128xf32, #tpu.memory_space<vmem>>, vector<1x16xf32>,
          %get3A_1391 = vector.shape_cast %get3A_1390 : vector<1x16xf32> to vector<16xf32>
          %mul3A_1392 = vector.broadcast %squeeze3A_1361 : f32 to vector<16xf32>
          %mul3A_1393 = arith.mulf %get3A_1391, %mul3A_1392 : vector<16xf32>
          %swap3A_1394 = arith.index_cast %add3A_1365 : i32 to index
          %swap3A_1395 = arith.constant 32 : index
          %swap3A_1396 = tpu.vector_load %arg11[%swap3A_1394, %swap3A_1395] {strides = array<i32>} : memref<128x128xf32, #tpu.memory_space<vmem>>, vector<1x16xf32>,
          %swap3A_1397 = vector.shape_cast %swap3A_1396 : vector<1x16xf32> to vector<16xf32>
          %swap3A_1398 = vector.shape_cast %mul3A_1393 : vector<16xf32> to vector<1x16xf32>
          tpu.vector_store %arg11[%swap3A_1394, %swap3A_1395], %swap3A_1398 {strides = array<i32>} : memref<128x128xf32, #tpu.memory_space<vmem>>, vector<1x16xf32>,
          %get3A_1399 = arith.index_cast %add3A_1365 : i32 to index
          %get3A_1400 = arith.constant 48 : index
          %get3A_1401 = tpu.vector_load %arg11[%get3A_1399, %get3A_1400] {strides = array<i32>} : memref<128x128xf32, #tpu.memory_space<vmem>>, vector<1x16xf32>,
          %get3A_1402 = vector.shape_cast %get3A_1401 : vector<1x16xf32> to vector<16xf32>
          %mul3A_1403 = vector.broadcast %squeeze3A_1361 : f32 to vector<16xf32>
          %mul3A_1404 = arith.mulf %get3A_1402, %mul3A_1403 : vector<16xf32>
          %swap3A_1405 = arith.index_cast %add3A_1365 : i32 to index
          %swap3A_1406 = arith.constant 48 : index
          %swap3A_1407 = tpu.vector_load %arg11[%swap3A_1405, %swap3A_1406] {strides = array<i32>} : memref<128x128xf32, #tpu.memory_space<vmem>>, vector<1x16xf32>,
          %swap3A_1408 = vector.shape_cast %swap3A_1407 : vector<1x16xf32> to vector<16xf32>
          %swap3A_1409 = vector.shape_cast %mul3A_1404 : vector<16xf32> to vector<1x16xf32>
          tpu.vector_store %arg11[%swap3A_1405, %swap3A_1406], %swap3A_1409 {strides = array<i32>} : memref<128x128xf32, #tpu.memory_space<vmem>>, vector<1x16xf32>,
          %get3A_1410 = arith.index_cast %add3A_1365 : i32 to index
          %get3A_1411 = arith.constant 64 : index
          %get3A_1412 = tpu.vector_load %arg11[%get3A_1410, %get3A_1411] {strides = array<i32>} : memref<128x128xf32, #tpu.memory_space<vmem>>, vector<1x16xf32>,
          %get3A_1413 = vector.shape_cast %get3A_1412 : vector<1x16xf32> to vector<16xf32>
          %mul3A_1414 = vector.broadcast %squeeze3A_1361 : f32 to vector<16xf32>
          %mul3A_1415 = arith.mulf %get3A_1413, %mul3A_1414 : vector<16xf32>
          %swap3A_1416 = arith.index_cast %add3A_1365 : i32 to index
          %swap3A_1417 = arith.constant 64 : index
          %swap3A_1418 = tpu.vector_load %arg11[%swap3A_1416, %swap3A_1417] {strides = array<i32>} : memref<128x128xf32, #tpu.memory_space<vmem>>, vector<1x16xf32>,
          %swap3A_1419 = vector.shape_cast %swap3A_1418 : vector<1x16xf32> to vector<16xf32>
          %swap3A_1420 = vector.shape_cast %mul3A_1415 : vector<16xf32> to vector<1x16xf32>
          tpu.vector_store %arg11[%swap3A_1416, %swap3A_1417], %swap3A_1420 {strides = array<i32>} : memref<128x128xf32, #tpu.memory_space<vmem>>, vector<1x16xf32>,
          %get3A_1421 = arith.index_cast %add3A_1365 : i32 to index
          %get3A_1422 = arith.constant 80 : index
          %get3A_1423 = tpu.vector_load %arg11[%get3A_1421, %get3A_1422] {strides = array<i32>} : memref<128x128xf32, #tpu.memory_space<vmem>>, vector<1x16xf32>,
          %get3A_1424 = vector.shape_cast %get3A_1423 : vector<1x16xf32> to vector<16xf32>
          %mul3A_1425 = vector.broadcast %squeeze3A_1361 : f32 to vector<16xf32>
          %mul3A_1426 = arith.mulf %get3A_1424, %mul3A_1425 : vector<16xf32>
          %swap3A_1427 = arith.index_cast %add3A_1365 : i32 to index
          %swap3A_1428 = arith.constant 80 : index
          %swap3A_1429 = tpu.vector_load %arg11[%swap3A_1427, %swap3A_1428] {strides = array<i32>} : memref<128x128xf32, #tpu.memory_space<vmem>>, vector<1x16xf32>,
          %swap3A_1430 = vector.shape_cast %swap3A_1429 : vector<1x16xf32> to vector<16xf32>
          %swap3A_1431 = vector.shape_cast %mul3A_1426 : vector<16xf32> to vector<1x16xf32>
          tpu.vector_store %arg11[%swap3A_1427, %swap3A_1428], %swap3A_1431 {strides = array<i32>} : memref<128x128xf32, #tpu.memory_space<vmem>>, vector<1x16xf32>,
          %get3A_1432 = arith.index_cast %add3A_1365 : i32 to index
          %get3A_1433 = arith.constant 96 : index
          %get3A_1434 = tpu.vector_load %arg11[%get3A_1432, %get3A_1433] {strides = array<i32>} : memref<128x128xf32, #tpu.memory_space<vmem>>, vector<1x16xf32>,
          %get3A_1435 = vector.shape_cast %get3A_1434 : vector<1x16xf32> to vector<16xf32>
          %mul3A_1436 = vector.broadcast %squeeze3A_1361 : f32 to vector<16xf32>
          %mul3A_1437 = arith.mulf %get3A_1435, %mul3A_1436 : vector<16xf32>
          %swap3A_1438 = arith.index_cast %add3A_1365 : i32 to index
          %swap3A_1439 = arith.constant 96 : index
          %swap3A_1440 = tpu.vector_load %arg11[%swap3A_1438, %swap3A_1439] {strides = array<i32>} : memref<128x128xf32, #tpu.memory_space<vmem>>, vector<1x16xf32>,
          %swap3A_1441 = vector.shape_cast %swap3A_1440 : vector<1x16xf32> to vector<16xf32>
          %swap3A_1442 = vector.shape_cast %mul3A_1437 : vector<16xf32> to vector<1x16xf32>
          tpu.vector_store %arg11[%swap3A_1438, %swap3A_1439], %swap3A_1442 {strides = array<i32>} : memref<128x128xf32, #tpu.memory_space<vmem>>, vector<1x16xf32>,
          %get3A_1443 = arith.index_cast %add3A_1365 : i32 to index
          %get3A_1444 = arith.constant 112 : index
          %get3A_1445 = tpu.vector_load %arg11[%get3A_1443, %get3A_1444] {strides = array<i32>} : memref<128x128xf32, #tpu.memory_space<vmem>>, vector<1x16xf32>,
          %get3A_1446 = vector.shape_cast %get3A_1445 : vector<1x16xf32> to vector<16xf32>
          %mul3A_1447 = vector.broadcast %squeeze3A_1361 : f32 to vector<16xf32>
          %mul3A_1448 = arith.mulf %get3A_1446, %mul3A_1447 : vector<16xf32>
          %swap3A_1449 = arith.index_cast %add3A_1365 : i32 to index
          %swap3A_1450 = arith.constant 112 : index
          %swap3A_1451 = tpu.vector_load %arg11[%swap3A_1449, %swap3A_1450] {strides = array<i32>} : memref<128x128xf32, #tpu.memory_space<vmem>>, vector<1x16xf32>,
          %swap3A_1452 = vector.shape_cast %swap3A_1451 : vector<1x16xf32> to vector<16xf32>
          %swap3A_1453 = vector.shape_cast %mul3A_1448 : vector<16xf32> to vector<1x16xf32>
          tpu.vector_store %arg11[%swap3A_1449, %swap3A_1450], %swap3A_1453 {strides = array<i32>} : memref<128x128xf32, #tpu.memory_space<vmem>>, vector<1x16xf32>,
          %slice3A_1454 = vector.extract_strided_slice %get3A_46 {offsets = [15], sizes = [1], strides = [1]} : vector<16xf32> to vector<1xf32>
          %squeeze3A_1455 = vector.extract %slice3A_1454[0] : f32 from vector<1xf32>
          %mul3A_1456 = arith.constant 16 : i32
          %mul3A_1457 = arith.muli %scan3A_42, %mul3A_1456 : i32
          %add3A_1458 = arith.constant 15 : i32
          %add3A_1459 = arith.addi %mul3A_1457, %add3A_1458 : i32
          %get3A_1460 = arith.index_cast %add3A_1459 : i32 to index
          %get3A_1461 = arith.constant 0 : index
          %get3A_1462 = tpu.vector_load %arg11[%get3A_1460, %get3A_1461] {strides = array<i32>} : memref<128x128xf32, #tpu.memory_space<vmem>>, vector<1x16xf32>,
          %get3A_1463 = vector.shape_cast %get3A_1462 : vector<1x16xf32> to vector<16xf32>
          %mul3A_1464 = vector.broadcast %squeeze3A_1455 : f32 to vector<16xf32>
          %mul3A_1465 = arith.mulf %get3A_1463, %mul3A_1464 : vector<16xf32>
          %swap3A_1466 = arith.index_cast %add3A_1459 : i32 to index
          %swap3A_1467 = arith.constant 0 : index
          %swap3A_1468 = tpu.vector_load %arg11[%swap3A_1466, %swap3A_1467] {strides = array<i32>} : memref<128x128xf32, #tpu.memory_space<vmem>>, vector<1x16xf32>,
          %swap3A_1469 = vector.shape_cast %swap3A_1468 : vector<1x16xf32> to vector<16xf32>
          %swap3A_1470 = vector.shape_cast %mul3A_1465 : vector<16xf32> to vector<1x16xf32>
          tpu.vector_store %arg11[%swap3A_1466, %swap3A_1467], %swap3A_1470 {strides = array<i32>} : memref<128x128xf32, #tpu.memory_space<vmem>>, vector<1x16xf32>,
          %get3A_1471 = arith.index_cast %add3A_1459 : i32 to index
          %get3A_1472 = arith.constant 16 : index
          %get3A_1473 = tpu.vector_load %arg11[%get3A_1471, %get3A_1472] {strides = array<i32>} : memref<128x128xf32, #tpu.memory_space<vmem>>, vector<1x16xf32>,
          %get3A_1474 = vector.shape_cast %get3A_1473 : vector<1x16xf32> to vector<16xf32>
          %mul3A_1475 = vector.broadcast %squeeze3A_1455 : f32 to vector<16xf32>
          %mul3A_1476 = arith.mulf %get3A_1474, %mul3A_1475 : vector<16xf32>
          %swap3A_1477 = arith.index_cast %add3A_1459 : i32 to index
          %swap3A_1478 = arith.constant 16 : index
          %swap3A_1479 = tpu.vector_load %arg11[%swap3A_1477, %swap3A_1478] {strides = array<i32>} : memref<128x128xf32, #tpu.memory_space<vmem>>, vector<1x16xf32>,
          %swap3A_1480 = vector.shape_cast %swap3A_1479 : vector<1x16xf32> to vector<16xf32>
          %swap3A_1481 = vector.shape_cast %mul3A_1476 : vector<16xf32> to vector<1x16xf32>
          tpu.vector_store %arg11[%swap3A_1477, %swap3A_1478], %swap3A_1481 {strides = array<i32>} : memref<128x128xf32, #tpu.memory_space<vmem>>, vector<1x16xf32>,
          %get3A_1482 = arith.index_cast %add3A_1459 : i32 to index
          %get3A_1483 = arith.constant 32 : index
          %get3A_1484 = tpu.vector_load %arg11[%get3A_1482, %get3A_1483] {strides = array<i32>} : memref<128x128xf32, #tpu.memory_space<vmem>>, vector<1x16xf32>,
          %get3A_1485 = vector.shape_cast %get3A_1484 : vector<1x16xf32> to vector<16xf32>
          %mul3A_1486 = vector.broadcast %squeeze3A_1455 : f32 to vector<16xf32>
          %mul3A_1487 = arith.mulf %get3A_1485, %mul3A_1486 : vector<16xf32>
          %swap3A_1488 = arith.index_cast %add3A_1459 : i32 to index
          %swap3A_1489 = arith.constant 32 : index
          %swap3A_1490 = tpu.vector_load %arg11[%swap3A_1488, %swap3A_1489] {strides = array<i32>} : memref<128x128xf32, #tpu.memory_space<vmem>>, vector<1x16xf32>,
          %swap3A_1491 = vector.shape_cast %swap3A_1490 : vector<1x16xf32> to vector<16xf32>
          %swap3A_1492 = vector.shape_cast %mul3A_1487 : vector<16xf32> to vector<1x16xf32>
          tpu.vector_store %arg11[%swap3A_1488, %swap3A_1489], %swap3A_1492 {strides = array<i32>} : memref<128x128xf32, #tpu.memory_space<vmem>>, vector<1x16xf32>,
          %get3A_1493 = arith.index_cast %add3A_1459 : i32 to index
          %get3A_1494 = arith.constant 48 : index
          %get3A_1495 = tpu.vector_load %arg11[%get3A_1493, %get3A_1494] {strides = array<i32>} : memref<128x128xf32, #tpu.memory_space<vmem>>, vector<1x16xf32>,
          %get3A_1496 = vector.shape_cast %get3A_1495 : vector<1x16xf32> to vector<16xf32>
          %mul3A_1497 = vector.broadcast %squeeze3A_1455 : f32 to vector<16xf32>
          %mul3A_1498 = arith.mulf %get3A_1496, %mul3A_1497 : vector<16xf32>
          %swap3A_1499 = arith.index_cast %add3A_1459 : i32 to index
          %swap3A_1500 = arith.constant 48 : index
          %swap3A_1501 = tpu.vector_load %arg11[%swap3A_1499, %swap3A_1500] {strides = array<i32>} : memref<128x128xf32, #tpu.memory_space<vmem>>, vector<1x16xf32>,
          %swap3A_1502 = vector.shape_cast %swap3A_1501 : vector<1x16xf32> to vector<16xf32>
          %swap3A_1503 = vector.shape_cast %mul3A_1498 : vector<16xf32> to vector<1x16xf32>
          tpu.vector_store %arg11[%swap3A_1499, %swap3A_1500], %swap3A_1503 {strides = array<i32>} : memref<128x128xf32, #tpu.memory_space<vmem>>, vector<1x16xf32>,
          %get3A_1504 = arith.index_cast %add3A_1459 : i32 to index
          %get3A_1505 = arith.constant 64 : index
          %get3A_1506 = tpu.vector_load %arg11[%get3A_1504, %get3A_1505] {strides = array<i32>} : memref<128x128xf32, #tpu.memory_space<vmem>>, vector<1x16xf32>,
          %get3A_1507 = vector.shape_cast %get3A_1506 : vector<1x16xf32> to vector<16xf32>
          %mul3A_1508 = vector.broadcast %squeeze3A_1455 : f32 to vector<16xf32>
          %mul3A_1509 = arith.mulf %get3A_1507, %mul3A_1508 : vector<16xf32>
          %swap3A_1510 = arith.index_cast %add3A_1459 : i32 to index
          %swap3A_1511 = arith.constant 64 : index
          %swap3A_1512 = tpu.vector_load %arg11[%swap3A_1510, %swap3A_1511] {strides = array<i32>} : memref<128x128xf32, #tpu.memory_space<vmem>>, vector<1x16xf32>,
          %swap3A_1513 = vector.shape_cast %swap3A_1512 : vector<1x16xf32> to vector<16xf32>
          %swap3A_1514 = vector.shape_cast %mul3A_1509 : vector<16xf32> to vector<1x16xf32>
          tpu.vector_store %arg11[%swap3A_1510, %swap3A_1511], %swap3A_1514 {strides = array<i32>} : memref<128x128xf32, #tpu.memory_space<vmem>>, vector<1x16xf32>,
          %get3A_1515 = arith.index_cast %add3A_1459 : i32 to index
          %get3A_1516 = arith.constant 80 : index
          %get3A_1517 = tpu.vector_load %arg11[%get3A_1515, %get3A_1516] {strides = array<i32>} : memref<128x128xf32, #tpu.memory_space<vmem>>, vector<1x16xf32>,
          %get3A_1518 = vector.shape_cast %get3A_1517 : vector<1x16xf32> to vector<16xf32>
          %mul3A_1519 = vector.broadcast %squeeze3A_1455 : f32 to vector<16xf32>
          %mul3A_1520 = arith.mulf %get3A_1518, %mul3A_1519 : vector<16xf32>
          %swap3A_1521 = arith.index_cast %add3A_1459 : i32 to index
          %swap3A_1522 = arith.constant 80 : index
          %swap3A_1523 = tpu.vector_load %arg11[%swap3A_1521, %swap3A_1522] {strides = array<i32>} : memref<128x128xf32, #tpu.memory_space<vmem>>, vector<1x16xf32>,
          %swap3A_1524 = vector.shape_cast %swap3A_1523 : vector<1x16xf32> to vector<16xf32>
          %swap3A_1525 = vector.shape_cast %mul3A_1520 : vector<16xf32> to vector<1x16xf32>
          tpu.vector_store %arg11[%swap3A_1521, %swap3A_1522], %swap3A_1525 {strides = array<i32>} : memref<128x128xf32, #tpu.memory_space<vmem>>, vector<1x16xf32>,
          %get3A_1526 = arith.index_cast %add3A_1459 : i32 to index
          %get3A_1527 = arith.constant 96 : index
          %get3A_1528 = tpu.vector_load %arg11[%get3A_1526, %get3A_1527] {strides = array<i32>} : memref<128x128xf32, #tpu.memory_space<vmem>>, vector<1x16xf32>,
          %get3A_1529 = vector.shape_cast %get3A_1528 : vector<1x16xf32> to vector<16xf32>
          %mul3A_1530 = vector.broadcast %squeeze3A_1455 : f32 to vector<16xf32>
          %mul3A_1531 = arith.mulf %get3A_1529, %mul3A_1530 : vector<16xf32>
          %swap3A_1532 = arith.index_cast %add3A_1459 : i32 to index
          %swap3A_1533 = arith.constant 96 : index
          %swap3A_1534 = tpu.vector_load %arg11[%swap3A_1532, %swap3A_1533] {strides = array<i32>} : memref<128x128xf32, #tpu.memory_space<vmem>>, vector<1x16xf32>,
          %swap3A_1535 = vector.shape_cast %swap3A_1534 : vector<1x16xf32> to vector<16xf32>
          %swap3A_1536 = vector.shape_cast %mul3A_1531 : vector<16xf32> to vector<1x16xf32>
          tpu.vector_store %arg11[%swap3A_1532, %swap3A_1533], %swap3A_1536 {strides = array<i32>} : memref<128x128xf32, #tpu.memory_space<vmem>>, vector<1x16xf32>,
          %get3A_1537 = arith.index_cast %add3A_1459 : i32 to index
          %get3A_1538 = arith.constant 112 : index
          %get3A_1539 = tpu.vector_load %arg11[%get3A_1537, %get3A_1538] {strides = array<i32>} : memref<128x128xf32, #tpu.memory_space<vmem>>, vector<1x16xf32>,
          %get3A_1540 = vector.shape_cast %get3A_1539 : vector<1x16xf32> to vector<16xf32>
          %mul3A_1541 = vector.broadcast %squeeze3A_1455 : f32 to vector<16xf32>
          %mul3A_1542 = arith.mulf %get3A_1540, %mul3A_1541 : vector<16xf32>
          %swap3A_1543 = arith.index_cast %add3A_1459 : i32 to index
          %swap3A_1544 = arith.constant 112 : index
          %swap3A_1545 = tpu.vector_load %arg11[%swap3A_1543, %swap3A_1544] {strides = array<i32>} : memref<128x128xf32, #tpu.memory_space<vmem>>, vector<1x16xf32>,
          %swap3A_1546 = vector.shape_cast %swap3A_1545 : vector<1x16xf32> to vector<16xf32>
          %swap3A_1547 = vector.shape_cast %mul3A_1542 : vector<16xf32> to vector<1x16xf32>
          tpu.vector_store %arg11[%swap3A_1543, %swap3A_1544], %swap3A_1547 {strides = array<i32>} : memref<128x128xf32, #tpu.memory_space<vmem>>, vector<1x16xf32>,
        }
        %scan3A_41 = arith.constant 8 : i32
        "tpu.region"() ({
          %run_scoped3A = tpu.sem_alloc : memref<!tpu.dma_semaphore, #tpu.memory_space<semaphore_mem>>
          %dma_start3A_42 = arith.constant 0 : i32
          %dma_start3A_43 = arith.constant 0 : i32
          %dma_start3A_44 = tpu.memref_slice %arg12[%dma_start3A_42, %dma_start3A_43] : memref<10000x128xf32, #tpu.memory_space<vmem_shared>> -> memref<10000x128xf32, #tpu.memory_space<vmem_shared>>
          tpu.enqueue_indirect_dma source(%arg11 : memref<128x128xf32, #tpu.memory_space<vmem>>) target(%dma_start3A_44 : memref<10000x128xf32, #tpu.memory_space<vmem_shared>>) offsets(%arg9 : memref<128xi32, #tpu.memory_space<vmem>>) semaphore(%run_scoped3A : memref<!tpu.dma_semaphore, #tpu.memory_space<semaphore_mem>>) {add = true}
          %dma_wait3A_45 = arith.constant 0 : i32
          %dma_wait3A_46 = arith.constant 0 : i32
          %dma_wait3A_47 = tpu.memref_slice %arg12[%dma_wait3A_45, %dma_wait3A_46] : memref<10000x128xf32, #tpu.memory_space<vmem_shared>> -> memref<10000x128xf32, #tpu.memory_space<vmem_shared>>
          tpu.wait_indirect_dma semaphore(%run_scoped3A : memref<!tpu.dma_semaphore, #tpu.memory_space<semaphore_mem>>) src(%arg11 : memref<128x128xf32, #tpu.memory_space<vmem>>) dst(%dma_wait3A_47 : memref<10000x128xf32, #tpu.memory_space<vmem_shared>>)
          tpu.yield
        }) : () -> ()
      } else {
      }
    }
    %scan3A_10 = arith.constant 79 : i32
    %barrier3A_11 = arith.constant 0 : index
    tpu.barrier barrier_id(%barrier3A_11)
    %lt3A_12 = arith.constant 15 : i32
    %lt3A_13 = arith.cmpi slt, %arg1, %lt3A_12 : i32
    %convert_element_type3A_14 = arith.extui %lt3A_13 : i1 to i32
    %cond3A_15 = arith.constant 0 : i32
    %cond3A_16 = arith.cmpi ne, %convert_element_type3A_14, %cond3A_15 : i32
    scf.if %cond3A_16 {
      %mul3A_22 = arith.constant 640 : i32
      %mul3A_23 = arith.muli %arg1, %mul3A_22 : i32
      %mul3A_24 = arith.constant 640 : i32
      %mul3A_25 = arith.muli %arg1, %mul3A_24 : i32
      "tpu.region"() ({
        %run_scoped3A = tpu.sem_alloc : memref<!tpu.dma_semaphore, #tpu.memory_space<semaphore_mem>>
        %dma_start3A = arith.constant 0 : i32
        %dma_start3A_26 = tpu.memref_slice %arg7[%arg0, %mul3A_25, %dma_start3A] : memref<2x10000x128xf32, #tpu.memory_space<hbm>> -> memref<1x640x128xf32, #tpu.memory_space<hbm>>
        %dma_start3A_27 = tpu.memref_squeeze %dma_start3A_26 : memref<1x640x128xf32, #tpu.memory_space<hbm>> -> memref<640x128xf32, #tpu.memory_space<hbm>>
        %dma_start3A_28 = arith.constant 0 : i32
        %dma_start3A_29 = tpu.memref_slice %arg12[%mul3A_23, %dma_start3A_28] : memref<10000x128xf32, #tpu.memory_space<vmem_shared>> -> memref<640x128xf32, #tpu.memory_space<vmem_shared>>
        tpu.enqueue_dma source(%dma_start3A_29 : memref<640x128xf32, #tpu.memory_space<vmem_shared>>) target(%dma_start3A_27 : memref<640x128xf32, #tpu.memory_space<hbm>>) target_semaphore(%run_scoped3A : memref<!tpu.dma_semaphore, #tpu.memory_space<semaphore_mem>>)
        %dma_wait3A = arith.constant 0 : i32
        %dma_wait3A_30 = tpu.memref_slice %arg7[%arg0, %mul3A_25, %dma_wait3A] : memref<2x10000x128xf32, #tpu.memory_space<hbm>> -> memref<1x640x128xf32, #tpu.memory_space<hbm>>
        %dma_wait3A_31 = tpu.memref_squeeze %dma_wait3A_30 : memref<1x640x128xf32, #tpu.memory_space<hbm>> -> memref<640x128xf32, #tpu.memory_space<hbm>>
        %dma_wait3A_32 = arith.constant 0 : i32
        %dma_wait3A_33 = tpu.memref_slice %arg12[%mul3A_23, %dma_wait3A_32] : memref<10000x128xf32, #tpu.memory_space<vmem_shared>> -> memref<640x128xf32, #tpu.memory_space<vmem_shared>>
        tpu.wait_dma2 semaphore(%run_scoped3A : memref<!tpu.dma_semaphore, #tpu.memory_space<semaphore_mem>>) src(%dma_wait3A_33 : memref<640x128xf32, #tpu.memory_space<vmem_shared>>) dst(%dma_wait3A_31 : memref<640x128xf32, #tpu.memory_space<hbm>>)
        tpu.yield
      }) : () -> ()
    } else {
    }
    %eq3A_17 = arith.constant 15 : i32
    %eq3A_18 = arith.cmpi eq, %arg1, %eq3A_17 : i32
    %convert_element_type3A_19 = arith.extui %eq3A_18 : i1 to i32
    %cond3A_20 = arith.constant 0 : i32
    %cond3A_21 = arith.cmpi ne, %convert_element_type3A_19, %cond3A_20 : i32
    scf.if %cond3A_21 {
      "tpu.region"() ({
        %run_scoped3A = tpu.sem_alloc : memref<!tpu.dma_semaphore, #tpu.memory_space<semaphore_mem>>
        %dma_start3A = arith.constant 9600 : i32
        %dma_start3A_22 = arith.constant 0 : i32
        %dma_start3A_23 = tpu.memref_slice %arg7[%arg0, %dma_start3A, %dma_start3A_22] : memref<2x10000x128xf32, #tpu.memory_space<hbm>> -> memref<1x400x128xf32, #tpu.memory_space<hbm>>
        %dma_start3A_24 = tpu.memref_squeeze %dma_start3A_23 : memref<1x400x128xf32, #tpu.memory_space<hbm>> -> memref<400x128xf32, #tpu.memory_space<hbm>>
        %dma_start3A_25 = arith.constant 9600 : i32
        %dma_start3A_26 = arith.constant 0 : i32
        %dma_start3A_27 = tpu.memref_slice %arg12[%dma_start3A_25, %dma_start3A_26] : memref<10000x128xf32, #tpu.memory_space<vmem_shared>> -> memref<400x128xf32, #tpu.memory_space<vmem_shared>>
        tpu.enqueue_dma source(%dma_start3A_27 : memref<400x128xf32, #tpu.memory_space<vmem_shared>>) target(%dma_start3A_24 : memref<400x128xf32, #tpu.memory_space<hbm>>) target_semaphore(%run_scoped3A : memref<!tpu.dma_semaphore, #tpu.memory_space<semaphore_mem>>)
        %dma_wait3A = arith.constant 9600 : i32
        %dma_wait3A_28 = arith.constant 0 : i32
        %dma_wait3A_29 = tpu.memref_slice %arg7[%arg0, %dma_wait3A, %dma_wait3A_28] : memref<2x10000x128xf32, #tpu.memory_space<hbm>> -> memref<1x400x128xf32, #tpu.memory_space<hbm>>
        %dma_wait3A_30 = tpu.memref_squeeze %dma_wait3A_29 : memref<1x400x128xf32, #tpu.memory_space<hbm>> -> memref<400x128xf32, #tpu.memory_space<hbm>>
        %dma_wait3A_31 = arith.constant 9600 : i32
        %dma_wait3A_32 = arith.constant 0 : i32
        %dma_wait3A_33 = tpu.memref_slice %arg12[%dma_wait3A_31, %dma_wait3A_32] : memref<10000x128xf32, #tpu.memory_space<vmem_shared>> -> memref<400x128xf32, #tpu.memory_space<vmem_shared>>
        tpu.wait_dma2 semaphore(%run_scoped3A : memref<!tpu.dma_semaphore, #tpu.memory_space<semaphore_mem>>) src(%dma_wait3A_33 : memref<400x128xf32, #tpu.memory_space<vmem_shared>>) dst(%dma_wait3A_30 : memref<400x128xf32, #tpu.memory_space<hbm>>)
        tpu.yield
      }) : () -> ()
    } else {
    }
    return
  }
}

#map = affine_map<(d0, d1) -> (0)>
#map1 = affine_map<(d0, d1) -> (0, 0)>
module attributes {stable_mosaic.version = 14 : i64} {
  func.func @_sc_degree(%arg0: i32, %arg1: i32, %arg2: memref<320000xi32, #tpu.memory_space<hbm>>, %arg3: memref<320000xf32, #tpu.memory_space<hbm>>, %arg4: memref<10000xf32, #tpu.memory_space<hbm>>, %arg5: memref<2x10000xf32, #tpu.memory_space<hbm>>, %arg6: memref<128xi32, #tpu.memory_space<vmem>>, %arg7: memref<128xf32, #tpu.memory_space<vmem>>, %arg8: memref<10000xf32, #tpu.memory_space<vmem_shared>>) attributes {dimension_semantics = [#tpu.dimension_semantics<core_parallel>, #tpu.dimension_semantics<subcore_parallel>], iteration_bounds = array<i64: 2, 16>, scalar_prefetch = 0 : i64, scratch_operands = 3 : i64, tpu.core_type = #tpu.core_type<sc_vector_subcore>, window_params = [{transform_indices = #map}, {transform_indices = #map}, {transform_indices = #map}, {transform_indices = #map1}]} {
    %mul3A = arith.constant 2 : i32
    %mul3A_0 = arith.muli %arg1, %mul3A : i32
    %add3A = arith.addi %mul3A_0, %arg0 : i32
    %eq3A = arith.constant 0 : i32
    %eq3A_1 = arith.cmpi eq, %arg1, %eq3A : i32
    %convert_element_type3A = arith.extui %eq3A_1 : i1 to i32
    %cond3A = arith.constant 0 : i32
    %cond3A_2 = arith.cmpi ne, %convert_element_type3A, %cond3A : i32
    scf.if %cond3A_2 {
      "tpu.region"() ({
        %run_scoped3A = tpu.sem_alloc : memref<!tpu.dma_semaphore, #tpu.memory_space<semaphore_mem>>
        tpu.enqueue_dma source(%arg4 : memref<10000xf32, #tpu.memory_space<hbm>>) target(%arg8 : memref<10000xf32, #tpu.memory_space<vmem_shared>>) target_semaphore(%run_scoped3A : memref<!tpu.dma_semaphore, #tpu.memory_space<semaphore_mem>>)
        tpu.wait_dma2 semaphore(%run_scoped3A : memref<!tpu.dma_semaphore, #tpu.memory_space<semaphore_mem>>) src(%arg4 : memref<10000xf32, #tpu.memory_space<hbm>>) dst(%arg8 : memref<10000xf32, #tpu.memory_space<vmem_shared>>)
        tpu.yield
      }) : () -> ()
    } else {
    }
    %barrier3A = arith.constant 0 : index
    tpu.barrier barrier_id(%barrier3A)
    %scan3A = arith.constant 0 : i32
    %scan3A_3 = arith.constant 79 : i32
    %scan3A_4 = arith.addi %scan3A, %scan3A_3 : i32
    %scan3A_5 = arith.constant 1 : i32
    scf.for %scan3A_13 = %scan3A to %scan3A_4 step %scan3A_5  : i32 {
      %mul3A_14 = arith.constant 32 : i32
      %mul3A_15 = arith.muli %mul3A_14, %scan3A_13 : i32
      %add3A_16 = arith.addi %add3A, %mul3A_15 : i32
      %lt3A = arith.constant 2500 : i32
      %lt3A_17 = arith.cmpi slt, %add3A_16, %lt3A : i32
      %convert_element_type3A_18 = arith.extui %lt3A_17 : i1 to i32
      %cond3A_19 = arith.constant 0 : i32
      %cond3A_20 = arith.cmpi ne, %convert_element_type3A_18, %cond3A_19 : i32
      scf.if %cond3A_20 {
        %mul3A_21 = arith.constant 128 : i32
        %mul3A_22 = arith.muli %add3A_16, %mul3A_21 : i32
        "tpu.region"() ({
          %run_scoped3A = tpu.sem_alloc : memref<!tpu.dma_semaphore, #tpu.memory_space<semaphore_mem>>
          %dma_start3A = tpu.memref_slice %arg2[%mul3A_22] : memref<320000xi32, #tpu.memory_space<hbm>> -> memref<128xi32, #tpu.memory_space<hbm>>
          %dma_start3A_23 = tpu.memref_slice %arg2[%mul3A_22] : memref<320000xi32, #tpu.memory_space<hbm>> -> memref<128xi32, #tpu.memory_space<hbm>>
          tpu.enqueue_dma source(%dma_start3A_23 : memref<128xi32, #tpu.memory_space<hbm>>) target(%arg6 : memref<128xi32, #tpu.memory_space<vmem>>) target_semaphore(%run_scoped3A : memref<!tpu.dma_semaphore, #tpu.memory_space<semaphore_mem>>)
          %dma_wait3A = tpu.memref_slice %arg2[%mul3A_22] : memref<320000xi32, #tpu.memory_space<hbm>> -> memref<128xi32, #tpu.memory_space<hbm>>
          %dma_wait3A_24 = tpu.memref_slice %arg2[%mul3A_22] : memref<320000xi32, #tpu.memory_space<hbm>> -> memref<128xi32, #tpu.memory_space<hbm>>
          tpu.wait_dma2 semaphore(%run_scoped3A : memref<!tpu.dma_semaphore, #tpu.memory_space<semaphore_mem>>) src(%dma_wait3A_24 : memref<128xi32, #tpu.memory_space<hbm>>) dst(%arg6 : memref<128xi32, #tpu.memory_space<vmem>>)
          tpu.yield
        }) : () -> ()
        "tpu.region"() ({
          %run_scoped3A = tpu.sem_alloc : memref<!tpu.dma_semaphore, #tpu.memory_space<semaphore_mem>>
          %dma_start3A = tpu.memref_slice %arg3[%mul3A_22] : memref<320000xf32, #tpu.memory_space<hbm>> -> memref<128xf32, #tpu.memory_space<hbm>>
          %dma_start3A_23 = tpu.memref_slice %arg3[%mul3A_22] : memref<320000xf32, #tpu.memory_space<hbm>> -> memref<128xf32, #tpu.memory_space<hbm>>
          tpu.enqueue_dma source(%dma_start3A_23 : memref<128xf32, #tpu.memory_space<hbm>>) target(%arg7 : memref<128xf32, #tpu.memory_space<vmem>>) target_semaphore(%run_scoped3A : memref<!tpu.dma_semaphore, #tpu.memory_space<semaphore_mem>>)
          %dma_wait3A = tpu.memref_slice %arg3[%mul3A_22] : memref<320000xf32, #tpu.memory_space<hbm>> -> memref<128xf32, #tpu.memory_space<hbm>>
          %dma_wait3A_24 = tpu.memref_slice %arg3[%mul3A_22] : memref<320000xf32, #tpu.memory_space<hbm>> -> memref<128xf32, #tpu.memory_space<hbm>>
          tpu.wait_dma2 semaphore(%run_scoped3A : memref<!tpu.dma_semaphore, #tpu.memory_space<semaphore_mem>>) src(%dma_wait3A_24 : memref<128xf32, #tpu.memory_space<hbm>>) dst(%arg7 : memref<128xf32, #tpu.memory_space<vmem>>)
          tpu.yield
        }) : () -> ()
        "tpu.region"() ({
          %run_scoped3A = tpu.sem_alloc : memref<!tpu.dma_semaphore, #tpu.memory_space<semaphore_mem>>
          %dma_start3A = arith.constant 0 : i32
          %dma_start3A_23 = tpu.memref_slice %arg8[%dma_start3A] : memref<10000xf32, #tpu.memory_space<vmem_shared>> -> memref<10000xf32, #tpu.memory_space<vmem_shared>>
          tpu.enqueue_indirect_dma source(%arg7 : memref<128xf32, #tpu.memory_space<vmem>>) target(%dma_start3A_23 : memref<10000xf32, #tpu.memory_space<vmem_shared>>) offsets(%arg6 : memref<128xi32, #tpu.memory_space<vmem>>) semaphore(%run_scoped3A : memref<!tpu.dma_semaphore, #tpu.memory_space<semaphore_mem>>) {add = true}
          %dma_wait3A = arith.constant 0 : i32
          %dma_wait3A_24 = tpu.memref_slice %arg8[%dma_wait3A] : memref<10000xf32, #tpu.memory_space<vmem_shared>> -> memref<10000xf32, #tpu.memory_space<vmem_shared>>
          tpu.wait_indirect_dma semaphore(%run_scoped3A : memref<!tpu.dma_semaphore, #tpu.memory_space<semaphore_mem>>) src(%arg7 : memref<128xf32, #tpu.memory_space<vmem>>) dst(%dma_wait3A_24 : memref<10000xf32, #tpu.memory_space<vmem_shared>>)
          tpu.yield
        }) : () -> ()
      } else {
      }
    }
    %scan3A_6 = arith.constant 79 : i32
    %barrier3A_7 = arith.constant 0 : index
    tpu.barrier barrier_id(%barrier3A_7)
    %eq3A_8 = arith.constant 0 : i32
    %eq3A_9 = arith.cmpi eq, %arg1, %eq3A_8 : i32
    %convert_element_type3A_10 = arith.extui %eq3A_9 : i1 to i32
    %cond3A_11 = arith.constant 0 : i32
    %cond3A_12 = arith.cmpi ne, %convert_element_type3A_10, %cond3A_11 : i32
    scf.if %cond3A_12 {
      "tpu.region"() ({
        %run_scoped3A = tpu.sem_alloc : memref<!tpu.dma_semaphore, #tpu.memory_space<semaphore_mem>>
        %dma_start3A = arith.constant 0 : i32
        %dma_start3A_13 = tpu.memref_slice %arg5[%arg0, %dma_start3A] : memref<2x10000xf32, #tpu.memory_space<hbm>> -> memref<1x10000xf32, #tpu.memory_space<hbm>>
        %dma_start3A_14 = tpu.memref_squeeze %dma_start3A_13 : memref<1x10000xf32, #tpu.memory_space<hbm>> -> memref<10000xf32, #tpu.memory_space<hbm>>
        tpu.enqueue_dma source(%arg8 : memref<10000xf32, #tpu.memory_space<vmem_shared>>) target(%dma_start3A_14 : memref<10000xf32, #tpu.memory_space<hbm>>) target_semaphore(%run_scoped3A : memref<!tpu.dma_semaphore, #tpu.memory_space<semaphore_mem>>)
        %dma_wait3A = arith.constant 0 : i32
        %dma_wait3A_15 = tpu.memref_slice %arg5[%arg0, %dma_wait3A] : memref<2x10000xf32, #tpu.memory_space<hbm>> -> memref<1x10000xf32, #tpu.memory_space<hbm>>
        %dma_wait3A_16 = tpu.memref_squeeze %dma_wait3A_15 : memref<1x10000xf32, #tpu.memory_space<hbm>> -> memref<10000xf32, #tpu.memory_space<hbm>>
        tpu.wait_dma2 semaphore(%run_scoped3A : memref<!tpu.dma_semaphore, #tpu.memory_space<semaphore_mem>>) src(%arg8 : memref<10000xf32, #tpu.memory_space<vmem_shared>>) dst(%dma_wait3A_16 : memref<10000xf32, #tpu.memory_space<hbm>>)
        tpu.yield
      }) : () -> ()
    } else {
    }
    return
  }
}

module attributes {stable_mosaic.version = 14 : i64} {
  func.func @_tc1_body(%arg0: memref<2x10000xf32, #tpu.memory_space<vmem>>, %arg1: memref<10000x128xf32, #tpu.memory_space<vmem>>, %arg2: memref<128x128xf32, #tpu.memory_space<vmem>>, %arg3: memref<10000x1xf32, #tpu.memory_space<vmem>>, %arg4: memref<10000x128xf32, #tpu.memory_space<vmem>>) attributes {dimension_semantics = [], scalar_prefetch = 0 : i64, scratch_operands = 0 : i64, tpu.core_type = #tpu.core_type<tc>} {
    %get3A = arith.constant 0 : index
    %get3A_0 = arith.constant 0 : index
    %get3A_1 = vector.load %arg0[%get3A, %get3A_0] : memref<2x10000xf32, #tpu.memory_space<vmem>>, vector<1x10000xf32>
    %get3A_2 = vector.shape_cast %get3A_1 : vector<1x10000xf32> to vector<10000xf32>
    %get3A_3 = arith.constant 1 : index
    %get3A_4 = arith.constant 0 : index
    %get3A_5 = vector.load %arg0[%get3A_3, %get3A_4] : memref<2x10000xf32, #tpu.memory_space<vmem>>, vector<1x10000xf32>
    %get3A_6 = vector.shape_cast %get3A_5 : vector<1x10000xf32> to vector<10000xf32>
    %add3A = arith.addf %get3A_2, %get3A_6 : vector<10000xf32>
    %add3A_7 = arith.constant 1.000000e+00 : f32
    %add3A_8 = vector.broadcast %add3A_7 : f32 to vector<10000xf32>
    %add3A_9 = arith.addf %add3A, %add3A_8 : vector<10000xf32>
    %gt3A = arith.constant 0.000000e+00 : f32
    %gt3A_10 = vector.broadcast %gt3A : f32 to vector<10000xf32>
    %gt3A_11 = arith.cmpf ogt, %add3A_9, %gt3A_10 : vector<10000xf32>
    %rsqrt3A = math.rsqrt %add3A_9 : vector<10000xf32>
    %jit3A = arith.constant 0.000000e+00 : f32
    %broadcast_in_dim3A = vector.broadcast %jit3A : f32 to vector<10000xf32>
    %select_n3A = arith.select %gt3A_11, %rsqrt3A, %broadcast_in_dim3A : vector<10000xi1>, vector<10000xf32>
    %broadcast_in_dim3A_12 = vector.shape_cast %select_n3A : vector<10000xf32> to vector<10000x1xf32>
    %get3A_13 = arith.constant 0 : index
    %get3A_14 = arith.constant 0 : index
    %get3A_15 = vector.load %arg1[%get3A_13, %get3A_14] : memref<10000x128xf32, #tpu.memory_space<vmem>>, vector<10000x128xf32>
    %get3A_16 = arith.constant 0 : index
    %get3A_17 = arith.constant 0 : index
    %get3A_18 = vector.load %arg2[%get3A_16, %get3A_17] : memref<128x128xf32, #tpu.memory_space<vmem>>, vector<128x128xf32>
    %dot_general3A = arith.constant dense<0.000000e+00> : vector<10000x128xf32>
    %dot_general3A_19 = tpu.matmul %get3A_15, %get3A_18, %dot_general3A {dimension_numbers = #tpu.dot_dimension_numbers<[1], [0], [0], [1], [0, 0, 1, 1], [], []>, transpose_lhs_hint = false} : vector<10000x128xf32>, vector<128x128xf32>, vector<10000x128xf32> -> vector<10000x128xf32>
    %swap3A = arith.constant 0 : index
    %swap3A_20 = arith.constant 0 : index
    %swap3A_21 = vector.load %arg3[%swap3A, %swap3A_20] : memref<10000x1xf32, #tpu.memory_space<vmem>>, vector<10000x1xf32>
    tpu.vector_store %arg3[%swap3A, %swap3A_20], %broadcast_in_dim3A_12 {strides = array<i32>} : memref<10000x1xf32, #tpu.memory_space<vmem>>, vector<10000x1xf32>,
    %mul3A = vector.broadcast %broadcast_in_dim3A_12 : vector<10000x1xf32> to vector<10000x128xf32>
    %mul3A_22 = arith.mulf %dot_general3A_19, %mul3A : vector<10000x128xf32>
    %swap3A_23 = arith.constant 0 : index
    %swap3A_24 = arith.constant 0 : index
    %swap3A_25 = vector.load %arg4[%swap3A_23, %swap3A_24] : memref<10000x128xf32, #tpu.memory_space<vmem>>, vector<10000x128xf32>
    tpu.vector_store %arg4[%swap3A_23, %swap3A_24], %mul3A_22 {strides = array<i32>} : memref<10000x128xf32, #tpu.memory_space<vmem>>, vector<10000x128xf32>,
    return
  }
}

module attributes {stable_mosaic.version = 14 : i64} {
  func.func @_tc2_body(%arg0: memref<2x10000x128xf32, #tpu.memory_space<vmem>>, %arg1: memref<10000x128xf32, #tpu.memory_space<vmem>>, %arg2: memref<10000x1xf32, #tpu.memory_space<vmem>>, %arg3: memref<1x128xf32, #tpu.memory_space<vmem>>, %arg4: memref<128x128xf32, #tpu.memory_space<vmem>>, %arg5: memref<10000x128xf32, #tpu.memory_space<vmem>>) attributes {dimension_semantics = [], scalar_prefetch = 0 : i64, scratch_operands = 0 : i64, tpu.core_type = #tpu.core_type<tc>} {
    %get3A = arith.constant 0 : index
    %get3A_0 = arith.constant 0 : index
    %get3A_1 = vector.load %arg2[%get3A, %get3A_0] : memref<10000x1xf32, #tpu.memory_space<vmem>>, vector<10000x1xf32>
    %get3A_2 = arith.constant 0 : index
    %get3A_3 = arith.constant 0 : index
    %get3A_4 = arith.constant 0 : index
    %get3A_5 = vector.load %arg0[%get3A_2, %get3A_3, %get3A_4] : memref<2x10000x128xf32, #tpu.memory_space<vmem>>, vector<1x10000x128xf32>
    %get3A_6 = vector.shape_cast %get3A_5 : vector<1x10000x128xf32> to vector<10000x128xf32>
    %get3A_7 = arith.constant 1 : index
    %get3A_8 = arith.constant 0 : index
    %get3A_9 = arith.constant 0 : index
    %get3A_10 = vector.load %arg0[%get3A_7, %get3A_8, %get3A_9] : memref<2x10000x128xf32, #tpu.memory_space<vmem>>, vector<1x10000x128xf32>
    %get3A_11 = vector.shape_cast %get3A_10 : vector<1x10000x128xf32> to vector<10000x128xf32>
    %add3A = arith.addf %get3A_6, %get3A_11 : vector<10000x128xf32>
    %get3A_12 = arith.constant 0 : index
    %get3A_13 = arith.constant 0 : index
    %get3A_14 = vector.load %arg1[%get3A_12, %get3A_13] : memref<10000x128xf32, #tpu.memory_space<vmem>>, vector<10000x128xf32>
    %add3A_15 = arith.addf %add3A, %get3A_14 : vector<10000x128xf32>
    %mul3A = vector.broadcast %get3A_1 : vector<10000x1xf32> to vector<10000x128xf32>
    %mul3A_16 = arith.mulf %add3A_15, %mul3A : vector<10000x128xf32>
    %get3A_17 = arith.constant 0 : index
    %get3A_18 = arith.constant 0 : index
    %get3A_19 = vector.load %arg3[%get3A_17, %get3A_18] : memref<1x128xf32, #tpu.memory_space<vmem>>, vector<1x128xf32>
    %add3A_20 = vector.broadcast %get3A_19 : vector<1x128xf32> to vector<10000x128xf32>
    %add3A_21 = arith.addf %mul3A_16, %add3A_20 : vector<10000x128xf32>
    %max3A = arith.constant 0.000000e+00 : f32
    %max3A_22 = vector.broadcast %max3A : f32 to vector<10000x128xf32>
    %max3A_23 = arith.maximumf %add3A_21, %max3A_22 : vector<10000x128xf32>
    %get3A_24 = arith.constant 0 : index
    %get3A_25 = arith.constant 0 : index
    %get3A_26 = vector.load %arg4[%get3A_24, %get3A_25] : memref<128x128xf32, #tpu.memory_space<vmem>>, vector<128x128xf32>
    %dot_general3A = arith.constant dense<0.000000e+00> : vector<10000x128xf32>
    %dot_general3A_27 = tpu.matmul %max3A_23, %get3A_26, %dot_general3A {dimension_numbers = #tpu.dot_dimension_numbers<[1], [0], [0], [1], [0, 0, 1, 1], [], []>, transpose_lhs_hint = false} : vector<10000x128xf32>, vector<128x128xf32>, vector<10000x128xf32> -> vector<10000x128xf32>
    %mul3A_28 = vector.broadcast %get3A_1 : vector<10000x1xf32> to vector<10000x128xf32>
    %mul3A_29 = arith.mulf %dot_general3A_27, %mul3A_28 : vector<10000x128xf32>
    %swap3A = arith.constant 0 : index
    %swap3A_30 = arith.constant 0 : index
    %swap3A_31 = vector.load %arg5[%swap3A, %swap3A_30] : memref<10000x128xf32, #tpu.memory_space<vmem>>, vector<10000x128xf32>
    tpu.vector_store %arg5[%swap3A, %swap3A_30], %mul3A_29 {strides = array<i32>} : memref<10000x128xf32, #tpu.memory_space<vmem>>, vector<10000x128xf32>,
    return
  }
}

module attributes {stable_mosaic.version = 14 : i64} {
  func.func @_tc3_body(%arg0: memref<2x10000x128xf32, #tpu.memory_space<vmem>>, %arg1: memref<10000x128xf32, #tpu.memory_space<vmem>>, %arg2: memref<10000x1xf32, #tpu.memory_space<vmem>>, %arg3: memref<1x128xf32, #tpu.memory_space<vmem>>, %arg4: memref<10000x1xi32, #tpu.memory_space<vmem>>, %arg5: memref<128x10xf32, #tpu.memory_space<vmem>>, %arg6: memref<10xf32, #tpu.memory_space<vmem>>, %arg7: memref<64x10xf32, #tpu.memory_space<vmem>>) attributes {dimension_semantics = [], scalar_prefetch = 0 : i64, scratch_operands = 0 : i64, tpu.core_type = #tpu.core_type<tc>} {
    %get3A = arith.constant 0 : index
    %get3A_0 = arith.constant 0 : index
    %get3A_1 = vector.load %arg2[%get3A, %get3A_0] : memref<10000x1xf32, #tpu.memory_space<vmem>>, vector<10000x1xf32>
    %get3A_2 = arith.constant 0 : index
    %get3A_3 = arith.constant 0 : index
    %get3A_4 = arith.constant 0 : index
    %get3A_5 = vector.load %arg0[%get3A_2, %get3A_3, %get3A_4] : memref<2x10000x128xf32, #tpu.memory_space<vmem>>, vector<1x10000x128xf32>
    %get3A_6 = vector.shape_cast %get3A_5 : vector<1x10000x128xf32> to vector<10000x128xf32>
    %get3A_7 = arith.constant 1 : index
    %get3A_8 = arith.constant 0 : index
    %get3A_9 = arith.constant 0 : index
    %get3A_10 = vector.load %arg0[%get3A_7, %get3A_8, %get3A_9] : memref<2x10000x128xf32, #tpu.memory_space<vmem>>, vector<1x10000x128xf32>
    %get3A_11 = vector.shape_cast %get3A_10 : vector<1x10000x128xf32> to vector<10000x128xf32>
    %add3A = arith.addf %get3A_6, %get3A_11 : vector<10000x128xf32>
    %get3A_12 = arith.constant 0 : index
    %get3A_13 = arith.constant 0 : index
    %get3A_14 = vector.load %arg1[%get3A_12, %get3A_13] : memref<10000x128xf32, #tpu.memory_space<vmem>>, vector<10000x128xf32>
    %add3A_15 = arith.addf %add3A, %get3A_14 : vector<10000x128xf32>
    %mul3A = vector.broadcast %get3A_1 : vector<10000x1xf32> to vector<10000x128xf32>
    %mul3A_16 = arith.mulf %add3A_15, %mul3A : vector<10000x128xf32>
    %get3A_17 = arith.constant 0 : index
    %get3A_18 = arith.constant 0 : index
    %get3A_19 = vector.load %arg3[%get3A_17, %get3A_18] : memref<1x128xf32, #tpu.memory_space<vmem>>, vector<1x128xf32>
    %add3A_20 = vector.broadcast %get3A_19 : vector<1x128xf32> to vector<10000x128xf32>
    %add3A_21 = arith.addf %mul3A_16, %add3A_20 : vector<10000x128xf32>
    %max3A = arith.constant 0.000000e+00 : f32
    %max3A_22 = vector.broadcast %max3A : f32 to vector<10000x128xf32>
    %max3A_23 = arith.maximumf %add3A_21, %max3A_22 : vector<10000x128xf32>
    %iota3A = tpu.iota {dimensions = array<i32: 1>} : vector<10000x64xi32>
    %get3A_24 = arith.constant 0 : index
    %get3A_25 = arith.constant 0 : index
    %get3A_26 = vector.load %arg4[%get3A_24, %get3A_25] : memref<10000x1xi32, #tpu.memory_space<vmem>>, vector<10000x1xi32>
    %eq3A = vector.broadcast %get3A_26 : vector<10000x1xi32> to vector<10000x64xi32>
    %eq3A_27 = arith.cmpi eq, %eq3A, %iota3A : vector<10000x64xi32>
    %convert_element_type3A = arith.extui %eq3A_27 : vector<10000x64xi1> to vector<10000x64xi32>
    %convert_element_type3A_28 = arith.sitofp %convert_element_type3A : vector<10000x64xi32> to vector<10000x64xf32>
    %dot_general3A = arith.constant dense<0.000000e+00> : vector<64x128xf32>
    %dot_general3A_29 = tpu.matmul %convert_element_type3A_28, %max3A_23, %dot_general3A {dimension_numbers = #tpu.dot_dimension_numbers<[0], [0], [1], [1], [0, 1, 1, 1], [], []>, transpose_lhs_hint = false} : vector<10000x64xf32>, vector<10000x128xf32>, vector<64x128xf32> -> vector<64x128xf32>
    %get3A_30 = arith.constant 0 : index
    %get3A_31 = arith.constant 0 : index
    %get3A_32 = vector.load %arg5[%get3A_30, %get3A_31] : memref<128x10xf32, #tpu.memory_space<vmem>>, vector<128x10xf32>
    %dot_general3A_33 = arith.constant dense<0.000000e+00> : vector<64x10xf32>
    %dot_general3A_34 = tpu.matmul %dot_general3A_29, %get3A_32, %dot_general3A_33 {dimension_numbers = #tpu.dot_dimension_numbers<[1], [0], [0], [1], [0, 0, 1, 1], [], []>, transpose_lhs_hint = false} : vector<64x128xf32>, vector<128x10xf32>, vector<64x10xf32> -> vector<64x10xf32>
    %get3A_35 = arith.constant 0 : index
    %get3A_36 = vector.load %arg6[%get3A_35] : memref<10xf32, #tpu.memory_space<vmem>>, vector<10xf32>
    %broadcast_in_dim3A = vector.shape_cast %get3A_36 : vector<10xf32> to vector<1x10xf32>
    %add3A_37 = vector.broadcast %broadcast_in_dim3A : vector<1x10xf32> to vector<64x10xf32>
    %add3A_38 = arith.addf %dot_general3A_34, %add3A_37 : vector<64x10xf32>
    %reduce_max3A = arith.constant dense<0xFF800000> : vector<64xf32>
    %reduce_max3A_39 = vector.multi_reduction <maximumf>, %add3A_38, %reduce_max3A [1] : vector<64x10xf32> to vector<64xf32>
    %broadcast_in_dim3A_40 = vector.shape_cast %reduce_max3A_39 : vector<64xf32> to vector<64x1xf32>
    %sub3A = vector.broadcast %broadcast_in_dim3A_40 : vector<64x1xf32> to vector<64x10xf32>
    %sub3A_41 = arith.subf %add3A_38, %sub3A : vector<64x10xf32>
    %exp3A = math.exp %sub3A_41 : vector<64x10xf32>
    %reduce_sum3A = arith.constant dense<0.000000e+00> : vector<64xf32>
    %reduce_sum3A_42 = vector.multi_reduction <add>, %exp3A, %reduce_sum3A [1] : vector<64x10xf32> to vector<64xf32>
    %broadcast_in_dim3A_43 = vector.shape_cast %reduce_sum3A_42 : vector<64xf32> to vector<64x1xf32>
    %log3A = math.log %broadcast_in_dim3A_43 : vector<64x1xf32>
    %add3A_44 = arith.addf %broadcast_in_dim3A_40, %log3A : vector<64x1xf32>
    %sub3A_45 = vector.broadcast %add3A_44 : vector<64x1xf32> to vector<64x10xf32>
    %sub3A_46 = arith.subf %add3A_38, %sub3A_45 : vector<64x10xf32>
    %swap3A = arith.constant 0 : index
    %swap3A_47 = arith.constant 0 : index
    %swap3A_48 = vector.load %arg7[%swap3A, %swap3A_47] : memref<64x10xf32, #tpu.memory_space<vmem>>, vector<64x10xf32>
    tpu.vector_store %arg7[%swap3A, %swap3A_47], %sub3A_46 {strides = array<i32>} : memref<64x10xf32, #tpu.memory_space<vmem>>, vector<64x10xf32>,
    return
  }
}

</mosaic_0001>

<sc_bundles>
// kernel: kernel.11.cloned.1.call-start
scs
__scs_entry_jumppad:
0x0: {  	(pc) =	sbr.rel $0x88, $3  }
0x1: {  	(tag) =	ssettag $0x0;
	lr =	simm.s32 $0x1  }
0x2: {  	[smem:$0x3F97] =	sst lr;
	_ =	strace $0xD0000000  }
0x3: {  	_ = 	snop  }
0x4: {  	_ = 	snop  }
0x5: {  	_ = 	snop  }
0x6: {  	_ = 	snop  }
0x7: {  	_ = 	snop  }
__scs_overlays_trampoline_lowered:
0x8: {  	[smem:$0x3FA6] =	sst s0  }
0x9: {  	[smem:$0x3FA7] =	sst s1  }
0xa: {  	[smem:$0x3FA8] =	sst s2  }
0xb: {  	[smem:$0x3FA9] =	sst s3  }
0xc: {  	[smem:$0x3FAA] =	sst s4  }
0xd: {  	[smem:$0x3FAB] =	sst s5  }
0xe: {  	[smem:$0x3FAC] =	sst s6  }
0xf: {  	[smem:$0x3FAD] =	sst s7  }
0x10: {  	[smem:$0x3FAE] =	sst s8  }
0x11: {  	[smem:$0x3FAF] =	sst s9;
	s0 =	simm.s32 @!p0 $0x0  }
0x12: {  	s1 =	sld [smem:$0x3F95];
	s0 =	simm.s32 @p0 $0x1  }
0x13: {  	[smem:$0x3FB0] =	sst s0;
	s0 =	simm.s32 @!p1 $0x0  }
0x14: {  	s2 =	sld [smem:$0x3F94];
	s0 =	simm.s32 @p1 $0x1  }
0x15: {  	[smem:$0x3FB1] =	sst s0;
	s0 =	simm.s32 @!p2 $0x0  }
0x16: {  	s3 =	sld [smem:$0x3FDB];
	s0 =	simm.s32 @p2 $0x1  }
0x17: {  	s4 =	simm.s32 $0x1BF5;
	[smem:$0x3FB3] =	sst s0  }
0x18: {  	s0 =	sld [smem:$0x3F96];
	_ =	swait.ge [sflag:s4], $0x0  }
0x19: {  	s7 =	sld [smem:$0x3F97]  }
0x1a: {  	s8 =	sadd.s32 $0xFFFFE003, lr  }
0x1b: {  	s9 =	sadd.s32 $0xFFFFFEF7, lr;
	s5 =	simm.s32 $0xFFFFFFFF;
	p2 =	slt.u32 s8, $0xFFFFF086  }
0x1c: {  	p1 =	slt.u32 s9, $0xF7A;
	s5 =	simm.s32 @!p2 $0x0  }
0x1d: {  	s5 =	simm.s32 @p1 $0x1;
	p0 =	seq.s32 s7, s2  }
0x1e: {  	s7 =	smul.u32 @!p0 $0xF7A, s2;
	p2 =	seq.s32 @!p0 s5, $0x0  }
0x1f: {  	s9 =	smul.u32 $0xF7A, s1;
	s8 =	simm.s32 @!p0 $0x1BF5;
	p2 =	por !p2, p0  }
0x20: {  	[sflag:s8] =	ssyncset.s32 @!p0 $0xFFFFF086;
	s6 =	sadd.s32 @!p0 s3, s7;
	s7 =	simm.s32 @!p0 $0x108  }
0x21: {  	s3 =	sadd.s32 s3, s9;
	s6 =	sadd.s32 @!p0 $0x88, s6;
	s7 =	simm.s32 @p2 $0x1082  }
0x22: {  	[simem:s7], [sflag:s8] =	dma.local @!p0 [hbm:s6], $0xF7A  }
0x23: {  	s9 =	sor.u32 $0xD0000000, s2;
	s6 =	simm.s32 $0x108;
	_ =	swait.ge @!p0 [sflag:s8], $0x0  }
0x24: {  	s3 =	sadd.s32 $0x88, s3;
	s6 =	simm.s32 @!p1 $0x1082;
	[sflag:s4] =	ssyncset.s32 $0xFFFFF086  }
0x25: {  	[simem:s6], [sflag:s4] =	dma.local [hbm:s3], $0xF7A  }
0x26: {  	[smem:$0x3F97] =	sst s1;
	(tag) =	ssettag s2;
	_ =	strace s9  }
0x27: {  	s1 =	sld [smem:$0x3FA7]  }
0x28: {  	s2 =	sld [smem:$0x3FA8]  }
0x29: {  	s4 =	sld [smem:$0x3FAA]  }
0x2a: {  	p0 =	seq.s32 s5, $0x0;
	s5 =	sld [smem:$0x3FAB]  }
0x2b: {  	s6 =	sld [smem:$0x3FAC]  }
0x2c: {  	s7 =	sld [smem:$0x3FAD]  }
0x2d: {  	s3 =	simm.s32 $0x108;
	s8 =	sld [smem:$0x3FAE]  }
0x2e: {  	s3 =	simm.s32 @!p0 $0x1082;
	s9 =	sld [smem:$0x3FAF]  }
0x2f: {  	lr =	sadd.s32 s0, s3;
	s0 =	sld [smem:$0x3FA6]  }
0x30: {  	s3 =	sld [smem:$0x3FA9]  }
0x31: {  	[smem:$0x3FB2] =	sst s10  }
0x32: {  	s10 =	sld [smem:$0x3FB0];
	_ =	sdelay $0x3  }
0x33: {  	p0 =	seq.s32 s10, $0x1;
	s10 =	sld [smem:$0x3FB2];
	_ =	sdelay $0x3  }
0x34: {  	[smem:$0x3FB2] =	sst s10  }
0x35: {  	s10 =	sld [smem:$0x3FB1];
	_ =	sdelay $0x3  }
0x36: {  	p1 =	seq.s32 s10, $0x1;
	s10 =	sld [smem:$0x3FB2];
	_ =	sdelay $0x3  }
0x37: {  	[smem:$0x3FB2] =	sst s10  }
0x38: {  	s10 =	sld [smem:$0x3FB3]  }
0x39: {  	_ = 	snop;
	(pc) =	sbr.ind lr, $3  }
0x3a: {  	_ = 	snop  }
0x3b: {  	_ = 	snop  }
0x3c: {  	p2 =	seq.s32 s10, $0x1;
	s10 =	sld [smem:$0x3FB2]  }
0x3d: {  	_ =	shalt  }
0x3e: {  	_ =	shalt  }
0x3f: {  	_ =	shalt  }
0x40: {  	_ =	shalt  }
0x41: {  	_ =	shalt  }
0x42: {  	_ =	shalt  }
0x43: {  	_ =	shalt  }
0x44: {  	_ =	shalt  }
0x45: {  	_ =	shalt  }
0x46: {  	_ =	shalt  }
0x47: {  	_ =	shalt  }
0x48: {  	_ =	shalt  }
0x49: {  	_ =	shalt  }
0x4a: {  	_ =	shalt  }
0x4b: {  	_ =	shalt  }
0x4c: {  	_ =	shalt  }
0x4d: {  	_ =	shalt  }
0x4e: {  	_ =	shalt  }
0x4f: {  	_ =	shalt  }
0x50: {  	_ =	shalt  }
0x51: {  	_ =	shalt  }
0x52: {  	_ =	shalt  }
0x53: {  	_ =	shalt  }
0x54: {  	_ =	shalt  }
0x55: {  	_ =	shalt  }
0x56: {  	_ =	shalt  }
0x57: {  	_ =	shalt  }
0x58: {  	_ =	shalt  }
0x59: {  	_ =	shalt  }
0x5a: {  	_ =	shalt  }
0x5b: {  	_ =	shalt  }
0x5c: {  	_ =	shalt  }
0x5d: {  	_ =	shalt  }
0x5e: {  	_ =	shalt  }
0x5f: {  	_ =	shalt  }
0x60: {  	_ =	shalt  }
0x61: {  	_ =	shalt  }
0x62: {  	_ =	shalt  }
0x63: {  	_ =	shalt  }
0x64: {  	_ =	shalt  }
0x65: {  	_ =	shalt  }
0x66: {  	_ =	shalt  }
0x67: {  	_ =	shalt  }
0x68: {  	_ =	shalt  }
0x69: {  	_ =	shalt  }
0x6a: {  	_ =	shalt  }
0x6b: {  	_ =	shalt  }
0x6c: {  	_ =	shalt  }
0x6d: {  	_ =	shalt  }
0x6e: {  	_ =	shalt  }
0x6f: {  	_ =	shalt  }
0x70: {  	_ =	shalt  }
0x71: {  	_ =	shalt  }
0x72: {  	_ =	shalt  }
0x73: {  	_ =	shalt  }
0x74: {  	_ =	shalt  }
0x75: {  	_ =	shalt  }
0x76: {  	_ =	shalt  }
0x77: {  	_ =	shalt  }
0x78: {  	_ =	shalt  }
0x79: {  	_ =	shalt  }
0x7a: {  	_ =	shalt  }
0x7b: {  	_ =	shalt  }
0x7c: {  	_ =	shalt  }
0x7d: {  	_ =	shalt  }
0x7e: {  	_ =	shalt  }
0x7f: {  	_ =	shalt  }
0x80: {  	_ =	shalt  }
0x81: {  	_ =	shalt  }
0x82: {  	_ =	shalt  }
0x83: {  	_ =	shalt  }
0x84: {  	_ =	shalt  }
0x85: {  	_ =	shalt  }
0x86: {  	_ =	shalt  }
0x87: {  	_ =	shalt  }
.Lfunc_end0:
.L_simem_size_0:
called_computation.1_lowered:
.L_overlay_start_0:
0x88: {  	s2 =	sld [smem:$0x3FD9]  }
0x89: {  	s3 =	sld [smem:$0x3FFE];
	_ =	sdelay $0x1  }
0x8a: {  	s1 =	srdreg.scid  }
0x8b: {  	s0 =	sand.u32 $0x1, s1  }
0x8c: {  	s17 =	sshll.u32 s0, $0xA;
	s2 =	sadd.s32 s3, s2  }
0x8d: {  	s2 =	sadd.s32 s2, s17  }
0x8e: {  	[smem:$0x3FBE] =	sst s2  }
0x8f: {  	_ = 	snop  }
0x90: {  	s2 =	sld [smem:$0x3FC6];
	(tm) =	ssettm $0x1  }
0x91: {  	s18 =	sld [smem:$0x3FFB];
	_ =	sdelay $0x3  }
0x92: {  	_ =	strace s18  }
0x93: {  	s3 =	sld [smem:$0x3FFC];
	_ =	sdelay $0x3  }
0x94: {  	_ =	strace s3  }
0x95: {  	s3 =	sld [smem:$0x3FFD];
	_ =	sdelay $0x3  }
0x96: {  	_ =	strace s3  }
0x97: {  	_ =	strace $0x8FFFFFFF  }
0x98: {  	s19 =	sld [smem:$0x3FDB];
	_ =	sdelay $0x1  }
0x99: {  	s4 =	simm.s32 $_scs_section_size  }
0x9a: {  	s5 =	simm.s32 $_size__tile_overlayer_lowered;
	s6 =	simm.s32 $_tile_overlayer_lowered  }
0x9b: {  	s22 =	simm.s32 $0x1BFF;
	s21 =	sshll.u32 s6, $0x1;
	s3 =	sadd.s32 s4, s19  }
0x9c: {  	s7 =	simm.s32 $0x0;
	s20 =	sshll.u32 s5, $0x1;
	s5 =	sadd.s32 s21, s3  }
0x9d: {  	[timem:s7], [sflag:s22] =	dma.local [hbm:s5], s20  }
0x9e: {  	_ =	swait.ge [sflag:s22], s20  }
0x9f: {  	s4 =	ssub.s32 $0x0, s20;
	[sflag:s22] =	ssyncset.done $0x0  }
0xa0: {  	[sflag:s22] =	ssyncadd.s32 s4;
	_ =	sdelay $0x1  }
0xa1: {  	s23 =	simm.s32 $0x1B8B  }
0xa2: {  	_ =	swait.ge [sflag:s23], $0x1  }
0xa3: {  	[sflag:s23] =	ssyncset.done $0x0  }
0xa4: {  	s25 =	simm.s32 $0x1B8E;
	s24 =	sld [smem:$0x3FFE];
	[sflag:s23] =	ssyncadd.s32 $0xFFFFFFFF  }
0xa5: {  	s26 =	simm.s32 $execute0_lowered;
	[smem:$0x3FD2] =	sst s25  }
0xa6: {  	s5 =	sshll.u32 s26, $0x1;
	_ =	strace $0x80000049;
	[dreg:$0x1] =	wrdreg $0xFFFFFFFF  }
0xa7: {  	s28 =	simm.s32 $_size_execute0_lowered;
	s3 =	sadd.s32 s3, s5;
	[dreg:$0x0] =	wrdreg $0x0  }
0xa8: {  	s5 =	sshll.u32 s28, $0x1;
	[dreg:$0x2] =	wrdreg s3  }
0xa9: {  	[dreg:$0x3] =	wrdreg s5  }
0xaa: {  	[dreg:$0x4] =	wrdreg $0xC0  }
0xab: {  	_ =	task [dreg:s7], $0x5FFFF  }
0xac: {  	[dreg:$0x1] =	wrdreg $0xFFFFFFFF  }
0xad: {  	[dreg:$0x0] =	wrdreg $0x60  }
0xae: {  	[dreg:$0x2] =	wrdreg s24  }
0xaf: {  	[dreg:$0x3] =	wrdreg s2  }
0xb0: {  	[dreg:$0x4] =	wrdreg $0x41800  }
0xb1: {  	[dreg:$0x5] =	wrdreg $0x9  }
0xb2: {  	_ =	task.clear_ibuf [dreg:s7], $0x6FFFF;
	_ =	strace $0x90000049  }
0xb3: {  	s29 =	simm.s32 $0x9;
	_ =	strace $0x8000004B  }
0xb4: {  	_ =	swait.ge [sflag:s29], $0x1  }
0xb5: {  	[sflag:s29] =	ssyncadd.s32 $0xFFFFFFFF  }
0xb6: {  	_ =	strace $0x9000004B  }
0xb7: {  	_ =	sfence  }
0xb8: {  	s30 =	sld [smem:$0x0];
	_ =	sdelay $0x2  }
0xb9: {  	s31 =	sshll.u32 s1, $0xD;
	s1 =	sshrl.u32 s1, $0x2  }
0xba: {  	s3 =	sand.u32 $0x4000, s31;
	s1 =	sadd.s32 s1, s30  }
0xbb: {  	s0 =	sor.u32 s3, s0;
	s1 =	sshll.u32 s1, $0x11  }
0xbc: {  	s0 =	sor.u32 s1, s0  }
0xbd: {  	s0 =	sadd.s32 $0x8F2B, s0  }
0xbe: {  	[sflag:s0] =	ssyncadd.remote.s32 $0x1  }
0xbf: {  	_ =	sfence.sel $0xFFFF  }
0xc0: {  	[dreg:$0x0] =	wrdreg $0xFFFFFFFF;
	(pc) =	sbr.abs _section_cstart, $3  }
0xc1: {  	[dreg:$0x1] =	wrdreg $0xFFFFFFFF  }
0xc2: {  	_ =	task.clear_ibuf [dreg:s7], $0x2FFFF;
	_ =	strace $0x9FFFFFFF  }
0xc3: {  	(tm) =	ssettm $0x7FFFFFFF  }
tec
execute0_lowered:
.L_overlay_start_1:
0x0: {  	(tag) =	ssettag $0x1  }
0x1: {  	s10 =	rddreg [dreg:$0x0]  }
0x2: {  	s1 =	rddreg [dreg:$0x1]  }
0x3: {  	s2 =	rddreg [dreg:$0x2]  }
0x4: {  	s0 =	rddreg [dreg:$0x3];
	s3 =	simm.s32 $0x0  }
0x5: {  	s7 =	srdreg.scid;
	s4 =	stileid.u32;
	s18 =	simm.s32 $0x80  }
0x6: {  	s19 =	simm.s32 $0x100;
	s20 =	simm.s32 $0x180;
	s21 =	simm.s32 $0x1  }
0x7: {  	s22 =	simm.s32 $0x2;
	[smem:$0x7FF] =	sst s3;
	s5 =	sadd.s32 $0x16800, s10  }
0x8: {  	s6 =	sadd.s32 $0x2C00, s10;
	s7 =	sand.u32 $0x1, s7;
	s11 =	smul.u32 $0x50000, s4  }
0x9: {  	s8 =	sadd.s32 $0xCA00, s10;
	s9 =	sadd.s32 $0x3DA00, s10;
	s15 =	smul.u32 $0x14000, s4  }
0xa: {  	s16 =	sadd.s32 $0x40200, s10;
	s10 =	sshll.u32 s4, $0x1;
	s12 =	ssub.s32 $0x2, s7  }
0xb: {  	p0 =	seq.s32 s4, $0xF;
	s13 =	smul.u32 $0x138800, s7;
	s14 =	sshrl.u32 s12, $0x1  }
0xc: {  	_ =	strace $0x8000004A;
	s11 =	sshrl.u32 s11, $0x2;
	s14 =	ssub.s32 s12, s14  }
.Ltmp0:
0xd: {  	s17 =	sadd.s32 s11, s2;
	s30 =	sadd.s32 s15, s13;
	(pc) =	sbr.rel .LBB2_1-.Ltmp0, $4  }
0xe: {  	s15 =	sadd.s32 $0x12C000, s2;
	s31 =	sshrl.u32 s13, $0x3;
	s11 =	sshrl.u32 s30, $0x3  }
0xf: {  	s12 =	sadd.s32 s16, s31;
	s13 =	smax.u32 s14, $0x1;
	s14 =	sshrl.u32 @p0 s15, $0x3  }
0x10: {  	s11 =	sadd.s32 s16, s11;
	s12 =	sadd.s32 $0x25800, s12;
	s16 =	sshll.u32 @!p0 s4, $0x6  }
0x11: {  	s15 =	sor.u32 @!p0 $0x1C02, s16;
	s16 =	sshrl.u32 @!p0 s17, $0x3;
	s17 =	simm.s32 $0x3  }
.LBB2_7:
0x12: {  	[bflag:$0x0] =	sbarrier.arrive $0xFFFF;
	s23 =	simm.s32 @p0 $0x1FC2  }
0x13: {  	[hbm:s12], [sflag:s23] =	dma.local @p0 [spmem:s14], $0x1900  }
0x14: {  	s23 =	simm.s32 @p0 $0x2  }
0x15: {  	s3 =	sadd.s32 $0x1, s3;
	_ =	swait.ge @p0 [sflag:s23], $0x1900  }
0x16: {  	p1 =	sne.s32 s3, s13;
	[sflag:s23] =	ssyncset.done @p0 $0x0  }
.Ltmp1:
0x17: {  	[sflag:s23] =	ssyncadd.s32 @p0 $0xFFFFE700;
	s23 =	simm.s32 @!p0 $0x2;
	(pc) =	sbr.rel @!p1 .LBB2_8-.Ltmp1, $4  }
0x18: {  	[hbm:s11], [sflag:s15] =	dma.local @!p0 [spmem:s16], $0x2800  }
0x19: {  	_ =	swait.ge @!p0 [sflag:s23], $0x2800  }
0x1a: {  	[sflag:s23] =	ssyncset.done @!p0 $0x0  }
0x1b: {  	[sflag:s23] =	ssyncadd.s32 @!p0 $0xFFFFD800  }
.LBB2_1:
0x1c: {  	s23 =	simm.s32 @p0 $0x1FC2  }
0x1d: {  	[spmem:s14], [sflag:s23] =	dma.local @p0 [hbm:s9], $0x1900  }
0x1e: {  	s23 =	simm.s32 @p0 $0x2  }
0x1f: {  	_ =	swait.ge @p0 [sflag:s23], $0x1900  }
0x20: {  	[sflag:s23] =	ssyncset.done @p0 $0x0  }
0x21: {  	[sflag:s23] =	ssyncadd.s32 @p0 $0xFFFFE700;
	s23 =	simm.s32 @!p0 $0x2  }
0x22: {  	[spmem:s16], [sflag:s15] =	dma.local @!p0 [hbm:s9], $0x2800  }
.Ltmp2:
0x23: {  	_ =	swait.ge @!p0 [sflag:s23], $0x2800;
	(pc) =	sbr.rel .LBB2_2-.Ltmp2, $4  }
0x24: {  	[sflag:s23] =	ssyncset.done @!p0 $0x0  }
0x25: {  	[sflag:s23] =	ssyncadd.s32 @!p0 $0xFFFFD800  }
0x26: {  	[bflag:$0x0] =	sbarrier.arrive $0xFFFF  }
0x27: {  	s23 =	simm.s32 $0x0  }
.LBB2_6:
0x28: {  	s23 =	sadd.s32 $0x1, s23  }
0x29: {  	p1 =	sne.s32 s23, $0x4F  }
.Ltmp3:
0x2a: {  	_ = 	snop;
	(pc) =	sbr.rel @!p1 .LBB2_7-.Ltmp3, $1  }
0x2b: {  	_ =	sdelay $0x3  }
.LBB2_2:
0x2c: {  	s24 =	sshll.u32 s23, $0x5  }
0x2d: {  	s24 =	sor.u32 s10, s24  }
0x2e: {  	p1 =	sgt.u32 s24, $0x9C3  }
.Ltmp4:
0x2f: {  	_ = 	snop;
	(pc) =	sbr.rel @p1 .LBB2_6-.Ltmp4, $1  }
0x30: {  	_ =	sdelay $0x3  }
0x31: {  	s24 =	sor.u32 s7, s24  }
0x32: {  	s24 =	sshll.u32 s24, $0x4  }
0x33: {  	s26 =	simm.s32 $0x0;
	s25 =	sadd.s32 s6, s24  }
0x34: {  	[tilespmem:s26], [sflag:$0x3] =	stream.linear.gather [hbm4b:s25+s26], $0x80, $0x38;
	[tilespmem:$0x17A00] =	vst v63  }
0x35: {  	_ =	swait.ge [sflag:s17], $0x80  }
0x36: {  	[sflag:s17] =	ssyncset.done $0x0  }
0x37: {  	s29 =	sadd.s32 s8, s24;
	[sflag:s17] =	ssyncadd.s32 $0xFFFFFF80  }
0x38: {  	[tilespmem:s18], [sflag:$0x3] =	stream.linear.gather [hbm4b:s29+s26], $0x80, $0x38;
	[tilespmem:$0x17A00] =	vst v63  }
0x39: {  	_ =	swait.ge [sflag:s17], $0x80  }
0x3a: {  	[sflag:s17] =	ssyncset.done $0x0  }
0x3b: {  	s24 =	sadd.s32 s1, s24;
	[sflag:s17] =	ssyncadd.s32 $0xFFFFFF80  }
0x3c: {  	[tilespmem:s19], [sflag:$0x3] =	stream.linear.gather [hbm4b:s24+s26], $0x80, $0x38;
	[tilespmem:$0x17A00] =	vst v63  }
0x3d: {  	_ =	swait.ge [sflag:s17], $0x80  }
0x3e: {  	[sflag:s17] =	ssyncset.done $0x0  }
0x3f: {  	[sflag:s17] =	ssyncadd.s32 $0xFFFFFF80  }
0x40: {  	[tilespmem:s20], [sflag:$0x1] =	stream.indirect.gather [hbm4b:s5+s18], $0x80, s26, s18, $0xb8;
	[tilespmem:$0x17A00] =	vst v63  }
0x41: {  	_ =	swait.ge [sflag:s21], $0x4000  }
0x42: {  	s30 =	simm.s32 $0x0;
	[sflag:s21] =	ssyncset.done $0x0  }
0x43: {  	s31 =	simm.s32 $0x0;
	s24 =	sand.u32 $0x3FFFFFF0, s30;
	[sflag:s21] =	ssyncadd.s32 $0xFFFFC000  }
0x44: {  	v0 =	vld [tilespmem:s24+$0x100];
	s24 =	sand.u32 $0x3FFFF800, s31  }
0x45: {  	v6 =	vld [tilespmem:s24+$0x240]  }
0x46: {  	v2 =	vld [tilespmem:s24+$0x1A0]  }
0x47: {  	v3 =	vld [tilespmem:s24+$0x1B0]  }
0x48: {  	v9 =	vld [tilespmem:s24+$0x1E0]  }
0x49: {  	v10 =	vld [tilespmem:s24+$0x1F0];
	v1 =	vbroadcast v0, $0x0  }
0x4a: {  	v11 =	vld [tilespmem:s24+$0x200]  }
0x4b: {  	v12 =	vld [tilespmem:s24+$0x210];
	v2 =	vmul.f32 v2, v1  }
0x4c: {  	v13 =	vld [tilespmem:s24+$0x220];
	v3 =	vmul.f32 v3, v1  }
0x4d: {  	v8 =	vld [tilespmem:s24+$0x230];
	v28 =	vbroadcast v0, $0x1;
	v27 =	vmul.f32 v9, v1;
	[tilespmem:s24+$0x1A0] =	vst v2  }
0x4e: {  	v7 =	vld [tilespmem:s24+$0x250];
	v10 =	vmul.f32 v10, v1;
	[tilespmem:s24+$0x1B0] =	vst v3  }
0x4f: {  	v5 =	vld [tilespmem:s24+$0x6F0];
	v11 =	vmul.f32 v11, v28;
	[tilespmem:s24+$0x1E0] =	vst v27  }
0x50: {  	v30 =	vld [tilespmem:s24+$0x270];
	v12 =	vmul.f32 v12, v28;
	[tilespmem:s24+$0x1F0] =	vst v10  }
0x51: {  	v31 =	vld [tilespmem:s24+$0x280];
	v13 =	vmul.f32 v13, v28;
	[tilespmem:s24+$0x200] =	vst v11  }
0x52: {  	v32 =	vld [tilespmem:s24+$0x290];
	v8 =	vmul.f32 v8, v28;
	[tilespmem:s24+$0x210] =	vst v12  }
0x53: {  	v29 =	vld [tilespmem:s24+$0x260];
	v6 =	vmul.f32 v6, v28;
	[tilespmem:s24+$0x220] =	vst v13  }
0x54: {  	v33 =	vld [tilespmem:s24+$0x2A0];
	v14 =	vbroadcast v0, $0x2;
	v7 =	vmul.f32 v7, v28;
	[tilespmem:s24+$0x230] =	vst v8  }
0x55: {  	v34 =	vld [tilespmem:s24+$0x2B0];
	v9 =	vmul.f32 v30, v28;
	[tilespmem:s24+$0x240] =	vst v6  }
0x56: {  	v35 =	vld [tilespmem:s24+$0x2C0];
	v4 =	vbroadcast v0, $0xA;
	v37 =	vmul.f32 v31, v14;
	[tilespmem:s24+$0x250] =	vst v7  }
0x57: {  	v36 =	vld [tilespmem:s24+$0x2D0];
	v39 =	vmul.f32 v32, v14;
	[tilespmem:s24+$0x270] =	vst v9  }
0x58: {  	v38 =	vld [tilespmem:s24+$0x2E0];
	v2 =	vmul.f32 v5, v4;
	[tilespmem:s24+$0x280] =	vst v37  }
0x59: {  	v40 =	vld [tilespmem:s24+$0x2F0];
	v10 =	vmul.f32 v29, v28;
	[tilespmem:s24+$0x290] =	vst v39  }
0x5a: {  	v41 =	vld [tilespmem:s24+$0x300];
	v8 =	vmul.f32 v33, v14;
	[tilespmem:s24+$0x6F0] =	vst v2  }
0x5b: {  	v42 =	vld [tilespmem:s24+$0x310];
	v6 =	vmul.f32 v34, v14;
	[tilespmem:s24+$0x260] =	vst v10  }
0x5c: {  	v43 =	vld [tilespmem:s24+$0x320];
	v7 =	vmul.f32 v35, v14;
	[tilespmem:s24+$0x2A0] =	vst v8  }
0x5d: {  	v44 =	vld [tilespmem:s24+$0x330];
	v46 =	vbroadcast v0, $0x3;
	v9 =	vmul.f32 v38, v14;
	[tilespmem:s24+$0x2B0] =	vst v6  }
0x5e: {  	v45 =	vld [tilespmem:s24+$0x340];
	v11 =	vmul.f32 v40, v14;
	[tilespmem:s24+$0x2C0] =	vst v7  }
0x5f: {  	v47 =	vld [tilespmem:s24+$0x350];
	v12 =	vmul.f32 v41, v46;
	[tilespmem:s24+$0x2E0] =	vst v9  }
0x60: {  	v48 =	vld [tilespmem:s24+$0x360];
	v10 =	vmul.f32 v36, v14;
	[tilespmem:s24+$0x2F0] =	vst v11  }
0x61: {  	v49 =	vld [tilespmem:s24+$0x370];
	v8 =	vmul.f32 v42, v46;
	[tilespmem:s24+$0x300] =	vst v12  }
0x62: {  	v50 =	vld [tilespmem:s24+$0x380];
	v6 =	vmul.f32 v43, v46;
	[tilespmem:s24+$0x2D0] =	vst v10  }
0x63: {  	v51 =	vld [tilespmem:s24+$0x390];
	v7 =	vmul.f32 v44, v46;
	[tilespmem:s24+$0x310] =	vst v8  }
0x64: {  	v52 =	vld [tilespmem:s24+$0x3A0];
	v9 =	vmul.f32 v47, v46;
	[tilespmem:s24+$0x320] =	vst v6  }
0x65: {  	v53 =	vld [tilespmem:s24+$0x3B0];
	v11 =	vmul.f32 v48, v46;
	[tilespmem:s24+$0x330] =	vst v7  }
0x66: {  	v54 =	vld [tilespmem:s24+$0x3C0];
	v55 =	vbroadcast v0, $0x4;
	v12 =	vmul.f32 v49, v46;
	[tilespmem:s24+$0x350] =	vst v9  }
0x67: {  	v56 =	vld [tilespmem:s24+$0x3D0];
	v10 =	vmul.f32 v45, v46;
	[tilespmem:s24+$0x360] =	vst v11  }
0x68: {  	v57 =	vld [tilespmem:s24+$0x3E0];
	v8 =	vmul.f32 v50, v55;
	[tilespmem:s24+$0x370] =	vst v12  }
0x69: {  	v58 =	vld [tilespmem:s24+$0x3F0];
	v6 =	vmul.f32 v51, v55;
	[tilespmem:s24+$0x340] =	vst v10  }
0x6a: {  	v59 =	vld [tilespmem:s24+$0x400];
	v7 =	vmul.f32 v52, v55;
	[tilespmem:s24+$0x380] =	vst v8  }
0x6b: {  	v60 =	vld [tilespmem:s24+$0x410];
	v9 =	vmul.f32 v54, v55;
	[tilespmem:s24+$0x390] =	vst v6  }
0x6c: {  	v61 =	vld [tilespmem:s24+$0x420];
	v11 =	vmul.f32 v56, v55;
	[tilespmem:s24+$0x3A0] =	vst v7  }
0x6d: {  	v62 =	vld [tilespmem:s24+$0x430];
	v12 =	vmul.f32 v57, v55;
	[tilespmem:s24+$0x3C0] =	vst v9  }
0x6e: {  	v63 =	vld [tilespmem:s24+$0x440];
	v16 =	vbroadcast v0, $0x5;
	v10 =	vmul.f32 v53, v55;
	[tilespmem:s24+$0x3D0] =	vst v11  }
0x6f: {  	v17 =	vld [tilespmem:s24+$0x450];
	v8 =	vmul.f32 v58, v55;
	[tilespmem:s24+$0x3E0] =	vst v12  }
0x70: {  	v18 =	vld [tilespmem:s24+$0x460];
	v6 =	vmul.f32 v59, v16;
	[tilespmem:s24+$0x3B0] =	vst v10  }
0x71: {  	v19 =	vld [tilespmem:s24+$0x470];
	v7 =	vmul.f32 v60, v16;
	[tilespmem:s24+$0x3F0] =	vst v8  }
0x72: {  	v20 =	vld [tilespmem:s24+$0x480];
	v9 =	vmul.f32 v62, v16;
	[tilespmem:s24+$0x400] =	vst v6  }
0x73: {  	v21 =	vld [tilespmem:s24+$0x490];
	v11 =	vmul.f32 v63, v16;
	[tilespmem:s24+$0x410] =	vst v7  }
0x74: {  	v22 =	vld [tilespmem:s24+$0x4A0];
	v12 =	vmul.f32 v17, v16;
	[tilespmem:s24+$0x430] =	vst v9  }
0x75: {  	v23 =	vld [tilespmem:s24+$0x4B0];
	v10 =	vmul.f32 v61, v16;
	[tilespmem:s24+$0x440] =	vst v11  }
0x76: {  	v24 =	vld [tilespmem:s24+$0x4C0];
	v25 =	vbroadcast v0, $0x6;
	v8 =	vmul.f32 v18, v16;
	[tilespmem:s24+$0x450] =	vst v12  }
0x77: {  	v56 =	vld [tilespmem:s24+$0x680];
	v6 =	vmul.f32 v19, v16;
	[tilespmem:s24+$0x420] =	vst v10  }
0x78: {  	v26 =	vld [tilespmem:s24+$0x4D0];
	v7 =	vmul.f32 v20, v25;
	[tilespmem:s24+$0x460] =	vst v8  }
0x79: {  	v30 =	vld [tilespmem:s24+$0x510];
	v9 =	vmul.f32 v22, v25;
	[tilespmem:s24+$0x470] =	vst v6  }
0x7a: {  	v27 =	vld [tilespmem:s24+$0x4E0];
	v11 =	vmul.f32 v23, v25;
	[tilespmem:s24+$0x480] =	vst v7  }
0x7b: {  	v28 =	vld [tilespmem:s24+$0x4F0];
	v12 =	vmul.f32 v24, v25;
	[tilespmem:s24+$0x4A0] =	vst v9  }
0x7c: {  	v31 =	vld [tilespmem:s24+$0x520];
	v62 =	vmul.f32 v56, v4;
	[tilespmem:s24+$0x4B0] =	vst v11  }
0x7d: {  	v32 =	vld [tilespmem:s24+$0x530];
	v10 =	vmul.f32 v21, v25;
	[tilespmem:s24+$0x4C0] =	vst v12  }
0x7e: {  	v3 =	vld [tilespmem:s24+$0x700];
	v8 =	vmul.f32 v26, v25;
	[tilespmem:s24+$0x680] =	vst v62  }
0x7f: {  	v5 =	vld [tilespmem:s24+$0x710];
	v34 =	vbroadcast v0, $0x7;
	v6 =	vmul.f32 v27, v25;
	[tilespmem:s24+$0x490] =	vst v10  }
0x80: {  	v29 =	vld [tilespmem:s24+$0x500];
	v7 =	vmul.f32 v28, v25;
	[tilespmem:s24+$0x4D0] =	vst v8  }
0x81: {  	v60 =	vld [tilespmem:s24+$0x6C0];
	v9 =	vmul.f32 v30, v34;
	[tilespmem:s24+$0x4E0] =	vst v6  }
0x82: {  	v33 =	vld [tilespmem:s24+$0x540];
	v24 =	vbroadcast v0, $0xB;
	v11 =	vmul.f32 v31, v34;
	[tilespmem:s24+$0x4F0] =	vst v7  }
0x83: {  	v35 =	vld [tilespmem:s24+$0x550];
	v12 =	vmul.f32 v32, v34;
	[tilespmem:s24+$0x510] =	vst v9  }
0x84: {  	v38 =	vld [tilespmem:s24+$0x580];
	v3 =	vmul.f32 v3, v24;
	[tilespmem:s24+$0x520] =	vst v11  }
0x85: {  	v36 =	vld [tilespmem:s24+$0x560];
	v5 =	vmul.f32 v5, v24;
	[tilespmem:s24+$0x530] =	vst v12  }
0x86: {  	v2 =	vld [tilespmem:s24+$0x950];
	v19 =	vmul.f32 v60, v4;
	[tilespmem:s24+$0x700] =	vst v3  }
0x87: {  	v39 =	vld [tilespmem:s24+$0x590];
	v10 =	vmul.f32 v29, v34;
	[tilespmem:s24+$0x710] =	vst v5  }
0x88: {  	v40 =	vld [tilespmem:s24+$0x5A0];
	v8 =	vmul.f32 v33, v34;
	[tilespmem:s24+$0x6C0] =	vst v19  }
0x89: {  	v43 =	vbroadcast v0, $0x8;
	v61 =	vld [tilespmem:s24+$0x6D0];
	v6 =	vmul.f32 v35, v34;
	[tilespmem:s24+$0x500] =	vst v10  }
0x8a: {  	v16 =	vld [tilespmem:s24+$0x180];
	v7 =	vmul.f32 v36, v34;
	[tilespmem:s24+$0x540] =	vst v8  }
0x8b: {  	v37 =	vld [tilespmem:s24+$0x570];
	v9 =	vmul.f32 v38, v43;
	[tilespmem:s24+$0x550] =	vst v6  }
0x8c: {  	v41 =	vld [tilespmem:s24+$0x5B0];
	v11 =	vmul.f32 v39, v43;
	[tilespmem:s24+$0x560] =	vst v7  }
0x8d: {  	v42 =	vld [tilespmem:s24+$0x5C0];
	v12 =	vmul.f32 v40, v43;
	[tilespmem:s24+$0x580] =	vst v9  }
0x8e: {  	v44 =	vld [tilespmem:s24+$0x5D0];
	v21 =	vmul.f32 v61, v4;
	[tilespmem:s24+$0x590] =	vst v11  }
0x8f: {  	v46 =	vld [tilespmem:s24+$0x5F0];
	v25 =	vmul.f32 v1, v16;
	[tilespmem:s24+$0x5A0] =	vst v12  }
0x90: {  	v47 =	vld [tilespmem:s24+$0x600];
	v10 =	vmul.f32 v37, v34;
	[tilespmem:s24+$0x6D0] =	vst v21  }
0x91: {  	v48 =	vld [tilespmem:s24+$0x610];
	v8 =	vmul.f32 v41, v43;
	[tilespmem:s24+$0x180] =	vst v25  }
0x92: {  	v6 =	vmul.f32 v42, v43;
	[tilespmem:s24+$0x570] =	vst v10  }
0x93: {  	v52 =	vbroadcast v0, $0x9;
	v27 =	vld [tilespmem:s24+$0x750];
	v7 =	vmul.f32 v44, v43;
	[tilespmem:s24+$0x5B0] =	vst v8  }
0x94: {  	v30 =	vld [tilespmem:s24+$0x780];
	v9 =	vmul.f32 v46, v43;
	[tilespmem:s24+$0x5C0] =	vst v6  }
0x95: {  	v28 =	vld [tilespmem:s24+$0x760];
	v3 =	vbroadcast v0, $0xF;
	v11 =	vmul.f32 v47, v52;
	[tilespmem:s24+$0x5D0] =	vst v7  }
0x96: {  	v45 =	vld [tilespmem:s24+$0x5E0];
	v12 =	vmul.f32 v48, v52;
	[tilespmem:s24+$0x5F0] =	vst v9  }
0x97: {  	v49 =	vld [tilespmem:s24+$0x620];
	v35 =	vbroadcast v0, $0xC;
	v2 =	vmul.f32 v2, v3;
	[tilespmem:s24+$0x600] =	vst v11  }
0x98: {  	v50 =	vld [tilespmem:s24+$0x630];
	v32 =	vmul.f32 v27, v24;
	[tilespmem:s24+$0x610] =	vst v12  }
0x99: {  	v51 =	vld [tilespmem:s24+$0x640];
	v14 =	vmul.f32 v30, v35;
	[tilespmem:s24+$0x950] =	vst v2  }
0x9a: {  	v54 =	vld [tilespmem:s24+$0x660];
	v40 =	vmul.f32 v28, v24;
	[tilespmem:s24+$0x750] =	vst v32  }
0x9b: {  	v55 =	vld [tilespmem:s24+$0x670];
	v10 =	vmul.f32 v45, v43;
	[tilespmem:s24+$0x780] =	vst v14  }
0x9c: {  	v18 =	vld [tilespmem:s24+$0x1C0];
	v8 =	vmul.f32 v49, v52;
	[tilespmem:s24+$0x760] =	vst v40  }
0x9d: {  	v38 =	vld [tilespmem:s24+$0x7F0];
	v6 =	vmul.f32 v50, v52;
	[tilespmem:s24+$0x5E0] =	vst v10  }
0x9e: {  	v29 =	vld [tilespmem:s24+$0x770];
	v7 =	vmul.f32 v51, v52;
	[tilespmem:s24+$0x620] =	vst v8  }
0x9f: {  	v33 =	vld [tilespmem:s24+$0x7B0];
	v9 =	vmul.f32 v54, v52;
	[tilespmem:s24+$0x630] =	vst v6  }
0xa0: {  	v53 =	vld [tilespmem:s24+$0x650];
	v11 =	vmul.f32 v55, v52;
	[tilespmem:s24+$0x640] =	vst v7  }
0xa1: {  	v57 =	vld [tilespmem:s24+$0x690];
	v2 =	vmul.f32 v18, v1;
	[tilespmem:s24+$0x660] =	vst v9  }
0xa2: {  	v58 =	vld [tilespmem:s24+$0x6A0];
	v14 =	vmul.f32 v38, v35;
	[tilespmem:s24+$0x670] =	vst v11  }
0xa3: {  	v59 =	vld [tilespmem:s24+$0x6B0];
	v5 =	vmul.f32 v29, v24;
	[tilespmem:s24+$0x1C0] =	vst v2  }
0xa4: {  	v63 =	vld [tilespmem:s24+$0x6E0];
	v62 =	vmul.f32 v33, v35;
	[tilespmem:s24+$0x7F0] =	vst v14  }
0xa5: {  	v17 =	vld [tilespmem:s24+$0x190];
	v10 =	vmul.f32 v53, v52;
	[tilespmem:s24+$0x770] =	vst v5  }
0xa6: {  	v20 =	vld [tilespmem:s24+$0x1D0];
	v8 =	vmul.f32 v57, v4;
	[tilespmem:s24+$0x7B0] =	vst v62  }
0xa7: {  	v61 =	vld [tilespmem:s24+$0x970];
	v6 =	vmul.f32 v58, v4;
	[tilespmem:s24+$0x650] =	vst v10  }
0xa8: {  	v46 =	vld [tilespmem:s24+$0x860];
	v7 =	vmul.f32 v59, v4;
	[tilespmem:s24+$0x690] =	vst v8  }
0xa9: {  	v22 =	vld [tilespmem:s24+$0x720];
	v4 =	vmul.f32 v63, v4;
	[tilespmem:s24+$0x6A0] =	vst v6  }
0xaa: {  	v23 =	vld [tilespmem:s24+$0x730];
	v11 =	vmul.f32 v17, v1;
	[tilespmem:s24+$0x6B0] =	vst v7  }
0xab: {  	v26 =	vld [tilespmem:s24+$0x740];
	v44 =	vbroadcast v0, $0xD;
	v1 =	vmul.f32 v20, v1;
	[tilespmem:s24+$0x6E0] =	vst v4  }
0xac: {  	v31 =	vld [tilespmem:s24+$0x790];
	v63 =	vmul.f32 v61, v3;
	[tilespmem:s24+$0x190] =	vst v11  }
0xad: {  	v34 =	vld [tilespmem:s24+$0x7C0];
	v51 =	vmul.f32 v46, v44;
	[tilespmem:s24+$0x1D0] =	vst v1  }
0xae: {  	v41 =	vld [tilespmem:s24+$0x820];
	v6 =	vmul.f32 v22, v24;
	[tilespmem:s24+$0x970] =	vst v63  }
0xaf: {  	v7 =	vmul.f32 v23, v24;
	v1 =	vld [tilespmem:s24+$0x810];
	[tilespmem:s24+$0x860] =	vst v51  }
0xb0: {  	v49 =	vld [tilespmem:s24+$0x8A0];
	v4 =	vmul.f32 v26, v24;
	[tilespmem:s24+$0x720] =	vst v6  }
0xb1: {  	v50 =	vld [tilespmem:s24+$0x8B0];
	v8 =	vmul.f32 v31, v35;
	[tilespmem:s24+$0x730] =	vst v7  }
0xb2: {  	v36 =	vld [tilespmem:s24+$0x7D0];
	v11 =	vmul.f32 v34, v35;
	[tilespmem:s24+$0x740] =	vst v4  }
0xb3: {  	v37 =	vld [tilespmem:s24+$0x7E0];
	v0 =	vbroadcast v0, $0xE;
	v10 =	vmul.f32 v41, v44;
	[tilespmem:s24+$0x790] =	vst v8  }
0xb4: {  	v39 =	vld [tilespmem:s24+$0x800];
	[tilespmem:s24+$0x7C0] =	vst v11;
	v1 =	vmul.f32 v1, v44  }
0xb5: {  	v42 =	vld [tilespmem:s24+$0x830];
	v9 =	vmul.f32 v49, v0;
	[tilespmem:s24+$0x820] =	vst v10  }
0xb6: {  	v5 =	vmul.f32 v50, v0;
	[tilespmem:s24+$0x810] =	vst v1;
	v1 =	vld [tilespmem:s24+$0x880]  }
0xb7: {  	v48 =	vld [tilespmem:s24+$0x890];
	v7 =	vmul.f32 v36, v35;
	[tilespmem:s24+$0x8A0] =	vst v9  }
0xb8: {  	v57 =	vld [tilespmem:s24+$0x920];
	v4 =	vmul.f32 v37, v35;
	[tilespmem:s24+$0x8B0] =	vst v5  }
0xb9: {  	v45 =	vld [tilespmem:s24+$0x850];
	v8 =	vmul.f32 v39, v44;
	[tilespmem:s24+$0x7D0] =	vst v7  }
0xba: {  	v47 =	vld [tilespmem:s24+$0x870];
	v11 =	vmul.f32 v42, v44;
	[tilespmem:s24+$0x7E0] =	vst v4  }
0xbb: {  	v43 =	vld [tilespmem:s24+$0x840];
	[tilespmem:s24+$0x800] =	vst v8;
	v1 =	vmul.f32 v1, v0  }
0xbc: {  	v55 =	vld [tilespmem:s24+$0x900];
	v10 =	vmul.f32 v48, v0;
	[tilespmem:s24+$0x830] =	vst v11  }
0xbd: {  	v5 =	vmul.f32 v57, v3;
	[tilespmem:s24+$0x880] =	vst v1;
	v1 =	vld [tilespmem:s24+$0x8F0]  }
0xbe: {  	v52 =	vld [tilespmem:s24+$0x8C0];
	v4 =	vmul.f32 v45, v44;
	[tilespmem:s24+$0x890] =	vst v10  }
0xbf: {  	v56 =	vld [tilespmem:s24+$0x910];
	v8 =	vmul.f32 v47, v44;
	[tilespmem:s24+$0x920] =	vst v5  }
0xc0: {  	v54 =	vld [tilespmem:s24+$0x8E0];
	v7 =	vmul.f32 v43, v44;
	[tilespmem:s24+$0x850] =	vst v4  }
0xc1: {  	v58 =	vld [tilespmem:s24+$0x930];
	v10 =	vmul.f32 v55, v3;
	[tilespmem:s24+$0x870] =	vst v8  }
0xc2: {  	v53 =	vld [tilespmem:s24+$0x8D0];
	[tilespmem:s24+$0x840] =	vst v7;
	v1 =	vmul.f32 v1, v0  }
0xc3: {  	v59 =	vld [tilespmem:s24+$0x940];
	v4 =	vmul.f32 v52, v0;
	[tilespmem:s24+$0x900] =	vst v10  }
0xc4: {  	v60 =	vld [tilespmem:s24+$0x960];
	[tilespmem:s24+$0x8F0] =	vst v1;
	v1 =	vmul.f32 v56, v3  }
0xc5: {  	v8 =	vmul.f32 v54, v0;
	[tilespmem:s24+$0x8C0] =	vst v4  }
0xc6: {  	v2 =	vld [tilespmem:s24+$0x7A0];
	[tilespmem:s24+$0x910] =	vst v1;
	v1 =	vmul.f32 v58, v3  }
0xc7: {  	[tilespmem:s24+$0x8E0] =	vst v8;
	v0 =	vmul.f32 v53, v0  }
0xc8: {  	[tilespmem:s24+$0x930] =	vst v1;
	v1 =	vmul.f32 v59, v3  }
0xc9: {  	[tilespmem:s24+$0x8D0] =	vst v0;
	v3 =	vmul.f32 v60, v3  }
0xca: {  	[tilespmem:s24+$0x940] =	vst v1  }
0xcb: {  	s25 =	simm.s32 $0x1;
	v1 =	vmul.f32 v2, v35;
	[tilespmem:s24+$0x960] =	vst v3  }
.LBB2_4:
0xcc: {  	s26 =	sshll.u32 s25, $0x4  }
0xcd: {  	p1 =	sne.s32 s25, $0x7;
	[tilespmem:s24+$0x7A0] =	vst v1;
	s24 =	smov.u32 s25;
	s25 =	sadd.s32 $0x1, s25  }
0xce: {  	s26 =	sand.u32 $0x3FFFFFF0, s26  }
0xcf: {  	s24 =	sshll.u32 s24, $0xB;
	v0 =	vld [tilespmem:s26+$0x100]  }
0xd0: {  	s24 =	sand.u32 $0x3FFFF800, s24  }
0xd1: {  	v7 =	vld [tilespmem:s24+$0x240]  }
0xd2: {  	v8 =	vld [tilespmem:s24+$0x250]  }
0xd3: {  	v9 =	vld [tilespmem:s24+$0x230]  }
0xd4: {  	v1 =	vbroadcast v0, $0x0;
	v2 =	vld [tilespmem:s24+$0x1A0];
	v6 =	vbroadcast v0, $0x4  }
0xd5: {  	v4 =	vld [tilespmem:s24+$0x1B0]  }
0xd6: {  	v5 =	vld [tilespmem:s24+$0x6F0]  }
0xd7: {  	v10 =	vld [tilespmem:s24+$0x1E0]  }
0xd8: {  	v11 =	vld [tilespmem:s24+$0x1F0]  }
0xd9: {  	v3 =	vbroadcast v0, $0xA;
	v2 =	vmul.f32 v2, v1;
	v12 =	vld [tilespmem:s24+$0x200]  }
0xda: {  	v4 =	vmul.f32 v4, v1;
	v13 =	vld [tilespmem:s24+$0x210]  }
0xdb: {  	[tilespmem:s24+$0x1A0] =	vst v2;
	v14 =	vld [tilespmem:s24+$0x220];
	v2 =	vmul.f32 v5, v3  }
0xdc: {  	[tilespmem:s24+$0x1B0] =	vst v4;
	v5 =	vmul.f32 v10, v1;
	v10 =	vbroadcast v0, $0x1;
	v4 =	vld [tilespmem:s24+$0x700]  }
0xdd: {  	v11 =	vmul.f32 v11, v1;
	[tilespmem:s24+$0x6F0] =	vst v2;
	v2 =	vld [tilespmem:s24+$0x950]  }
0xde: {  	[tilespmem:s24+$0x1E0] =	vst v5;
	v12 =	vmul.f32 v12, v10;
	v5 =	vld [tilespmem:s24+$0x710]  }
0xdf: {  	[tilespmem:s24+$0x1F0] =	vst v11;
	v11 =	vmul.f32 v13, v10;
	v13 =	vld [tilespmem:s24+$0x260]  }
0xe0: {  	[tilespmem:s24+$0x200] =	vst v12;
	v12 =	vmul.f32 v14, v10;
	v14 =	vld [tilespmem:s24+$0x270]  }
0xe1: {  	v9 =	vmul.f32 v9, v10;
	[tilespmem:s24+$0x210] =	vst v11;
	v11 =	vld [tilespmem:s24+$0x280]  }
0xe2: {  	v7 =	vmul.f32 v7, v10;
	[tilespmem:s24+$0x220] =	vst v12;
	v12 =	vld [tilespmem:s24+$0x290]  }
0xe3: {  	v8 =	vmul.f32 v8, v10;
	[tilespmem:s24+$0x230] =	vst v9;
	v9 =	vld [tilespmem:s24+$0x2A0]  }
0xe4: {  	[tilespmem:s24+$0x240] =	vst v7;
	v7 =	vmul.f32 v13, v10;
	v13 =	vbroadcast v0, $0x2;
	v15 =	vld [tilespmem:s24+$0x2B0]  }
0xe5: {  	[tilespmem:s24+$0x250] =	vst v8;
	v8 =	vmul.f32 v14, v10;
	v10 =	vld [tilespmem:s24+$0x2C0]  }
0xe6: {  	[tilespmem:s24+$0x260] =	vst v7;
	v7 =	vmul.f32 v11, v13;
	v11 =	vld [tilespmem:s24+$0x2D0]  }
0xe7: {  	[tilespmem:s24+$0x270] =	vst v8;
	v8 =	vmul.f32 v12, v13;
	v12 =	vld [tilespmem:s24+$0x2E0]  }
0xe8: {  	[tilespmem:s24+$0x280] =	vst v7;
	v7 =	vmul.f32 v9, v13;
	v9 =	vld [tilespmem:s24+$0x2F0]  }
0xe9: {  	[tilespmem:s24+$0x290] =	vst v8;
	v8 =	vmul.f32 v15, v13;
	v14 =	vld [tilespmem:s24+$0x300]  }
0xea: {  	[tilespmem:s24+$0x2A0] =	vst v7;
	v7 =	vmul.f32 v10, v13;
	v10 =	vld [tilespmem:s24+$0x310]  }
0xeb: {  	[tilespmem:s24+$0x2B0] =	vst v8;
	v8 =	vmul.f32 v11, v13;
	v11 =	vld [tilespmem:s24+$0x320]  }
0xec: {  	[tilespmem:s24+$0x2C0] =	vst v7;
	v7 =	vmul.f32 v12, v13;
	v12 =	vbroadcast v0, $0x3;
	v15 =	vld [tilespmem:s24+$0x330]  }
0xed: {  	[tilespmem:s24+$0x2D0] =	vst v8;
	v8 =	vmul.f32 v9, v13;
	v9 =	vld [tilespmem:s24+$0x340]  }
0xee: {  	[tilespmem:s24+$0x2E0] =	vst v7;
	v7 =	vmul.f32 v14, v12;
	v13 =	vld [tilespmem:s24+$0x350]  }
0xef: {  	[tilespmem:s24+$0x2F0] =	vst v8;
	v8 =	vmul.f32 v10, v12;
	v10 =	vld [tilespmem:s24+$0x360]  }
0xf0: {  	[tilespmem:s24+$0x300] =	vst v7;
	v7 =	vmul.f32 v11, v12;
	v11 =	vld [tilespmem:s24+$0x370]  }
0xf1: {  	[tilespmem:s24+$0x310] =	vst v8;
	v8 =	vmul.f32 v15, v12;
	v14 =	vld [tilespmem:s24+$0x380]  }
0xf2: {  	[tilespmem:s24+$0x320] =	vst v7;
	v7 =	vmul.f32 v9, v12;
	v9 =	vld [tilespmem:s24+$0x390]  }
0xf3: {  	[tilespmem:s24+$0x330] =	vst v8;
	v8 =	vmul.f32 v13, v12;
	v13 =	vld [tilespmem:s24+$0x3A0]  }
0xf4: {  	[tilespmem:s24+$0x340] =	vst v7;
	v7 =	vmul.f32 v10, v12;
	v10 =	vld [tilespmem:s24+$0x3B0]  }
0xf5: {  	[tilespmem:s24+$0x350] =	vst v8;
	v8 =	vmul.f32 v11, v12;
	v11 =	vld [tilespmem:s24+$0x3C0]  }
0xf6: {  	[tilespmem:s24+$0x360] =	vst v7;
	v7 =	vmul.f32 v14, v6;
	v12 =	vld [tilespmem:s24+$0x3D0]  }
0xf7: {  	[tilespmem:s24+$0x370] =	vst v8;
	v8 =	vmul.f32 v9, v6;
	v9 =	vld [tilespmem:s24+$0x3E0]  }
0xf8: {  	[tilespmem:s24+$0x380] =	vst v7;
	v7 =	vmul.f32 v13, v6;
	v13 =	vld [tilespmem:s24+$0x3F0]  }
0xf9: {  	[tilespmem:s24+$0x390] =	vst v8;
	v8 =	vmul.f32 v10, v6;
	v10 =	vld [tilespmem:s24+$0x400]  }
0xfa: {  	[tilespmem:s24+$0x3A0] =	vst v7;
	v7 =	vmul.f32 v11, v6;
	v11 =	vld [tilespmem:s24+$0x410]  }
0xfb: {  	[tilespmem:s24+$0x3B0] =	vst v8;
	v8 =	vmul.f32 v12, v6;
	v12 =	vld [tilespmem:s24+$0x420]  }
0xfc: {  	[tilespmem:s24+$0x3C0] =	vst v7;
	v7 =	vmul.f32 v9, v6;
	v9 =	vbroadcast v0, $0x5;
	v14 =	vld [tilespmem:s24+$0x430]  }
0xfd: {  	[tilespmem:s24+$0x3D0] =	vst v8;
	v6 =	vmul.f32 v13, v6;
	v8 =	vld [tilespmem:s24+$0x440]  }
0xfe: {  	[tilespmem:s24+$0x3E0] =	vst v7;
	v7 =	vmul.f32 v10, v9;
	v10 =	vld [tilespmem:s24+$0x450]  }
0xff: {  	[tilespmem:s24+$0x3F0] =	vst v6;
	v6 =	vmul.f32 v11, v9;
	v11 =	vld [tilespmem:s24+$0x460]  }
0x100: {  	[tilespmem:s24+$0x400] =	vst v7;
	v7 =	vmul.f32 v12, v9;
	v12 =	vld [tilespmem:s24+$0x470]  }
0x101: {  	[tilespmem:s24+$0x410] =	vst v6;
	v6 =	vmul.f32 v14, v9;
	v13 =	vld [tilespmem:s24+$0x480]  }
0x102: {  	[tilespmem:s24+$0x420] =	vst v7;
	v7 =	vmul.f32 v8, v9;
	v8 =	vld [tilespmem:s24+$0x490]  }
0x103: {  	[tilespmem:s24+$0x430] =	vst v6;
	v6 =	vmul.f32 v10, v9;
	v10 =	vld [tilespmem:s24+$0x4A0]  }
0x104: {  	[tilespmem:s24+$0x440] =	vst v7;
	v7 =	vmul.f32 v11, v9;
	v11 =	vbroadcast v0, $0x6;
	v14 =	vld [tilespmem:s24+$0x4B0]  }
0x105: {  	[tilespmem:s24+$0x450] =	vst v6;
	v6 =	vmul.f32 v12, v9;
	v9 =	vld [tilespmem:s24+$0x4C0]  }
0x106: {  	[tilespmem:s24+$0x460] =	vst v7;
	v7 =	vmul.f32 v13, v11;
	v12 =	vld [tilespmem:s24+$0x4D0]  }
0x107: {  	[tilespmem:s24+$0x470] =	vst v6;
	v6 =	vmul.f32 v8, v11;
	v8 =	vld [tilespmem:s24+$0x4E0]  }
0x108: {  	[tilespmem:s24+$0x480] =	vst v7;
	v7 =	vmul.f32 v10, v11;
	v10 =	vld [tilespmem:s24+$0x4F0]  }
0x109: {  	[tilespmem:s24+$0x490] =	vst v6;
	v6 =	vmul.f32 v14, v11;
	v13 =	vld [tilespmem:s24+$0x500]  }
0x10a: {  	[tilespmem:s24+$0x4A0] =	vst v7;
	v7 =	vmul.f32 v9, v11;
	v9 =	vld [tilespmem:s24+$0x510]  }
0x10b: {  	[tilespmem:s24+$0x4B0] =	vst v6;
	v6 =	vmul.f32 v12, v11;
	v12 =	vld [tilespmem:s24+$0x520]  }
0x10c: {  	[tilespmem:s24+$0x4C0] =	vst v7;
	v7 =	vmul.f32 v8, v11;
	v8 =	vbroadcast v0, $0x7;
	v14 =	vld [tilespmem:s24+$0x530]  }
0x10d: {  	[tilespmem:s24+$0x4D0] =	vst v6;
	v6 =	vmul.f32 v10, v11;
	v10 =	vld [tilespmem:s24+$0x540]  }
0x10e: {  	[tilespmem:s24+$0x4E0] =	vst v7;
	v7 =	vmul.f32 v13, v8;
	v11 =	vld [tilespmem:s24+$0x550]  }
0x10f: {  	[tilespmem:s24+$0x4F0] =	vst v6;
	v6 =	vmul.f32 v9, v8;
	v9 =	vld [tilespmem:s24+$0x560]  }
0x110: {  	[tilespmem:s24+$0x500] =	vst v7;
	v7 =	vmul.f32 v12, v8;
	v12 =	vld [tilespmem:s24+$0x570]  }
0x111: {  	[tilespmem:s24+$0x510] =	vst v6;
	v6 =	vmul.f32 v14, v8;
	v13 =	vld [tilespmem:s24+$0x580]  }
0x112: {  	[tilespmem:s24+$0x520] =	vst v7;
	v7 =	vmul.f32 v10, v8;
	v10 =	vld [tilespmem:s24+$0x590]  }
0x113: {  	[tilespmem:s24+$0x530] =	vst v6;
	v6 =	vmul.f32 v11, v8;
	v11 =	vld [tilespmem:s24+$0x5A0]  }
0x114: {  	[tilespmem:s24+$0x540] =	vst v7;
	v7 =	vmul.f32 v9, v8;
	v9 =	vbroadcast v0, $0x8;
	v14 =	vld [tilespmem:s24+$0x5B0]  }
0x115: {  	[tilespmem:s24+$0x550] =	vst v6;
	v6 =	vmul.f32 v12, v8;
	v8 =	vld [tilespmem:s24+$0x5C0]  }
0x116: {  	[tilespmem:s24+$0x560] =	vst v7;
	v7 =	vmul.f32 v13, v9;
	v12 =	vld [tilespmem:s24+$0x5D0]  }
0x117: {  	[tilespmem:s24+$0x570] =	vst v6;
	v6 =	vmul.f32 v10, v9;
	v10 =	vld [tilespmem:s24+$0x5E0]  }
0x118: {  	[tilespmem:s24+$0x580] =	vst v7;
	v7 =	vmul.f32 v11, v9;
	v11 =	vld [tilespmem:s24+$0x5F0]  }
0x119: {  	[tilespmem:s24+$0x590] =	vst v6;
	v6 =	vmul.f32 v14, v9;
	v13 =	vld [tilespmem:s24+$0x600]  }
0x11a: {  	[tilespmem:s24+$0x5A0] =	vst v7;
	v7 =	vmul.f32 v8, v9;
	v8 =	vld [tilespmem:s24+$0x610]  }
0x11b: {  	[tilespmem:s24+$0x5B0] =	vst v6;
	v6 =	vmul.f32 v12, v9;
	v12 =	vld [tilespmem:s24+$0x620]  }
0x11c: {  	[tilespmem:s24+$0x5C0] =	vst v7;
	v7 =	vmul.f32 v10, v9;
	v10 =	vbroadcast v0, $0x9;
	v14 =	vld [tilespmem:s24+$0x630]  }
0x11d: {  	[tilespmem:s24+$0x5D0] =	vst v6;
	v6 =	vmul.f32 v11, v9;
	v9 =	vld [tilespmem:s24+$0x640]  }
0x11e: {  	[tilespmem:s24+$0x5E0] =	vst v7;
	v7 =	vmul.f32 v13, v10;
	v11 =	vld [tilespmem:s24+$0x650]  }
0x11f: {  	[tilespmem:s24+$0x5F0] =	vst v6;
	v6 =	vmul.f32 v8, v10;
	v8 =	vld [tilespmem:s24+$0x660]  }
0x120: {  	[tilespmem:s24+$0x600] =	vst v7;
	v7 =	vmul.f32 v12, v10;
	v12 =	vld [tilespmem:s24+$0x670]  }
0x121: {  	[tilespmem:s24+$0x610] =	vst v6;
	v6 =	vmul.f32 v14, v10;
	v13 =	vld [tilespmem:s24+$0x680]  }
0x122: {  	[tilespmem:s24+$0x620] =	vst v7;
	v7 =	vmul.f32 v9, v10;
	v9 =	vld [tilespmem:s24+$0x690]  }
0x123: {  	[tilespmem:s24+$0x630] =	vst v6;
	v6 =	vmul.f32 v11, v10;
	v11 =	vld [tilespmem:s24+$0x6A0]  }
0x124: {  	[tilespmem:s24+$0x640] =	vst v7;
	v7 =	vmul.f32 v8, v10;
	v8 =	vld [tilespmem:s24+$0x6B0]  }
0x125: {  	[tilespmem:s24+$0x650] =	vst v6;
	v6 =	vmul.f32 v12, v10;
	v10 =	vld [tilespmem:s24+$0x6C0]  }
0x126: {  	[tilespmem:s24+$0x660] =	vst v7;
	v7 =	vmul.f32 v13, v3;
	v12 =	vld [tilespmem:s24+$0x6D0]  }
0x127: {  	[tilespmem:s24+$0x670] =	vst v6;
	v6 =	vmul.f32 v9, v3;
	v9 =	vld [tilespmem:s24+$0x6E0]  }
0x128: {  	v13 =	vld [tilespmem:s24+$0x180];
	[tilespmem:s24+$0x680] =	vst v7;
	v7 =	vmul.f32 v11, v3  }
0x129: {  	v11 =	vld [tilespmem:s24+$0x190];
	[tilespmem:s24+$0x690] =	vst v6;
	v6 =	vmul.f32 v8, v3  }
0x12a: {  	v8 =	vld [tilespmem:s24+$0x1C0];
	[tilespmem:s24+$0x6A0] =	vst v7;
	v7 =	vmul.f32 v10, v3  }
0x12b: {  	v10 =	vld [tilespmem:s24+$0x1D0];
	[tilespmem:s24+$0x6B0] =	vst v6;
	v6 =	vmul.f32 v12, v3  }
0x12c: {  	[tilespmem:s24+$0x6C0] =	vst v7;
	v7 =	vmul.f32 v9, v3;
	v9 =	vbroadcast v0, $0xB;
	v12 =	vld [tilespmem:s24+$0x720]  }
0x12d: {  	v3 =	vbroadcast v0, $0xF;
	v13 =	vmul.f32 v1, v13;
	[tilespmem:s24+$0x6D0] =	vst v6;
	v6 =	vld [tilespmem:s24+$0x730]  }
0x12e: {  	v11 =	vmul.f32 v11, v1;
	[tilespmem:s24+$0x6E0] =	vst v7;
	v4 =	vmul.f32 v4, v9;
	v7 =	vld [tilespmem:s24+$0x740]  }
0x12f: {  	v5 =	vmul.f32 v5, v9;
	[tilespmem:s24+$0x180] =	vst v13;
	v8 =	vmul.f32 v8, v1;
	v13 =	vld [tilespmem:s24+$0x750]  }
0x130: {  	v2 =	vmul.f32 v2, v3;
	v10 =	vmul.f32 v10, v1;
	[tilespmem:s24+$0x700] =	vst v4;
	v1 =	vld [tilespmem:s24+$0x760]  }
0x131: {  	[tilespmem:s24+$0x710] =	vst v5;
	v4 =	vmul.f32 v12, v9;
	v5 =	vld [tilespmem:s24+$0x770]  }
0x132: {  	v6 =	vmul.f32 v6, v9;
	v12 =	vld [tilespmem:s24+$0x780];
	[tilespmem:s24+$0x950] =	vst v2  }
0x133: {  	[tilespmem:s24+$0x190] =	vst v11;
	v2 =	vmul.f32 v7, v9;
	v7 =	vld [tilespmem:s24+$0x790]  }
0x134: {  	[tilespmem:s24+$0x1C0] =	vst v8;
	v8 =	vmul.f32 v13, v9;
	v11 =	vld [tilespmem:s24+$0x7A0]  }
0x135: {  	v13 =	vbroadcast v0, $0xC;
	[tilespmem:s24+$0x720] =	vst v4;
	v4 =	vmul.f32 v1, v9;
	v14 =	vld [tilespmem:s24+$0x7B0]  }
0x136: {  	[tilespmem:s24+$0x750] =	vst v8;
	v5 =	vmul.f32 v5, v9;
	v8 =	vld [tilespmem:s24+$0x7C0]  }
0x137: {  	[tilespmem:s24+$0x730] =	vst v6;
	v1 =	vmul.f32 v12, v13;
	v6 =	vld [tilespmem:s24+$0x7D0]  }
0x138: {  	[tilespmem:s24+$0x740] =	vst v2;
	v2 =	vmul.f32 v7, v13;
	v7 =	vld [tilespmem:s24+$0x7E0]  }
0x139: {  	[tilespmem:s24+$0x780] =	vst v1;
	v1 =	vmul.f32 v11, v13;
	v9 =	vld [tilespmem:s24+$0x7F0]  }
0x13a: {  	[tilespmem:s24+$0x790] =	vst v2;
	v2 =	vld [tilespmem:s24+$0x800]  }
0x13b: {  	[tilespmem:s24+$0x1D0] =	vst v10;
	v8 =	vmul.f32 v8, v13;
	v10 =	vld [tilespmem:s24+$0x810]  }
0x13c: {  	[tilespmem:s24+$0x760] =	vst v4;
	v4 =	vmul.f32 v6, v13;
	v6 =	vld [tilespmem:s24+$0x820]  }
0x13d: {  	[tilespmem:s24+$0x7C0] =	vst v8;
	v7 =	vmul.f32 v7, v13;
	v8 =	vbroadcast v0, $0xD;
	v11 =	vld [tilespmem:s24+$0x830]  }
0x13e: {  	[tilespmem:s24+$0x7D0] =	vst v4;
	v4 =	vmul.f32 v9, v13;
	v9 =	vld [tilespmem:s24+$0x840]  }
0x13f: {  	[tilespmem:s24+$0x7E0] =	vst v7;
	v2 =	vmul.f32 v2, v8;
	v7 =	vld [tilespmem:s24+$0x850]  }
0x140: {  	[tilespmem:s24+$0x7F0] =	vst v4;
	v4 =	vmul.f32 v10, v8;
	v10 =	vld [tilespmem:s24+$0x860]  }
0x141: {  	[tilespmem:s24+$0x800] =	vst v2;
	v2 =	vmul.f32 v6, v8;
	v6 =	vld [tilespmem:s24+$0x870]  }
0x142: {  	[tilespmem:s24+$0x810] =	vst v4;
	v4 =	vmul.f32 v11, v8;
	v11 =	vld [tilespmem:s24+$0x880]  }
0x143: {  	[tilespmem:s24+$0x820] =	vst v2;
	v2 =	vmul.f32 v9, v8;
	v9 =	vld [tilespmem:s24+$0x890]  }
0x144: {  	[tilespmem:s24+$0x830] =	vst v4;
	v4 =	vmul.f32 v7, v8;
	v7 =	vld [tilespmem:s24+$0x8A0]  }
0x145: {  	v0 =	vbroadcast v0, $0xE;
	[tilespmem:s24+$0x770] =	vst v5;
	v5 =	vmul.f32 v10, v8;
	v10 =	vld [tilespmem:s24+$0x8B0]  }
0x146: {  	[tilespmem:s24+$0x850] =	vst v4;
	v4 =	vmul.f32 v6, v8;
	v6 =	vld [tilespmem:s24+$0x8C0]  }
0x147: {  	[tilespmem:s24+$0x860] =	vst v5;
	v5 =	vmul.f32 v11, v0;
	v8 =	vld [tilespmem:s24+$0x8D0]  }
0x148: {  	[tilespmem:s24+$0x870] =	vst v4;
	v4 =	vmul.f32 v9, v0;
	v9 =	vld [tilespmem:s24+$0x8E0]  }
0x149: {  	[tilespmem:s24+$0x880] =	vst v5;
	v5 =	vmul.f32 v7, v0;
	v7 =	vld [tilespmem:s24+$0x8F0]  }
0x14a: {  	[tilespmem:s24+$0x890] =	vst v4;
	v4 =	vmul.f32 v10, v0;
	v10 =	vld [tilespmem:s24+$0x900]  }
0x14b: {  	[tilespmem:s24+$0x8A0] =	vst v5;
	v5 =	vmul.f32 v6, v0;
	v6 =	vld [tilespmem:s24+$0x910]  }
0x14c: {  	[tilespmem:s24+$0x8B0] =	vst v4;
	v4 =	vmul.f32 v8, v0;
	v8 =	vld [tilespmem:s24+$0x920]  }
0x14d: {  	[tilespmem:s24+$0x8C0] =	vst v5;
	v5 =	vmul.f32 v9, v0;
	v9 =	vld [tilespmem:s24+$0x930]  }
0x14e: {  	[tilespmem:s24+$0x840] =	vst v2;
	v0 =	vmul.f32 v7, v0;
	v2 =	vld [tilespmem:s24+$0x940]  }
0x14f: {  	[tilespmem:s24+$0x8E0] =	vst v5;
	v5 =	vmul.f32 v10, v3;
	v7 =	vld [tilespmem:s24+$0x960]  }
0x150: {  	[tilespmem:s24+$0x8F0] =	vst v0;
	v0 =	vmul.f32 v6, v3;
	v6 =	vld [tilespmem:s24+$0x970]  }
0x151: {  	[tilespmem:s24+$0x900] =	vst v5;
	v5 =	vmul.f32 v8, v3  }
0x152: {  	[tilespmem:s24+$0x910] =	vst v0;
	v0 =	vmul.f32 v9, v3  }
0x153: {  	v8 =	vmul.f32 v14, v13;
	[tilespmem:s24+$0x920] =	vst v5  }
0x154: {  	[tilespmem:s24+$0x930] =	vst v0;
	v0 =	vmul.f32 v2, v3  }
.Ltmp5:
0x155: {  	[tilespmem:s24+$0x7B0] =	vst v8;
	v2 =	vmul.f32 v6, v3;
	(pc) =	sbr.rel @p1 .LBB2_4-.Ltmp5, $4  }
0x156: {  	[tilespmem:s24+$0x940] =	vst v0  }
0x157: {  	v0 =	vmul.f32 v7, v3;
	[tilespmem:s24+$0x970] =	vst v2  }
0x158: {  	[tilespmem:s24+$0x8D0] =	vst v4  }
0x159: {  	[tilespmem:s24+$0x960] =	vst v0  }
.Ltmp6:
0x15a: {  	[tilespmem:s24+$0x7A0] =	vst v1;
	(pc) =	sbr.rel .LBB2_6-.Ltmp6, $4  }
0x15b: {  	[spmem:s2] =	stream.indirect.scatter.add.f32 [tilespmem:s20], [sflag:$0x2], $0x80, s18, s18, $0xb8;
	[tilespmem:$0x17A00] =	vst v63  }
0x15c: {  	_ =	swait.ge [sflag:s22], $0x4000  }
0x15d: {  	[sflag:s22] =	ssyncset.done $0x0  }
0x15e: {  	[sflag:s22] =	ssyncadd.s32 $0xFFFFC000  }
.LBB2_8:
0x15f: {  	_ =	sfence.sel $0x180000  }
0x160: {  	[bflag:$0x0] =	sbarrier.arrive $0xFFFF  }
0x161: {  	p0 =	sne.s32 s4, $0x0;
	_ =	strace $0x9000004A  }
0x162: {  	s0 =	sadd.s32 @!p0 $0x100000, s0;
	[bflag:$0x2] =	sbarrier.arrive $0xFFFF  }
0x163: {  	[sflag:s0] =	ssyncadd.tile.s32 @!p0 $0x1;
	_ =	shalt  }
.Lfunc_end2:
_tile_overlayer_lowered:
.L_overlay_start_2:
0x164: {  	(tag) =	ssettag $0x2  }
0x165: {  	s0 =	rddreg [dreg:$0x0];
	s2 =	stileid.u32  }
0x166: {  	s1 =	rddreg [dreg:$0x1];
	p0 =	sne.s32 s2, $0x0  }
0x167: {  	s3 =	rddreg [dreg:$0x2];
	[bflag:$0x3] =	sbarrier.arrive $0xFFFF;
	s2 =	simm.s32 @!p0 $0x1C02  }
0x168: {  	[timem:s3], [sflag:s2] =	dma.local @!p0 [hbm:s0], s1  }
0x169: {  	s0 =	simm.s32 @!p0 $0x2  }
0x16a: {  	_ =	swait.ge @!p0 [sflag:s0], s1  }
0x16b: {  	s1 =	ssub.s32 @!p0 $0x0, s1;
	[sflag:s0] =	ssyncset.done @!p0 $0x0  }
0x16c: {  	[sflag:s0] =	ssyncadd.s32 @!p0 s1  }
0x16d: {  	[bflag:$0x3] =	sbarrier.arrive $0xFFFF  }
0x16e: {  	_ =	shalt  }

// kernel: kernel.14.cloned.1.call-start
scs
__scs_entry_jumppad:
0x0: {  	(pc) =	sbr.rel $0x88, $3  }
0x1: {  	(tag) =	ssettag $0x0;
	lr =	simm.s32 $0x1  }
0x2: {  	[smem:$0x3F97] =	sst lr;
	_ =	strace $0xD0000000  }
0x3: {  	_ = 	snop  }
0x4: {  	_ = 	snop  }
0x5: {  	_ = 	snop  }
0x6: {  	_ = 	snop  }
0x7: {  	_ = 	snop  }
__scs_overlays_trampoline_lowered:
0x8: {  	[smem:$0x3FA6] =	sst s0  }
0x9: {  	[smem:$0x3FA7] =	sst s1  }
0xa: {  	[smem:$0x3FA8] =	sst s2  }
0xb: {  	[smem:$0x3FA9] =	sst s3  }
0xc: {  	[smem:$0x3FAA] =	sst s4  }
0xd: {  	[smem:$0x3FAB] =	sst s5  }
0xe: {  	[smem:$0x3FAC] =	sst s6  }
0xf: {  	[smem:$0x3FAD] =	sst s7  }
0x10: {  	[smem:$0x3FAE] =	sst s8  }
0x11: {  	[smem:$0x3FAF] =	sst s9;
	s0 =	simm.s32 @!p0 $0x0  }
0x12: {  	s1 =	sld [smem:$0x3F95];
	s0 =	simm.s32 @p0 $0x1  }
0x13: {  	[smem:$0x3FB0] =	sst s0;
	s0 =	simm.s32 @!p1 $0x0  }
0x14: {  	s2 =	sld [smem:$0x3F94];
	s0 =	simm.s32 @p1 $0x1  }
0x15: {  	[smem:$0x3FB1] =	sst s0;
	s0 =	simm.s32 @!p2 $0x0  }
0x16: {  	s3 =	sld [smem:$0x3FDB];
	s0 =	simm.s32 @p2 $0x1  }
0x17: {  	s4 =	simm.s32 $0x1BF5;
	[smem:$0x3FB3] =	sst s0  }
0x18: {  	s0 =	sld [smem:$0x3F96];
	_ =	swait.ge [sflag:s4], $0x0  }
0x19: {  	s7 =	sld [smem:$0x3F97]  }
0x1a: {  	s8 =	sadd.s32 $0xFFFFE003, lr  }
0x1b: {  	s9 =	sadd.s32 $0xFFFFFEF7, lr;
	s5 =	simm.s32 $0xFFFFFFFF;
	p2 =	slt.u32 s8, $0xFFFFF086  }
0x1c: {  	p1 =	slt.u32 s9, $0xF7A;
	s5 =	simm.s32 @!p2 $0x0  }
0x1d: {  	s5 =	simm.s32 @p1 $0x1;
	p0 =	seq.s32 s7, s2  }
0x1e: {  	s7 =	smul.u32 @!p0 $0xF7A, s2;
	p2 =	seq.s32 @!p0 s5, $0x0  }
0x1f: {  	s9 =	smul.u32 $0xF7A, s1;
	s8 =	simm.s32 @!p0 $0x1BF5;
	p2 =	por !p2, p0  }
0x20: {  	[sflag:s8] =	ssyncset.s32 @!p0 $0xFFFFF086;
	s6 =	sadd.s32 @!p0 s3, s7;
	s7 =	simm.s32 @!p0 $0x108  }
0x21: {  	s3 =	sadd.s32 s3, s9;
	s6 =	sadd.s32 @!p0 $0x88, s6;
	s7 =	simm.s32 @p2 $0x1082  }
0x22: {  	[simem:s7], [sflag:s8] =	dma.local @!p0 [hbm:s6], $0xF7A  }
0x23: {  	s9 =	sor.u32 $0xD0000000, s2;
	s6 =	simm.s32 $0x108;
	_ =	swait.ge @!p0 [sflag:s8], $0x0  }
0x24: {  	s3 =	sadd.s32 $0x88, s3;
	s6 =	simm.s32 @!p1 $0x1082;
	[sflag:s4] =	ssyncset.s32 $0xFFFFF086  }
0x25: {  	[simem:s6], [sflag:s4] =	dma.local [hbm:s3], $0xF7A  }
0x26: {  	[smem:$0x3F97] =	sst s1;
	(tag) =	ssettag s2;
	_ =	strace s9  }
0x27: {  	s1 =	sld [smem:$0x3FA7]  }
0x28: {  	s2 =	sld [smem:$0x3FA8]  }
0x29: {  	s4 =	sld [smem:$0x3FAA]  }
0x2a: {  	p0 =	seq.s32 s5, $0x0;
	s5 =	sld [smem:$0x3FAB]  }
0x2b: {  	s6 =	sld [smem:$0x3FAC]  }
0x2c: {  	s7 =	sld [smem:$0x3FAD]  }
0x2d: {  	s3 =	simm.s32 $0x108;
	s8 =	sld [smem:$0x3FAE]  }
0x2e: {  	s3 =	simm.s32 @!p0 $0x1082;
	s9 =	sld [smem:$0x3FAF]  }
0x2f: {  	lr =	sadd.s32 s0, s3;
	s0 =	sld [smem:$0x3FA6]  }
0x30: {  	s3 =	sld [smem:$0x3FA9]  }
0x31: {  	[smem:$0x3FB2] =	sst s10  }
0x32: {  	s10 =	sld [smem:$0x3FB0];
	_ =	sdelay $0x3  }
0x33: {  	p0 =	seq.s32 s10, $0x1;
	s10 =	sld [smem:$0x3FB2];
	_ =	sdelay $0x3  }
0x34: {  	[smem:$0x3FB2] =	sst s10  }
0x35: {  	s10 =	sld [smem:$0x3FB1];
	_ =	sdelay $0x3  }
0x36: {  	p1 =	seq.s32 s10, $0x1;
	s10 =	sld [smem:$0x3FB2];
	_ =	sdelay $0x3  }
0x37: {  	[smem:$0x3FB2] =	sst s10  }
0x38: {  	s10 =	sld [smem:$0x3FB3]  }
0x39: {  	_ = 	snop;
	(pc) =	sbr.ind lr, $3  }
0x3a: {  	_ = 	snop  }
0x3b: {  	_ = 	snop  }
0x3c: {  	p2 =	seq.s32 s10, $0x1;
	s10 =	sld [smem:$0x3FB2]  }
0x3d: {  	_ =	shalt  }
0x3e: {  	_ =	shalt  }
0x3f: {  	_ =	shalt  }
0x40: {  	_ =	shalt  }
0x41: {  	_ =	shalt  }
0x42: {  	_ =	shalt  }
0x43: {  	_ =	shalt  }
0x44: {  	_ =	shalt  }
0x45: {  	_ =	shalt  }
0x46: {  	_ =	shalt  }
0x47: {  	_ =	shalt  }
0x48: {  	_ =	shalt  }
0x49: {  	_ =	shalt  }
0x4a: {  	_ =	shalt  }
0x4b: {  	_ =	shalt  }
0x4c: {  	_ =	shalt  }
0x4d: {  	_ =	shalt  }
0x4e: {  	_ =	shalt  }
0x4f: {  	_ =	shalt  }
0x50: {  	_ =	shalt  }
0x51: {  	_ =	shalt  }
0x52: {  	_ =	shalt  }
0x53: {  	_ =	shalt  }
0x54: {  	_ =	shalt  }
0x55: {  	_ =	shalt  }
0x56: {  	_ =	shalt  }
0x57: {  	_ =	shalt  }
0x58: {  	_ =	shalt  }
0x59: {  	_ =	shalt  }
0x5a: {  	_ =	shalt  }
0x5b: {  	_ =	shalt  }
0x5c: {  	_ =	shalt  }
0x5d: {  	_ =	shalt  }
0x5e: {  	_ =	shalt  }
0x5f: {  	_ =	shalt  }
0x60: {  	_ =	shalt  }
0x61: {  	_ =	shalt  }
0x62: {  	_ =	shalt  }
0x63: {  	_ =	shalt  }
0x64: {  	_ =	shalt  }
0x65: {  	_ =	shalt  }
0x66: {  	_ =	shalt  }
0x67: {  	_ =	shalt  }
0x68: {  	_ =	shalt  }
0x69: {  	_ =	shalt  }
0x6a: {  	_ =	shalt  }
0x6b: {  	_ =	shalt  }
0x6c: {  	_ =	shalt  }
0x6d: {  	_ =	shalt  }
0x6e: {  	_ =	shalt  }
0x6f: {  	_ =	shalt  }
0x70: {  	_ =	shalt  }
0x71: {  	_ =	shalt  }
0x72: {  	_ =	shalt  }
0x73: {  	_ =	shalt  }
0x74: {  	_ =	shalt  }
0x75: {  	_ =	shalt  }
0x76: {  	_ =	shalt  }
0x77: {  	_ =	shalt  }
0x78: {  	_ =	shalt  }
0x79: {  	_ =	shalt  }
0x7a: {  	_ =	shalt  }
0x7b: {  	_ =	shalt  }
0x7c: {  	_ =	shalt  }
0x7d: {  	_ =	shalt  }
0x7e: {  	_ =	shalt  }
0x7f: {  	_ =	shalt  }
0x80: {  	_ =	shalt  }
0x81: {  	_ =	shalt  }
0x82: {  	_ =	shalt  }
0x83: {  	_ =	shalt  }
0x84: {  	_ =	shalt  }
0x85: {  	_ =	shalt  }
0x86: {  	_ =	shalt  }
0x87: {  	_ =	shalt  }
.Lfunc_end0:
.L_simem_size_0:
called_computation.2_lowered:
.L_overlay_start_0:
0x88: {  	s2 =	sld [smem:$0x3FD9]  }
0x89: {  	s3 =	sld [smem:$0x3FFE];
	_ =	sdelay $0x1  }
0x8a: {  	s1 =	srdreg.scid  }
0x8b: {  	s0 =	sand.u32 $0x1, s1  }
0x8c: {  	s17 =	sshll.u32 s0, $0xA;
	s2 =	sadd.s32 s3, s2  }
0x8d: {  	s2 =	sadd.s32 s2, s17  }
0x8e: {  	[smem:$0x3FBE] =	sst s2  }
0x8f: {  	_ = 	snop  }
0x90: {  	s2 =	sld [smem:$0x3FC6];
	(tm) =	ssettm $0x1  }
0x91: {  	s18 =	sld [smem:$0x3FFB];
	_ =	sdelay $0x3  }
0x92: {  	_ =	strace s18  }
0x93: {  	s3 =	sld [smem:$0x3FFC];
	_ =	sdelay $0x3  }
0x94: {  	_ =	strace s3  }
0x95: {  	s3 =	sld [smem:$0x3FFD];
	_ =	sdelay $0x3  }
0x96: {  	_ =	strace s3  }
0x97: {  	_ =	strace $0x8FFFFFFF  }
0x98: {  	s19 =	sld [smem:$0x3FDB];
	_ =	sdelay $0x1  }
0x99: {  	s4 =	simm.s32 $_scs_section_size  }
0x9a: {  	s5 =	simm.s32 $_size__tile_overlayer_lowered;
	s6 =	simm.s32 $_tile_overlayer_lowered  }
0x9b: {  	s22 =	simm.s32 $0x1BFF;
	s21 =	sshll.u32 s6, $0x1;
	s3 =	sadd.s32 s4, s19  }
0x9c: {  	s7 =	simm.s32 $0x0;
	s20 =	sshll.u32 s5, $0x1;
	s5 =	sadd.s32 s21, s3  }
0x9d: {  	[timem:s7], [sflag:s22] =	dma.local [hbm:s5], s20  }
0x9e: {  	_ =	swait.ge [sflag:s22], s20  }
0x9f: {  	s4 =	ssub.s32 $0x0, s20;
	[sflag:s22] =	ssyncset.done $0x0  }
0xa0: {  	[sflag:s22] =	ssyncadd.s32 s4;
	_ =	sdelay $0x1  }
0xa1: {  	s23 =	simm.s32 $0x1B8B  }
0xa2: {  	_ =	swait.ge [sflag:s23], $0x1  }
0xa3: {  	[sflag:s23] =	ssyncset.done $0x0  }
0xa4: {  	s25 =	simm.s32 $0x1B8E;
	s24 =	sld [smem:$0x3FFE];
	[sflag:s23] =	ssyncadd.s32 $0xFFFFFFFF  }
0xa5: {  	s26 =	simm.s32 $execute0_lowered;
	[smem:$0x3FD2] =	sst s25  }
0xa6: {  	s5 =	sshll.u32 s26, $0x1;
	_ =	strace $0x8000004C;
	[dreg:$0x1] =	wrdreg $0xFFFFFFFF  }
0xa7: {  	s28 =	simm.s32 $_size_execute0_lowered;
	s3 =	sadd.s32 s3, s5;
	[dreg:$0x0] =	wrdreg $0x0  }
0xa8: {  	s5 =	sshll.u32 s28, $0x1;
	[dreg:$0x2] =	wrdreg s3  }
0xa9: {  	[dreg:$0x3] =	wrdreg s5  }
0xaa: {  	[dreg:$0x4] =	wrdreg $0xC0  }
0xab: {  	_ =	task [dreg:s7], $0x5FFFF  }
0xac: {  	[dreg:$0x1] =	wrdreg $0xFFFFFFFF  }
0xad: {  	[dreg:$0x0] =	wrdreg $0x60  }
0xae: {  	[dreg:$0x2] =	wrdreg s24  }
0xaf: {  	[dreg:$0x3] =	wrdreg s2  }
0xb0: {  	[dreg:$0x4] =	wrdreg $0x41800  }
0xb1: {  	[dreg:$0x5] =	wrdreg $0x9  }
0xb2: {  	_ =	task.clear_ibuf [dreg:s7], $0x6FFFF;
	_ =	strace $0x9000004C  }
0xb3: {  	s29 =	simm.s32 $0x9;
	_ =	strace $0x8000004E  }
0xb4: {  	_ =	swait.ge [sflag:s29], $0x1  }
0xb5: {  	[sflag:s29] =	ssyncadd.s32 $0xFFFFFFFF  }
0xb6: {  	_ =	strace $0x9000004E  }
0xb7: {  	_ =	sfence  }
0xb8: {  	s30 =	sld [smem:$0x0];
	_ =	sdelay $0x2  }
0xb9: {  	s31 =	sshll.u32 s1, $0xD;
	s1 =	sshrl.u32 s1, $0x2  }
0xba: {  	s3 =	sand.u32 $0x4000, s31;
	s1 =	sadd.s32 s1, s30  }
0xbb: {  	s0 =	sor.u32 s3, s0;
	s1 =	sshll.u32 s1, $0x11  }
0xbc: {  	s0 =	sor.u32 s1, s0  }
0xbd: {  	s0 =	sadd.s32 $0x8F2B, s0  }
0xbe: {  	[sflag:s0] =	ssyncadd.remote.s32 $0x1  }
0xbf: {  	_ =	sfence.sel $0xFFFF  }
0xc0: {  	[dreg:$0x0] =	wrdreg $0xFFFFFFFF;
	(pc) =	sbr.abs _section_cstart, $3  }
0xc1: {  	[dreg:$0x1] =	wrdreg $0xFFFFFFFF  }
0xc2: {  	_ =	task.clear_ibuf [dreg:s7], $0x2FFFF;
	_ =	strace $0x9FFFFFFF  }
0xc3: {  	(tm) =	ssettm $0x7FFFFFFF  }
tec
execute0_lowered:
.L_overlay_start_1:
0x0: {  	(tag) =	ssettag $0x1  }
0x1: {  	s10 =	rddreg [dreg:$0x0]  }
0x2: {  	s1 =	rddreg [dreg:$0x1]  }
0x3: {  	s2 =	rddreg [dreg:$0x2]  }
0x4: {  	s0 =	rddreg [dreg:$0x3];
	s3 =	simm.s32 $0x0  }
0x5: {  	s7 =	srdreg.scid;
	s4 =	stileid.u32;
	s18 =	simm.s32 $0x80  }
0x6: {  	s19 =	simm.s32 $0x100;
	s20 =	simm.s32 $0x180;
	s21 =	simm.s32 $0x1  }
0x7: {  	s22 =	simm.s32 $0x2;
	[smem:$0x7FF] =	sst s3;
	s5 =	sadd.s32 $0x16800, s10  }
0x8: {  	s6 =	sadd.s32 $0x2C00, s10;
	s7 =	sand.u32 $0x1, s7;
	s11 =	smul.u32 $0x50000, s4  }
0x9: {  	s8 =	sadd.s32 $0xCA00, s10;
	s9 =	sadd.s32 $0x3DA00, s10;
	s15 =	smul.u32 $0x14000, s4  }
0xa: {  	s16 =	sadd.s32 $0x40200, s10;
	s10 =	sshll.u32 s4, $0x1;
	s12 =	ssub.s32 $0x2, s7  }
0xb: {  	p0 =	seq.s32 s4, $0xF;
	s13 =	smul.u32 $0x138800, s7;
	s14 =	sshrl.u32 s12, $0x1  }
0xc: {  	_ =	strace $0x8000004D;
	s11 =	sshrl.u32 s11, $0x2;
	s14 =	ssub.s32 s12, s14  }
.Ltmp0:
0xd: {  	s17 =	sadd.s32 s11, s2;
	s30 =	sadd.s32 s15, s13;
	(pc) =	sbr.rel .LBB2_1-.Ltmp0, $4  }
0xe: {  	s15 =	sadd.s32 $0x12C000, s2;
	s31 =	sshrl.u32 s13, $0x3;
	s11 =	sshrl.u32 s30, $0x3  }
0xf: {  	s12 =	sadd.s32 s16, s31;
	s13 =	smax.u32 s14, $0x1;
	s14 =	sshrl.u32 @p0 s15, $0x3  }
0x10: {  	s11 =	sadd.s32 s16, s11;
	s12 =	sadd.s32 $0x25800, s12;
	s16 =	sshll.u32 @!p0 s4, $0x6  }
0x11: {  	s15 =	sor.u32 @!p0 $0x1C02, s16;
	s16 =	sshrl.u32 @!p0 s17, $0x3;
	s17 =	simm.s32 $0x3  }
.LBB2_7:
0x12: {  	[bflag:$0x0] =	sbarrier.arrive $0xFFFF;
	s23 =	simm.s32 @p0 $0x1FC2  }
0x13: {  	[hbm:s12], [sflag:s23] =	dma.local @p0 [spmem:s14], $0x1900  }
0x14: {  	s23 =	simm.s32 @p0 $0x2  }
0x15: {  	s3 =	sadd.s32 $0x1, s3;
	_ =	swait.ge @p0 [sflag:s23], $0x1900  }
0x16: {  	p1 =	sne.s32 s3, s13;
	[sflag:s23] =	ssyncset.done @p0 $0x0  }
.Ltmp1:
0x17: {  	[sflag:s23] =	ssyncadd.s32 @p0 $0xFFFFE700;
	s23 =	simm.s32 @!p0 $0x2;
	(pc) =	sbr.rel @!p1 .LBB2_8-.Ltmp1, $4  }
0x18: {  	[hbm:s11], [sflag:s15] =	dma.local @!p0 [spmem:s16], $0x2800  }
0x19: {  	_ =	swait.ge @!p0 [sflag:s23], $0x2800  }
0x1a: {  	[sflag:s23] =	ssyncset.done @!p0 $0x0  }
0x1b: {  	[sflag:s23] =	ssyncadd.s32 @!p0 $0xFFFFD800  }
.LBB2_1:
0x1c: {  	s23 =	simm.s32 @p0 $0x1FC2  }
0x1d: {  	[spmem:s14], [sflag:s23] =	dma.local @p0 [hbm:s9], $0x1900  }
0x1e: {  	s23 =	simm.s32 @p0 $0x2  }
0x1f: {  	_ =	swait.ge @p0 [sflag:s23], $0x1900  }
0x20: {  	[sflag:s23] =	ssyncset.done @p0 $0x0  }
0x21: {  	[sflag:s23] =	ssyncadd.s32 @p0 $0xFFFFE700;
	s23 =	simm.s32 @!p0 $0x2  }
0x22: {  	[spmem:s16], [sflag:s15] =	dma.local @!p0 [hbm:s9], $0x2800  }
.Ltmp2:
0x23: {  	_ =	swait.ge @!p0 [sflag:s23], $0x2800;
	(pc) =	sbr.rel .LBB2_2-.Ltmp2, $4  }
0x24: {  	[sflag:s23] =	ssyncset.done @!p0 $0x0  }
0x25: {  	[sflag:s23] =	ssyncadd.s32 @!p0 $0xFFFFD800  }
0x26: {  	[bflag:$0x0] =	sbarrier.arrive $0xFFFF  }
0x27: {  	s23 =	simm.s32 $0x0  }
.LBB2_6:
0x28: {  	s23 =	sadd.s32 $0x1, s23  }
0x29: {  	p1 =	sne.s32 s23, $0x4F  }
.Ltmp3:
0x2a: {  	_ = 	snop;
	(pc) =	sbr.rel @!p1 .LBB2_7-.Ltmp3, $1  }
0x2b: {  	_ =	sdelay $0x3  }
.LBB2_2:
0x2c: {  	s24 =	sshll.u32 s23, $0x5  }
0x2d: {  	s24 =	sor.u32 s10, s24  }
0x2e: {  	p1 =	sgt.u32 s24, $0x9C3  }
.Ltmp4:
0x2f: {  	_ = 	snop;
	(pc) =	sbr.rel @p1 .LBB2_6-.Ltmp4, $1  }
0x30: {  	_ =	sdelay $0x3  }
0x31: {  	s24 =	sor.u32 s7, s24  }
0x32: {  	s24 =	sshll.u32 s24, $0x4  }
0x33: {  	s26 =	simm.s32 $0x0;
	s25 =	sadd.s32 s6, s24  }
0x34: {  	[tilespmem:s26], [sflag:$0x3] =	stream.linear.gather [hbm4b:s25+s26], $0x80, $0x38;
	[tilespmem:$0x17A00] =	vst v63  }
0x35: {  	_ =	swait.ge [sflag:s17], $0x80  }
0x36: {  	[sflag:s17] =	ssyncset.done $0x0  }
0x37: {  	s29 =	sadd.s32 s8, s24;
	[sflag:s17] =	ssyncadd.s32 $0xFFFFFF80  }
0x38: {  	[tilespmem:s18], [sflag:$0x3] =	stream.linear.gather [hbm4b:s29+s26], $0x80, $0x38;
	[tilespmem:$0x17A00] =	vst v63  }
0x39: {  	_ =	swait.ge [sflag:s17], $0x80  }
0x3a: {  	[sflag:s17] =	ssyncset.done $0x0  }
0x3b: {  	s24 =	sadd.s32 s1, s24;
	[sflag:s17] =	ssyncadd.s32 $0xFFFFFF80  }
0x3c: {  	[tilespmem:s19], [sflag:$0x3] =	stream.linear.gather [hbm4b:s24+s26], $0x80, $0x38;
	[tilespmem:$0x17A00] =	vst v63  }
0x3d: {  	_ =	swait.ge [sflag:s17], $0x80  }
0x3e: {  	[sflag:s17] =	ssyncset.done $0x0  }
0x3f: {  	[sflag:s17] =	ssyncadd.s32 $0xFFFFFF80  }
0x40: {  	[tilespmem:s20], [sflag:$0x1] =	stream.indirect.gather [hbm4b:s5+s18], $0x80, s26, s18, $0xb8;
	[tilespmem:$0x17A00] =	vst v63  }
0x41: {  	_ =	swait.ge [sflag:s21], $0x4000  }
0x42: {  	s30 =	simm.s32 $0x0;
	[sflag:s21] =	ssyncset.done $0x0  }
0x43: {  	s31 =	simm.s32 $0x0;
	s24 =	sand.u32 $0x3FFFFFF0, s30;
	[sflag:s21] =	ssyncadd.s32 $0xFFFFC000  }
0x44: {  	v0 =	vld [tilespmem:s24+$0x100];
	s24 =	sand.u32 $0x3FFFF800, s31  }
0x45: {  	v6 =	vld [tilespmem:s24+$0x240]  }
0x46: {  	v2 =	vld [tilespmem:s24+$0x1A0]  }
0x47: {  	v3 =	vld [tilespmem:s24+$0x1B0]  }
0x48: {  	v9 =	vld [tilespmem:s24+$0x1E0]  }
0x49: {  	v10 =	vld [tilespmem:s24+$0x1F0];
	v1 =	vbroadcast v0, $0x0  }
0x4a: {  	v11 =	vld [tilespmem:s24+$0x200]  }
0x4b: {  	v12 =	vld [tilespmem:s24+$0x210];
	v2 =	vmul.f32 v2, v1  }
0x4c: {  	v13 =	vld [tilespmem:s24+$0x220];
	v3 =	vmul.f32 v3, v1  }
0x4d: {  	v8 =	vld [tilespmem:s24+$0x230];
	v28 =	vbroadcast v0, $0x1;
	v27 =	vmul.f32 v9, v1;
	[tilespmem:s24+$0x1A0] =	vst v2  }
0x4e: {  	v7 =	vld [tilespmem:s24+$0x250];
	v10 =	vmul.f32 v10, v1;
	[tilespmem:s24+$0x1B0] =	vst v3  }
0x4f: {  	v5 =	vld [tilespmem:s24+$0x6F0];
	v11 =	vmul.f32 v11, v28;
	[tilespmem:s24+$0x1E0] =	vst v27  }
0x50: {  	v30 =	vld [tilespmem:s24+$0x270];
	v12 =	vmul.f32 v12, v28;
	[tilespmem:s24+$0x1F0] =	vst v10  }
0x51: {  	v31 =	vld [tilespmem:s24+$0x280];
	v13 =	vmul.f32 v13, v28;
	[tilespmem:s24+$0x200] =	vst v11  }
0x52: {  	v32 =	vld [tilespmem:s24+$0x290];
	v8 =	vmul.f32 v8, v28;
	[tilespmem:s24+$0x210] =	vst v12  }
0x53: {  	v29 =	vld [tilespmem:s24+$0x260];
	v6 =	vmul.f32 v6, v28;
	[tilespmem:s24+$0x220] =	vst v13  }
0x54: {  	v33 =	vld [tilespmem:s24+$0x2A0];
	v14 =	vbroadcast v0, $0x2;
	v7 =	vmul.f32 v7, v28;
	[tilespmem:s24+$0x230] =	vst v8  }
0x55: {  	v34 =	vld [tilespmem:s24+$0x2B0];
	v9 =	vmul.f32 v30, v28;
	[tilespmem:s24+$0x240] =	vst v6  }
0x56: {  	v35 =	vld [tilespmem:s24+$0x2C0];
	v4 =	vbroadcast v0, $0xA;
	v37 =	vmul.f32 v31, v14;
	[tilespmem:s24+$0x250] =	vst v7  }
0x57: {  	v36 =	vld [tilespmem:s24+$0x2D0];
	v39 =	vmul.f32 v32, v14;
	[tilespmem:s24+$0x270] =	vst v9  }
0x58: {  	v38 =	vld [tilespmem:s24+$0x2E0];
	v2 =	vmul.f32 v5, v4;
	[tilespmem:s24+$0x280] =	vst v37  }
0x59: {  	v40 =	vld [tilespmem:s24+$0x2F0];
	v10 =	vmul.f32 v29, v28;
	[tilespmem:s24+$0x290] =	vst v39  }
0x5a: {  	v41 =	vld [tilespmem:s24+$0x300];
	v8 =	vmul.f32 v33, v14;
	[tilespmem:s24+$0x6F0] =	vst v2  }
0x5b: {  	v42 =	vld [tilespmem:s24+$0x310];
	v6 =	vmul.f32 v34, v14;
	[tilespmem:s24+$0x260] =	vst v10  }
0x5c: {  	v43 =	vld [tilespmem:s24+$0x320];
	v7 =	vmul.f32 v35, v14;
	[tilespmem:s24+$0x2A0] =	vst v8  }
0x5d: {  	v44 =	vld [tilespmem:s24+$0x330];
	v46 =	vbroadcast v0, $0x3;
	v9 =	vmul.f32 v38, v14;
	[tilespmem:s24+$0x2B0] =	vst v6  }
0x5e: {  	v45 =	vld [tilespmem:s24+$0x340];
	v11 =	vmul.f32 v40, v14;
	[tilespmem:s24+$0x2C0] =	vst v7  }
0x5f: {  	v47 =	vld [tilespmem:s24+$0x350];
	v12 =	vmul.f32 v41, v46;
	[tilespmem:s24+$0x2E0] =	vst v9  }
0x60: {  	v48 =	vld [tilespmem:s24+$0x360];
	v10 =	vmul.f32 v36, v14;
	[tilespmem:s24+$0x2F0] =	vst v11  }
0x61: {  	v49 =	vld [tilespmem:s24+$0x370];
	v8 =	vmul.f32 v42, v46;
	[tilespmem:s24+$0x300] =	vst v12  }
0x62: {  	v50 =	vld [tilespmem:s24+$0x380];
	v6 =	vmul.f32 v43, v46;
	[tilespmem:s24+$0x2D0] =	vst v10  }
0x63: {  	v51 =	vld [tilespmem:s24+$0x390];
	v7 =	vmul.f32 v44, v46;
	[tilespmem:s24+$0x310] =	vst v8  }
0x64: {  	v52 =	vld [tilespmem:s24+$0x3A0];
	v9 =	vmul.f32 v47, v46;
	[tilespmem:s24+$0x320] =	vst v6  }
0x65: {  	v53 =	vld [tilespmem:s24+$0x3B0];
	v11 =	vmul.f32 v48, v46;
	[tilespmem:s24+$0x330] =	vst v7  }
0x66: {  	v54 =	vld [tilespmem:s24+$0x3C0];
	v55 =	vbroadcast v0, $0x4;
	v12 =	vmul.f32 v49, v46;
	[tilespmem:s24+$0x350] =	vst v9  }
0x67: {  	v56 =	vld [tilespmem:s24+$0x3D0];
	v10 =	vmul.f32 v45, v46;
	[tilespmem:s24+$0x360] =	vst v11  }
0x68: {  	v57 =	vld [tilespmem:s24+$0x3E0];
	v8 =	vmul.f32 v50, v55;
	[tilespmem:s24+$0x370] =	vst v12  }
0x69: {  	v58 =	vld [tilespmem:s24+$0x3F0];
	v6 =	vmul.f32 v51, v55;
	[tilespmem:s24+$0x340] =	vst v10  }
0x6a: {  	v59 =	vld [tilespmem:s24+$0x400];
	v7 =	vmul.f32 v52, v55;
	[tilespmem:s24+$0x380] =	vst v8  }
0x6b: {  	v60 =	vld [tilespmem:s24+$0x410];
	v9 =	vmul.f32 v54, v55;
	[tilespmem:s24+$0x390] =	vst v6  }
0x6c: {  	v61 =	vld [tilespmem:s24+$0x420];
	v11 =	vmul.f32 v56, v55;
	[tilespmem:s24+$0x3A0] =	vst v7  }
0x6d: {  	v62 =	vld [tilespmem:s24+$0x430];
	v12 =	vmul.f32 v57, v55;
	[tilespmem:s24+$0x3C0] =	vst v9  }
0x6e: {  	v63 =	vld [tilespmem:s24+$0x440];
	v16 =	vbroadcast v0, $0x5;
	v10 =	vmul.f32 v53, v55;
	[tilespmem:s24+$0x3D0] =	vst v11  }
0x6f: {  	v17 =	vld [tilespmem:s24+$0x450];
	v8 =	vmul.f32 v58, v55;
	[tilespmem:s24+$0x3E0] =	vst v12  }
0x70: {  	v18 =	vld [tilespmem:s24+$0x460];
	v6 =	vmul.f32 v59, v16;
	[tilespmem:s24+$0x3B0] =	vst v10  }
0x71: {  	v19 =	vld [tilespmem:s24+$0x470];
	v7 =	vmul.f32 v60, v16;
	[tilespmem:s24+$0x3F0] =	vst v8  }
0x72: {  	v20 =	vld [tilespmem:s24+$0x480];
	v9 =	vmul.f32 v62, v16;
	[tilespmem:s24+$0x400] =	vst v6  }
0x73: {  	v21 =	vld [tilespmem:s24+$0x490];
	v11 =	vmul.f32 v63, v16;
	[tilespmem:s24+$0x410] =	vst v7  }
0x74: {  	v22 =	vld [tilespmem:s24+$0x4A0];
	v12 =	vmul.f32 v17, v16;
	[tilespmem:s24+$0x430] =	vst v9  }
0x75: {  	v23 =	vld [tilespmem:s24+$0x4B0];
	v10 =	vmul.f32 v61, v16;
	[tilespmem:s24+$0x440] =	vst v11  }
0x76: {  	v24 =	vld [tilespmem:s24+$0x4C0];
	v25 =	vbroadcast v0, $0x6;
	v8 =	vmul.f32 v18, v16;
	[tilespmem:s24+$0x450] =	vst v12  }
0x77: {  	v56 =	vld [tilespmem:s24+$0x680];
	v6 =	vmul.f32 v19, v16;
	[tilespmem:s24+$0x420] =	vst v10  }
0x78: {  	v26 =	vld [tilespmem:s24+$0x4D0];
	v7 =	vmul.f32 v20, v25;
	[tilespmem:s24+$0x460] =	vst v8  }
0x79: {  	v30 =	vld [tilespmem:s24+$0x510];
	v9 =	vmul.f32 v22, v25;
	[tilespmem:s24+$0x470] =	vst v6  }
0x7a: {  	v27 =	vld [tilespmem:s24+$0x4E0];
	v11 =	vmul.f32 v23, v25;
	[tilespmem:s24+$0x480] =	vst v7  }
0x7b: {  	v28 =	vld [tilespmem:s24+$0x4F0];
	v12 =	vmul.f32 v24, v25;
	[tilespmem:s24+$0x4A0] =	vst v9  }
0x7c: {  	v31 =	vld [tilespmem:s24+$0x520];
	v62 =	vmul.f32 v56, v4;
	[tilespmem:s24+$0x4B0] =	vst v11  }
0x7d: {  	v32 =	vld [tilespmem:s24+$0x530];
	v10 =	vmul.f32 v21, v25;
	[tilespmem:s24+$0x4C0] =	vst v12  }
0x7e: {  	v3 =	vld [tilespmem:s24+$0x700];
	v8 =	vmul.f32 v26, v25;
	[tilespmem:s24+$0x680] =	vst v62  }
0x7f: {  	v5 =	vld [tilespmem:s24+$0x710];
	v34 =	vbroadcast v0, $0x7;
	v6 =	vmul.f32 v27, v25;
	[tilespmem:s24+$0x490] =	vst v10  }
0x80: {  	v29 =	vld [tilespmem:s24+$0x500];
	v7 =	vmul.f32 v28, v25;
	[tilespmem:s24+$0x4D0] =	vst v8  }
0x81: {  	v60 =	vld [tilespmem:s24+$0x6C0];
	v9 =	vmul.f32 v30, v34;
	[tilespmem:s24+$0x4E0] =	vst v6  }
0x82: {  	v33 =	vld [tilespmem:s24+$0x540];
	v24 =	vbroadcast v0, $0xB;
	v11 =	vmul.f32 v31, v34;
	[tilespmem:s24+$0x4F0] =	vst v7  }
0x83: {  	v35 =	vld [tilespmem:s24+$0x550];
	v12 =	vmul.f32 v32, v34;
	[tilespmem:s24+$0x510] =	vst v9  }
0x84: {  	v38 =	vld [tilespmem:s24+$0x580];
	v3 =	vmul.f32 v3, v24;
	[tilespmem:s24+$0x520] =	vst v11  }
0x85: {  	v36 =	vld [tilespmem:s24+$0x560];
	v5 =	vmul.f32 v5, v24;
	[tilespmem:s24+$0x530] =	vst v12  }
0x86: {  	v2 =	vld [tilespmem:s24+$0x950];
	v19 =	vmul.f32 v60, v4;
	[tilespmem:s24+$0x700] =	vst v3  }
0x87: {  	v39 =	vld [tilespmem:s24+$0x590];
	v10 =	vmul.f32 v29, v34;
	[tilespmem:s24+$0x710] =	vst v5  }
0x88: {  	v40 =	vld [tilespmem:s24+$0x5A0];
	v8 =	vmul.f32 v33, v34;
	[tilespmem:s24+$0x6C0] =	vst v19  }
0x89: {  	v43 =	vbroadcast v0, $0x8;
	v61 =	vld [tilespmem:s24+$0x6D0];
	v6 =	vmul.f32 v35, v34;
	[tilespmem:s24+$0x500] =	vst v10  }
0x8a: {  	v16 =	vld [tilespmem:s24+$0x180];
	v7 =	vmul.f32 v36, v34;
	[tilespmem:s24+$0x540] =	vst v8  }
0x8b: {  	v37 =	vld [tilespmem:s24+$0x570];
	v9 =	vmul.f32 v38, v43;
	[tilespmem:s24+$0x550] =	vst v6  }
0x8c: {  	v41 =	vld [tilespmem:s24+$0x5B0];
	v11 =	vmul.f32 v39, v43;
	[tilespmem:s24+$0x560] =	vst v7  }
0x8d: {  	v42 =	vld [tilespmem:s24+$0x5C0];
	v12 =	vmul.f32 v40, v43;
	[tilespmem:s24+$0x580] =	vst v9  }
0x8e: {  	v44 =	vld [tilespmem:s24+$0x5D0];
	v21 =	vmul.f32 v61, v4;
	[tilespmem:s24+$0x590] =	vst v11  }
0x8f: {  	v46 =	vld [tilespmem:s24+$0x5F0];
	v25 =	vmul.f32 v1, v16;
	[tilespmem:s24+$0x5A0] =	vst v12  }
0x90: {  	v47 =	vld [tilespmem:s24+$0x600];
	v10 =	vmul.f32 v37, v34;
	[tilespmem:s24+$0x6D0] =	vst v21  }
0x91: {  	v48 =	vld [tilespmem:s24+$0x610];
	v8 =	vmul.f32 v41, v43;
	[tilespmem:s24+$0x180] =	vst v25  }
0x92: {  	v6 =	vmul.f32 v42, v43;
	[tilespmem:s24+$0x570] =	vst v10  }
0x93: {  	v52 =	vbroadcast v0, $0x9;
	v27 =	vld [tilespmem:s24+$0x750];
	v7 =	vmul.f32 v44, v43;
	[tilespmem:s24+$0x5B0] =	vst v8  }
0x94: {  	v30 =	vld [tilespmem:s24+$0x780];
	v9 =	vmul.f32 v46, v43;
	[tilespmem:s24+$0x5C0] =	vst v6  }
0x95: {  	v28 =	vld [tilespmem:s24+$0x760];
	v3 =	vbroadcast v0, $0xF;
	v11 =	vmul.f32 v47, v52;
	[tilespmem:s24+$0x5D0] =	vst v7  }
0x96: {  	v45 =	vld [tilespmem:s24+$0x5E0];
	v12 =	vmul.f32 v48, v52;
	[tilespmem:s24+$0x5F0] =	vst v9  }
0x97: {  	v49 =	vld [tilespmem:s24+$0x620];
	v35 =	vbroadcast v0, $0xC;
	v2 =	vmul.f32 v2, v3;
	[tilespmem:s24+$0x600] =	vst v11  }
0x98: {  	v50 =	vld [tilespmem:s24+$0x630];
	v32 =	vmul.f32 v27, v24;
	[tilespmem:s24+$0x610] =	vst v12  }
0x99: {  	v51 =	vld [tilespmem:s24+$0x640];
	v14 =	vmul.f32 v30, v35;
	[tilespmem:s24+$0x950] =	vst v2  }
0x9a: {  	v54 =	vld [tilespmem:s24+$0x660];
	v40 =	vmul.f32 v28, v24;
	[tilespmem:s24+$0x750] =	vst v32  }
0x9b: {  	v55 =	vld [tilespmem:s24+$0x670];
	v10 =	vmul.f32 v45, v43;
	[tilespmem:s24+$0x780] =	vst v14  }
0x9c: {  	v18 =	vld [tilespmem:s24+$0x1C0];
	v8 =	vmul.f32 v49, v52;
	[tilespmem:s24+$0x760] =	vst v40  }
0x9d: {  	v38 =	vld [tilespmem:s24+$0x7F0];
	v6 =	vmul.f32 v50, v52;
	[tilespmem:s24+$0x5E0] =	vst v10  }
0x9e: {  	v29 =	vld [tilespmem:s24+$0x770];
	v7 =	vmul.f32 v51, v52;
	[tilespmem:s24+$0x620] =	vst v8  }
0x9f: {  	v33 =	vld [tilespmem:s24+$0x7B0];
	v9 =	vmul.f32 v54, v52;
	[tilespmem:s24+$0x630] =	vst v6  }
0xa0: {  	v53 =	vld [tilespmem:s24+$0x650];
	v11 =	vmul.f32 v55, v52;
	[tilespmem:s24+$0x640] =	vst v7  }
0xa1: {  	v57 =	vld [tilespmem:s24+$0x690];
	v2 =	vmul.f32 v18, v1;
	[tilespmem:s24+$0x660] =	vst v9  }
0xa2: {  	v58 =	vld [tilespmem:s24+$0x6A0];
	v14 =	vmul.f32 v38, v35;
	[tilespmem:s24+$0x670] =	vst v11  }
0xa3: {  	v59 =	vld [tilespmem:s24+$0x6B0];
	v5 =	vmul.f32 v29, v24;
	[tilespmem:s24+$0x1C0] =	vst v2  }
0xa4: {  	v63 =	vld [tilespmem:s24+$0x6E0];
	v62 =	vmul.f32 v33, v35;
	[tilespmem:s24+$0x7F0] =	vst v14  }
0xa5: {  	v17 =	vld [tilespmem:s24+$0x190];
	v10 =	vmul.f32 v53, v52;
	[tilespmem:s24+$0x770] =	vst v5  }
0xa6: {  	v20 =	vld [tilespmem:s24+$0x1D0];
	v8 =	vmul.f32 v57, v4;
	[tilespmem:s24+$0x7B0] =	vst v62  }
0xa7: {  	v61 =	vld [tilespmem:s24+$0x970];
	v6 =	vmul.f32 v58, v4;
	[tilespmem:s24+$0x650] =	vst v10  }
0xa8: {  	v46 =	vld [tilespmem:s24+$0x860];
	v7 =	vmul.f32 v59, v4;
	[tilespmem:s24+$0x690] =	vst v8  }
0xa9: {  	v22 =	vld [tilespmem:s24+$0x720];
	v4 =	vmul.f32 v63, v4;
	[tilespmem:s24+$0x6A0] =	vst v6  }
0xaa: {  	v23 =	vld [tilespmem:s24+$0x730];
	v11 =	vmul.f32 v17, v1;
	[tilespmem:s24+$0x6B0] =	vst v7  }
0xab: {  	v26 =	vld [tilespmem:s24+$0x740];
	v44 =	vbroadcast v0, $0xD;
	v1 =	vmul.f32 v20, v1;
	[tilespmem:s24+$0x6E0] =	vst v4  }
0xac: {  	v31 =	vld [tilespmem:s24+$0x790];
	v63 =	vmul.f32 v61, v3;
	[tilespmem:s24+$0x190] =	vst v11  }
0xad: {  	v34 =	vld [tilespmem:s24+$0x7C0];
	v51 =	vmul.f32 v46, v44;
	[tilespmem:s24+$0x1D0] =	vst v1  }
0xae: {  	v41 =	vld [tilespmem:s24+$0x820];
	v6 =	vmul.f32 v22, v24;
	[tilespmem:s24+$0x970] =	vst v63  }
0xaf: {  	v7 =	vmul.f32 v23, v24;
	v1 =	vld [tilespmem:s24+$0x810];
	[tilespmem:s24+$0x860] =	vst v51  }
0xb0: {  	v49 =	vld [tilespmem:s24+$0x8A0];
	v4 =	vmul.f32 v26, v24;
	[tilespmem:s24+$0x720] =	vst v6  }
0xb1: {  	v50 =	vld [tilespmem:s24+$0x8B0];
	v8 =	vmul.f32 v31, v35;
	[tilespmem:s24+$0x730] =	vst v7  }
0xb2: {  	v36 =	vld [tilespmem:s24+$0x7D0];
	v11 =	vmul.f32 v34, v35;
	[tilespmem:s24+$0x740] =	vst v4  }
0xb3: {  	v37 =	vld [tilespmem:s24+$0x7E0];
	v0 =	vbroadcast v0, $0xE;
	v10 =	vmul.f32 v41, v44;
	[tilespmem:s24+$0x790] =	vst v8  }
0xb4: {  	v39 =	vld [tilespmem:s24+$0x800];
	[tilespmem:s24+$0x7C0] =	vst v11;
	v1 =	vmul.f32 v1, v44  }
0xb5: {  	v42 =	vld [tilespmem:s24+$0x830];
	v9 =	vmul.f32 v49, v0;
	[tilespmem:s24+$0x820] =	vst v10  }
0xb6: {  	v5 =	vmul.f32 v50, v0;
	[tilespmem:s24+$0x810] =	vst v1;
	v1 =	vld [tilespmem:s24+$0x880]  }
0xb7: {  	v48 =	vld [tilespmem:s24+$0x890];
	v7 =	vmul.f32 v36, v35;
	[tilespmem:s24+$0x8A0] =	vst v9  }
0xb8: {  	v57 =	vld [tilespmem:s24+$0x920];
	v4 =	vmul.f32 v37, v35;
	[tilespmem:s24+$0x8B0] =	vst v5  }
0xb9: {  	v45 =	vld [tilespmem:s24+$0x850];
	v8 =	vmul.f32 v39, v44;
	[tilespmem:s24+$0x7D0] =	vst v7  }
0xba: {  	v47 =	vld [tilespmem:s24+$0x870];
	v11 =	vmul.f32 v42, v44;
	[tilespmem:s24+$0x7E0] =	vst v4  }
0xbb: {  	v43 =	vld [tilespmem:s24+$0x840];
	[tilespmem:s24+$0x800] =	vst v8;
	v1 =	vmul.f32 v1, v0  }
0xbc: {  	v55 =	vld [tilespmem:s24+$0x900];
	v10 =	vmul.f32 v48, v0;
	[tilespmem:s24+$0x830] =	vst v11  }
0xbd: {  	v5 =	vmul.f32 v57, v3;
	[tilespmem:s24+$0x880] =	vst v1;
	v1 =	vld [tilespmem:s24+$0x8F0]  }
0xbe: {  	v52 =	vld [tilespmem:s24+$0x8C0];
	v4 =	vmul.f32 v45, v44;
	[tilespmem:s24+$0x890] =	vst v10  }
0xbf: {  	v56 =	vld [tilespmem:s24+$0x910];
	v8 =	vmul.f32 v47, v44;
	[tilespmem:s24+$0x920] =	vst v5  }
0xc0: {  	v54 =	vld [tilespmem:s24+$0x8E0];
	v7 =	vmul.f32 v43, v44;
	[tilespmem:s24+$0x850] =	vst v4  }
0xc1: {  	v58 =	vld [tilespmem:s24+$0x930];
	v10 =	vmul.f32 v55, v3;
	[tilespmem:s24+$0x870] =	vst v8  }
0xc2: {  	v53 =	vld [tilespmem:s24+$0x8D0];
	[tilespmem:s24+$0x840] =	vst v7;
	v1 =	vmul.f32 v1, v0  }
0xc3: {  	v59 =	vld [tilespmem:s24+$0x940];
	v4 =	vmul.f32 v52, v0;
	[tilespmem:s24+$0x900] =	vst v10  }
0xc4: {  	v60 =	vld [tilespmem:s24+$0x960];
	[tilespmem:s24+$0x8F0] =	vst v1;
	v1 =	vmul.f32 v56, v3  }
0xc5: {  	v8 =	vmul.f32 v54, v0;
	[tilespmem:s24+$0x8C0] =	vst v4  }
0xc6: {  	v2 =	vld [tilespmem:s24+$0x7A0];
	[tilespmem:s24+$0x910] =	vst v1;
	v1 =	vmul.f32 v58, v3  }
0xc7: {  	[tilespmem:s24+$0x8E0] =	vst v8;
	v0 =	vmul.f32 v53, v0  }
0xc8: {  	[tilespmem:s24+$0x930] =	vst v1;
	v1 =	vmul.f32 v59, v3  }
0xc9: {  	[tilespmem:s24+$0x8D0] =	vst v0;
	v3 =	vmul.f32 v60, v3  }
0xca: {  	[tilespmem:s24+$0x940] =	vst v1  }
0xcb: {  	s25 =	simm.s32 $0x1;
	v1 =	vmul.f32 v2, v35;
	[tilespmem:s24+$0x960] =	vst v3  }
.LBB2_4:
0xcc: {  	s26 =	sshll.u32 s25, $0x4  }
0xcd: {  	p1 =	sne.s32 s25, $0x7;
	[tilespmem:s24+$0x7A0] =	vst v1;
	s24 =	smov.u32 s25;
	s25 =	sadd.s32 $0x1, s25  }
0xce: {  	s26 =	sand.u32 $0x3FFFFFF0, s26  }
0xcf: {  	s24 =	sshll.u32 s24, $0xB;
	v0 =	vld [tilespmem:s26+$0x100]  }
0xd0: {  	s24 =	sand.u32 $0x3FFFF800, s24  }
0xd1: {  	v7 =	vld [tilespmem:s24+$0x240]  }
0xd2: {  	v8 =	vld [tilespmem:s24+$0x250]  }
0xd3: {  	v9 =	vld [tilespmem:s24+$0x230]  }
0xd4: {  	v1 =	vbroadcast v0, $0x0;
	v2 =	vld [tilespmem:s24+$0x1A0];
	v6 =	vbroadcast v0, $0x4  }
0xd5: {  	v4 =	vld [tilespmem:s24+$0x1B0]  }
0xd6: {  	v5 =	vld [tilespmem:s24+$0x6F0]  }
0xd7: {  	v10 =	vld [tilespmem:s24+$0x1E0]  }
0xd8: {  	v11 =	vld [tilespmem:s24+$0x1F0]  }
0xd9: {  	v3 =	vbroadcast v0, $0xA;
	v2 =	vmul.f32 v2, v1;
	v12 =	vld [tilespmem:s24+$0x200]  }
0xda: {  	v4 =	vmul.f32 v4, v1;
	v13 =	vld [tilespmem:s24+$0x210]  }
0xdb: {  	[tilespmem:s24+$0x1A0] =	vst v2;
	v14 =	vld [tilespmem:s24+$0x220];
	v2 =	vmul.f32 v5, v3  }
0xdc: {  	[tilespmem:s24+$0x1B0] =	vst v4;
	v5 =	vmul.f32 v10, v1;
	v10 =	vbroadcast v0, $0x1;
	v4 =	vld [tilespmem:s24+$0x700]  }
0xdd: {  	v11 =	vmul.f32 v11, v1;
	[tilespmem:s24+$0x6F0] =	vst v2;
	v2 =	vld [tilespmem:s24+$0x950]  }
0xde: {  	[tilespmem:s24+$0x1E0] =	vst v5;
	v12 =	vmul.f32 v12, v10;
	v5 =	vld [tilespmem:s24+$0x710]  }
0xdf: {  	[tilespmem:s24+$0x1F0] =	vst v11;
	v11 =	vmul.f32 v13, v10;
	v13 =	vld [tilespmem:s24+$0x260]  }
0xe0: {  	[tilespmem:s24+$0x200] =	vst v12;
	v12 =	vmul.f32 v14, v10;
	v14 =	vld [tilespmem:s24+$0x270]  }
0xe1: {  	v9 =	vmul.f32 v9, v10;
	[tilespmem:s24+$0x210] =	vst v11;
	v11 =	vld [tilespmem:s24+$0x280]  }
0xe2: {  	v7 =	vmul.f32 v7, v10;
	[tilespmem:s24+$0x220] =	vst v12;
	v12 =	vld [tilespmem:s24+$0x290]  }
0xe3: {  	v8 =	vmul.f32 v8, v10;
	[tilespmem:s24+$0x230] =	vst v9;
	v9 =	vld [tilespmem:s24+$0x2A0]  }
0xe4: {  	[tilespmem:s24+$0x240] =	vst v7;
	v7 =	vmul.f32 v13, v10;
	v13 =	vbroadcast v0, $0x2;
	v15 =	vld [tilespmem:s24+$0x2B0]  }
0xe5: {  	[tilespmem:s24+$0x250] =	vst v8;
	v8 =	vmul.f32 v14, v10;
	v10 =	vld [tilespmem:s24+$0x2C0]  }
0xe6: {  	[tilespmem:s24+$0x260] =	vst v7;
	v7 =	vmul.f32 v11, v13;
	v11 =	vld [tilespmem:s24+$0x2D0]  }
0xe7: {  	[tilespmem:s24+$0x270] =	vst v8;
	v8 =	vmul.f32 v12, v13;
	v12 =	vld [tilespmem:s24+$0x2E0]  }
0xe8: {  	[tilespmem:s24+$0x280] =	vst v7;
	v7 =	vmul.f32 v9, v13;
	v9 =	vld [tilespmem:s24+$0x2F0]  }
0xe9: {  	[tilespmem:s24+$0x290] =	vst v8;
	v8 =	vmul.f32 v15, v13;
	v14 =	vld [tilespmem:s24+$0x300]  }
0xea: {  	[tilespmem:s24+$0x2A0] =	vst v7;
	v7 =	vmul.f32 v10, v13;
	v10 =	vld [tilespmem:s24+$0x310]  }
0xeb: {  	[tilespmem:s24+$0x2B0] =	vst v8;
	v8 =	vmul.f32 v11, v13;
	v11 =	vld [tilespmem:s24+$0x320]  }
0xec: {  	[tilespmem:s24+$0x2C0] =	vst v7;
	v7 =	vmul.f32 v12, v13;
	v12 =	vbroadcast v0, $0x3;
	v15 =	vld [tilespmem:s24+$0x330]  }
0xed: {  	[tilespmem:s24+$0x2D0] =	vst v8;
	v8 =	vmul.f32 v9, v13;
	v9 =	vld [tilespmem:s24+$0x340]  }
0xee: {  	[tilespmem:s24+$0x2E0] =	vst v7;
	v7 =	vmul.f32 v14, v12;
	v13 =	vld [tilespmem:s24+$0x350]  }
0xef: {  	[tilespmem:s24+$0x2F0] =	vst v8;
	v8 =	vmul.f32 v10, v12;
	v10 =	vld [tilespmem:s24+$0x360]  }
0xf0: {  	[tilespmem:s24+$0x300] =	vst v7;
	v7 =	vmul.f32 v11, v12;
	v11 =	vld [tilespmem:s24+$0x370]  }
0xf1: {  	[tilespmem:s24+$0x310] =	vst v8;
	v8 =	vmul.f32 v15, v12;
	v14 =	vld [tilespmem:s24+$0x380]  }
0xf2: {  	[tilespmem:s24+$0x320] =	vst v7;
	v7 =	vmul.f32 v9, v12;
	v9 =	vld [tilespmem:s24+$0x390]  }
0xf3: {  	[tilespmem:s24+$0x330] =	vst v8;
	v8 =	vmul.f32 v13, v12;
	v13 =	vld [tilespmem:s24+$0x3A0]  }
0xf4: {  	[tilespmem:s24+$0x340] =	vst v7;
	v7 =	vmul.f32 v10, v12;
	v10 =	vld [tilespmem:s24+$0x3B0]  }
0xf5: {  	[tilespmem:s24+$0x350] =	vst v8;
	v8 =	vmul.f32 v11, v12;
	v11 =	vld [tilespmem:s24+$0x3C0]  }
0xf6: {  	[tilespmem:s24+$0x360] =	vst v7;
	v7 =	vmul.f32 v14, v6;
	v12 =	vld [tilespmem:s24+$0x3D0]  }
0xf7: {  	[tilespmem:s24+$0x370] =	vst v8;
	v8 =	vmul.f32 v9, v6;
	v9 =	vld [tilespmem:s24+$0x3E0]  }
0xf8: {  	[tilespmem:s24+$0x380] =	vst v7;
	v7 =	vmul.f32 v13, v6;
	v13 =	vld [tilespmem:s24+$0x3F0]  }
0xf9: {  	[tilespmem:s24+$0x390] =	vst v8;
	v8 =	vmul.f32 v10, v6;
	v10 =	vld [tilespmem:s24+$0x400]  }
0xfa: {  	[tilespmem:s24+$0x3A0] =	vst v7;
	v7 =	vmul.f32 v11, v6;
	v11 =	vld [tilespmem:s24+$0x410]  }
0xfb: {  	[tilespmem:s24+$0x3B0] =	vst v8;
	v8 =	vmul.f32 v12, v6;
	v12 =	vld [tilespmem:s24+$0x420]  }
0xfc: {  	[tilespmem:s24+$0x3C0] =	vst v7;
	v7 =	vmul.f32 v9, v6;
	v9 =	vbroadcast v0, $0x5;
	v14 =	vld [tilespmem:s24+$0x430]  }
0xfd: {  	[tilespmem:s24+$0x3D0] =	vst v8;
	v6 =	vmul.f32 v13, v6;
	v8 =	vld [tilespmem:s24+$0x440]  }
0xfe: {  	[tilespmem:s24+$0x3E0] =	vst v7;
	v7 =	vmul.f32 v10, v9;
	v10 =	vld [tilespmem:s24+$0x450]  }
0xff: {  	[tilespmem:s24+$0x3F0] =	vst v6;
	v6 =	vmul.f32 v11, v9;
	v11 =	vld [tilespmem:s24+$0x460]  }
0x100: {  	[tilespmem:s24+$0x400] =	vst v7;
	v7 =	vmul.f32 v12, v9;
	v12 =	vld [tilespmem:s24+$0x470]  }
0x101: {  	[tilespmem:s24+$0x410] =	vst v6;
	v6 =	vmul.f32 v14, v9;
	v13 =	vld [tilespmem:s24+$0x480]  }
0x102: {  	[tilespmem:s24+$0x420] =	vst v7;
	v7 =	vmul.f32 v8, v9;
	v8 =	vld [tilespmem:s24+$0x490]  }
0x103: {  	[tilespmem:s24+$0x430] =	vst v6;
	v6 =	vmul.f32 v10, v9;
	v10 =	vld [tilespmem:s24+$0x4A0]  }
0x104: {  	[tilespmem:s24+$0x440] =	vst v7;
	v7 =	vmul.f32 v11, v9;
	v11 =	vbroadcast v0, $0x6;
	v14 =	vld [tilespmem:s24+$0x4B0]  }
0x105: {  	[tilespmem:s24+$0x450] =	vst v6;
	v6 =	vmul.f32 v12, v9;
	v9 =	vld [tilespmem:s24+$0x4C0]  }
0x106: {  	[tilespmem:s24+$0x460] =	vst v7;
	v7 =	vmul.f32 v13, v11;
	v12 =	vld [tilespmem:s24+$0x4D0]  }
0x107: {  	[tilespmem:s24+$0x470] =	vst v6;
	v6 =	vmul.f32 v8, v11;
	v8 =	vld [tilespmem:s24+$0x4E0]  }
0x108: {  	[tilespmem:s24+$0x480] =	vst v7;
	v7 =	vmul.f32 v10, v11;
	v10 =	vld [tilespmem:s24+$0x4F0]  }
0x109: {  	[tilespmem:s24+$0x490] =	vst v6;
	v6 =	vmul.f32 v14, v11;
	v13 =	vld [tilespmem:s24+$0x500]  }
0x10a: {  	[tilespmem:s24+$0x4A0] =	vst v7;
	v7 =	vmul.f32 v9, v11;
	v9 =	vld [tilespmem:s24+$0x510]  }
0x10b: {  	[tilespmem:s24+$0x4B0] =	vst v6;
	v6 =	vmul.f32 v12, v11;
	v12 =	vld [tilespmem:s24+$0x520]  }
0x10c: {  	[tilespmem:s24+$0x4C0] =	vst v7;
	v7 =	vmul.f32 v8, v11;
	v8 =	vbroadcast v0, $0x7;
	v14 =	vld [tilespmem:s24+$0x530]  }
0x10d: {  	[tilespmem:s24+$0x4D0] =	vst v6;
	v6 =	vmul.f32 v10, v11;
	v10 =	vld [tilespmem:s24+$0x540]  }
0x10e: {  	[tilespmem:s24+$0x4E0] =	vst v7;
	v7 =	vmul.f32 v13, v8;
	v11 =	vld [tilespmem:s24+$0x550]  }
0x10f: {  	[tilespmem:s24+$0x4F0] =	vst v6;
	v6 =	vmul.f32 v9, v8;
	v9 =	vld [tilespmem:s24+$0x560]  }
0x110: {  	[tilespmem:s24+$0x500] =	vst v7;
	v7 =	vmul.f32 v12, v8;
	v12 =	vld [tilespmem:s24+$0x570]  }
0x111: {  	[tilespmem:s24+$0x510] =	vst v6;
	v6 =	vmul.f32 v14, v8;
	v13 =	vld [tilespmem:s24+$0x580]  }
0x112: {  	[tilespmem:s24+$0x520] =	vst v7;
	v7 =	vmul.f32 v10, v8;
	v10 =	vld [tilespmem:s24+$0x590]  }
0x113: {  	[tilespmem:s24+$0x530] =	vst v6;
	v6 =	vmul.f32 v11, v8;
	v11 =	vld [tilespmem:s24+$0x5A0]  }
0x114: {  	[tilespmem:s24+$0x540] =	vst v7;
	v7 =	vmul.f32 v9, v8;
	v9 =	vbroadcast v0, $0x8;
	v14 =	vld [tilespmem:s24+$0x5B0]  }
0x115: {  	[tilespmem:s24+$0x550] =	vst v6;
	v6 =	vmul.f32 v12, v8;
	v8 =	vld [tilespmem:s24+$0x5C0]  }
0x116: {  	[tilespmem:s24+$0x560] =	vst v7;
	v7 =	vmul.f32 v13, v9;
	v12 =	vld [tilespmem:s24+$0x5D0]  }
0x117: {  	[tilespmem:s24+$0x570] =	vst v6;
	v6 =	vmul.f32 v10, v9;
	v10 =	vld [tilespmem:s24+$0x5E0]  }
0x118: {  	[tilespmem:s24+$0x580] =	vst v7;
	v7 =	vmul.f32 v11, v9;
	v11 =	vld [tilespmem:s24+$0x5F0]  }
0x119: {  	[tilespmem:s24+$0x590] =	vst v6;
	v6 =	vmul.f32 v14, v9;
	v13 =	vld [tilespmem:s24+$0x600]  }
0x11a: {  	[tilespmem:s24+$0x5A0] =	vst v7;
	v7 =	vmul.f32 v8, v9;
	v8 =	vld [tilespmem:s24+$0x610]  }
0x11b: {  	[tilespmem:s24+$0x5B0] =	vst v6;
	v6 =	vmul.f32 v12, v9;
	v12 =	vld [tilespmem:s24+$0x620]  }
0x11c: {  	[tilespmem:s24+$0x5C0] =	vst v7;
	v7 =	vmul.f32 v10, v9;
	v10 =	vbroadcast v0, $0x9;
	v14 =	vld [tilespmem:s24+$0x630]  }
0x11d: {  	[tilespmem:s24+$0x5D0] =	vst v6;
	v6 =	vmul.f32 v11, v9;
	v9 =	vld [tilespmem:s24+$0x640]  }
0x11e: {  	[tilespmem:s24+$0x5E0] =	vst v7;
	v7 =	vmul.f32 v13, v10;
	v11 =	vld [tilespmem:s24+$0x650]  }
0x11f: {  	[tilespmem:s24+$0x5F0] =	vst v6;
	v6 =	vmul.f32 v8, v10;
	v8 =	vld [tilespmem:s24+$0x660]  }
0x120: {  	[tilespmem:s24+$0x600] =	vst v7;
	v7 =	vmul.f32 v12, v10;
	v12 =	vld [tilespmem:s24+$0x670]  }
0x121: {  	[tilespmem:s24+$0x610] =	vst v6;
	v6 =	vmul.f32 v14, v10;
	v13 =	vld [tilespmem:s24+$0x680]  }
0x122: {  	[tilespmem:s24+$0x620] =	vst v7;
	v7 =	vmul.f32 v9, v10;
	v9 =	vld [tilespmem:s24+$0x690]  }
0x123: {  	[tilespmem:s24+$0x630] =	vst v6;
	v6 =	vmul.f32 v11, v10;
	v11 =	vld [tilespmem:s24+$0x6A0]  }
0x124: {  	[tilespmem:s24+$0x640] =	vst v7;
	v7 =	vmul.f32 v8, v10;
	v8 =	vld [tilespmem:s24+$0x6B0]  }
0x125: {  	[tilespmem:s24+$0x650] =	vst v6;
	v6 =	vmul.f32 v12, v10;
	v10 =	vld [tilespmem:s24+$0x6C0]  }
0x126: {  	[tilespmem:s24+$0x660] =	vst v7;
	v7 =	vmul.f32 v13, v3;
	v12 =	vld [tilespmem:s24+$0x6D0]  }
0x127: {  	[tilespmem:s24+$0x670] =	vst v6;
	v6 =	vmul.f32 v9, v3;
	v9 =	vld [tilespmem:s24+$0x6E0]  }
0x128: {  	v13 =	vld [tilespmem:s24+$0x180];
	[tilespmem:s24+$0x680] =	vst v7;
	v7 =	vmul.f32 v11, v3  }
0x129: {  	v11 =	vld [tilespmem:s24+$0x190];
	[tilespmem:s24+$0x690] =	vst v6;
	v6 =	vmul.f32 v8, v3  }
0x12a: {  	v8 =	vld [tilespmem:s24+$0x1C0];
	[tilespmem:s24+$0x6A0] =	vst v7;
	v7 =	vmul.f32 v10, v3  }
0x12b: {  	v10 =	vld [tilespmem:s24+$0x1D0];
	[tilespmem:s24+$0x6B0] =	vst v6;
	v6 =	vmul.f32 v12, v3  }
0x12c: {  	[tilespmem:s24+$0x6C0] =	vst v7;
	v7 =	vmul.f32 v9, v3;
	v9 =	vbroadcast v0, $0xB;
	v12 =	vld [tilespmem:s24+$0x720]  }
0x12d: {  	v3 =	vbroadcast v0, $0xF;
	v13 =	vmul.f32 v1, v13;
	[tilespmem:s24+$0x6D0] =	vst v6;
	v6 =	vld [tilespmem:s24+$0x730]  }
0x12e: {  	v11 =	vmul.f32 v11, v1;
	[tilespmem:s24+$0x6E0] =	vst v7;
	v4 =	vmul.f32 v4, v9;
	v7 =	vld [tilespmem:s24+$0x740]  }
0x12f: {  	v5 =	vmul.f32 v5, v9;
	[tilespmem:s24+$0x180] =	vst v13;
	v8 =	vmul.f32 v8, v1;
	v13 =	vld [tilespmem:s24+$0x750]  }
0x130: {  	v2 =	vmul.f32 v2, v3;
	v10 =	vmul.f32 v10, v1;
	[tilespmem:s24+$0x700] =	vst v4;
	v1 =	vld [tilespmem:s24+$0x760]  }
0x131: {  	[tilespmem:s24+$0x710] =	vst v5;
	v4 =	vmul.f32 v12, v9;
	v5 =	vld [tilespmem:s24+$0x770]  }
0x132: {  	v6 =	vmul.f32 v6, v9;
	v12 =	vld [tilespmem:s24+$0x780];
	[tilespmem:s24+$0x950] =	vst v2  }
0x133: {  	[tilespmem:s24+$0x190] =	vst v11;
	v2 =	vmul.f32 v7, v9;
	v7 =	vld [tilespmem:s24+$0x790]  }
0x134: {  	[tilespmem:s24+$0x1C0] =	vst v8;
	v8 =	vmul.f32 v13, v9;
	v11 =	vld [tilespmem:s24+$0x7A0]  }
0x135: {  	v13 =	vbroadcast v0, $0xC;
	[tilespmem:s24+$0x720] =	vst v4;
	v4 =	vmul.f32 v1, v9;
	v14 =	vld [tilespmem:s24+$0x7B0]  }
0x136: {  	[tilespmem:s24+$0x750] =	vst v8;
	v5 =	vmul.f32 v5, v9;
	v8 =	vld [tilespmem:s24+$0x7C0]  }
0x137: {  	[tilespmem:s24+$0x730] =	vst v6;
	v1 =	vmul.f32 v12, v13;
	v6 =	vld [tilespmem:s24+$0x7D0]  }
0x138: {  	[tilespmem:s24+$0x740] =	vst v2;
	v2 =	vmul.f32 v7, v13;
	v7 =	vld [tilespmem:s24+$0x7E0]  }
0x139: {  	[tilespmem:s24+$0x780] =	vst v1;
	v1 =	vmul.f32 v11, v13;
	v9 =	vld [tilespmem:s24+$0x7F0]  }
0x13a: {  	[tilespmem:s24+$0x790] =	vst v2;
	v2 =	vld [tilespmem:s24+$0x800]  }
0x13b: {  	[tilespmem:s24+$0x1D0] =	vst v10;
	v8 =	vmul.f32 v8, v13;
	v10 =	vld [tilespmem:s24+$0x810]  }
0x13c: {  	[tilespmem:s24+$0x760] =	vst v4;
	v4 =	vmul.f32 v6, v13;
	v6 =	vld [tilespmem:s24+$0x820]  }
0x13d: {  	[tilespmem:s24+$0x7C0] =	vst v8;
	v7 =	vmul.f32 v7, v13;
	v8 =	vbroadcast v0, $0xD;
	v11 =	vld [tilespmem:s24+$0x830]  }
0x13e: {  	[tilespmem:s24+$0x7D0] =	vst v4;
	v4 =	vmul.f32 v9, v13;
	v9 =	vld [tilespmem:s24+$0x840]  }
0x13f: {  	[tilespmem:s24+$0x7E0] =	vst v7;
	v2 =	vmul.f32 v2, v8;
	v7 =	vld [tilespmem:s24+$0x850]  }
0x140: {  	[tilespmem:s24+$0x7F0] =	vst v4;
	v4 =	vmul.f32 v10, v8;
	v10 =	vld [tilespmem:s24+$0x860]  }
0x141: {  	[tilespmem:s24+$0x800] =	vst v2;
	v2 =	vmul.f32 v6, v8;
	v6 =	vld [tilespmem:s24+$0x870]  }
0x142: {  	[tilespmem:s24+$0x810] =	vst v4;
	v4 =	vmul.f32 v11, v8;
	v11 =	vld [tilespmem:s24+$0x880]  }
0x143: {  	[tilespmem:s24+$0x820] =	vst v2;
	v2 =	vmul.f32 v9, v8;
	v9 =	vld [tilespmem:s24+$0x890]  }
0x144: {  	[tilespmem:s24+$0x830] =	vst v4;
	v4 =	vmul.f32 v7, v8;
	v7 =	vld [tilespmem:s24+$0x8A0]  }
0x145: {  	v0 =	vbroadcast v0, $0xE;
	[tilespmem:s24+$0x770] =	vst v5;
	v5 =	vmul.f32 v10, v8;
	v10 =	vld [tilespmem:s24+$0x8B0]  }
0x146: {  	[tilespmem:s24+$0x850] =	vst v4;
	v4 =	vmul.f32 v6, v8;
	v6 =	vld [tilespmem:s24+$0x8C0]  }
0x147: {  	[tilespmem:s24+$0x860] =	vst v5;
	v5 =	vmul.f32 v11, v0;
	v8 =	vld [tilespmem:s24+$0x8D0]  }
0x148: {  	[tilespmem:s24+$0x870] =	vst v4;
	v4 =	vmul.f32 v9, v0;
	v9 =	vld [tilespmem:s24+$0x8E0]  }
0x149: {  	[tilespmem:s24+$0x880] =	vst v5;
	v5 =	vmul.f32 v7, v0;
	v7 =	vld [tilespmem:s24+$0x8F0]  }
0x14a: {  	[tilespmem:s24+$0x890] =	vst v4;
	v4 =	vmul.f32 v10, v0;
	v10 =	vld [tilespmem:s24+$0x900]  }
0x14b: {  	[tilespmem:s24+$0x8A0] =	vst v5;
	v5 =	vmul.f32 v6, v0;
	v6 =	vld [tilespmem:s24+$0x910]  }
0x14c: {  	[tilespmem:s24+$0x8B0] =	vst v4;
	v4 =	vmul.f32 v8, v0;
	v8 =	vld [tilespmem:s24+$0x920]  }
0x14d: {  	[tilespmem:s24+$0x8C0] =	vst v5;
	v5 =	vmul.f32 v9, v0;
	v9 =	vld [tilespmem:s24+$0x930]  }
0x14e: {  	[tilespmem:s24+$0x840] =	vst v2;
	v0 =	vmul.f32 v7, v0;
	v2 =	vld [tilespmem:s24+$0x940]  }
0x14f: {  	[tilespmem:s24+$0x8E0] =	vst v5;
	v5 =	vmul.f32 v10, v3;
	v7 =	vld [tilespmem:s24+$0x960]  }
0x150: {  	[tilespmem:s24+$0x8F0] =	vst v0;
	v0 =	vmul.f32 v6, v3;
	v6 =	vld [tilespmem:s24+$0x970]  }
0x151: {  	[tilespmem:s24+$0x900] =	vst v5;
	v5 =	vmul.f32 v8, v3  }
0x152: {  	[tilespmem:s24+$0x910] =	vst v0;
	v0 =	vmul.f32 v9, v3  }
0x153: {  	v8 =	vmul.f32 v14, v13;
	[tilespmem:s24+$0x920] =	vst v5  }
0x154: {  	[tilespmem:s24+$0x930] =	vst v0;
	v0 =	vmul.f32 v2, v3  }
.Ltmp5:
0x155: {  	[tilespmem:s24+$0x7B0] =	vst v8;
	v2 =	vmul.f32 v6, v3;
	(pc) =	sbr.rel @p1 .LBB2_4-.Ltmp5, $4  }
0x156: {  	[tilespmem:s24+$0x940] =	vst v0  }
0x157: {  	v0 =	vmul.f32 v7, v3;
	[tilespmem:s24+$0x970] =	vst v2  }
0x158: {  	[tilespmem:s24+$0x8D0] =	vst v4  }
0x159: {  	[tilespmem:s24+$0x960] =	vst v0  }
.Ltmp6:
0x15a: {  	[tilespmem:s24+$0x7A0] =	vst v1;
	(pc) =	sbr.rel .LBB2_6-.Ltmp6, $4  }
0x15b: {  	[spmem:s2] =	stream.indirect.scatter.add.f32 [tilespmem:s20], [sflag:$0x2], $0x80, s18, s18, $0xb8;
	[tilespmem:$0x17A00] =	vst v63  }
0x15c: {  	_ =	swait.ge [sflag:s22], $0x4000  }
0x15d: {  	[sflag:s22] =	ssyncset.done $0x0  }
0x15e: {  	[sflag:s22] =	ssyncadd.s32 $0xFFFFC000  }
.LBB2_8:
0x15f: {  	_ =	sfence.sel $0x180000  }
0x160: {  	[bflag:$0x0] =	sbarrier.arrive $0xFFFF  }
0x161: {  	p0 =	sne.s32 s4, $0x0;
	_ =	strace $0x9000004D  }
0x162: {  	s0 =	sadd.s32 @!p0 $0x100000, s0;
	[bflag:$0x2] =	sbarrier.arrive $0xFFFF  }
0x163: {  	[sflag:s0] =	ssyncadd.tile.s32 @!p0 $0x1;
	_ =	shalt  }
.Lfunc_end2:
_tile_overlayer_lowered:
.L_overlay_start_2:
0x164: {  	(tag) =	ssettag $0x2  }
0x165: {  	s0 =	rddreg [dreg:$0x0];
	s2 =	stileid.u32  }
0x166: {  	s1 =	rddreg [dreg:$0x1];
	p0 =	sne.s32 s2, $0x0  }
0x167: {  	s3 =	rddreg [dreg:$0x2];
	[bflag:$0x3] =	sbarrier.arrive $0xFFFF;
	s2 =	simm.s32 @!p0 $0x1C02  }
0x168: {  	[timem:s3], [sflag:s2] =	dma.local @!p0 [hbm:s0], s1  }
0x169: {  	s0 =	simm.s32 @!p0 $0x2  }
0x16a: {  	_ =	swait.ge @!p0 [sflag:s0], s1  }
0x16b: {  	s1 =	ssub.s32 @!p0 $0x0, s1;
	[sflag:s0] =	ssyncset.done @!p0 $0x0  }
0x16c: {  	[sflag:s0] =	ssyncadd.s32 @!p0 s1  }
0x16d: {  	[bflag:$0x3] =	sbarrier.arrive $0xFFFF  }
0x16e: {  	_ =	shalt  }

// kernel: kernel.8.cloned.1.call-start
scs
__scs_entry_jumppad:
0x0: {  	(pc) =	sbr.rel $0x88, $3  }
0x1: {  	(tag) =	ssettag $0x0;
	lr =	simm.s32 $0x1  }
0x2: {  	[smem:$0x3F97] =	sst lr;
	_ =	strace $0xD0000000  }
0x3: {  	_ = 	snop  }
0x4: {  	_ = 	snop  }
0x5: {  	_ = 	snop  }
0x6: {  	_ = 	snop  }
0x7: {  	_ = 	snop  }
__scs_overlays_trampoline_lowered:
0x8: {  	[smem:$0x3FA6] =	sst s0  }
0x9: {  	[smem:$0x3FA7] =	sst s1  }
0xa: {  	[smem:$0x3FA8] =	sst s2  }
0xb: {  	[smem:$0x3FA9] =	sst s3  }
0xc: {  	[smem:$0x3FAA] =	sst s4  }
0xd: {  	[smem:$0x3FAB] =	sst s5  }
0xe: {  	[smem:$0x3FAC] =	sst s6  }
0xf: {  	[smem:$0x3FAD] =	sst s7  }
0x10: {  	[smem:$0x3FAE] =	sst s8  }
0x11: {  	[smem:$0x3FAF] =	sst s9;
	s0 =	simm.s32 @!p0 $0x0  }
0x12: {  	s1 =	sld [smem:$0x3F95];
	s0 =	simm.s32 @p0 $0x1  }
0x13: {  	[smem:$0x3FB0] =	sst s0;
	s0 =	simm.s32 @!p1 $0x0  }
0x14: {  	s2 =	sld [smem:$0x3F94];
	s0 =	simm.s32 @p1 $0x1  }
0x15: {  	[smem:$0x3FB1] =	sst s0;
	s0 =	simm.s32 @!p2 $0x0  }
0x16: {  	s3 =	sld [smem:$0x3FDB];
	s0 =	simm.s32 @p2 $0x1  }
0x17: {  	s4 =	simm.s32 $0x1BF5;
	[smem:$0x3FB3] =	sst s0  }
0x18: {  	s0 =	sld [smem:$0x3F96];
	_ =	swait.ge [sflag:s4], $0x0  }
0x19: {  	s7 =	sld [smem:$0x3F97]  }
0x1a: {  	s8 =	sadd.s32 $0xFFFFE003, lr  }
0x1b: {  	s9 =	sadd.s32 $0xFFFFFEF7, lr;
	s5 =	simm.s32 $0xFFFFFFFF;
	p2 =	slt.u32 s8, $0xFFFFF086  }
0x1c: {  	p1 =	slt.u32 s9, $0xF7A;
	s5 =	simm.s32 @!p2 $0x0  }
0x1d: {  	s5 =	simm.s32 @p1 $0x1;
	p0 =	seq.s32 s7, s2  }
0x1e: {  	s7 =	smul.u32 @!p0 $0xF7A, s2;
	p2 =	seq.s32 @!p0 s5, $0x0  }
0x1f: {  	s9 =	smul.u32 $0xF7A, s1;
	s8 =	simm.s32 @!p0 $0x1BF5;
	p2 =	por !p2, p0  }
0x20: {  	[sflag:s8] =	ssyncset.s32 @!p0 $0xFFFFF086;
	s6 =	sadd.s32 @!p0 s3, s7;
	s7 =	simm.s32 @!p0 $0x108  }
0x21: {  	s3 =	sadd.s32 s3, s9;
	s6 =	sadd.s32 @!p0 $0x88, s6;
	s7 =	simm.s32 @p2 $0x1082  }
0x22: {  	[simem:s7], [sflag:s8] =	dma.local @!p0 [hbm:s6], $0xF7A  }
0x23: {  	s9 =	sor.u32 $0xD0000000, s2;
	s6 =	simm.s32 $0x108;
	_ =	swait.ge @!p0 [sflag:s8], $0x0  }
0x24: {  	s3 =	sadd.s32 $0x88, s3;
	s6 =	simm.s32 @!p1 $0x1082;
	[sflag:s4] =	ssyncset.s32 $0xFFFFF086  }
0x25: {  	[simem:s6], [sflag:s4] =	dma.local [hbm:s3], $0xF7A  }
0x26: {  	[smem:$0x3F97] =	sst s1;
	(tag) =	ssettag s2;
	_ =	strace s9  }
0x27: {  	s1 =	sld [smem:$0x3FA7]  }
0x28: {  	s2 =	sld [smem:$0x3FA8]  }
0x29: {  	s4 =	sld [smem:$0x3FAA]  }
0x2a: {  	p0 =	seq.s32 s5, $0x0;
	s5 =	sld [smem:$0x3FAB]  }
0x2b: {  	s6 =	sld [smem:$0x3FAC]  }
0x2c: {  	s7 =	sld [smem:$0x3FAD]  }
0x2d: {  	s3 =	simm.s32 $0x108;
	s8 =	sld [smem:$0x3FAE]  }
0x2e: {  	s3 =	simm.s32 @!p0 $0x1082;
	s9 =	sld [smem:$0x3FAF]  }
0x2f: {  	lr =	sadd.s32 s0, s3;
	s0 =	sld [smem:$0x3FA6]  }
0x30: {  	s3 =	sld [smem:$0x3FA9]  }
0x31: {  	[smem:$0x3FB2] =	sst s10  }
0x32: {  	s10 =	sld [smem:$0x3FB0];
	_ =	sdelay $0x3  }
0x33: {  	p0 =	seq.s32 s10, $0x1;
	s10 =	sld [smem:$0x3FB2];
	_ =	sdelay $0x3  }
0x34: {  	[smem:$0x3FB2] =	sst s10  }
0x35: {  	s10 =	sld [smem:$0x3FB1];
	_ =	sdelay $0x3  }
0x36: {  	p1 =	seq.s32 s10, $0x1;
	s10 =	sld [smem:$0x3FB2];
	_ =	sdelay $0x3  }
0x37: {  	[smem:$0x3FB2] =	sst s10  }
0x38: {  	s10 =	sld [smem:$0x3FB3]  }
0x39: {  	_ = 	snop;
	(pc) =	sbr.ind lr, $3  }
0x3a: {  	_ = 	snop  }
0x3b: {  	_ = 	snop  }
0x3c: {  	p2 =	seq.s32 s10, $0x1;
	s10 =	sld [smem:$0x3FB2]  }
0x3d: {  	_ =	shalt  }
0x3e: {  	_ =	shalt  }
0x3f: {  	_ =	shalt  }
0x40: {  	_ =	shalt  }
0x41: {  	_ =	shalt  }
0x42: {  	_ =	shalt  }
0x43: {  	_ =	shalt  }
0x44: {  	_ =	shalt  }
0x45: {  	_ =	shalt  }
0x46: {  	_ =	shalt  }
0x47: {  	_ =	shalt  }
0x48: {  	_ =	shalt  }
0x49: {  	_ =	shalt  }
0x4a: {  	_ =	shalt  }
0x4b: {  	_ =	shalt  }
0x4c: {  	_ =	shalt  }
0x4d: {  	_ =	shalt  }
0x4e: {  	_ =	shalt  }
0x4f: {  	_ =	shalt  }
0x50: {  	_ =	shalt  }
0x51: {  	_ =	shalt  }
0x52: {  	_ =	shalt  }
0x53: {  	_ =	shalt  }
0x54: {  	_ =	shalt  }
0x55: {  	_ =	shalt  }
0x56: {  	_ =	shalt  }
0x57: {  	_ =	shalt  }
0x58: {  	_ =	shalt  }
0x59: {  	_ =	shalt  }
0x5a: {  	_ =	shalt  }
0x5b: {  	_ =	shalt  }
0x5c: {  	_ =	shalt  }
0x5d: {  	_ =	shalt  }
0x5e: {  	_ =	shalt  }
0x5f: {  	_ =	shalt  }
0x60: {  	_ =	shalt  }
0x61: {  	_ =	shalt  }
0x62: {  	_ =	shalt  }
0x63: {  	_ =	shalt  }
0x64: {  	_ =	shalt  }
0x65: {  	_ =	shalt  }
0x66: {  	_ =	shalt  }
0x67: {  	_ =	shalt  }
0x68: {  	_ =	shalt  }
0x69: {  	_ =	shalt  }
0x6a: {  	_ =	shalt  }
0x6b: {  	_ =	shalt  }
0x6c: {  	_ =	shalt  }
0x6d: {  	_ =	shalt  }
0x6e: {  	_ =	shalt  }
0x6f: {  	_ =	shalt  }
0x70: {  	_ =	shalt  }
0x71: {  	_ =	shalt  }
0x72: {  	_ =	shalt  }
0x73: {  	_ =	shalt  }
0x74: {  	_ =	shalt  }
0x75: {  	_ =	shalt  }
0x76: {  	_ =	shalt  }
0x77: {  	_ =	shalt  }
0x78: {  	_ =	shalt  }
0x79: {  	_ =	shalt  }
0x7a: {  	_ =	shalt  }
0x7b: {  	_ =	shalt  }
0x7c: {  	_ =	shalt  }
0x7d: {  	_ =	shalt  }
0x7e: {  	_ =	shalt  }
0x7f: {  	_ =	shalt  }
0x80: {  	_ =	shalt  }
0x81: {  	_ =	shalt  }
0x82: {  	_ =	shalt  }
0x83: {  	_ =	shalt  }
0x84: {  	_ =	shalt  }
0x85: {  	_ =	shalt  }
0x86: {  	_ =	shalt  }
0x87: {  	_ =	shalt  }
.Lfunc_end0:
.L_simem_size_0:
called_computation_lowered:
.L_overlay_start_0:
0x88: {  	s2 =	sld [smem:$0x3FD9]  }
0x89: {  	s3 =	sld [smem:$0x3FFE];
	_ =	sdelay $0x1  }
0x8a: {  	s1 =	srdreg.scid  }
0x8b: {  	s0 =	sand.u32 $0x1, s1  }
0x8c: {  	s17 =	sshll.u32 s0, $0xA;
	s2 =	sadd.s32 s3, s2  }
0x8d: {  	s2 =	sadd.s32 s2, s17  }
0x8e: {  	[smem:$0x3FBE] =	sst s2  }
0x8f: {  	_ = 	snop  }
0x90: {  	s2 =	sld [smem:$0x3FC6];
	(tm) =	ssettm $0x1  }
0x91: {  	s18 =	sld [smem:$0x3FFB];
	_ =	sdelay $0x3  }
0x92: {  	_ =	strace s18  }
0x93: {  	s3 =	sld [smem:$0x3FFC];
	_ =	sdelay $0x3  }
0x94: {  	_ =	strace s3  }
0x95: {  	s3 =	sld [smem:$0x3FFD];
	_ =	sdelay $0x3  }
0x96: {  	_ =	strace s3  }
0x97: {  	_ =	strace $0x8FFFFFFF  }
0x98: {  	s19 =	sld [smem:$0x3FDB];
	_ =	sdelay $0x1  }
0x99: {  	s4 =	simm.s32 $_scs_section_size  }
0x9a: {  	s5 =	simm.s32 $_size__tile_overlayer_lowered;
	s6 =	simm.s32 $_tile_overlayer_lowered  }
0x9b: {  	s22 =	simm.s32 $0x1BFF;
	s21 =	sshll.u32 s6, $0x1;
	s3 =	sadd.s32 s4, s19  }
0x9c: {  	s7 =	simm.s32 $0x0;
	s20 =	sshll.u32 s5, $0x1;
	s5 =	sadd.s32 s21, s3  }
0x9d: {  	[timem:s7], [sflag:s22] =	dma.local [hbm:s5], s20  }
0x9e: {  	_ =	swait.ge [sflag:s22], s20  }
0x9f: {  	s4 =	ssub.s32 $0x0, s20;
	[sflag:s22] =	ssyncset.done $0x0  }
0xa0: {  	[sflag:s22] =	ssyncadd.s32 s4;
	_ =	sdelay $0x1  }
0xa1: {  	s23 =	simm.s32 $0x1B8B  }
0xa2: {  	_ =	swait.ge [sflag:s23], $0x1  }
0xa3: {  	[sflag:s23] =	ssyncset.done $0x0  }
0xa4: {  	s25 =	simm.s32 $0x1B8E;
	s24 =	sld [smem:$0x3FFE];
	[sflag:s23] =	ssyncadd.s32 $0xFFFFFFFF  }
0xa5: {  	s26 =	simm.s32 $execute0_lowered;
	[smem:$0x3FD2] =	sst s25  }
0xa6: {  	s5 =	sshll.u32 s26, $0x1;
	_ =	strace $0x80000046;
	[dreg:$0x1] =	wrdreg $0xFFFFFFFF  }
0xa7: {  	s28 =	simm.s32 $_size_execute0_lowered;
	s3 =	sadd.s32 s3, s5;
	[dreg:$0x0] =	wrdreg $0x0  }
0xa8: {  	s5 =	sshll.u32 s28, $0x1;
	[dreg:$0x2] =	wrdreg s3  }
0xa9: {  	[dreg:$0x3] =	wrdreg s5  }
0xaa: {  	[dreg:$0x4] =	wrdreg $0xC0  }
0xab: {  	_ =	task [dreg:s7], $0x5FFFF  }
0xac: {  	[dreg:$0x1] =	wrdreg $0xFFFFFFFF  }
0xad: {  	[dreg:$0x0] =	wrdreg $0x60  }
0xae: {  	[dreg:$0x2] =	wrdreg s24  }
0xaf: {  	[dreg:$0x3] =	wrdreg s2  }
0xb0: {  	[dreg:$0x4] =	wrdreg $0x1000  }
0xb1: {  	[dreg:$0x5] =	wrdreg $0x9  }
0xb2: {  	_ =	task.clear_ibuf [dreg:s7], $0x6FFFF;
	_ =	strace $0x90000046  }
0xb3: {  	s29 =	simm.s32 $0x9;
	_ =	strace $0x80000048  }
0xb4: {  	_ =	swait.ge [sflag:s29], $0x1  }
0xb5: {  	[sflag:s29] =	ssyncadd.s32 $0xFFFFFFFF  }
0xb6: {  	_ =	strace $0x90000048  }
0xb7: {  	_ =	sfence  }
0xb8: {  	s30 =	sld [smem:$0x0];
	_ =	sdelay $0x2  }
0xb9: {  	s31 =	sshll.u32 s1, $0xD;
	s1 =	sshrl.u32 s1, $0x2  }
0xba: {  	s3 =	sand.u32 $0x4000, s31;
	s1 =	sadd.s32 s1, s30  }
0xbb: {  	s0 =	sor.u32 s3, s0;
	s1 =	sshll.u32 s1, $0x11  }
0xbc: {  	s0 =	sor.u32 s1, s0  }
0xbd: {  	s0 =	sadd.s32 $0x8F2B, s0  }
0xbe: {  	[sflag:s0] =	ssyncadd.remote.s32 $0x1  }
0xbf: {  	_ =	sfence.sel $0xFFFF  }
0xc0: {  	[dreg:$0x0] =	wrdreg $0xFFFFFFFF;
	(pc) =	sbr.abs _section_cstart, $3  }
0xc1: {  	[dreg:$0x1] =	wrdreg $0xFFFFFFFF  }
0xc2: {  	_ =	task.clear_ibuf [dreg:s7], $0x2FFFF;
	_ =	strace $0x9FFFFFFF  }
0xc3: {  	(tm) =	ssettm $0x7FFFFFFF  }
tec
execute0_lowered:
.L_overlay_start_1:
0x0: {  	(tag) =	ssettag $0x1  }
0x1: {  	s4 =	rddreg [dreg:$0x0]  }
0x2: {  	s7 =	rddreg [dreg:$0x1]  }
0x3: {  	s1 =	rddreg [dreg:$0x2]  }
0x4: {  	s0 =	rddreg [dreg:$0x3];
	s2 =	simm.s32 $0x0;
	s3 =	srdreg.scid  }
0x5: {  	s9 =	stileid.u32;
	[smem:$0x7FF] =	sst s2  }
0x6: {  	s5 =	sand.u32 $0x1, s3;
	s3 =	sadd.s32 $0x16800, s4;
	s11 =	sshll.u32 s9, $0x5  }
0x7: {  	p0 =	sne.s32 s9, $0x0;
	_ =	strace $0x80000047;
	s6 =	ssub.s32 $0x2, s5  }
0x8: {  	s8 =	sshll.u32 s5, $0x4;
	s7 =	sadd.s32 s11, s7;
	s31 =	sshrl.u32 s6, $0x1  }
0x9: {  	s10 =	sadd.s32 s8, s4;
	s4 =	sshll.u32 s9, $0x1;
	s7 =	sadd.s32 s8, s7  }
0xa: {  	s6 =	ssub.s32 s6, s31;
	s5 =	sadd.s32 $0x16E00, s10;
	s10 =	sadd.s32 s11, s10  }
0xb: {  	s9 =	sshrl.u32 @!p0 s1, $0x3;
	s6 =	smax.u32 s6, $0x1;
	s8 =	sadd.s32 $0xCA00, s10  }
.LBB2_1:
0xc: {  	s10 =	simm.s32 @!p0 $0x1C01  }
0xd: {  	[spmem:s9], [sflag:s10] =	dma.local @!p0 [hbm:s3], $0x4F0  }
0xe: {  	s10 =	simm.s32 @!p0 $0x1  }
0xf: {  	_ =	swait.ge @!p0 [sflag:s10], $0x4F0  }
0x10: {  	p1 =	sgt.u32 s4, $0x9C3;
	[sflag:s10] =	ssyncset.done @!p0 $0x0  }
0x11: {  	s11 =	simm.s32 @!p1 $0x0;
	[sflag:s10] =	ssyncadd.s32 @!p0 $0xFFFFFB10  }
0x12: {  	s12 =	simm.s32 @!p1 $0x2;
	s10 =	sadd.s32 @!p1 $0x0, s8;
	[bflag:$0x0] =	sbarrier.arrive $0xFFFF  }
0x13: {  	[tilespmem:s11], [sflag:$0x2] =	stream.linear.gather @!p1 [hbm4b:s10+s11], $0x80, $0x38;
	[tilespmem:$0x378] =	vst v63  }
0x14: {  	_ =	swait.ge @!p1 [sflag:s12], $0x80;
	p1 =	por p1, p1  }
0x15: {  	[sflag:s12] =	ssyncset.done @!p1 $0x0  }
0x16: {  	s10 =	sadd.s32 @!p1 $0x0, s7;
	s13 =	simm.s32 @!p1 $0x80;
	[sflag:s12] =	ssyncadd.s32 @!p1 $0xFFFFFF80  }
0x17: {  	[tilespmem:s13], [sflag:$0x2] =	stream.linear.gather @!p1 [hbm4b:s10+s11], $0x80, $0x38;
	[tilespmem:$0x378] =	vst v63  }
0x18: {  	_ =	swait.ge @!p1 [sflag:s12], $0x80  }
0x19: {  	[sflag:s12] =	ssyncset.done @!p1 $0x0  }
0x1a: {  	[sflag:s12] =	ssyncadd.s32 @!p1 $0xFFFFFF80  }
0x1b: {  	[spmem:s1] =	stream.indirect.scatter.add.f32 @!p1 [tilespmem:s13], [sflag:$0x1], $0x1, s11, s13, $0xb8;
	[tilespmem:$0x378] =	vst v63  }
0x1c: {  	s10 =	simm.s32 $0x200;
	s13 =	simm.s32 @!p1 $0x1;
	s11 =	sadd.s32 $0x20, s4  }
0x1d: {  	s12 =	simm.s32 $0x400;
	p2 =	sgt.u32 s11, $0x9C3;
	_ =	swait.ge @!p1 [sflag:s13], $0x80  }
.LBB2_2:
0x1e: {  	s14 =	sadd.s32 @!p2 s10, s8  }
0x1f: {  	s15 =	simm.s32 @!p2 $0x0;
	[sflag:s13] =	ssyncset.done @!p1 $0x0;
	s16 =	smov.u32 s12  }
0x20: {  	s12 =	sadd.s32 $0x200, s12;
	s17 =	simm.s32 @!p2 $0x2;
	[sflag:s13] =	ssyncadd.s32 @!p1 $0xFFFFFF80  }
0x21: {  	[tilespmem:s15], [sflag:$0x2] =	stream.linear.gather @!p2 [hbm4b:s14+s15], $0x80, $0x38;
	[tilespmem:$0x378] =	vst v63  }
0x22: {  	p3 =	sne.s32 s12, $0x9E00;
	p1 =	por p2, p2;
	_ =	swait.ge @!p2 [sflag:s17], $0x80  }
0x23: {  	[sflag:s17] =	ssyncset.done @!p1 $0x0  }
0x24: {  	s10 =	sadd.s32 @!p1 s10, s7;
	s14 =	simm.s32 @!p1 $0x80;
	[sflag:s17] =	ssyncadd.s32 @!p1 $0xFFFFFF80  }
0x25: {  	[tilespmem:s14], [sflag:$0x2] =	stream.linear.gather @!p1 [hbm4b:s10+s15], $0x80, $0x38;
	[tilespmem:$0x378] =	vst v63  }
.Ltmp0:
0x26: {  	s10 =	smov.u32 s16;
	_ =	swait.ge @!p1 [sflag:s17], $0x80;
	(pc) =	sbr.rel @p3 .LBB2_2-.Ltmp0, $4  }
0x27: {  	[sflag:s17] =	ssyncset.done @!p1 $0x0  }
0x28: {  	s11 =	sadd.s32 $0x20, s11;
	s13 =	simm.s32 @!p1 $0x1;
	[sflag:s17] =	ssyncadd.s32 @!p1 $0xFFFFFF80  }
0x29: {  	[spmem:s1] =	stream.indirect.scatter.add.f32 @!p1 [tilespmem:s14], [sflag:$0x1], $0x1, s15, s14, $0xb8;
	[tilespmem:$0x378] =	vst v63  }
0x2a: {  	p2 =	sgt.u32 s11, $0x9C3;
	_ =	swait.ge @!p1 [sflag:s13], $0x80  }
0x2b: {  	s11 =	sadd.s32 @!p2 s10, s8;
	[sflag:s13] =	ssyncset.done @!p1 $0x0  }
0x2c: {  	s12 =	simm.s32 @!p2 $0x0;
	s14 =	simm.s32 @!p2 $0x2;
	[sflag:s13] =	ssyncadd.s32 @!p1 $0xFFFFFF80  }
0x2d: {  	[tilespmem:s12], [sflag:$0x2] =	stream.linear.gather @!p2 [hbm4b:s11+s12], $0x80, $0x38;
	[tilespmem:$0x378] =	vst v63  }
0x2e: {  	p1 =	por p2, p2;
	_ =	swait.ge @!p2 [sflag:s14], $0x80  }
0x2f: {  	[sflag:s14] =	ssyncset.done @!p1 $0x0  }
0x30: {  	s10 =	sadd.s32 @!p1 s10, s7;
	s11 =	simm.s32 @!p1 $0x80;
	[sflag:s14] =	ssyncadd.s32 @!p1 $0xFFFFFF80  }
0x31: {  	[tilespmem:s11], [sflag:$0x2] =	stream.linear.gather @!p1 [hbm4b:s10+s12], $0x80, $0x38;
	[tilespmem:$0x378] =	vst v63  }
0x32: {  	_ =	swait.ge @!p1 [sflag:s14], $0x80  }
0x33: {  	[sflag:s14] =	ssyncset.done @!p1 $0x0  }
0x34: {  	s10 =	simm.s32 @!p1 $0x1;
	[sflag:s14] =	ssyncadd.s32 @!p1 $0xFFFFFF80  }
0x35: {  	[spmem:s1] =	stream.indirect.scatter.add.f32 @!p1 [tilespmem:s11], [sflag:$0x1], $0x1, s12, s11, $0xb8;
	[tilespmem:$0x378] =	vst v63  }
0x36: {  	s2 =	sadd.s32 $0x1, s2;
	_ =	swait.ge @!p1 [sflag:s10], $0x80  }
0x37: {  	s13 =	simm.s32 @!p0 $0x1C01;
	s11 =	simm.s32 @!p0 $0x20;
	[sflag:s10] =	ssyncset.done @!p1 $0x0  }
0x38: {  	s12 =	simm.s32 @!p0 $0x10;
	[sflag:s10] =	ssyncadd.s32 @!p1 $0xFFFFFF80;
	p1 =	sne.s32 s2, s6  }
.Ltmp1:
0x39: {  	s10 =	simm.s32 @!p0 $0x1;
	[bflag:$0x0] =	sbarrier.arrive $0xFFFF;
	(pc) =	sbr.rel @p1 .LBB2_1-.Ltmp1, $4  }
0x3a: {  	[hbm:s5@s11], [sflag:s13] =	dma.strided @!p0 [spmem:s9@s12], $0x4F0, s10, $0x10   }
0x3b: {  	_ =	swait.ge @!p0 [sflag:s10], $0x4F0  }
0x3c: {  	[sflag:s10] =	ssyncset.done @!p0 $0x0  }
0x3d: {  	[sflag:s10] =	ssyncadd.s32 @!p0 $0xFFFFFB10  }
0x3e: {  	_ =	sfence.sel $0x180000  }
0x3f: {  	[bflag:$0x0] =	sbarrier.arrive $0xFFFF  }
0x40: {  	_ =	strace $0x90000047  }
0x41: {  	s0 =	sadd.s32 @!p0 $0x100000, s0;
	[bflag:$0x2] =	sbarrier.arrive $0xFFFF  }
0x42: {  	[sflag:s0] =	ssyncadd.tile.s32 @!p0 $0x1;
	_ =	shalt  }
.Lfunc_end2:
_tile_overlayer_lowered:
.L_overlay_start_2:
0x43: {  	(tag) =	ssettag $0x2  }
0x44: {  	s0 =	rddreg [dreg:$0x0];
	s2 =	stileid.u32  }
0x45: {  	s1 =	rddreg [dreg:$0x1];
	p0 =	sne.s32 s2, $0x0  }
0x46: {  	s3 =	rddreg [dreg:$0x2];
	[bflag:$0x3] =	sbarrier.arrive $0xFFFF;
	s2 =	simm.s32 @!p0 $0x1C01  }
0x47: {  	[timem:s3], [sflag:s2] =	dma.local @!p0 [hbm:s0], s1  }
0x48: {  	s0 =	simm.s32 @!p0 $0x1  }
0x49: {  	_ =	swait.ge @!p0 [sflag:s0], s1  }
0x4a: {  	s1 =	ssub.s32 @!p0 $0x0, s1;
	[sflag:s0] =	ssyncset.done @!p0 $0x0  }
0x4b: {  	[sflag:s0] =	ssyncadd.s32 @!p0 s1  }
0x4c: {  	[bflag:$0x3] =	sbarrier.arrive $0xFFFF  }
0x4d: {  	_ =	shalt  }

</sc_bundles>
